<compile_context>
chip_gen: v7x
topology: tpu7x:2x2x1
jax: 0.10.2.dev20260603
libtpu: 0.0.44.dev20260713+nightly
codegen_flags: <defaults>
</compile_context>

<pallas_src>
import functools

import jax
import jax.numpy as jnp
from jax import lax
from jax.experimental import pallas as pl
from jax.experimental.pallas import tpu as pltpu
from jax.experimental.pallas import tpu_sc as plsc

B, SEQ = 16384, 200
N_IDX = B * SEQ
ROWS, COLS = 100, 8
NC, NS, L = 2, 16, 16
NW = NC * NS
LHI, LLO = SEQ // 8, 8
BHI, BLO = B // 128, 128
NBH = 4
UNIT_IDX = NBH * LLO * BLO
N_UNITS = LHI * (BHI // NBH)
UNITS_PER_W = N_UNITS // NW
VECS = UNIT_IDX // L
OUT_UNIT = UNIT_IDX * COLS
L_STRIDE = BHI * COLS * BLO
OUT_SUB = NBH * COLS * BLO


def _lookup_body(idx_hbm, wt_hbm, out_hbm, wt_v,
                 idx_v0, idx_v1, out_v0, out_v1,
                 sin0, sin1, sout0, sout1):
    wid = lax.axis_index("s") * NC + lax.axis_index("c")

    ibufs, obufs = (idx_v0, idx_v1), (out_v0, out_v1)
    sins, souts = (sin0, sin1), (sout0, sout1)

    def in_slice(u):
        return idx_hbm.at[pl.ds((u * NW + wid) * UNIT_IDX, UNIT_IDX)]

    iota = lax.iota(jnp.int32, L)

    def compute(idx_v, out_v):
        @plsc.parallel_loop(0, VECS, unroll=8)
        def vec_body(v):
            idxv = idx_v[pl.ds(v * L, L)]
            bh = v >> 6
            ll = (v >> 3) & 7
            g = v & 7
            o0 = ll * OUT_SUB + bh * (COLS * BLO) + g * L
            gbase = (idxv << 4) + iota
            for c in range(COLS):
                vals = plsc.load_gather(wt_v, [gbase + (c * ROWS * L)])
                out_v[pl.ds(o0 + c * BLO, L)] = vals

    def start_out(u, b):
        base = (u * NW + wid)
        l_hi = base // (BHI // NBH)
        q = base % (BHI // NBH)
        hbm0 = (l_hi * LLO) * L_STRIDE + q * OUT_SUB
        for ll in range(LLO):
            pltpu.async_copy(
                obufs[b].at[pl.ds(ll * OUT_SUB, OUT_SUB)],
                out_hbm.at[pl.ds(hbm0 + ll * L_STRIDE, OUT_SUB)],
                souts[b])

    def wait_out(u, b):
        base = (u * NW + wid)
        l_hi = base // (BHI // NBH)
        q = base % (BHI // NBH)
        hbm0 = (l_hi * LLO) * L_STRIDE + q * OUT_SUB
        for ll in range(LLO):
            pltpu.make_async_copy(
                obufs[b].at[pl.ds(ll * OUT_SUB, OUT_SUB)],
                out_hbm.at[pl.ds(hbm0 + ll * L_STRIDE, OUT_SUB)],
                souts[b]).wait()

    pltpu.async_copy(in_slice(0), ibufs[0], sins[0])
    pltpu.async_copy(wt_hbm, wt_v, souts[0])
    pltpu.make_async_copy(wt_hbm, wt_v, souts[0]).wait()
    for u in (0, 1):
        pltpu.async_copy(in_slice(u + 1), ibufs[1 - u], sins[1 - u])
        pltpu.make_async_copy(in_slice(u), ibufs[u], sins[u]).wait()
        compute(ibufs[u], obufs[u])
        start_out(u, u)

    def pair_body(uu, carry):
        for b in range(2):
            u = uu * 2 + b
            pltpu.async_copy(in_slice(u + 1), ibufs[1 - b], sins[1 - b])
            pltpu.make_async_copy(in_slice(u), ibufs[b], sins[b]).wait()
            wait_out(u - 2, b)
            compute(ibufs[b], obufs[b])
            start_out(u, b)
        return carry

    lax.fori_loop(1, 12, pair_body, 0)

    u_last = UNITS_PER_W - 1
    pltpu.make_async_copy(in_slice(u_last), ibufs[0], sins[0]).wait()
    wait_out(u_last - 2, 0)
    compute(ibufs[0], obufs[0])
    start_out(u_last, 0)

    wait_out(u_last - 1, 1)
    wait_out(u_last, 0)


_lookup = functools.partial(
    pl.kernel,
    out_type=jax.ShapeDtypeStruct((N_IDX * COLS,), jnp.float32),
    mesh=plsc.VectorSubcoreMesh(core_axis_name="c", subcore_axis_name="s"),
    compiler_params=pltpu.CompilerParams(needs_layout_passes=False),
    scratch_types=[
        pltpu.VMEM((ROWS * COLS * L,), jnp.float32),
        pltpu.VMEM((UNIT_IDX,), jnp.int32),
        pltpu.VMEM((UNIT_IDX,), jnp.int32),
        pltpu.VMEM((OUT_UNIT,), jnp.float32),
        pltpu.VMEM((OUT_UNIT,), jnp.float32),
        pltpu.SemaphoreType.DMA,
        pltpu.SemaphoreType.DMA,
        pltpu.SemaphoreType.DMA,
        pltpu.SemaphoreType.DMA,
    ],
)(_lookup_body)


def kernel(atomic_numbers, W):
    idx_raw = atomic_numbers.reshape(BHI, BLO, LHI, LLO)
    idx_raw = idx_raw.transpose(2, 0, 3, 1).reshape(-1)
    wt = jnp.broadcast_to(W.T.reshape(-1)[:, None], (COLS * ROWS, L)).reshape(-1)
    flat = _lookup(idx_raw, wt)
    out4 = flat.reshape(SEQ, BHI, COLS, BLO)
    return out4.transpose(1, 3, 0, 2).reshape(B, SEQ, COLS)

# --- scband reference (transcript-rebuilt; emitter-appended) ---
"""Pipeline reference for scband-element-mask-2164663517679 (READ-ONLY COPY).

The authoritative reference and input builder live on the scoring server;
editing this copy changes nothing except your own understanding.
"""

import jax, jax.numpy as jnp
import numpy as np

ELEMENTS = [1, 6, 7, 8, 9, 15, 16, 17]
NUM_ROWS = 100


def _build_mask_table():
    nelems = len(ELEMENTS)
    w = np.zeros((NUM_ROWS, nelems), dtype=np.float32)
    w[ELEMENTS, range(nelems)] = 1.0
    return jnp.asarray(w)


def setup_inputs(seed: int = 0) -> dict:
    key = jax.random.key(seed)
    atomic_numbers = jax.random.randint(key, (16384, 200), 0, NUM_ROWS, dtype=jnp.int32)
    W = _build_mask_table()
    return {"atomic_numbers": atomic_numbers, "W": W}


def reference(atomic_numbers, W):
    # Faithful translation of nn.Embedding lookup: out[b, l, :] = W[atomic_numbers[b, l], :]
    return jnp.take(W, atomic_numbers, axis=0)

if __name__ == "__main__":
    import jax
    _d = setup_inputs()
    print(jax.jit(kernel)(*tuple(_d.values())))

</pallas_src>

<mosaic_0001>
#map = affine_map<(d0, d1) -> (0)>
module attributes {stable_mosaic.version = 14 : i64} {
  func.func @_lookup_body(%arg0: i32, %arg1: i32, %arg2: memref<3276800xi32, #tpu.memory_space<hbm>>, %arg3: memref<12800xf32, #tpu.memory_space<hbm>>, %arg4: memref<26214400xf32, #tpu.memory_space<hbm>>, %arg5: memref<12800xf32, #tpu.memory_space<vmem>>, %arg6: memref<4096xi32, #tpu.memory_space<vmem>>, %arg7: memref<4096xi32, #tpu.memory_space<vmem>>, %arg8: memref<32768xf32, #tpu.memory_space<vmem>>, %arg9: memref<32768xf32, #tpu.memory_space<vmem>>, %arg10: memref<!tpu.dma_semaphore, #tpu.memory_space<semaphore_mem>>, %arg11: memref<!tpu.dma_semaphore, #tpu.memory_space<semaphore_mem>>, %arg12: memref<!tpu.dma_semaphore, #tpu.memory_space<semaphore_mem>>, %arg13: memref<!tpu.dma_semaphore, #tpu.memory_space<semaphore_mem>>) attributes {dimension_semantics = [#tpu.dimension_semantics<core_parallel>, #tpu.dimension_semantics<subcore_parallel>], iteration_bounds = array<i64: 2, 16>, scalar_prefetch = 0 : i64, scratch_operands = 9 : i64, tpu.core_type = #tpu.core_type<sc_vector_subcore>, window_params = [{transform_indices = #map}, {transform_indices = #map}, {transform_indices = #map}]} {
    %mul3A = arith.constant 2 : i32
    %mul3A_0 = arith.muli %arg1, %mul3A : i32
    %add3A = arith.addi %mul3A_0, %arg0 : i32
    %iota3A = tpu.iota {dimensions = array<i32: 0>} : vector<16xi32>
    %add3A_1 = arith.constant 0 : i32
    %add3A_2 = arith.addi %add3A_1, %add3A : i32
    %mul3A_3 = arith.constant 4096 : i32
    %mul3A_4 = arith.muli %add3A_2, %mul3A_3 : i32
    %dma_start3A = tpu.memref_slice %arg2[%mul3A_4] : memref<3276800xi32, #tpu.memory_space<hbm>> -> memref<4096xi32, #tpu.memory_space<hbm>>
    %dma_start3A_5 = tpu.memref_slice %arg2[%mul3A_4] : memref<3276800xi32, #tpu.memory_space<hbm>> -> memref<4096xi32, #tpu.memory_space<hbm>>
    tpu.enqueue_dma source(%dma_start3A_5 : memref<4096xi32, #tpu.memory_space<hbm>>) target(%arg6 : memref<4096xi32, #tpu.memory_space<vmem>>) target_semaphore(%arg10 : memref<!tpu.dma_semaphore, #tpu.memory_space<semaphore_mem>>)
    tpu.enqueue_dma source(%arg3 : memref<12800xf32, #tpu.memory_space<hbm>>) target(%arg5 : memref<12800xf32, #tpu.memory_space<vmem>>) target_semaphore(%arg12 : memref<!tpu.dma_semaphore, #tpu.memory_space<semaphore_mem>>)
    tpu.wait_dma2 semaphore(%arg12 : memref<!tpu.dma_semaphore, #tpu.memory_space<semaphore_mem>>) src(%arg3 : memref<12800xf32, #tpu.memory_space<hbm>>) dst(%arg5 : memref<12800xf32, #tpu.memory_space<vmem>>)
    %add3A_6 = arith.constant 32 : i32
    %add3A_7 = arith.addi %add3A_6, %add3A : i32
    %mul3A_8 = arith.constant 4096 : i32
    %mul3A_9 = arith.muli %add3A_7, %mul3A_8 : i32
    %dma_start3A_10 = tpu.memref_slice %arg2[%mul3A_9] : memref<3276800xi32, #tpu.memory_space<hbm>> -> memref<4096xi32, #tpu.memory_space<hbm>>
    %dma_start3A_11 = tpu.memref_slice %arg2[%mul3A_9] : memref<3276800xi32, #tpu.memory_space<hbm>> -> memref<4096xi32, #tpu.memory_space<hbm>>
    tpu.enqueue_dma source(%dma_start3A_11 : memref<4096xi32, #tpu.memory_space<hbm>>) target(%arg7 : memref<4096xi32, #tpu.memory_space<vmem>>) target_semaphore(%arg11 : memref<!tpu.dma_semaphore, #tpu.memory_space<semaphore_mem>>)
    %add3A_12 = arith.constant 0 : i32
    %add3A_13 = arith.addi %add3A_12, %add3A : i32
    %mul3A_14 = arith.constant 4096 : i32
    %mul3A_15 = arith.muli %add3A_13, %mul3A_14 : i32
    %dma_wait3A = tpu.memref_slice %arg2[%mul3A_15] : memref<3276800xi32, #tpu.memory_space<hbm>> -> memref<4096xi32, #tpu.memory_space<hbm>>
    %dma_wait3A_16 = tpu.memref_slice %arg2[%mul3A_15] : memref<3276800xi32, #tpu.memory_space<hbm>> -> memref<4096xi32, #tpu.memory_space<hbm>>
    tpu.wait_dma2 semaphore(%arg10 : memref<!tpu.dma_semaphore, #tpu.memory_space<semaphore_mem>>) src(%dma_wait3A_16 : memref<4096xi32, #tpu.memory_space<hbm>>) dst(%arg6 : memref<4096xi32, #tpu.memory_space<vmem>>)
    %parallel_loop3A = arith.constant 0 : i32
    %parallel_loop3A_17 = arith.constant 256 : i32
    %parallel_loop3A_18 = arith.constant 1 : i32
    scf.for %parallel_loop3A_716 = %parallel_loop3A to %parallel_loop3A_17 step %parallel_loop3A_18  : i32 {
      %parallel_loop3A_717 = arith.constant 16 : i32
      %parallel_loop3A_718 = arith.muli %parallel_loop3A_716, %parallel_loop3A_717 : i32
      %parallel_loop3A_719 = arith.index_cast %parallel_loop3A_718 : i32 to index
      %parallel_loop3A_720 = tpu.vector_load %arg6[%parallel_loop3A_719] {strides = array<i32>} : memref<4096xi32, #tpu.memory_space<vmem>>, vector<16xi32>,
      %parallel_loop3A_721 = arith.constant 6 : i32
      %parallel_loop3A_722 = arith.shrsi %parallel_loop3A_716, %parallel_loop3A_721 : i32
      %parallel_loop3A_723 = arith.constant 3 : i32
      %parallel_loop3A_724 = arith.shrsi %parallel_loop3A_716, %parallel_loop3A_723 : i32
      %parallel_loop3A_725 = arith.constant 7 : i32
      %parallel_loop3A_726 = arith.andi %parallel_loop3A_724, %parallel_loop3A_725 : i32
      %parallel_loop3A_727 = arith.constant 7 : i32
      %parallel_loop3A_728 = arith.andi %parallel_loop3A_716, %parallel_loop3A_727 : i32
      %parallel_loop3A_729 = arith.constant 4096 : i32
      %parallel_loop3A_730 = arith.muli %parallel_loop3A_726, %parallel_loop3A_729 : i32
      %parallel_loop3A_731 = arith.constant 1024 : i32
      %parallel_loop3A_732 = arith.muli %parallel_loop3A_722, %parallel_loop3A_731 : i32
      %parallel_loop3A_733 = arith.addi %parallel_loop3A_730, %parallel_loop3A_732 : i32
      %parallel_loop3A_734 = arith.constant 16 : i32
      %parallel_loop3A_735 = arith.muli %parallel_loop3A_728, %parallel_loop3A_734 : i32
      %parallel_loop3A_736 = arith.addi %parallel_loop3A_733, %parallel_loop3A_735 : i32
      %parallel_loop3A_737 = arith.constant 4 : i32
      %parallel_loop3A_738 = vector.broadcast %parallel_loop3A_737 : i32 to vector<16xi32>
      %parallel_loop3A_739 = arith.shli %parallel_loop3A_720, %parallel_loop3A_738 : vector<16xi32>
      %parallel_loop3A_740 = arith.addi %parallel_loop3A_739, %iota3A : vector<16xi32>
      %parallel_loop3A_741 = arith.constant 0 : i32
      %parallel_loop3A_742 = vector.broadcast %parallel_loop3A_741 : i32 to vector<16xi32>
      %parallel_loop3A_743 = arith.addi %parallel_loop3A_740, %parallel_loop3A_742 : vector<16xi32>
      %parallel_loop3A_744 = tpu.vector_load_idx %arg5[%parallel_loop3A_743] : memref<12800xf32, #tpu.memory_space<vmem>>[vector<16xi32>], vector<16xf32>,
      %parallel_loop3A_745 = arith.constant 0 : i32
      %parallel_loop3A_746 = arith.addi %parallel_loop3A_736, %parallel_loop3A_745 : i32
      %parallel_loop3A_747 = arith.index_cast %parallel_loop3A_746 : i32 to index
      %parallel_loop3A_748 = tpu.vector_load %arg8[%parallel_loop3A_747] {strides = array<i32>} : memref<32768xf32, #tpu.memory_space<vmem>>, vector<16xf32>,
      tpu.vector_store %arg8[%parallel_loop3A_747], %parallel_loop3A_744 {strides = array<i32>} : memref<32768xf32, #tpu.memory_space<vmem>>, vector<16xf32>,
      %parallel_loop3A_749 = arith.constant 1600 : i32
      %parallel_loop3A_750 = vector.broadcast %parallel_loop3A_749 : i32 to vector<16xi32>
      %parallel_loop3A_751 = arith.addi %parallel_loop3A_740, %parallel_loop3A_750 : vector<16xi32>
      %parallel_loop3A_752 = tpu.vector_load_idx %arg5[%parallel_loop3A_751] : memref<12800xf32, #tpu.memory_space<vmem>>[vector<16xi32>], vector<16xf32>,
      %parallel_loop3A_753 = arith.constant 128 : i32
      %parallel_loop3A_754 = arith.addi %parallel_loop3A_736, %parallel_loop3A_753 : i32
      %parallel_loop3A_755 = arith.index_cast %parallel_loop3A_754 : i32 to index
      %parallel_loop3A_756 = tpu.vector_load %arg8[%parallel_loop3A_755] {strides = array<i32>} : memref<32768xf32, #tpu.memory_space<vmem>>, vector<16xf32>,
      tpu.vector_store %arg8[%parallel_loop3A_755], %parallel_loop3A_752 {strides = array<i32>} : memref<32768xf32, #tpu.memory_space<vmem>>, vector<16xf32>,
      %parallel_loop3A_757 = arith.constant 3200 : i32
      %parallel_loop3A_758 = vector.broadcast %parallel_loop3A_757 : i32 to vector<16xi32>
      %parallel_loop3A_759 = arith.addi %parallel_loop3A_740, %parallel_loop3A_758 : vector<16xi32>
      %parallel_loop3A_760 = tpu.vector_load_idx %arg5[%parallel_loop3A_759] : memref<12800xf32, #tpu.memory_space<vmem>>[vector<16xi32>], vector<16xf32>,
      %parallel_loop3A_761 = arith.constant 256 : i32
      %parallel_loop3A_762 = arith.addi %parallel_loop3A_736, %parallel_loop3A_761 : i32
      %parallel_loop3A_763 = arith.index_cast %parallel_loop3A_762 : i32 to index
      %parallel_loop3A_764 = tpu.vector_load %arg8[%parallel_loop3A_763] {strides = array<i32>} : memref<32768xf32, #tpu.memory_space<vmem>>, vector<16xf32>,
      tpu.vector_store %arg8[%parallel_loop3A_763], %parallel_loop3A_760 {strides = array<i32>} : memref<32768xf32, #tpu.memory_space<vmem>>, vector<16xf32>,
      %parallel_loop3A_765 = arith.constant 4800 : i32
      %parallel_loop3A_766 = vector.broadcast %parallel_loop3A_765 : i32 to vector<16xi32>
      %parallel_loop3A_767 = arith.addi %parallel_loop3A_740, %parallel_loop3A_766 : vector<16xi32>
      %parallel_loop3A_768 = tpu.vector_load_idx %arg5[%parallel_loop3A_767] : memref<12800xf32, #tpu.memory_space<vmem>>[vector<16xi32>], vector<16xf32>,
      %parallel_loop3A_769 = arith.constant 384 : i32
      %parallel_loop3A_770 = arith.addi %parallel_loop3A_736, %parallel_loop3A_769 : i32
      %parallel_loop3A_771 = arith.index_cast %parallel_loop3A_770 : i32 to index
      %parallel_loop3A_772 = tpu.vector_load %arg8[%parallel_loop3A_771] {strides = array<i32>} : memref<32768xf32, #tpu.memory_space<vmem>>, vector<16xf32>,
      tpu.vector_store %arg8[%parallel_loop3A_771], %parallel_loop3A_768 {strides = array<i32>} : memref<32768xf32, #tpu.memory_space<vmem>>, vector<16xf32>,
      %parallel_loop3A_773 = arith.constant 6400 : i32
      %parallel_loop3A_774 = vector.broadcast %parallel_loop3A_773 : i32 to vector<16xi32>
      %parallel_loop3A_775 = arith.addi %parallel_loop3A_740, %parallel_loop3A_774 : vector<16xi32>
      %parallel_loop3A_776 = tpu.vector_load_idx %arg5[%parallel_loop3A_775] : memref<12800xf32, #tpu.memory_space<vmem>>[vector<16xi32>], vector<16xf32>,
      %parallel_loop3A_777 = arith.constant 512 : i32
      %parallel_loop3A_778 = arith.addi %parallel_loop3A_736, %parallel_loop3A_777 : i32
      %parallel_loop3A_779 = arith.index_cast %parallel_loop3A_778 : i32 to index
      %parallel_loop3A_780 = tpu.vector_load %arg8[%parallel_loop3A_779] {strides = array<i32>} : memref<32768xf32, #tpu.memory_space<vmem>>, vector<16xf32>,
      tpu.vector_store %arg8[%parallel_loop3A_779], %parallel_loop3A_776 {strides = array<i32>} : memref<32768xf32, #tpu.memory_space<vmem>>, vector<16xf32>,
      %parallel_loop3A_781 = arith.constant 8000 : i32
      %parallel_loop3A_782 = vector.broadcast %parallel_loop3A_781 : i32 to vector<16xi32>
      %parallel_loop3A_783 = arith.addi %parallel_loop3A_740, %parallel_loop3A_782 : vector<16xi32>
      %parallel_loop3A_784 = tpu.vector_load_idx %arg5[%parallel_loop3A_783] : memref<12800xf32, #tpu.memory_space<vmem>>[vector<16xi32>], vector<16xf32>,
      %parallel_loop3A_785 = arith.constant 640 : i32
      %parallel_loop3A_786 = arith.addi %parallel_loop3A_736, %parallel_loop3A_785 : i32
      %parallel_loop3A_787 = arith.index_cast %parallel_loop3A_786 : i32 to index
      %parallel_loop3A_788 = tpu.vector_load %arg8[%parallel_loop3A_787] {strides = array<i32>} : memref<32768xf32, #tpu.memory_space<vmem>>, vector<16xf32>,
      tpu.vector_store %arg8[%parallel_loop3A_787], %parallel_loop3A_784 {strides = array<i32>} : memref<32768xf32, #tpu.memory_space<vmem>>, vector<16xf32>,
      %parallel_loop3A_789 = arith.constant 9600 : i32
      %parallel_loop3A_790 = vector.broadcast %parallel_loop3A_789 : i32 to vector<16xi32>
      %parallel_loop3A_791 = arith.addi %parallel_loop3A_740, %parallel_loop3A_790 : vector<16xi32>
      %parallel_loop3A_792 = tpu.vector_load_idx %arg5[%parallel_loop3A_791] : memref<12800xf32, #tpu.memory_space<vmem>>[vector<16xi32>], vector<16xf32>,
      %parallel_loop3A_793 = arith.constant 768 : i32
      %parallel_loop3A_794 = arith.addi %parallel_loop3A_736, %parallel_loop3A_793 : i32
      %parallel_loop3A_795 = arith.index_cast %parallel_loop3A_794 : i32 to index
      %parallel_loop3A_796 = tpu.vector_load %arg8[%parallel_loop3A_795] {strides = array<i32>} : memref<32768xf32, #tpu.memory_space<vmem>>, vector<16xf32>,
      tpu.vector_store %arg8[%parallel_loop3A_795], %parallel_loop3A_792 {strides = array<i32>} : memref<32768xf32, #tpu.memory_space<vmem>>, vector<16xf32>,
      %parallel_loop3A_797 = arith.constant 11200 : i32
      %parallel_loop3A_798 = vector.broadcast %parallel_loop3A_797 : i32 to vector<16xi32>
      %parallel_loop3A_799 = arith.addi %parallel_loop3A_740, %parallel_loop3A_798 : vector<16xi32>
      %parallel_loop3A_800 = tpu.vector_load_idx %arg5[%parallel_loop3A_799] : memref<12800xf32, #tpu.memory_space<vmem>>[vector<16xi32>], vector<16xf32>,
      %parallel_loop3A_801 = arith.constant 896 : i32
      %parallel_loop3A_802 = arith.addi %parallel_loop3A_736, %parallel_loop3A_801 : i32
      %parallel_loop3A_803 = arith.index_cast %parallel_loop3A_802 : i32 to index
      %parallel_loop3A_804 = tpu.vector_load %arg8[%parallel_loop3A_803] {strides = array<i32>} : memref<32768xf32, #tpu.memory_space<vmem>>, vector<16xf32>,
      tpu.vector_store %arg8[%parallel_loop3A_803], %parallel_loop3A_800 {strides = array<i32>} : memref<32768xf32, #tpu.memory_space<vmem>>, vector<16xf32>,
    } {sc.loop_unroll_factor = 8 : i64, sc.parallel_access}
    %add3A_19 = arith.constant 0 : i32
    %add3A_20 = arith.addi %add3A_19, %add3A : i32
    %jit3A = arith.constant 32 : i32
    %div3A = arith.divsi %add3A_20, %jit3A : i32
    %sign3A = arith.constant 0 : i32
    %sign3A_21 = arith.cmpi sgt, %add3A_20, %sign3A : i32
    %sign3A_22 = arith.extui %sign3A_21 : i1 to i32
    %sign3A_23 = arith.constant 0 : i32
    %sign3A_24 = arith.cmpi slt, %add3A_20, %sign3A_23 : i32
    %sign3A_25 = arith.extui %sign3A_24 : i1 to i32
    %sign3A_26 = arith.subi %sign3A_22, %sign3A_25 : i32
    %sign3A_27 = arith.constant 0 : i32
    %sign3A_28 = arith.cmpi sgt, %jit3A, %sign3A_27 : i32
    %sign3A_29 = arith.extui %sign3A_28 : i1 to i32
    %sign3A_30 = arith.constant 0 : i32
    %sign3A_31 = arith.cmpi slt, %jit3A, %sign3A_30 : i32
    %sign3A_32 = arith.extui %sign3A_31 : i1 to i32
    %sign3A_33 = arith.subi %sign3A_29, %sign3A_32 : i32
    %ne3A = arith.cmpi ne, %sign3A_26, %sign3A_33 : i32
    %rem3A = arith.remsi %add3A_20, %jit3A : i32
    %ne3A_34 = arith.constant 0 : i32
    %ne3A_35 = arith.cmpi ne, %rem3A, %ne3A_34 : i32
    %and3A = arith.andi %ne3A, %ne3A_35 : i1
    %sub3A = arith.constant 1 : i32
    %sub3A_36 = arith.subi %div3A, %sub3A : i32
    %select_n3A = arith.select %and3A, %sub3A_36, %div3A : i32
    %jit3A_37 = arith.constant 32 : i32
    %eq3A = arith.constant 0 : i32
    %eq3A_38 = arith.cmpi eq, %jit3A_37, %eq3A : i32
    %jit3A_39 = arith.constant 1 : i32
    %select_n3A_40 = arith.select %eq3A_38, %jit3A_39, %jit3A_37 : i32
    %rem3A_41 = arith.remsi %add3A_20, %select_n3A_40 : i32
    %ne3A_42 = arith.constant 0 : i32
    %ne3A_43 = arith.cmpi ne, %rem3A_41, %ne3A_42 : i32
    %lt3A = arith.constant 0 : i32
    %lt3A_44 = arith.cmpi slt, %rem3A_41, %lt3A : i32
    %lt3A_45 = arith.constant 0 : i32
    %lt3A_46 = arith.cmpi slt, %select_n3A_40, %lt3A_45 : i32
    %ne3A_47 = arith.xori %lt3A_44, %lt3A_46 : i1
    %and3A_48 = arith.andi %ne3A_47, %ne3A_43 : i1
    %add3A_49 = arith.addi %rem3A_41, %select_n3A_40 : i32
    %select_n3A_50 = arith.select %and3A_48, %add3A_49, %rem3A_41 : i32
    %mul3A_51 = arith.constant 8 : i32
    %mul3A_52 = arith.muli %select_n3A, %mul3A_51 : i32
    %mul3A_53 = arith.constant 131072 : i32
    %mul3A_54 = arith.muli %mul3A_52, %mul3A_53 : i32
    %mul3A_55 = arith.constant 4096 : i32
    %mul3A_56 = arith.muli %select_n3A_50, %mul3A_55 : i32
    %add3A_57 = arith.addi %mul3A_54, %mul3A_56 : i32
    %add3A_58 = arith.constant 0 : i32
    %add3A_59 = arith.addi %add3A_57, %add3A_58 : i32
    %dma_start3A_60 = arith.constant 0 : i32
    %dma_start3A_61 = tpu.memref_slice %arg8[%dma_start3A_60] : memref<32768xf32, #tpu.memory_space<vmem>> -> memref<4096xf32, #tpu.memory_space<vmem>>
    %dma_start3A_62 = tpu.memref_slice %arg4[%add3A_59] : memref<26214400xf32, #tpu.memory_space<hbm>> -> memref<4096xf32, #tpu.memory_space<hbm>>
    %dma_start3A_63 = tpu.memref_slice %arg4[%add3A_59] : memref<26214400xf32, #tpu.memory_space<hbm>> -> memref<4096xf32, #tpu.memory_space<hbm>>
    %dma_start3A_64 = arith.constant 0 : i32
    %dma_start3A_65 = tpu.memref_slice %arg8[%dma_start3A_64] : memref<32768xf32, #tpu.memory_space<vmem>> -> memref<4096xf32, #tpu.memory_space<vmem>>
    tpu.enqueue_dma source(%dma_start3A_65 : memref<4096xf32, #tpu.memory_space<vmem>>) target(%dma_start3A_63 : memref<4096xf32, #tpu.memory_space<hbm>>) target_semaphore(%arg12 : memref<!tpu.dma_semaphore, #tpu.memory_space<semaphore_mem>>)
    %add3A_66 = arith.constant 131072 : i32
    %add3A_67 = arith.addi %add3A_57, %add3A_66 : i32
    %dma_start3A_68 = arith.constant 4096 : i32
    %dma_start3A_69 = tpu.memref_slice %arg8[%dma_start3A_68] : memref<32768xf32, #tpu.memory_space<vmem>> -> memref<4096xf32, #tpu.memory_space<vmem>>
    %dma_start3A_70 = tpu.memref_slice %arg4[%add3A_67] : memref<26214400xf32, #tpu.memory_space<hbm>> -> memref<4096xf32, #tpu.memory_space<hbm>>
    %dma_start3A_71 = tpu.memref_slice %arg4[%add3A_67] : memref<26214400xf32, #tpu.memory_space<hbm>> -> memref<4096xf32, #tpu.memory_space<hbm>>
    %dma_start3A_72 = arith.constant 4096 : i32
    %dma_start3A_73 = tpu.memref_slice %arg8[%dma_start3A_72] : memref<32768xf32, #tpu.memory_space<vmem>> -> memref<4096xf32, #tpu.memory_space<vmem>>
    tpu.enqueue_dma source(%dma_start3A_73 : memref<4096xf32, #tpu.memory_space<vmem>>) target(%dma_start3A_71 : memref<4096xf32, #tpu.memory_space<hbm>>) target_semaphore(%arg12 : memref<!tpu.dma_semaphore, #tpu.memory_space<semaphore_mem>>)
    %add3A_74 = arith.constant 262144 : i32
    %add3A_75 = arith.addi %add3A_57, %add3A_74 : i32
    %dma_start3A_76 = arith.constant 8192 : i32
    %dma_start3A_77 = tpu.memref_slice %arg8[%dma_start3A_76] : memref<32768xf32, #tpu.memory_space<vmem>> -> memref<4096xf32, #tpu.memory_space<vmem>>
    %dma_start3A_78 = tpu.memref_slice %arg4[%add3A_75] : memref<26214400xf32, #tpu.memory_space<hbm>> -> memref<4096xf32, #tpu.memory_space<hbm>>
    %dma_start3A_79 = tpu.memref_slice %arg4[%add3A_75] : memref<26214400xf32, #tpu.memory_space<hbm>> -> memref<4096xf32, #tpu.memory_space<hbm>>
    %dma_start3A_80 = arith.constant 8192 : i32
    %dma_start3A_81 = tpu.memref_slice %arg8[%dma_start3A_80] : memref<32768xf32, #tpu.memory_space<vmem>> -> memref<4096xf32, #tpu.memory_space<vmem>>
    tpu.enqueue_dma source(%dma_start3A_81 : memref<4096xf32, #tpu.memory_space<vmem>>) target(%dma_start3A_79 : memref<4096xf32, #tpu.memory_space<hbm>>) target_semaphore(%arg12 : memref<!tpu.dma_semaphore, #tpu.memory_space<semaphore_mem>>)
    %add3A_82 = arith.constant 393216 : i32
    %add3A_83 = arith.addi %add3A_57, %add3A_82 : i32
    %dma_start3A_84 = arith.constant 12288 : i32
    %dma_start3A_85 = tpu.memref_slice %arg8[%dma_start3A_84] : memref<32768xf32, #tpu.memory_space<vmem>> -> memref<4096xf32, #tpu.memory_space<vmem>>
    %dma_start3A_86 = tpu.memref_slice %arg4[%add3A_83] : memref<26214400xf32, #tpu.memory_space<hbm>> -> memref<4096xf32, #tpu.memory_space<hbm>>
    %dma_start3A_87 = tpu.memref_slice %arg4[%add3A_83] : memref<26214400xf32, #tpu.memory_space<hbm>> -> memref<4096xf32, #tpu.memory_space<hbm>>
    %dma_start3A_88 = arith.constant 12288 : i32
    %dma_start3A_89 = tpu.memref_slice %arg8[%dma_start3A_88] : memref<32768xf32, #tpu.memory_space<vmem>> -> memref<4096xf32, #tpu.memory_space<vmem>>
    tpu.enqueue_dma source(%dma_start3A_89 : memref<4096xf32, #tpu.memory_space<vmem>>) target(%dma_start3A_87 : memref<4096xf32, #tpu.memory_space<hbm>>) target_semaphore(%arg12 : memref<!tpu.dma_semaphore, #tpu.memory_space<semaphore_mem>>)
    %add3A_90 = arith.constant 524288 : i32
    %add3A_91 = arith.addi %add3A_57, %add3A_90 : i32
    %dma_start3A_92 = arith.constant 16384 : i32
    %dma_start3A_93 = tpu.memref_slice %arg8[%dma_start3A_92] : memref<32768xf32, #tpu.memory_space<vmem>> -> memref<4096xf32, #tpu.memory_space<vmem>>
    %dma_start3A_94 = tpu.memref_slice %arg4[%add3A_91] : memref<26214400xf32, #tpu.memory_space<hbm>> -> memref<4096xf32, #tpu.memory_space<hbm>>
    %dma_start3A_95 = tpu.memref_slice %arg4[%add3A_91] : memref<26214400xf32, #tpu.memory_space<hbm>> -> memref<4096xf32, #tpu.memory_space<hbm>>
    %dma_start3A_96 = arith.constant 16384 : i32
    %dma_start3A_97 = tpu.memref_slice %arg8[%dma_start3A_96] : memref<32768xf32, #tpu.memory_space<vmem>> -> memref<4096xf32, #tpu.memory_space<vmem>>
    tpu.enqueue_dma source(%dma_start3A_97 : memref<4096xf32, #tpu.memory_space<vmem>>) target(%dma_start3A_95 : memref<4096xf32, #tpu.memory_space<hbm>>) target_semaphore(%arg12 : memref<!tpu.dma_semaphore, #tpu.memory_space<semaphore_mem>>)
    %add3A_98 = arith.constant 655360 : i32
    %add3A_99 = arith.addi %add3A_57, %add3A_98 : i32
    %dma_start3A_100 = arith.constant 20480 : i32
    %dma_start3A_101 = tpu.memref_slice %arg8[%dma_start3A_100] : memref<32768xf32, #tpu.memory_space<vmem>> -> memref<4096xf32, #tpu.memory_space<vmem>>
    %dma_start3A_102 = tpu.memref_slice %arg4[%add3A_99] : memref<26214400xf32, #tpu.memory_space<hbm>> -> memref<4096xf32, #tpu.memory_space<hbm>>
    %dma_start3A_103 = tpu.memref_slice %arg4[%add3A_99] : memref<26214400xf32, #tpu.memory_space<hbm>> -> memref<4096xf32, #tpu.memory_space<hbm>>
    %dma_start3A_104 = arith.constant 20480 : i32
    %dma_start3A_105 = tpu.memref_slice %arg8[%dma_start3A_104] : memref<32768xf32, #tpu.memory_space<vmem>> -> memref<4096xf32, #tpu.memory_space<vmem>>
    tpu.enqueue_dma source(%dma_start3A_105 : memref<4096xf32, #tpu.memory_space<vmem>>) target(%dma_start3A_103 : memref<4096xf32, #tpu.memory_space<hbm>>) target_semaphore(%arg12 : memref<!tpu.dma_semaphore, #tpu.memory_space<semaphore_mem>>)
    %add3A_106 = arith.constant 786432 : i32
    %add3A_107 = arith.addi %add3A_57, %add3A_106 : i32
    %dma_start3A_108 = arith.constant 24576 : i32
    %dma_start3A_109 = tpu.memref_slice %arg8[%dma_start3A_108] : memref<32768xf32, #tpu.memory_space<vmem>> -> memref<4096xf32, #tpu.memory_space<vmem>>
    %dma_start3A_110 = tpu.memref_slice %arg4[%add3A_107] : memref<26214400xf32, #tpu.memory_space<hbm>> -> memref<4096xf32, #tpu.memory_space<hbm>>
    %dma_start3A_111 = tpu.memref_slice %arg4[%add3A_107] : memref<26214400xf32, #tpu.memory_space<hbm>> -> memref<4096xf32, #tpu.memory_space<hbm>>
    %dma_start3A_112 = arith.constant 24576 : i32
    %dma_start3A_113 = tpu.memref_slice %arg8[%dma_start3A_112] : memref<32768xf32, #tpu.memory_space<vmem>> -> memref<4096xf32, #tpu.memory_space<vmem>>
    tpu.enqueue_dma source(%dma_start3A_113 : memref<4096xf32, #tpu.memory_space<vmem>>) target(%dma_start3A_111 : memref<4096xf32, #tpu.memory_space<hbm>>) target_semaphore(%arg12 : memref<!tpu.dma_semaphore, #tpu.memory_space<semaphore_mem>>)
    %add3A_114 = arith.constant 917504 : i32
    %add3A_115 = arith.addi %add3A_57, %add3A_114 : i32
    %dma_start3A_116 = arith.constant 28672 : i32
    %dma_start3A_117 = tpu.memref_slice %arg8[%dma_start3A_116] : memref<32768xf32, #tpu.memory_space<vmem>> -> memref<4096xf32, #tpu.memory_space<vmem>>
    %dma_start3A_118 = tpu.memref_slice %arg4[%add3A_115] : memref<26214400xf32, #tpu.memory_space<hbm>> -> memref<4096xf32, #tpu.memory_space<hbm>>
    %dma_start3A_119 = tpu.memref_slice %arg4[%add3A_115] : memref<26214400xf32, #tpu.memory_space<hbm>> -> memref<4096xf32, #tpu.memory_space<hbm>>
    %dma_start3A_120 = arith.constant 28672 : i32
    %dma_start3A_121 = tpu.memref_slice %arg8[%dma_start3A_120] : memref<32768xf32, #tpu.memory_space<vmem>> -> memref<4096xf32, #tpu.memory_space<vmem>>
    tpu.enqueue_dma source(%dma_start3A_121 : memref<4096xf32, #tpu.memory_space<vmem>>) target(%dma_start3A_119 : memref<4096xf32, #tpu.memory_space<hbm>>) target_semaphore(%arg12 : memref<!tpu.dma_semaphore, #tpu.memory_space<semaphore_mem>>)
    %add3A_122 = arith.constant 64 : i32
    %add3A_123 = arith.addi %add3A_122, %add3A : i32
    %mul3A_124 = arith.constant 4096 : i32
    %mul3A_125 = arith.muli %add3A_123, %mul3A_124 : i32
    %dma_start3A_126 = tpu.memref_slice %arg2[%mul3A_125] : memref<3276800xi32, #tpu.memory_space<hbm>> -> memref<4096xi32, #tpu.memory_space<hbm>>
    %dma_start3A_127 = tpu.memref_slice %arg2[%mul3A_125] : memref<3276800xi32, #tpu.memory_space<hbm>> -> memref<4096xi32, #tpu.memory_space<hbm>>
    tpu.enqueue_dma source(%dma_start3A_127 : memref<4096xi32, #tpu.memory_space<hbm>>) target(%arg6 : memref<4096xi32, #tpu.memory_space<vmem>>) target_semaphore(%arg10 : memref<!tpu.dma_semaphore, #tpu.memory_space<semaphore_mem>>)
    %add3A_128 = arith.constant 32 : i32
    %add3A_129 = arith.addi %add3A_128, %add3A : i32
    %mul3A_130 = arith.constant 4096 : i32
    %mul3A_131 = arith.muli %add3A_129, %mul3A_130 : i32
    %dma_wait3A_132 = tpu.memref_slice %arg2[%mul3A_131] : memref<3276800xi32, #tpu.memory_space<hbm>> -> memref<4096xi32, #tpu.memory_space<hbm>>
    %dma_wait3A_133 = tpu.memref_slice %arg2[%mul3A_131] : memref<3276800xi32, #tpu.memory_space<hbm>> -> memref<4096xi32, #tpu.memory_space<hbm>>
    tpu.wait_dma2 semaphore(%arg11 : memref<!tpu.dma_semaphore, #tpu.memory_space<semaphore_mem>>) src(%dma_wait3A_133 : memref<4096xi32, #tpu.memory_space<hbm>>) dst(%arg7 : memref<4096xi32, #tpu.memory_space<vmem>>)
    %parallel_loop3A_134 = arith.constant 0 : i32
    %parallel_loop3A_135 = arith.constant 256 : i32
    %parallel_loop3A_136 = arith.constant 1 : i32
    scf.for %parallel_loop3A_716 = %parallel_loop3A_134 to %parallel_loop3A_135 step %parallel_loop3A_136  : i32 {
      %parallel_loop3A_717 = arith.constant 16 : i32
      %parallel_loop3A_718 = arith.muli %parallel_loop3A_716, %parallel_loop3A_717 : i32
      %parallel_loop3A_719 = arith.index_cast %parallel_loop3A_718 : i32 to index
      %parallel_loop3A_720 = tpu.vector_load %arg7[%parallel_loop3A_719] {strides = array<i32>} : memref<4096xi32, #tpu.memory_space<vmem>>, vector<16xi32>,
      %parallel_loop3A_721 = arith.constant 6 : i32
      %parallel_loop3A_722 = arith.shrsi %parallel_loop3A_716, %parallel_loop3A_721 : i32
      %parallel_loop3A_723 = arith.constant 3 : i32
      %parallel_loop3A_724 = arith.shrsi %parallel_loop3A_716, %parallel_loop3A_723 : i32
      %parallel_loop3A_725 = arith.constant 7 : i32
      %parallel_loop3A_726 = arith.andi %parallel_loop3A_724, %parallel_loop3A_725 : i32
      %parallel_loop3A_727 = arith.constant 7 : i32
      %parallel_loop3A_728 = arith.andi %parallel_loop3A_716, %parallel_loop3A_727 : i32
      %parallel_loop3A_729 = arith.constant 4096 : i32
      %parallel_loop3A_730 = arith.muli %parallel_loop3A_726, %parallel_loop3A_729 : i32
      %parallel_loop3A_731 = arith.constant 1024 : i32
      %parallel_loop3A_732 = arith.muli %parallel_loop3A_722, %parallel_loop3A_731 : i32
      %parallel_loop3A_733 = arith.addi %parallel_loop3A_730, %parallel_loop3A_732 : i32
      %parallel_loop3A_734 = arith.constant 16 : i32
      %parallel_loop3A_735 = arith.muli %parallel_loop3A_728, %parallel_loop3A_734 : i32
      %parallel_loop3A_736 = arith.addi %parallel_loop3A_733, %parallel_loop3A_735 : i32
      %parallel_loop3A_737 = arith.constant 4 : i32
      %parallel_loop3A_738 = vector.broadcast %parallel_loop3A_737 : i32 to vector<16xi32>
      %parallel_loop3A_739 = arith.shli %parallel_loop3A_720, %parallel_loop3A_738 : vector<16xi32>
      %parallel_loop3A_740 = arith.addi %parallel_loop3A_739, %iota3A : vector<16xi32>
      %parallel_loop3A_741 = arith.constant 0 : i32
      %parallel_loop3A_742 = vector.broadcast %parallel_loop3A_741 : i32 to vector<16xi32>
      %parallel_loop3A_743 = arith.addi %parallel_loop3A_740, %parallel_loop3A_742 : vector<16xi32>
      %parallel_loop3A_744 = tpu.vector_load_idx %arg5[%parallel_loop3A_743] : memref<12800xf32, #tpu.memory_space<vmem>>[vector<16xi32>], vector<16xf32>,
      %parallel_loop3A_745 = arith.constant 0 : i32
      %parallel_loop3A_746 = arith.addi %parallel_loop3A_736, %parallel_loop3A_745 : i32
      %parallel_loop3A_747 = arith.index_cast %parallel_loop3A_746 : i32 to index
      %parallel_loop3A_748 = tpu.vector_load %arg9[%parallel_loop3A_747] {strides = array<i32>} : memref<32768xf32, #tpu.memory_space<vmem>>, vector<16xf32>,
      tpu.vector_store %arg9[%parallel_loop3A_747], %parallel_loop3A_744 {strides = array<i32>} : memref<32768xf32, #tpu.memory_space<vmem>>, vector<16xf32>,
      %parallel_loop3A_749 = arith.constant 1600 : i32
      %parallel_loop3A_750 = vector.broadcast %parallel_loop3A_749 : i32 to vector<16xi32>
      %parallel_loop3A_751 = arith.addi %parallel_loop3A_740, %parallel_loop3A_750 : vector<16xi32>
      %parallel_loop3A_752 = tpu.vector_load_idx %arg5[%parallel_loop3A_751] : memref<12800xf32, #tpu.memory_space<vmem>>[vector<16xi32>], vector<16xf32>,
      %parallel_loop3A_753 = arith.constant 128 : i32
      %parallel_loop3A_754 = arith.addi %parallel_loop3A_736, %parallel_loop3A_753 : i32
      %parallel_loop3A_755 = arith.index_cast %parallel_loop3A_754 : i32 to index
      %parallel_loop3A_756 = tpu.vector_load %arg9[%parallel_loop3A_755] {strides = array<i32>} : memref<32768xf32, #tpu.memory_space<vmem>>, vector<16xf32>,
      tpu.vector_store %arg9[%parallel_loop3A_755], %parallel_loop3A_752 {strides = array<i32>} : memref<32768xf32, #tpu.memory_space<vmem>>, vector<16xf32>,
      %parallel_loop3A_757 = arith.constant 3200 : i32
      %parallel_loop3A_758 = vector.broadcast %parallel_loop3A_757 : i32 to vector<16xi32>
      %parallel_loop3A_759 = arith.addi %parallel_loop3A_740, %parallel_loop3A_758 : vector<16xi32>
      %parallel_loop3A_760 = tpu.vector_load_idx %arg5[%parallel_loop3A_759] : memref<12800xf32, #tpu.memory_space<vmem>>[vector<16xi32>], vector<16xf32>,
      %parallel_loop3A_761 = arith.constant 256 : i32
      %parallel_loop3A_762 = arith.addi %parallel_loop3A_736, %parallel_loop3A_761 : i32
      %parallel_loop3A_763 = arith.index_cast %parallel_loop3A_762 : i32 to index
      %parallel_loop3A_764 = tpu.vector_load %arg9[%parallel_loop3A_763] {strides = array<i32>} : memref<32768xf32, #tpu.memory_space<vmem>>, vector<16xf32>,
      tpu.vector_store %arg9[%parallel_loop3A_763], %parallel_loop3A_760 {strides = array<i32>} : memref<32768xf32, #tpu.memory_space<vmem>>, vector<16xf32>,
      %parallel_loop3A_765 = arith.constant 4800 : i32
      %parallel_loop3A_766 = vector.broadcast %parallel_loop3A_765 : i32 to vector<16xi32>
      %parallel_loop3A_767 = arith.addi %parallel_loop3A_740, %parallel_loop3A_766 : vector<16xi32>
      %parallel_loop3A_768 = tpu.vector_load_idx %arg5[%parallel_loop3A_767] : memref<12800xf32, #tpu.memory_space<vmem>>[vector<16xi32>], vector<16xf32>,
      %parallel_loop3A_769 = arith.constant 384 : i32
      %parallel_loop3A_770 = arith.addi %parallel_loop3A_736, %parallel_loop3A_769 : i32
      %parallel_loop3A_771 = arith.index_cast %parallel_loop3A_770 : i32 to index
      %parallel_loop3A_772 = tpu.vector_load %arg9[%parallel_loop3A_771] {strides = array<i32>} : memref<32768xf32, #tpu.memory_space<vmem>>, vector<16xf32>,
      tpu.vector_store %arg9[%parallel_loop3A_771], %parallel_loop3A_768 {strides = array<i32>} : memref<32768xf32, #tpu.memory_space<vmem>>, vector<16xf32>,
      %parallel_loop3A_773 = arith.constant 6400 : i32
      %parallel_loop3A_774 = vector.broadcast %parallel_loop3A_773 : i32 to vector<16xi32>
      %parallel_loop3A_775 = arith.addi %parallel_loop3A_740, %parallel_loop3A_774 : vector<16xi32>
      %parallel_loop3A_776 = tpu.vector_load_idx %arg5[%parallel_loop3A_775] : memref<12800xf32, #tpu.memory_space<vmem>>[vector<16xi32>], vector<16xf32>,
      %parallel_loop3A_777 = arith.constant 512 : i32
      %parallel_loop3A_778 = arith.addi %parallel_loop3A_736, %parallel_loop3A_777 : i32
      %parallel_loop3A_779 = arith.index_cast %parallel_loop3A_778 : i32 to index
      %parallel_loop3A_780 = tpu.vector_load %arg9[%parallel_loop3A_779] {strides = array<i32>} : memref<32768xf32, #tpu.memory_space<vmem>>, vector<16xf32>,
      tpu.vector_store %arg9[%parallel_loop3A_779], %parallel_loop3A_776 {strides = array<i32>} : memref<32768xf32, #tpu.memory_space<vmem>>, vector<16xf32>,
      %parallel_loop3A_781 = arith.constant 8000 : i32
      %parallel_loop3A_782 = vector.broadcast %parallel_loop3A_781 : i32 to vector<16xi32>
      %parallel_loop3A_783 = arith.addi %parallel_loop3A_740, %parallel_loop3A_782 : vector<16xi32>
      %parallel_loop3A_784 = tpu.vector_load_idx %arg5[%parallel_loop3A_783] : memref<12800xf32, #tpu.memory_space<vmem>>[vector<16xi32>], vector<16xf32>,
      %parallel_loop3A_785 = arith.constant 640 : i32
      %parallel_loop3A_786 = arith.addi %parallel_loop3A_736, %parallel_loop3A_785 : i32
      %parallel_loop3A_787 = arith.index_cast %parallel_loop3A_786 : i32 to index
      %parallel_loop3A_788 = tpu.vector_load %arg9[%parallel_loop3A_787] {strides = array<i32>} : memref<32768xf32, #tpu.memory_space<vmem>>, vector<16xf32>,
      tpu.vector_store %arg9[%parallel_loop3A_787], %parallel_loop3A_784 {strides = array<i32>} : memref<32768xf32, #tpu.memory_space<vmem>>, vector<16xf32>,
      %parallel_loop3A_789 = arith.constant 9600 : i32
      %parallel_loop3A_790 = vector.broadcast %parallel_loop3A_789 : i32 to vector<16xi32>
      %parallel_loop3A_791 = arith.addi %parallel_loop3A_740, %parallel_loop3A_790 : vector<16xi32>
      %parallel_loop3A_792 = tpu.vector_load_idx %arg5[%parallel_loop3A_791] : memref<12800xf32, #tpu.memory_space<vmem>>[vector<16xi32>], vector<16xf32>,
      %parallel_loop3A_793 = arith.constant 768 : i32
      %parallel_loop3A_794 = arith.addi %parallel_loop3A_736, %parallel_loop3A_793 : i32
      %parallel_loop3A_795 = arith.index_cast %parallel_loop3A_794 : i32 to index
      %parallel_loop3A_796 = tpu.vector_load %arg9[%parallel_loop3A_795] {strides = array<i32>} : memref<32768xf32, #tpu.memory_space<vmem>>, vector<16xf32>,
      tpu.vector_store %arg9[%parallel_loop3A_795], %parallel_loop3A_792 {strides = array<i32>} : memref<32768xf32, #tpu.memory_space<vmem>>, vector<16xf32>,
      %parallel_loop3A_797 = arith.constant 11200 : i32
      %parallel_loop3A_798 = vector.broadcast %parallel_loop3A_797 : i32 to vector<16xi32>
      %parallel_loop3A_799 = arith.addi %parallel_loop3A_740, %parallel_loop3A_798 : vector<16xi32>
      %parallel_loop3A_800 = tpu.vector_load_idx %arg5[%parallel_loop3A_799] : memref<12800xf32, #tpu.memory_space<vmem>>[vector<16xi32>], vector<16xf32>,
      %parallel_loop3A_801 = arith.constant 896 : i32
      %parallel_loop3A_802 = arith.addi %parallel_loop3A_736, %parallel_loop3A_801 : i32
      %parallel_loop3A_803 = arith.index_cast %parallel_loop3A_802 : i32 to index
      %parallel_loop3A_804 = tpu.vector_load %arg9[%parallel_loop3A_803] {strides = array<i32>} : memref<32768xf32, #tpu.memory_space<vmem>>, vector<16xf32>,
      tpu.vector_store %arg9[%parallel_loop3A_803], %parallel_loop3A_800 {strides = array<i32>} : memref<32768xf32, #tpu.memory_space<vmem>>, vector<16xf32>,
    } {sc.loop_unroll_factor = 8 : i64, sc.parallel_access}
    %add3A_137 = arith.constant 32 : i32
    %add3A_138 = arith.addi %add3A_137, %add3A : i32
    %jit3A_139 = arith.constant 32 : i32
    %div3A_140 = arith.divsi %add3A_138, %jit3A_139 : i32
    %sign3A_141 = arith.constant 0 : i32
    %sign3A_142 = arith.cmpi sgt, %add3A_138, %sign3A_141 : i32
    %sign3A_143 = arith.extui %sign3A_142 : i1 to i32
    %sign3A_144 = arith.constant 0 : i32
    %sign3A_145 = arith.cmpi slt, %add3A_138, %sign3A_144 : i32
    %sign3A_146 = arith.extui %sign3A_145 : i1 to i32
    %sign3A_147 = arith.subi %sign3A_143, %sign3A_146 : i32
    %sign3A_148 = arith.constant 0 : i32
    %sign3A_149 = arith.cmpi sgt, %jit3A_139, %sign3A_148 : i32
    %sign3A_150 = arith.extui %sign3A_149 : i1 to i32
    %sign3A_151 = arith.constant 0 : i32
    %sign3A_152 = arith.cmpi slt, %jit3A_139, %sign3A_151 : i32
    %sign3A_153 = arith.extui %sign3A_152 : i1 to i32
    %sign3A_154 = arith.subi %sign3A_150, %sign3A_153 : i32
    %ne3A_155 = arith.cmpi ne, %sign3A_147, %sign3A_154 : i32
    %rem3A_156 = arith.remsi %add3A_138, %jit3A_139 : i32
    %ne3A_157 = arith.constant 0 : i32
    %ne3A_158 = arith.cmpi ne, %rem3A_156, %ne3A_157 : i32
    %and3A_159 = arith.andi %ne3A_155, %ne3A_158 : i1
    %sub3A_160 = arith.constant 1 : i32
    %sub3A_161 = arith.subi %div3A_140, %sub3A_160 : i32
    %select_n3A_162 = arith.select %and3A_159, %sub3A_161, %div3A_140 : i32
    %jit3A_163 = arith.constant 32 : i32
    %eq3A_164 = arith.constant 0 : i32
    %eq3A_165 = arith.cmpi eq, %jit3A_163, %eq3A_164 : i32
    %jit3A_166 = arith.constant 1 : i32
    %select_n3A_167 = arith.select %eq3A_165, %jit3A_166, %jit3A_163 : i32
    %rem3A_168 = arith.remsi %add3A_138, %select_n3A_167 : i32
    %ne3A_169 = arith.constant 0 : i32
    %ne3A_170 = arith.cmpi ne, %rem3A_168, %ne3A_169 : i32
    %lt3A_171 = arith.constant 0 : i32
    %lt3A_172 = arith.cmpi slt, %rem3A_168, %lt3A_171 : i32
    %lt3A_173 = arith.constant 0 : i32
    %lt3A_174 = arith.cmpi slt, %select_n3A_167, %lt3A_173 : i32
    %ne3A_175 = arith.xori %lt3A_172, %lt3A_174 : i1
    %and3A_176 = arith.andi %ne3A_175, %ne3A_170 : i1
    %add3A_177 = arith.addi %rem3A_168, %select_n3A_167 : i32
    %select_n3A_178 = arith.select %and3A_176, %add3A_177, %rem3A_168 : i32
    %mul3A_179 = arith.constant 8 : i32
    %mul3A_180 = arith.muli %select_n3A_162, %mul3A_179 : i32
    %mul3A_181 = arith.constant 131072 : i32
    %mul3A_182 = arith.muli %mul3A_180, %mul3A_181 : i32
    %mul3A_183 = arith.constant 4096 : i32
    %mul3A_184 = arith.muli %select_n3A_178, %mul3A_183 : i32
    %add3A_185 = arith.addi %mul3A_182, %mul3A_184 : i32
    %add3A_186 = arith.constant 0 : i32
    %add3A_187 = arith.addi %add3A_185, %add3A_186 : i32
    %dma_start3A_188 = arith.constant 0 : i32
    %dma_start3A_189 = tpu.memref_slice %arg9[%dma_start3A_188] : memref<32768xf32, #tpu.memory_space<vmem>> -> memref<4096xf32, #tpu.memory_space<vmem>>
    %dma_start3A_190 = tpu.memref_slice %arg4[%add3A_187] : memref<26214400xf32, #tpu.memory_space<hbm>> -> memref<4096xf32, #tpu.memory_space<hbm>>
    %dma_start3A_191 = tpu.memref_slice %arg4[%add3A_187] : memref<26214400xf32, #tpu.memory_space<hbm>> -> memref<4096xf32, #tpu.memory_space<hbm>>
    %dma_start3A_192 = arith.constant 0 : i32
    %dma_start3A_193 = tpu.memref_slice %arg9[%dma_start3A_192] : memref<32768xf32, #tpu.memory_space<vmem>> -> memref<4096xf32, #tpu.memory_space<vmem>>
    tpu.enqueue_dma source(%dma_start3A_193 : memref<4096xf32, #tpu.memory_space<vmem>>) target(%dma_start3A_191 : memref<4096xf32, #tpu.memory_space<hbm>>) target_semaphore(%arg13 : memref<!tpu.dma_semaphore, #tpu.memory_space<semaphore_mem>>)
    %add3A_194 = arith.constant 131072 : i32
    %add3A_195 = arith.addi %add3A_185, %add3A_194 : i32
    %dma_start3A_196 = arith.constant 4096 : i32
    %dma_start3A_197 = tpu.memref_slice %arg9[%dma_start3A_196] : memref<32768xf32, #tpu.memory_space<vmem>> -> memref<4096xf32, #tpu.memory_space<vmem>>
    %dma_start3A_198 = tpu.memref_slice %arg4[%add3A_195] : memref<26214400xf32, #tpu.memory_space<hbm>> -> memref<4096xf32, #tpu.memory_space<hbm>>
    %dma_start3A_199 = tpu.memref_slice %arg4[%add3A_195] : memref<26214400xf32, #tpu.memory_space<hbm>> -> memref<4096xf32, #tpu.memory_space<hbm>>
    %dma_start3A_200 = arith.constant 4096 : i32
    %dma_start3A_201 = tpu.memref_slice %arg9[%dma_start3A_200] : memref<32768xf32, #tpu.memory_space<vmem>> -> memref<4096xf32, #tpu.memory_space<vmem>>
    tpu.enqueue_dma source(%dma_start3A_201 : memref<4096xf32, #tpu.memory_space<vmem>>) target(%dma_start3A_199 : memref<4096xf32, #tpu.memory_space<hbm>>) target_semaphore(%arg13 : memref<!tpu.dma_semaphore, #tpu.memory_space<semaphore_mem>>)
    %add3A_202 = arith.constant 262144 : i32
    %add3A_203 = arith.addi %add3A_185, %add3A_202 : i32
    %dma_start3A_204 = arith.constant 8192 : i32
    %dma_start3A_205 = tpu.memref_slice %arg9[%dma_start3A_204] : memref<32768xf32, #tpu.memory_space<vmem>> -> memref<4096xf32, #tpu.memory_space<vmem>>
    %dma_start3A_206 = tpu.memref_slice %arg4[%add3A_203] : memref<26214400xf32, #tpu.memory_space<hbm>> -> memref<4096xf32, #tpu.memory_space<hbm>>
    %dma_start3A_207 = tpu.memref_slice %arg4[%add3A_203] : memref<26214400xf32, #tpu.memory_space<hbm>> -> memref<4096xf32, #tpu.memory_space<hbm>>
    %dma_start3A_208 = arith.constant 8192 : i32
    %dma_start3A_209 = tpu.memref_slice %arg9[%dma_start3A_208] : memref<32768xf32, #tpu.memory_space<vmem>> -> memref<4096xf32, #tpu.memory_space<vmem>>
    tpu.enqueue_dma source(%dma_start3A_209 : memref<4096xf32, #tpu.memory_space<vmem>>) target(%dma_start3A_207 : memref<4096xf32, #tpu.memory_space<hbm>>) target_semaphore(%arg13 : memref<!tpu.dma_semaphore, #tpu.memory_space<semaphore_mem>>)
    %add3A_210 = arith.constant 393216 : i32
    %add3A_211 = arith.addi %add3A_185, %add3A_210 : i32
    %dma_start3A_212 = arith.constant 12288 : i32
    %dma_start3A_213 = tpu.memref_slice %arg9[%dma_start3A_212] : memref<32768xf32, #tpu.memory_space<vmem>> -> memref<4096xf32, #tpu.memory_space<vmem>>
    %dma_start3A_214 = tpu.memref_slice %arg4[%add3A_211] : memref<26214400xf32, #tpu.memory_space<hbm>> -> memref<4096xf32, #tpu.memory_space<hbm>>
    %dma_start3A_215 = tpu.memref_slice %arg4[%add3A_211] : memref<26214400xf32, #tpu.memory_space<hbm>> -> memref<4096xf32, #tpu.memory_space<hbm>>
    %dma_start3A_216 = arith.constant 12288 : i32
    %dma_start3A_217 = tpu.memref_slice %arg9[%dma_start3A_216] : memref<32768xf32, #tpu.memory_space<vmem>> -> memref<4096xf32, #tpu.memory_space<vmem>>
    tpu.enqueue_dma source(%dma_start3A_217 : memref<4096xf32, #tpu.memory_space<vmem>>) target(%dma_start3A_215 : memref<4096xf32, #tpu.memory_space<hbm>>) target_semaphore(%arg13 : memref<!tpu.dma_semaphore, #tpu.memory_space<semaphore_mem>>)
    %add3A_218 = arith.constant 524288 : i32
    %add3A_219 = arith.addi %add3A_185, %add3A_218 : i32
    %dma_start3A_220 = arith.constant 16384 : i32
    %dma_start3A_221 = tpu.memref_slice %arg9[%dma_start3A_220] : memref<32768xf32, #tpu.memory_space<vmem>> -> memref<4096xf32, #tpu.memory_space<vmem>>
    %dma_start3A_222 = tpu.memref_slice %arg4[%add3A_219] : memref<26214400xf32, #tpu.memory_space<hbm>> -> memref<4096xf32, #tpu.memory_space<hbm>>
    %dma_start3A_223 = tpu.memref_slice %arg4[%add3A_219] : memref<26214400xf32, #tpu.memory_space<hbm>> -> memref<4096xf32, #tpu.memory_space<hbm>>
    %dma_start3A_224 = arith.constant 16384 : i32
    %dma_start3A_225 = tpu.memref_slice %arg9[%dma_start3A_224] : memref<32768xf32, #tpu.memory_space<vmem>> -> memref<4096xf32, #tpu.memory_space<vmem>>
    tpu.enqueue_dma source(%dma_start3A_225 : memref<4096xf32, #tpu.memory_space<vmem>>) target(%dma_start3A_223 : memref<4096xf32, #tpu.memory_space<hbm>>) target_semaphore(%arg13 : memref<!tpu.dma_semaphore, #tpu.memory_space<semaphore_mem>>)
    %add3A_226 = arith.constant 655360 : i32
    %add3A_227 = arith.addi %add3A_185, %add3A_226 : i32
    %dma_start3A_228 = arith.constant 20480 : i32
    %dma_start3A_229 = tpu.memref_slice %arg9[%dma_start3A_228] : memref<32768xf32, #tpu.memory_space<vmem>> -> memref<4096xf32, #tpu.memory_space<vmem>>
    %dma_start3A_230 = tpu.memref_slice %arg4[%add3A_227] : memref<26214400xf32, #tpu.memory_space<hbm>> -> memref<4096xf32, #tpu.memory_space<hbm>>
    %dma_start3A_231 = tpu.memref_slice %arg4[%add3A_227] : memref<26214400xf32, #tpu.memory_space<hbm>> -> memref<4096xf32, #tpu.memory_space<hbm>>
    %dma_start3A_232 = arith.constant 20480 : i32
    %dma_start3A_233 = tpu.memref_slice %arg9[%dma_start3A_232] : memref<32768xf32, #tpu.memory_space<vmem>> -> memref<4096xf32, #tpu.memory_space<vmem>>
    tpu.enqueue_dma source(%dma_start3A_233 : memref<4096xf32, #tpu.memory_space<vmem>>) target(%dma_start3A_231 : memref<4096xf32, #tpu.memory_space<hbm>>) target_semaphore(%arg13 : memref<!tpu.dma_semaphore, #tpu.memory_space<semaphore_mem>>)
    %add3A_234 = arith.constant 786432 : i32
    %add3A_235 = arith.addi %add3A_185, %add3A_234 : i32
    %dma_start3A_236 = arith.constant 24576 : i32
    %dma_start3A_237 = tpu.memref_slice %arg9[%dma_start3A_236] : memref<32768xf32, #tpu.memory_space<vmem>> -> memref<4096xf32, #tpu.memory_space<vmem>>
    %dma_start3A_238 = tpu.memref_slice %arg4[%add3A_235] : memref<26214400xf32, #tpu.memory_space<hbm>> -> memref<4096xf32, #tpu.memory_space<hbm>>
    %dma_start3A_239 = tpu.memref_slice %arg4[%add3A_235] : memref<26214400xf32, #tpu.memory_space<hbm>> -> memref<4096xf32, #tpu.memory_space<hbm>>
    %dma_start3A_240 = arith.constant 24576 : i32
    %dma_start3A_241 = tpu.memref_slice %arg9[%dma_start3A_240] : memref<32768xf32, #tpu.memory_space<vmem>> -> memref<4096xf32, #tpu.memory_space<vmem>>
    tpu.enqueue_dma source(%dma_start3A_241 : memref<4096xf32, #tpu.memory_space<vmem>>) target(%dma_start3A_239 : memref<4096xf32, #tpu.memory_space<hbm>>) target_semaphore(%arg13 : memref<!tpu.dma_semaphore, #tpu.memory_space<semaphore_mem>>)
    %add3A_242 = arith.constant 917504 : i32
    %add3A_243 = arith.addi %add3A_185, %add3A_242 : i32
    %dma_start3A_244 = arith.constant 28672 : i32
    %dma_start3A_245 = tpu.memref_slice %arg9[%dma_start3A_244] : memref<32768xf32, #tpu.memory_space<vmem>> -> memref<4096xf32, #tpu.memory_space<vmem>>
    %dma_start3A_246 = tpu.memref_slice %arg4[%add3A_243] : memref<26214400xf32, #tpu.memory_space<hbm>> -> memref<4096xf32, #tpu.memory_space<hbm>>
    %dma_start3A_247 = tpu.memref_slice %arg4[%add3A_243] : memref<26214400xf32, #tpu.memory_space<hbm>> -> memref<4096xf32, #tpu.memory_space<hbm>>
    %dma_start3A_248 = arith.constant 28672 : i32
    %dma_start3A_249 = tpu.memref_slice %arg9[%dma_start3A_248] : memref<32768xf32, #tpu.memory_space<vmem>> -> memref<4096xf32, #tpu.memory_space<vmem>>
    tpu.enqueue_dma source(%dma_start3A_249 : memref<4096xf32, #tpu.memory_space<vmem>>) target(%dma_start3A_247 : memref<4096xf32, #tpu.memory_space<hbm>>) target_semaphore(%arg13 : memref<!tpu.dma_semaphore, #tpu.memory_space<semaphore_mem>>)
    %scan3A = arith.constant 0 : i32
    %scan3A_250 = arith.constant 1 : i32
    %scan3A_251 = arith.constant 11 : i32
    %scan3A_252 = arith.addi %scan3A_250, %scan3A_251 : i32
    %scan3A_253 = arith.constant 1 : i32
    scf.for %scan3A_716 = %scan3A_250 to %scan3A_252 step %scan3A_253  : i32 {
      %mul3A_717 = arith.constant 2 : i32
      %mul3A_718 = arith.muli %scan3A_716, %mul3A_717 : i32
      %add3A_719 = arith.constant 0 : i32
      %add3A_720 = arith.addi %mul3A_718, %add3A_719 : i32
      %add3A_721 = arith.constant 1 : i32
      %add3A_722 = arith.addi %add3A_720, %add3A_721 : i32
      %mul3A_723 = arith.constant 32 : i32
      %mul3A_724 = arith.muli %add3A_722, %mul3A_723 : i32
      %add3A_725 = arith.addi %mul3A_724, %add3A : i32
      %mul3A_726 = arith.constant 4096 : i32
      %mul3A_727 = arith.muli %add3A_725, %mul3A_726 : i32
      %dma_start3A_728 = tpu.memref_slice %arg2[%mul3A_727] : memref<3276800xi32, #tpu.memory_space<hbm>> -> memref<4096xi32, #tpu.memory_space<hbm>>
      %dma_start3A_729 = tpu.memref_slice %arg2[%mul3A_727] : memref<3276800xi32, #tpu.memory_space<hbm>> -> memref<4096xi32, #tpu.memory_space<hbm>>
      tpu.enqueue_dma source(%dma_start3A_729 : memref<4096xi32, #tpu.memory_space<hbm>>) target(%arg7 : memref<4096xi32, #tpu.memory_space<vmem>>) target_semaphore(%arg11 : memref<!tpu.dma_semaphore, #tpu.memory_space<semaphore_mem>>)
      %mul3A_730 = arith.constant 32 : i32
      %mul3A_731 = arith.muli %add3A_720, %mul3A_730 : i32
      %add3A_732 = arith.addi %mul3A_731, %add3A : i32
      %mul3A_733 = arith.constant 4096 : i32
      %mul3A_734 = arith.muli %add3A_732, %mul3A_733 : i32
      %dma_wait3A_735 = tpu.memref_slice %arg2[%mul3A_734] : memref<3276800xi32, #tpu.memory_space<hbm>> -> memref<4096xi32, #tpu.memory_space<hbm>>
      %dma_wait3A_736 = tpu.memref_slice %arg2[%mul3A_734] : memref<3276800xi32, #tpu.memory_space<hbm>> -> memref<4096xi32, #tpu.memory_space<hbm>>
      tpu.wait_dma2 semaphore(%arg10 : memref<!tpu.dma_semaphore, #tpu.memory_space<semaphore_mem>>) src(%dma_wait3A_736 : memref<4096xi32, #tpu.memory_space<hbm>>) dst(%arg6 : memref<4096xi32, #tpu.memory_space<vmem>>)
      %sub3A_737 = arith.constant 2 : i32
      %sub3A_738 = arith.subi %add3A_720, %sub3A_737 : i32
      %mul3A_739 = arith.constant 32 : i32
      %mul3A_740 = arith.muli %sub3A_738, %mul3A_739 : i32
      %add3A_741 = arith.addi %mul3A_740, %add3A : i32
      %jit3A_742 = arith.constant 32 : i32
      %div3A_743 = arith.divsi %add3A_741, %jit3A_742 : i32
      %sign3A_744 = arith.constant 0 : i32
      %sign3A_745 = arith.cmpi sgt, %add3A_741, %sign3A_744 : i32
      %sign3A_746 = arith.extui %sign3A_745 : i1 to i32
      %sign3A_747 = arith.constant 0 : i32
      %sign3A_748 = arith.cmpi slt, %add3A_741, %sign3A_747 : i32
      %sign3A_749 = arith.extui %sign3A_748 : i1 to i32
      %sign3A_750 = arith.subi %sign3A_746, %sign3A_749 : i32
      %sign3A_751 = arith.constant 0 : i32
      %sign3A_752 = arith.cmpi sgt, %jit3A_742, %sign3A_751 : i32
      %sign3A_753 = arith.extui %sign3A_752 : i1 to i32
      %sign3A_754 = arith.constant 0 : i32
      %sign3A_755 = arith.cmpi slt, %jit3A_742, %sign3A_754 : i32
      %sign3A_756 = arith.extui %sign3A_755 : i1 to i32
      %sign3A_757 = arith.subi %sign3A_753, %sign3A_756 : i32
      %ne3A_758 = arith.cmpi ne, %sign3A_750, %sign3A_757 : i32
      %rem3A_759 = arith.remsi %add3A_741, %jit3A_742 : i32
      %ne3A_760 = arith.constant 0 : i32
      %ne3A_761 = arith.cmpi ne, %rem3A_759, %ne3A_760 : i32
      %and3A_762 = arith.andi %ne3A_758, %ne3A_761 : i1
      %sub3A_763 = arith.constant 1 : i32
      %sub3A_764 = arith.subi %div3A_743, %sub3A_763 : i32
      %select_n3A_765 = arith.select %and3A_762, %sub3A_764, %div3A_743 : i32
      %jit3A_766 = arith.constant 32 : i32
      %eq3A_767 = arith.constant 0 : i32
      %eq3A_768 = arith.cmpi eq, %jit3A_766, %eq3A_767 : i32
      %jit3A_769 = arith.constant 1 : i32
      %select_n3A_770 = arith.select %eq3A_768, %jit3A_769, %jit3A_766 : i32
      %rem3A_771 = arith.remsi %add3A_741, %select_n3A_770 : i32
      %ne3A_772 = arith.constant 0 : i32
      %ne3A_773 = arith.cmpi ne, %rem3A_771, %ne3A_772 : i32
      %lt3A_774 = arith.constant 0 : i32
      %lt3A_775 = arith.cmpi slt, %rem3A_771, %lt3A_774 : i32
      %lt3A_776 = arith.constant 0 : i32
      %lt3A_777 = arith.cmpi slt, %select_n3A_770, %lt3A_776 : i32
      %ne3A_778 = arith.xori %lt3A_775, %lt3A_777 : i1
      %and3A_779 = arith.andi %ne3A_778, %ne3A_773 : i1
      %add3A_780 = arith.addi %rem3A_771, %select_n3A_770 : i32
      %select_n3A_781 = arith.select %and3A_779, %add3A_780, %rem3A_771 : i32
      %mul3A_782 = arith.constant 8 : i32
      %mul3A_783 = arith.muli %select_n3A_765, %mul3A_782 : i32
      %mul3A_784 = arith.constant 131072 : i32
      %mul3A_785 = arith.muli %mul3A_783, %mul3A_784 : i32
      %mul3A_786 = arith.constant 4096 : i32
      %mul3A_787 = arith.muli %select_n3A_781, %mul3A_786 : i32
      %add3A_788 = arith.addi %mul3A_785, %mul3A_787 : i32
      %add3A_789 = arith.constant 0 : i32
      %add3A_790 = arith.addi %add3A_788, %add3A_789 : i32
      %dma_wait3A_791 = arith.constant 0 : i32
      %dma_wait3A_792 = tpu.memref_slice %arg8[%dma_wait3A_791] : memref<32768xf32, #tpu.memory_space<vmem>> -> memref<4096xf32, #tpu.memory_space<vmem>>
      %dma_wait3A_793 = tpu.memref_slice %arg4[%add3A_790] : memref<26214400xf32, #tpu.memory_space<hbm>> -> memref<4096xf32, #tpu.memory_space<hbm>>
      %dma_wait3A_794 = tpu.memref_slice %arg4[%add3A_790] : memref<26214400xf32, #tpu.memory_space<hbm>> -> memref<4096xf32, #tpu.memory_space<hbm>>
      %dma_wait3A_795 = arith.constant 0 : i32
      %dma_wait3A_796 = tpu.memref_slice %arg8[%dma_wait3A_795] : memref<32768xf32, #tpu.memory_space<vmem>> -> memref<4096xf32, #tpu.memory_space<vmem>>
      tpu.wait_dma2 semaphore(%arg12 : memref<!tpu.dma_semaphore, #tpu.memory_space<semaphore_mem>>) src(%dma_wait3A_796 : memref<4096xf32, #tpu.memory_space<vmem>>) dst(%dma_wait3A_794 : memref<4096xf32, #tpu.memory_space<hbm>>)
      %add3A_797 = arith.constant 131072 : i32
      %add3A_798 = arith.addi %add3A_788, %add3A_797 : i32
      %dma_wait3A_799 = arith.constant 4096 : i32
      %dma_wait3A_800 = tpu.memref_slice %arg8[%dma_wait3A_799] : memref<32768xf32, #tpu.memory_space<vmem>> -> memref<4096xf32, #tpu.memory_space<vmem>>
      %dma_wait3A_801 = tpu.memref_slice %arg4[%add3A_798] : memref<26214400xf32, #tpu.memory_space<hbm>> -> memref<4096xf32, #tpu.memory_space<hbm>>
      %dma_wait3A_802 = tpu.memref_slice %arg4[%add3A_798] : memref<26214400xf32, #tpu.memory_space<hbm>> -> memref<4096xf32, #tpu.memory_space<hbm>>
      %dma_wait3A_803 = arith.constant 4096 : i32
      %dma_wait3A_804 = tpu.memref_slice %arg8[%dma_wait3A_803] : memref<32768xf32, #tpu.memory_space<vmem>> -> memref<4096xf32, #tpu.memory_space<vmem>>
      tpu.wait_dma2 semaphore(%arg12 : memref<!tpu.dma_semaphore, #tpu.memory_space<semaphore_mem>>) src(%dma_wait3A_804 : memref<4096xf32, #tpu.memory_space<vmem>>) dst(%dma_wait3A_802 : memref<4096xf32, #tpu.memory_space<hbm>>)
      %add3A_805 = arith.constant 262144 : i32
      %add3A_806 = arith.addi %add3A_788, %add3A_805 : i32
      %dma_wait3A_807 = arith.constant 8192 : i32
      %dma_wait3A_808 = tpu.memref_slice %arg8[%dma_wait3A_807] : memref<32768xf32, #tpu.memory_space<vmem>> -> memref<4096xf32, #tpu.memory_space<vmem>>
      %dma_wait3A_809 = tpu.memref_slice %arg4[%add3A_806] : memref<26214400xf32, #tpu.memory_space<hbm>> -> memref<4096xf32, #tpu.memory_space<hbm>>
      %dma_wait3A_810 = tpu.memref_slice %arg4[%add3A_806] : memref<26214400xf32, #tpu.memory_space<hbm>> -> memref<4096xf32, #tpu.memory_space<hbm>>
      %dma_wait3A_811 = arith.constant 8192 : i32
      %dma_wait3A_812 = tpu.memref_slice %arg8[%dma_wait3A_811] : memref<32768xf32, #tpu.memory_space<vmem>> -> memref<4096xf32, #tpu.memory_space<vmem>>
      tpu.wait_dma2 semaphore(%arg12 : memref<!tpu.dma_semaphore, #tpu.memory_space<semaphore_mem>>) src(%dma_wait3A_812 : memref<4096xf32, #tpu.memory_space<vmem>>) dst(%dma_wait3A_810 : memref<4096xf32, #tpu.memory_space<hbm>>)
      %add3A_813 = arith.constant 393216 : i32
      %add3A_814 = arith.addi %add3A_788, %add3A_813 : i32
      %dma_wait3A_815 = arith.constant 12288 : i32
      %dma_wait3A_816 = tpu.memref_slice %arg8[%dma_wait3A_815] : memref<32768xf32, #tpu.memory_space<vmem>> -> memref<4096xf32, #tpu.memory_space<vmem>>
      %dma_wait3A_817 = tpu.memref_slice %arg4[%add3A_814] : memref<26214400xf32, #tpu.memory_space<hbm>> -> memref<4096xf32, #tpu.memory_space<hbm>>
      %dma_wait3A_818 = tpu.memref_slice %arg4[%add3A_814] : memref<26214400xf32, #tpu.memory_space<hbm>> -> memref<4096xf32, #tpu.memory_space<hbm>>
      %dma_wait3A_819 = arith.constant 12288 : i32
      %dma_wait3A_820 = tpu.memref_slice %arg8[%dma_wait3A_819] : memref<32768xf32, #tpu.memory_space<vmem>> -> memref<4096xf32, #tpu.memory_space<vmem>>
      tpu.wait_dma2 semaphore(%arg12 : memref<!tpu.dma_semaphore, #tpu.memory_space<semaphore_mem>>) src(%dma_wait3A_820 : memref<4096xf32, #tpu.memory_space<vmem>>) dst(%dma_wait3A_818 : memref<4096xf32, #tpu.memory_space<hbm>>)
      %add3A_821 = arith.constant 524288 : i32
      %add3A_822 = arith.addi %add3A_788, %add3A_821 : i32
      %dma_wait3A_823 = arith.constant 16384 : i32
      %dma_wait3A_824 = tpu.memref_slice %arg8[%dma_wait3A_823] : memref<32768xf32, #tpu.memory_space<vmem>> -> memref<4096xf32, #tpu.memory_space<vmem>>
      %dma_wait3A_825 = tpu.memref_slice %arg4[%add3A_822] : memref<26214400xf32, #tpu.memory_space<hbm>> -> memref<4096xf32, #tpu.memory_space<hbm>>
      %dma_wait3A_826 = tpu.memref_slice %arg4[%add3A_822] : memref<26214400xf32, #tpu.memory_space<hbm>> -> memref<4096xf32, #tpu.memory_space<hbm>>
      %dma_wait3A_827 = arith.constant 16384 : i32
      %dma_wait3A_828 = tpu.memref_slice %arg8[%dma_wait3A_827] : memref<32768xf32, #tpu.memory_space<vmem>> -> memref<4096xf32, #tpu.memory_space<vmem>>
      tpu.wait_dma2 semaphore(%arg12 : memref<!tpu.dma_semaphore, #tpu.memory_space<semaphore_mem>>) src(%dma_wait3A_828 : memref<4096xf32, #tpu.memory_space<vmem>>) dst(%dma_wait3A_826 : memref<4096xf32, #tpu.memory_space<hbm>>)
      %add3A_829 = arith.constant 655360 : i32
      %add3A_830 = arith.addi %add3A_788, %add3A_829 : i32
      %dma_wait3A_831 = arith.constant 20480 : i32
      %dma_wait3A_832 = tpu.memref_slice %arg8[%dma_wait3A_831] : memref<32768xf32, #tpu.memory_space<vmem>> -> memref<4096xf32, #tpu.memory_space<vmem>>
      %dma_wait3A_833 = tpu.memref_slice %arg4[%add3A_830] : memref<26214400xf32, #tpu.memory_space<hbm>> -> memref<4096xf32, #tpu.memory_space<hbm>>
      %dma_wait3A_834 = tpu.memref_slice %arg4[%add3A_830] : memref<26214400xf32, #tpu.memory_space<hbm>> -> memref<4096xf32, #tpu.memory_space<hbm>>
      %dma_wait3A_835 = arith.constant 20480 : i32
      %dma_wait3A_836 = tpu.memref_slice %arg8[%dma_wait3A_835] : memref<32768xf32, #tpu.memory_space<vmem>> -> memref<4096xf32, #tpu.memory_space<vmem>>
      tpu.wait_dma2 semaphore(%arg12 : memref<!tpu.dma_semaphore, #tpu.memory_space<semaphore_mem>>) src(%dma_wait3A_836 : memref<4096xf32, #tpu.memory_space<vmem>>) dst(%dma_wait3A_834 : memref<4096xf32, #tpu.memory_space<hbm>>)
      %add3A_837 = arith.constant 786432 : i32
      %add3A_838 = arith.addi %add3A_788, %add3A_837 : i32
      %dma_wait3A_839 = arith.constant 24576 : i32
      %dma_wait3A_840 = tpu.memref_slice %arg8[%dma_wait3A_839] : memref<32768xf32, #tpu.memory_space<vmem>> -> memref<4096xf32, #tpu.memory_space<vmem>>
      %dma_wait3A_841 = tpu.memref_slice %arg4[%add3A_838] : memref<26214400xf32, #tpu.memory_space<hbm>> -> memref<4096xf32, #tpu.memory_space<hbm>>
      %dma_wait3A_842 = tpu.memref_slice %arg4[%add3A_838] : memref<26214400xf32, #tpu.memory_space<hbm>> -> memref<4096xf32, #tpu.memory_space<hbm>>
      %dma_wait3A_843 = arith.constant 24576 : i32
      %dma_wait3A_844 = tpu.memref_slice %arg8[%dma_wait3A_843] : memref<32768xf32, #tpu.memory_space<vmem>> -> memref<4096xf32, #tpu.memory_space<vmem>>
      tpu.wait_dma2 semaphore(%arg12 : memref<!tpu.dma_semaphore, #tpu.memory_space<semaphore_mem>>) src(%dma_wait3A_844 : memref<4096xf32, #tpu.memory_space<vmem>>) dst(%dma_wait3A_842 : memref<4096xf32, #tpu.memory_space<hbm>>)
      %add3A_845 = arith.constant 917504 : i32
      %add3A_846 = arith.addi %add3A_788, %add3A_845 : i32
      %dma_wait3A_847 = arith.constant 28672 : i32
      %dma_wait3A_848 = tpu.memref_slice %arg8[%dma_wait3A_847] : memref<32768xf32, #tpu.memory_space<vmem>> -> memref<4096xf32, #tpu.memory_space<vmem>>
      %dma_wait3A_849 = tpu.memref_slice %arg4[%add3A_846] : memref<26214400xf32, #tpu.memory_space<hbm>> -> memref<4096xf32, #tpu.memory_space<hbm>>
      %dma_wait3A_850 = tpu.memref_slice %arg4[%add3A_846] : memref<26214400xf32, #tpu.memory_space<hbm>> -> memref<4096xf32, #tpu.memory_space<hbm>>
      %dma_wait3A_851 = arith.constant 28672 : i32
      %dma_wait3A_852 = tpu.memref_slice %arg8[%dma_wait3A_851] : memref<32768xf32, #tpu.memory_space<vmem>> -> memref<4096xf32, #tpu.memory_space<vmem>>
      tpu.wait_dma2 semaphore(%arg12 : memref<!tpu.dma_semaphore, #tpu.memory_space<semaphore_mem>>) src(%dma_wait3A_852 : memref<4096xf32, #tpu.memory_space<vmem>>) dst(%dma_wait3A_850 : memref<4096xf32, #tpu.memory_space<hbm>>)
      %parallel_loop3A_853 = arith.constant 0 : i32
      %parallel_loop3A_854 = arith.constant 256 : i32
      %parallel_loop3A_855 = arith.constant 1 : i32
      scf.for %parallel_loop3A_1223 = %parallel_loop3A_853 to %parallel_loop3A_854 step %parallel_loop3A_855  : i32 {
        %parallel_loop3A_1224 = arith.constant 16 : i32
        %parallel_loop3A_1225 = arith.muli %parallel_loop3A_1223, %parallel_loop3A_1224 : i32
        %parallel_loop3A_1226 = arith.index_cast %parallel_loop3A_1225 : i32 to index
        %parallel_loop3A_1227 = tpu.vector_load %arg6[%parallel_loop3A_1226] {strides = array<i32>} : memref<4096xi32, #tpu.memory_space<vmem>>, vector<16xi32>,
        %parallel_loop3A_1228 = arith.constant 6 : i32
        %parallel_loop3A_1229 = arith.shrsi %parallel_loop3A_1223, %parallel_loop3A_1228 : i32
        %parallel_loop3A_1230 = arith.constant 3 : i32
        %parallel_loop3A_1231 = arith.shrsi %parallel_loop3A_1223, %parallel_loop3A_1230 : i32
        %parallel_loop3A_1232 = arith.constant 7 : i32
        %parallel_loop3A_1233 = arith.andi %parallel_loop3A_1231, %parallel_loop3A_1232 : i32
        %parallel_loop3A_1234 = arith.constant 7 : i32
        %parallel_loop3A_1235 = arith.andi %parallel_loop3A_1223, %parallel_loop3A_1234 : i32
        %parallel_loop3A_1236 = arith.constant 4096 : i32
        %parallel_loop3A_1237 = arith.muli %parallel_loop3A_1233, %parallel_loop3A_1236 : i32
        %parallel_loop3A_1238 = arith.constant 1024 : i32
        %parallel_loop3A_1239 = arith.muli %parallel_loop3A_1229, %parallel_loop3A_1238 : i32
        %parallel_loop3A_1240 = arith.addi %parallel_loop3A_1237, %parallel_loop3A_1239 : i32
        %parallel_loop3A_1241 = arith.constant 16 : i32
        %parallel_loop3A_1242 = arith.muli %parallel_loop3A_1235, %parallel_loop3A_1241 : i32
        %parallel_loop3A_1243 = arith.addi %parallel_loop3A_1240, %parallel_loop3A_1242 : i32
        %parallel_loop3A_1244 = arith.constant 4 : i32
        %parallel_loop3A_1245 = vector.broadcast %parallel_loop3A_1244 : i32 to vector<16xi32>
        %parallel_loop3A_1246 = arith.shli %parallel_loop3A_1227, %parallel_loop3A_1245 : vector<16xi32>
        %parallel_loop3A_1247 = arith.addi %parallel_loop3A_1246, %iota3A : vector<16xi32>
        %parallel_loop3A_1248 = arith.constant 0 : i32
        %parallel_loop3A_1249 = vector.broadcast %parallel_loop3A_1248 : i32 to vector<16xi32>
        %parallel_loop3A_1250 = arith.addi %parallel_loop3A_1247, %parallel_loop3A_1249 : vector<16xi32>
        %parallel_loop3A_1251 = tpu.vector_load_idx %arg5[%parallel_loop3A_1250] : memref<12800xf32, #tpu.memory_space<vmem>>[vector<16xi32>], vector<16xf32>,
        %parallel_loop3A_1252 = arith.constant 0 : i32
        %parallel_loop3A_1253 = arith.addi %parallel_loop3A_1243, %parallel_loop3A_1252 : i32
        %parallel_loop3A_1254 = arith.index_cast %parallel_loop3A_1253 : i32 to index
        %parallel_loop3A_1255 = tpu.vector_load %arg8[%parallel_loop3A_1254] {strides = array<i32>} : memref<32768xf32, #tpu.memory_space<vmem>>, vector<16xf32>,
        tpu.vector_store %arg8[%parallel_loop3A_1254], %parallel_loop3A_1251 {strides = array<i32>} : memref<32768xf32, #tpu.memory_space<vmem>>, vector<16xf32>,
        %parallel_loop3A_1256 = arith.constant 1600 : i32
        %parallel_loop3A_1257 = vector.broadcast %parallel_loop3A_1256 : i32 to vector<16xi32>
        %parallel_loop3A_1258 = arith.addi %parallel_loop3A_1247, %parallel_loop3A_1257 : vector<16xi32>
        %parallel_loop3A_1259 = tpu.vector_load_idx %arg5[%parallel_loop3A_1258] : memref<12800xf32, #tpu.memory_space<vmem>>[vector<16xi32>], vector<16xf32>,
        %parallel_loop3A_1260 = arith.constant 128 : i32
        %parallel_loop3A_1261 = arith.addi %parallel_loop3A_1243, %parallel_loop3A_1260 : i32
        %parallel_loop3A_1262 = arith.index_cast %parallel_loop3A_1261 : i32 to index
        %parallel_loop3A_1263 = tpu.vector_load %arg8[%parallel_loop3A_1262] {strides = array<i32>} : memref<32768xf32, #tpu.memory_space<vmem>>, vector<16xf32>,
        tpu.vector_store %arg8[%parallel_loop3A_1262], %parallel_loop3A_1259 {strides = array<i32>} : memref<32768xf32, #tpu.memory_space<vmem>>, vector<16xf32>,
        %parallel_loop3A_1264 = arith.constant 3200 : i32
        %parallel_loop3A_1265 = vector.broadcast %parallel_loop3A_1264 : i32 to vector<16xi32>
        %parallel_loop3A_1266 = arith.addi %parallel_loop3A_1247, %parallel_loop3A_1265 : vector<16xi32>
        %parallel_loop3A_1267 = tpu.vector_load_idx %arg5[%parallel_loop3A_1266] : memref<12800xf32, #tpu.memory_space<vmem>>[vector<16xi32>], vector<16xf32>,
        %parallel_loop3A_1268 = arith.constant 256 : i32
        %parallel_loop3A_1269 = arith.addi %parallel_loop3A_1243, %parallel_loop3A_1268 : i32
        %parallel_loop3A_1270 = arith.index_cast %parallel_loop3A_1269 : i32 to index
        %parallel_loop3A_1271 = tpu.vector_load %arg8[%parallel_loop3A_1270] {strides = array<i32>} : memref<32768xf32, #tpu.memory_space<vmem>>, vector<16xf32>,
        tpu.vector_store %arg8[%parallel_loop3A_1270], %parallel_loop3A_1267 {strides = array<i32>} : memref<32768xf32, #tpu.memory_space<vmem>>, vector<16xf32>,
        %parallel_loop3A_1272 = arith.constant 4800 : i32
        %parallel_loop3A_1273 = vector.broadcast %parallel_loop3A_1272 : i32 to vector<16xi32>
        %parallel_loop3A_1274 = arith.addi %parallel_loop3A_1247, %parallel_loop3A_1273 : vector<16xi32>
        %parallel_loop3A_1275 = tpu.vector_load_idx %arg5[%parallel_loop3A_1274] : memref<12800xf32, #tpu.memory_space<vmem>>[vector<16xi32>], vector<16xf32>,
        %parallel_loop3A_1276 = arith.constant 384 : i32
        %parallel_loop3A_1277 = arith.addi %parallel_loop3A_1243, %parallel_loop3A_1276 : i32
        %parallel_loop3A_1278 = arith.index_cast %parallel_loop3A_1277 : i32 to index
        %parallel_loop3A_1279 = tpu.vector_load %arg8[%parallel_loop3A_1278] {strides = array<i32>} : memref<32768xf32, #tpu.memory_space<vmem>>, vector<16xf32>,
        tpu.vector_store %arg8[%parallel_loop3A_1278], %parallel_loop3A_1275 {strides = array<i32>} : memref<32768xf32, #tpu.memory_space<vmem>>, vector<16xf32>,
        %parallel_loop3A_1280 = arith.constant 6400 : i32
        %parallel_loop3A_1281 = vector.broadcast %parallel_loop3A_1280 : i32 to vector<16xi32>
        %parallel_loop3A_1282 = arith.addi %parallel_loop3A_1247, %parallel_loop3A_1281 : vector<16xi32>
        %parallel_loop3A_1283 = tpu.vector_load_idx %arg5[%parallel_loop3A_1282] : memref<12800xf32, #tpu.memory_space<vmem>>[vector<16xi32>], vector<16xf32>,
        %parallel_loop3A_1284 = arith.constant 512 : i32
        %parallel_loop3A_1285 = arith.addi %parallel_loop3A_1243, %parallel_loop3A_1284 : i32
        %parallel_loop3A_1286 = arith.index_cast %parallel_loop3A_1285 : i32 to index
        %parallel_loop3A_1287 = tpu.vector_load %arg8[%parallel_loop3A_1286] {strides = array<i32>} : memref<32768xf32, #tpu.memory_space<vmem>>, vector<16xf32>,
        tpu.vector_store %arg8[%parallel_loop3A_1286], %parallel_loop3A_1283 {strides = array<i32>} : memref<32768xf32, #tpu.memory_space<vmem>>, vector<16xf32>,
        %parallel_loop3A_1288 = arith.constant 8000 : i32
        %parallel_loop3A_1289 = vector.broadcast %parallel_loop3A_1288 : i32 to vector<16xi32>
        %parallel_loop3A_1290 = arith.addi %parallel_loop3A_1247, %parallel_loop3A_1289 : vector<16xi32>
        %parallel_loop3A_1291 = tpu.vector_load_idx %arg5[%parallel_loop3A_1290] : memref<12800xf32, #tpu.memory_space<vmem>>[vector<16xi32>], vector<16xf32>,
        %parallel_loop3A_1292 = arith.constant 640 : i32
        %parallel_loop3A_1293 = arith.addi %parallel_loop3A_1243, %parallel_loop3A_1292 : i32
        %parallel_loop3A_1294 = arith.index_cast %parallel_loop3A_1293 : i32 to index
        %parallel_loop3A_1295 = tpu.vector_load %arg8[%parallel_loop3A_1294] {strides = array<i32>} : memref<32768xf32, #tpu.memory_space<vmem>>, vector<16xf32>,
        tpu.vector_store %arg8[%parallel_loop3A_1294], %parallel_loop3A_1291 {strides = array<i32>} : memref<32768xf32, #tpu.memory_space<vmem>>, vector<16xf32>,
        %parallel_loop3A_1296 = arith.constant 9600 : i32
        %parallel_loop3A_1297 = vector.broadcast %parallel_loop3A_1296 : i32 to vector<16xi32>
        %parallel_loop3A_1298 = arith.addi %parallel_loop3A_1247, %parallel_loop3A_1297 : vector<16xi32>
        %parallel_loop3A_1299 = tpu.vector_load_idx %arg5[%parallel_loop3A_1298] : memref<12800xf32, #tpu.memory_space<vmem>>[vector<16xi32>], vector<16xf32>,
        %parallel_loop3A_1300 = arith.constant 768 : i32
        %parallel_loop3A_1301 = arith.addi %parallel_loop3A_1243, %parallel_loop3A_1300 : i32
        %parallel_loop3A_1302 = arith.index_cast %parallel_loop3A_1301 : i32 to index
        %parallel_loop3A_1303 = tpu.vector_load %arg8[%parallel_loop3A_1302] {strides = array<i32>} : memref<32768xf32, #tpu.memory_space<vmem>>, vector<16xf32>,
        tpu.vector_store %arg8[%parallel_loop3A_1302], %parallel_loop3A_1299 {strides = array<i32>} : memref<32768xf32, #tpu.memory_space<vmem>>, vector<16xf32>,
        %parallel_loop3A_1304 = arith.constant 11200 : i32
        %parallel_loop3A_1305 = vector.broadcast %parallel_loop3A_1304 : i32 to vector<16xi32>
        %parallel_loop3A_1306 = arith.addi %parallel_loop3A_1247, %parallel_loop3A_1305 : vector<16xi32>
        %parallel_loop3A_1307 = tpu.vector_load_idx %arg5[%parallel_loop3A_1306] : memref<12800xf32, #tpu.memory_space<vmem>>[vector<16xi32>], vector<16xf32>,
        %parallel_loop3A_1308 = arith.constant 896 : i32
        %parallel_loop3A_1309 = arith.addi %parallel_loop3A_1243, %parallel_loop3A_1308 : i32
        %parallel_loop3A_1310 = arith.index_cast %parallel_loop3A_1309 : i32 to index
        %parallel_loop3A_1311 = tpu.vector_load %arg8[%parallel_loop3A_1310] {strides = array<i32>} : memref<32768xf32, #tpu.memory_space<vmem>>, vector<16xf32>,
        tpu.vector_store %arg8[%parallel_loop3A_1310], %parallel_loop3A_1307 {strides = array<i32>} : memref<32768xf32, #tpu.memory_space<vmem>>, vector<16xf32>,
      } {sc.loop_unroll_factor = 8 : i64, sc.parallel_access}
      %mul3A_856 = arith.constant 32 : i32
      %mul3A_857 = arith.muli %add3A_720, %mul3A_856 : i32
      %add3A_858 = arith.addi %mul3A_857, %add3A : i32
      %jit3A_859 = arith.constant 32 : i32
      %div3A_860 = arith.divsi %add3A_858, %jit3A_859 : i32
      %sign3A_861 = arith.constant 0 : i32
      %sign3A_862 = arith.cmpi sgt, %add3A_858, %sign3A_861 : i32
      %sign3A_863 = arith.extui %sign3A_862 : i1 to i32
      %sign3A_864 = arith.constant 0 : i32
      %sign3A_865 = arith.cmpi slt, %add3A_858, %sign3A_864 : i32
      %sign3A_866 = arith.extui %sign3A_865 : i1 to i32
      %sign3A_867 = arith.subi %sign3A_863, %sign3A_866 : i32
      %sign3A_868 = arith.constant 0 : i32
      %sign3A_869 = arith.cmpi sgt, %jit3A_859, %sign3A_868 : i32
      %sign3A_870 = arith.extui %sign3A_869 : i1 to i32
      %sign3A_871 = arith.constant 0 : i32
      %sign3A_872 = arith.cmpi slt, %jit3A_859, %sign3A_871 : i32
      %sign3A_873 = arith.extui %sign3A_872 : i1 to i32
      %sign3A_874 = arith.subi %sign3A_870, %sign3A_873 : i32
      %ne3A_875 = arith.cmpi ne, %sign3A_867, %sign3A_874 : i32
      %rem3A_876 = arith.remsi %add3A_858, %jit3A_859 : i32
      %ne3A_877 = arith.constant 0 : i32
      %ne3A_878 = arith.cmpi ne, %rem3A_876, %ne3A_877 : i32
      %and3A_879 = arith.andi %ne3A_875, %ne3A_878 : i1
      %sub3A_880 = arith.constant 1 : i32
      %sub3A_881 = arith.subi %div3A_860, %sub3A_880 : i32
      %select_n3A_882 = arith.select %and3A_879, %sub3A_881, %div3A_860 : i32
      %jit3A_883 = arith.constant 32 : i32
      %eq3A_884 = arith.constant 0 : i32
      %eq3A_885 = arith.cmpi eq, %jit3A_883, %eq3A_884 : i32
      %jit3A_886 = arith.constant 1 : i32
      %select_n3A_887 = arith.select %eq3A_885, %jit3A_886, %jit3A_883 : i32
      %rem3A_888 = arith.remsi %add3A_858, %select_n3A_887 : i32
      %ne3A_889 = arith.constant 0 : i32
      %ne3A_890 = arith.cmpi ne, %rem3A_888, %ne3A_889 : i32
      %lt3A_891 = arith.constant 0 : i32
      %lt3A_892 = arith.cmpi slt, %rem3A_888, %lt3A_891 : i32
      %lt3A_893 = arith.constant 0 : i32
      %lt3A_894 = arith.cmpi slt, %select_n3A_887, %lt3A_893 : i32
      %ne3A_895 = arith.xori %lt3A_892, %lt3A_894 : i1
      %and3A_896 = arith.andi %ne3A_895, %ne3A_890 : i1
      %add3A_897 = arith.addi %rem3A_888, %select_n3A_887 : i32
      %select_n3A_898 = arith.select %and3A_896, %add3A_897, %rem3A_888 : i32
      %mul3A_899 = arith.constant 8 : i32
      %mul3A_900 = arith.muli %select_n3A_882, %mul3A_899 : i32
      %mul3A_901 = arith.constant 131072 : i32
      %mul3A_902 = arith.muli %mul3A_900, %mul3A_901 : i32
      %mul3A_903 = arith.constant 4096 : i32
      %mul3A_904 = arith.muli %select_n3A_898, %mul3A_903 : i32
      %add3A_905 = arith.addi %mul3A_902, %mul3A_904 : i32
      %add3A_906 = arith.constant 0 : i32
      %add3A_907 = arith.addi %add3A_905, %add3A_906 : i32
      %dma_start3A_908 = arith.constant 0 : i32
      %dma_start3A_909 = tpu.memref_slice %arg8[%dma_start3A_908] : memref<32768xf32, #tpu.memory_space<vmem>> -> memref<4096xf32, #tpu.memory_space<vmem>>
      %dma_start3A_910 = tpu.memref_slice %arg4[%add3A_907] : memref<26214400xf32, #tpu.memory_space<hbm>> -> memref<4096xf32, #tpu.memory_space<hbm>>
      %dma_start3A_911 = tpu.memref_slice %arg4[%add3A_907] : memref<26214400xf32, #tpu.memory_space<hbm>> -> memref<4096xf32, #tpu.memory_space<hbm>>
      %dma_start3A_912 = arith.constant 0 : i32
      %dma_start3A_913 = tpu.memref_slice %arg8[%dma_start3A_912] : memref<32768xf32, #tpu.memory_space<vmem>> -> memref<4096xf32, #tpu.memory_space<vmem>>
      tpu.enqueue_dma source(%dma_start3A_913 : memref<4096xf32, #tpu.memory_space<vmem>>) target(%dma_start3A_911 : memref<4096xf32, #tpu.memory_space<hbm>>) target_semaphore(%arg12 : memref<!tpu.dma_semaphore, #tpu.memory_space<semaphore_mem>>)
      %add3A_914 = arith.constant 131072 : i32
      %add3A_915 = arith.addi %add3A_905, %add3A_914 : i32
      %dma_start3A_916 = arith.constant 4096 : i32
      %dma_start3A_917 = tpu.memref_slice %arg8[%dma_start3A_916] : memref<32768xf32, #tpu.memory_space<vmem>> -> memref<4096xf32, #tpu.memory_space<vmem>>
      %dma_start3A_918 = tpu.memref_slice %arg4[%add3A_915] : memref<26214400xf32, #tpu.memory_space<hbm>> -> memref<4096xf32, #tpu.memory_space<hbm>>
      %dma_start3A_919 = tpu.memref_slice %arg4[%add3A_915] : memref<26214400xf32, #tpu.memory_space<hbm>> -> memref<4096xf32, #tpu.memory_space<hbm>>
      %dma_start3A_920 = arith.constant 4096 : i32
      %dma_start3A_921 = tpu.memref_slice %arg8[%dma_start3A_920] : memref<32768xf32, #tpu.memory_space<vmem>> -> memref<4096xf32, #tpu.memory_space<vmem>>
      tpu.enqueue_dma source(%dma_start3A_921 : memref<4096xf32, #tpu.memory_space<vmem>>) target(%dma_start3A_919 : memref<4096xf32, #tpu.memory_space<hbm>>) target_semaphore(%arg12 : memref<!tpu.dma_semaphore, #tpu.memory_space<semaphore_mem>>)
      %add3A_922 = arith.constant 262144 : i32
      %add3A_923 = arith.addi %add3A_905, %add3A_922 : i32
      %dma_start3A_924 = arith.constant 8192 : i32
      %dma_start3A_925 = tpu.memref_slice %arg8[%dma_start3A_924] : memref<32768xf32, #tpu.memory_space<vmem>> -> memref<4096xf32, #tpu.memory_space<vmem>>
      %dma_start3A_926 = tpu.memref_slice %arg4[%add3A_923] : memref<26214400xf32, #tpu.memory_space<hbm>> -> memref<4096xf32, #tpu.memory_space<hbm>>
      %dma_start3A_927 = tpu.memref_slice %arg4[%add3A_923] : memref<26214400xf32, #tpu.memory_space<hbm>> -> memref<4096xf32, #tpu.memory_space<hbm>>
      %dma_start3A_928 = arith.constant 8192 : i32
      %dma_start3A_929 = tpu.memref_slice %arg8[%dma_start3A_928] : memref<32768xf32, #tpu.memory_space<vmem>> -> memref<4096xf32, #tpu.memory_space<vmem>>
      tpu.enqueue_dma source(%dma_start3A_929 : memref<4096xf32, #tpu.memory_space<vmem>>) target(%dma_start3A_927 : memref<4096xf32, #tpu.memory_space<hbm>>) target_semaphore(%arg12 : memref<!tpu.dma_semaphore, #tpu.memory_space<semaphore_mem>>)
      %add3A_930 = arith.constant 393216 : i32
      %add3A_931 = arith.addi %add3A_905, %add3A_930 : i32
      %dma_start3A_932 = arith.constant 12288 : i32
      %dma_start3A_933 = tpu.memref_slice %arg8[%dma_start3A_932] : memref<32768xf32, #tpu.memory_space<vmem>> -> memref<4096xf32, #tpu.memory_space<vmem>>
      %dma_start3A_934 = tpu.memref_slice %arg4[%add3A_931] : memref<26214400xf32, #tpu.memory_space<hbm>> -> memref<4096xf32, #tpu.memory_space<hbm>>
      %dma_start3A_935 = tpu.memref_slice %arg4[%add3A_931] : memref<26214400xf32, #tpu.memory_space<hbm>> -> memref<4096xf32, #tpu.memory_space<hbm>>
      %dma_start3A_936 = arith.constant 12288 : i32
      %dma_start3A_937 = tpu.memref_slice %arg8[%dma_start3A_936] : memref<32768xf32, #tpu.memory_space<vmem>> -> memref<4096xf32, #tpu.memory_space<vmem>>
      tpu.enqueue_dma source(%dma_start3A_937 : memref<4096xf32, #tpu.memory_space<vmem>>) target(%dma_start3A_935 : memref<4096xf32, #tpu.memory_space<hbm>>) target_semaphore(%arg12 : memref<!tpu.dma_semaphore, #tpu.memory_space<semaphore_mem>>)
      %add3A_938 = arith.constant 524288 : i32
      %add3A_939 = arith.addi %add3A_905, %add3A_938 : i32
      %dma_start3A_940 = arith.constant 16384 : i32
      %dma_start3A_941 = tpu.memref_slice %arg8[%dma_start3A_940] : memref<32768xf32, #tpu.memory_space<vmem>> -> memref<4096xf32, #tpu.memory_space<vmem>>
      %dma_start3A_942 = tpu.memref_slice %arg4[%add3A_939] : memref<26214400xf32, #tpu.memory_space<hbm>> -> memref<4096xf32, #tpu.memory_space<hbm>>
      %dma_start3A_943 = tpu.memref_slice %arg4[%add3A_939] : memref<26214400xf32, #tpu.memory_space<hbm>> -> memref<4096xf32, #tpu.memory_space<hbm>>
      %dma_start3A_944 = arith.constant 16384 : i32
      %dma_start3A_945 = tpu.memref_slice %arg8[%dma_start3A_944] : memref<32768xf32, #tpu.memory_space<vmem>> -> memref<4096xf32, #tpu.memory_space<vmem>>
      tpu.enqueue_dma source(%dma_start3A_945 : memref<4096xf32, #tpu.memory_space<vmem>>) target(%dma_start3A_943 : memref<4096xf32, #tpu.memory_space<hbm>>) target_semaphore(%arg12 : memref<!tpu.dma_semaphore, #tpu.memory_space<semaphore_mem>>)
      %add3A_946 = arith.constant 655360 : i32
      %add3A_947 = arith.addi %add3A_905, %add3A_946 : i32
      %dma_start3A_948 = arith.constant 20480 : i32
      %dma_start3A_949 = tpu.memref_slice %arg8[%dma_start3A_948] : memref<32768xf32, #tpu.memory_space<vmem>> -> memref<4096xf32, #tpu.memory_space<vmem>>
      %dma_start3A_950 = tpu.memref_slice %arg4[%add3A_947] : memref<26214400xf32, #tpu.memory_space<hbm>> -> memref<4096xf32, #tpu.memory_space<hbm>>
      %dma_start3A_951 = tpu.memref_slice %arg4[%add3A_947] : memref<26214400xf32, #tpu.memory_space<hbm>> -> memref<4096xf32, #tpu.memory_space<hbm>>
      %dma_start3A_952 = arith.constant 20480 : i32
      %dma_start3A_953 = tpu.memref_slice %arg8[%dma_start3A_952] : memref<32768xf32, #tpu.memory_space<vmem>> -> memref<4096xf32, #tpu.memory_space<vmem>>
      tpu.enqueue_dma source(%dma_start3A_953 : memref<4096xf32, #tpu.memory_space<vmem>>) target(%dma_start3A_951 : memref<4096xf32, #tpu.memory_space<hbm>>) target_semaphore(%arg12 : memref<!tpu.dma_semaphore, #tpu.memory_space<semaphore_mem>>)
      %add3A_954 = arith.constant 786432 : i32
      %add3A_955 = arith.addi %add3A_905, %add3A_954 : i32
      %dma_start3A_956 = arith.constant 24576 : i32
      %dma_start3A_957 = tpu.memref_slice %arg8[%dma_start3A_956] : memref<32768xf32, #tpu.memory_space<vmem>> -> memref<4096xf32, #tpu.memory_space<vmem>>
      %dma_start3A_958 = tpu.memref_slice %arg4[%add3A_955] : memref<26214400xf32, #tpu.memory_space<hbm>> -> memref<4096xf32, #tpu.memory_space<hbm>>
      %dma_start3A_959 = tpu.memref_slice %arg4[%add3A_955] : memref<26214400xf32, #tpu.memory_space<hbm>> -> memref<4096xf32, #tpu.memory_space<hbm>>
      %dma_start3A_960 = arith.constant 24576 : i32
      %dma_start3A_961 = tpu.memref_slice %arg8[%dma_start3A_960] : memref<32768xf32, #tpu.memory_space<vmem>> -> memref<4096xf32, #tpu.memory_space<vmem>>
      tpu.enqueue_dma source(%dma_start3A_961 : memref<4096xf32, #tpu.memory_space<vmem>>) target(%dma_start3A_959 : memref<4096xf32, #tpu.memory_space<hbm>>) target_semaphore(%arg12 : memref<!tpu.dma_semaphore, #tpu.memory_space<semaphore_mem>>)
      %add3A_962 = arith.constant 917504 : i32
      %add3A_963 = arith.addi %add3A_905, %add3A_962 : i32
      %dma_start3A_964 = arith.constant 28672 : i32
      %dma_start3A_965 = tpu.memref_slice %arg8[%dma_start3A_964] : memref<32768xf32, #tpu.memory_space<vmem>> -> memref<4096xf32, #tpu.memory_space<vmem>>
      %dma_start3A_966 = tpu.memref_slice %arg4[%add3A_963] : memref<26214400xf32, #tpu.memory_space<hbm>> -> memref<4096xf32, #tpu.memory_space<hbm>>
      %dma_start3A_967 = tpu.memref_slice %arg4[%add3A_963] : memref<26214400xf32, #tpu.memory_space<hbm>> -> memref<4096xf32, #tpu.memory_space<hbm>>
      %dma_start3A_968 = arith.constant 28672 : i32
      %dma_start3A_969 = tpu.memref_slice %arg8[%dma_start3A_968] : memref<32768xf32, #tpu.memory_space<vmem>> -> memref<4096xf32, #tpu.memory_space<vmem>>
      tpu.enqueue_dma source(%dma_start3A_969 : memref<4096xf32, #tpu.memory_space<vmem>>) target(%dma_start3A_967 : memref<4096xf32, #tpu.memory_space<hbm>>) target_semaphore(%arg12 : memref<!tpu.dma_semaphore, #tpu.memory_space<semaphore_mem>>)
      %mul3A_970 = arith.constant 2 : i32
      %mul3A_971 = arith.muli %scan3A_716, %mul3A_970 : i32
      %add3A_972 = arith.constant 1 : i32
      %add3A_973 = arith.addi %mul3A_971, %add3A_972 : i32
      %add3A_974 = arith.constant 1 : i32
      %add3A_975 = arith.addi %add3A_973, %add3A_974 : i32
      %mul3A_976 = arith.constant 32 : i32
      %mul3A_977 = arith.muli %add3A_975, %mul3A_976 : i32
      %add3A_978 = arith.addi %mul3A_977, %add3A : i32
      %mul3A_979 = arith.constant 4096 : i32
      %mul3A_980 = arith.muli %add3A_978, %mul3A_979 : i32
      %dma_start3A_981 = tpu.memref_slice %arg2[%mul3A_980] : memref<3276800xi32, #tpu.memory_space<hbm>> -> memref<4096xi32, #tpu.memory_space<hbm>>
      %dma_start3A_982 = tpu.memref_slice %arg2[%mul3A_980] : memref<3276800xi32, #tpu.memory_space<hbm>> -> memref<4096xi32, #tpu.memory_space<hbm>>
      tpu.enqueue_dma source(%dma_start3A_982 : memref<4096xi32, #tpu.memory_space<hbm>>) target(%arg6 : memref<4096xi32, #tpu.memory_space<vmem>>) target_semaphore(%arg10 : memref<!tpu.dma_semaphore, #tpu.memory_space<semaphore_mem>>)
      %mul3A_983 = arith.constant 32 : i32
      %mul3A_984 = arith.muli %add3A_973, %mul3A_983 : i32
      %add3A_985 = arith.addi %mul3A_984, %add3A : i32
      %mul3A_986 = arith.constant 4096 : i32
      %mul3A_987 = arith.muli %add3A_985, %mul3A_986 : i32
      %dma_wait3A_988 = tpu.memref_slice %arg2[%mul3A_987] : memref<3276800xi32, #tpu.memory_space<hbm>> -> memref<4096xi32, #tpu.memory_space<hbm>>
      %dma_wait3A_989 = tpu.memref_slice %arg2[%mul3A_987] : memref<3276800xi32, #tpu.memory_space<hbm>> -> memref<4096xi32, #tpu.memory_space<hbm>>
      tpu.wait_dma2 semaphore(%arg11 : memref<!tpu.dma_semaphore, #tpu.memory_space<semaphore_mem>>) src(%dma_wait3A_989 : memref<4096xi32, #tpu.memory_space<hbm>>) dst(%arg7 : memref<4096xi32, #tpu.memory_space<vmem>>)
      %sub3A_990 = arith.constant 2 : i32
      %sub3A_991 = arith.subi %add3A_973, %sub3A_990 : i32
      %mul3A_992 = arith.constant 32 : i32
      %mul3A_993 = arith.muli %sub3A_991, %mul3A_992 : i32
      %add3A_994 = arith.addi %mul3A_993, %add3A : i32
      %jit3A_995 = arith.constant 32 : i32
      %div3A_996 = arith.divsi %add3A_994, %jit3A_995 : i32
      %sign3A_997 = arith.constant 0 : i32
      %sign3A_998 = arith.cmpi sgt, %add3A_994, %sign3A_997 : i32
      %sign3A_999 = arith.extui %sign3A_998 : i1 to i32
      %sign3A_1000 = arith.constant 0 : i32
      %sign3A_1001 = arith.cmpi slt, %add3A_994, %sign3A_1000 : i32
      %sign3A_1002 = arith.extui %sign3A_1001 : i1 to i32
      %sign3A_1003 = arith.subi %sign3A_999, %sign3A_1002 : i32
      %sign3A_1004 = arith.constant 0 : i32
      %sign3A_1005 = arith.cmpi sgt, %jit3A_995, %sign3A_1004 : i32
      %sign3A_1006 = arith.extui %sign3A_1005 : i1 to i32
      %sign3A_1007 = arith.constant 0 : i32
      %sign3A_1008 = arith.cmpi slt, %jit3A_995, %sign3A_1007 : i32
      %sign3A_1009 = arith.extui %sign3A_1008 : i1 to i32
      %sign3A_1010 = arith.subi %sign3A_1006, %sign3A_1009 : i32
      %ne3A_1011 = arith.cmpi ne, %sign3A_1003, %sign3A_1010 : i32
      %rem3A_1012 = arith.remsi %add3A_994, %jit3A_995 : i32
      %ne3A_1013 = arith.constant 0 : i32
      %ne3A_1014 = arith.cmpi ne, %rem3A_1012, %ne3A_1013 : i32
      %and3A_1015 = arith.andi %ne3A_1011, %ne3A_1014 : i1
      %sub3A_1016 = arith.constant 1 : i32
      %sub3A_1017 = arith.subi %div3A_996, %sub3A_1016 : i32
      %select_n3A_1018 = arith.select %and3A_1015, %sub3A_1017, %div3A_996 : i32
      %jit3A_1019 = arith.constant 32 : i32
      %eq3A_1020 = arith.constant 0 : i32
      %eq3A_1021 = arith.cmpi eq, %jit3A_1019, %eq3A_1020 : i32
      %jit3A_1022 = arith.constant 1 : i32
      %select_n3A_1023 = arith.select %eq3A_1021, %jit3A_1022, %jit3A_1019 : i32
      %rem3A_1024 = arith.remsi %add3A_994, %select_n3A_1023 : i32
      %ne3A_1025 = arith.constant 0 : i32
      %ne3A_1026 = arith.cmpi ne, %rem3A_1024, %ne3A_1025 : i32
      %lt3A_1027 = arith.constant 0 : i32
      %lt3A_1028 = arith.cmpi slt, %rem3A_1024, %lt3A_1027 : i32
      %lt3A_1029 = arith.constant 0 : i32
      %lt3A_1030 = arith.cmpi slt, %select_n3A_1023, %lt3A_1029 : i32
      %ne3A_1031 = arith.xori %lt3A_1028, %lt3A_1030 : i1
      %and3A_1032 = arith.andi %ne3A_1031, %ne3A_1026 : i1
      %add3A_1033 = arith.addi %rem3A_1024, %select_n3A_1023 : i32
      %select_n3A_1034 = arith.select %and3A_1032, %add3A_1033, %rem3A_1024 : i32
      %mul3A_1035 = arith.constant 8 : i32
      %mul3A_1036 = arith.muli %select_n3A_1018, %mul3A_1035 : i32
      %mul3A_1037 = arith.constant 131072 : i32
      %mul3A_1038 = arith.muli %mul3A_1036, %mul3A_1037 : i32
      %mul3A_1039 = arith.constant 4096 : i32
      %mul3A_1040 = arith.muli %select_n3A_1034, %mul3A_1039 : i32
      %add3A_1041 = arith.addi %mul3A_1038, %mul3A_1040 : i32
      %add3A_1042 = arith.constant 0 : i32
      %add3A_1043 = arith.addi %add3A_1041, %add3A_1042 : i32
      %dma_wait3A_1044 = arith.constant 0 : i32
      %dma_wait3A_1045 = tpu.memref_slice %arg9[%dma_wait3A_1044] : memref<32768xf32, #tpu.memory_space<vmem>> -> memref<4096xf32, #tpu.memory_space<vmem>>
      %dma_wait3A_1046 = tpu.memref_slice %arg4[%add3A_1043] : memref<26214400xf32, #tpu.memory_space<hbm>> -> memref<4096xf32, #tpu.memory_space<hbm>>
      %dma_wait3A_1047 = tpu.memref_slice %arg4[%add3A_1043] : memref<26214400xf32, #tpu.memory_space<hbm>> -> memref<4096xf32, #tpu.memory_space<hbm>>
      %dma_wait3A_1048 = arith.constant 0 : i32
      %dma_wait3A_1049 = tpu.memref_slice %arg9[%dma_wait3A_1048] : memref<32768xf32, #tpu.memory_space<vmem>> -> memref<4096xf32, #tpu.memory_space<vmem>>
      tpu.wait_dma2 semaphore(%arg13 : memref<!tpu.dma_semaphore, #tpu.memory_space<semaphore_mem>>) src(%dma_wait3A_1049 : memref<4096xf32, #tpu.memory_space<vmem>>) dst(%dma_wait3A_1047 : memref<4096xf32, #tpu.memory_space<hbm>>)
      %add3A_1050 = arith.constant 131072 : i32
      %add3A_1051 = arith.addi %add3A_1041, %add3A_1050 : i32
      %dma_wait3A_1052 = arith.constant 4096 : i32
      %dma_wait3A_1053 = tpu.memref_slice %arg9[%dma_wait3A_1052] : memref<32768xf32, #tpu.memory_space<vmem>> -> memref<4096xf32, #tpu.memory_space<vmem>>
      %dma_wait3A_1054 = tpu.memref_slice %arg4[%add3A_1051] : memref<26214400xf32, #tpu.memory_space<hbm>> -> memref<4096xf32, #tpu.memory_space<hbm>>
      %dma_wait3A_1055 = tpu.memref_slice %arg4[%add3A_1051] : memref<26214400xf32, #tpu.memory_space<hbm>> -> memref<4096xf32, #tpu.memory_space<hbm>>
      %dma_wait3A_1056 = arith.constant 4096 : i32
      %dma_wait3A_1057 = tpu.memref_slice %arg9[%dma_wait3A_1056] : memref<32768xf32, #tpu.memory_space<vmem>> -> memref<4096xf32, #tpu.memory_space<vmem>>
      tpu.wait_dma2 semaphore(%arg13 : memref<!tpu.dma_semaphore, #tpu.memory_space<semaphore_mem>>) src(%dma_wait3A_1057 : memref<4096xf32, #tpu.memory_space<vmem>>) dst(%dma_wait3A_1055 : memref<4096xf32, #tpu.memory_space<hbm>>)
      %add3A_1058 = arith.constant 262144 : i32
      %add3A_1059 = arith.addi %add3A_1041, %add3A_1058 : i32
      %dma_wait3A_1060 = arith.constant 8192 : i32
      %dma_wait3A_1061 = tpu.memref_slice %arg9[%dma_wait3A_1060] : memref<32768xf32, #tpu.memory_space<vmem>> -> memref<4096xf32, #tpu.memory_space<vmem>>
      %dma_wait3A_1062 = tpu.memref_slice %arg4[%add3A_1059] : memref<26214400xf32, #tpu.memory_space<hbm>> -> memref<4096xf32, #tpu.memory_space<hbm>>
      %dma_wait3A_1063 = tpu.memref_slice %arg4[%add3A_1059] : memref<26214400xf32, #tpu.memory_space<hbm>> -> memref<4096xf32, #tpu.memory_space<hbm>>
      %dma_wait3A_1064 = arith.constant 8192 : i32
      %dma_wait3A_1065 = tpu.memref_slice %arg9[%dma_wait3A_1064] : memref<32768xf32, #tpu.memory_space<vmem>> -> memref<4096xf32, #tpu.memory_space<vmem>>
      tpu.wait_dma2 semaphore(%arg13 : memref<!tpu.dma_semaphore, #tpu.memory_space<semaphore_mem>>) src(%dma_wait3A_1065 : memref<4096xf32, #tpu.memory_space<vmem>>) dst(%dma_wait3A_1063 : memref<4096xf32, #tpu.memory_space<hbm>>)
      %add3A_1066 = arith.constant 393216 : i32
      %add3A_1067 = arith.addi %add3A_1041, %add3A_1066 : i32
      %dma_wait3A_1068 = arith.constant 12288 : i32
      %dma_wait3A_1069 = tpu.memref_slice %arg9[%dma_wait3A_1068] : memref<32768xf32, #tpu.memory_space<vmem>> -> memref<4096xf32, #tpu.memory_space<vmem>>
      %dma_wait3A_1070 = tpu.memref_slice %arg4[%add3A_1067] : memref<26214400xf32, #tpu.memory_space<hbm>> -> memref<4096xf32, #tpu.memory_space<hbm>>
      %dma_wait3A_1071 = tpu.memref_slice %arg4[%add3A_1067] : memref<26214400xf32, #tpu.memory_space<hbm>> -> memref<4096xf32, #tpu.memory_space<hbm>>
      %dma_wait3A_1072 = arith.constant 12288 : i32
      %dma_wait3A_1073 = tpu.memref_slice %arg9[%dma_wait3A_1072] : memref<32768xf32, #tpu.memory_space<vmem>> -> memref<4096xf32, #tpu.memory_space<vmem>>
      tpu.wait_dma2 semaphore(%arg13 : memref<!tpu.dma_semaphore, #tpu.memory_space<semaphore_mem>>) src(%dma_wait3A_1073 : memref<4096xf32, #tpu.memory_space<vmem>>) dst(%dma_wait3A_1071 : memref<4096xf32, #tpu.memory_space<hbm>>)
      %add3A_1074 = arith.constant 524288 : i32
      %add3A_1075 = arith.addi %add3A_1041, %add3A_1074 : i32
      %dma_wait3A_1076 = arith.constant 16384 : i32
      %dma_wait3A_1077 = tpu.memref_slice %arg9[%dma_wait3A_1076] : memref<32768xf32, #tpu.memory_space<vmem>> -> memref<4096xf32, #tpu.memory_space<vmem>>
      %dma_wait3A_1078 = tpu.memref_slice %arg4[%add3A_1075] : memref<26214400xf32, #tpu.memory_space<hbm>> -> memref<4096xf32, #tpu.memory_space<hbm>>
      %dma_wait3A_1079 = tpu.memref_slice %arg4[%add3A_1075] : memref<26214400xf32, #tpu.memory_space<hbm>> -> memref<4096xf32, #tpu.memory_space<hbm>>
      %dma_wait3A_1080 = arith.constant 16384 : i32
      %dma_wait3A_1081 = tpu.memref_slice %arg9[%dma_wait3A_1080] : memref<32768xf32, #tpu.memory_space<vmem>> -> memref<4096xf32, #tpu.memory_space<vmem>>
      tpu.wait_dma2 semaphore(%arg13 : memref<!tpu.dma_semaphore, #tpu.memory_space<semaphore_mem>>) src(%dma_wait3A_1081 : memref<4096xf32, #tpu.memory_space<vmem>>) dst(%dma_wait3A_1079 : memref<4096xf32, #tpu.memory_space<hbm>>)
      %add3A_1082 = arith.constant 655360 : i32
      %add3A_1083 = arith.addi %add3A_1041, %add3A_1082 : i32
      %dma_wait3A_1084 = arith.constant 20480 : i32
      %dma_wait3A_1085 = tpu.memref_slice %arg9[%dma_wait3A_1084] : memref<32768xf32, #tpu.memory_space<vmem>> -> memref<4096xf32, #tpu.memory_space<vmem>>
      %dma_wait3A_1086 = tpu.memref_slice %arg4[%add3A_1083] : memref<26214400xf32, #tpu.memory_space<hbm>> -> memref<4096xf32, #tpu.memory_space<hbm>>
      %dma_wait3A_1087 = tpu.memref_slice %arg4[%add3A_1083] : memref<26214400xf32, #tpu.memory_space<hbm>> -> memref<4096xf32, #tpu.memory_space<hbm>>
      %dma_wait3A_1088 = arith.constant 20480 : i32
      %dma_wait3A_1089 = tpu.memref_slice %arg9[%dma_wait3A_1088] : memref<32768xf32, #tpu.memory_space<vmem>> -> memref<4096xf32, #tpu.memory_space<vmem>>
      tpu.wait_dma2 semaphore(%arg13 : memref<!tpu.dma_semaphore, #tpu.memory_space<semaphore_mem>>) src(%dma_wait3A_1089 : memref<4096xf32, #tpu.memory_space<vmem>>) dst(%dma_wait3A_1087 : memref<4096xf32, #tpu.memory_space<hbm>>)
      %add3A_1090 = arith.constant 786432 : i32
      %add3A_1091 = arith.addi %add3A_1041, %add3A_1090 : i32
      %dma_wait3A_1092 = arith.constant 24576 : i32
      %dma_wait3A_1093 = tpu.memref_slice %arg9[%dma_wait3A_1092] : memref<32768xf32, #tpu.memory_space<vmem>> -> memref<4096xf32, #tpu.memory_space<vmem>>
      %dma_wait3A_1094 = tpu.memref_slice %arg4[%add3A_1091] : memref<26214400xf32, #tpu.memory_space<hbm>> -> memref<4096xf32, #tpu.memory_space<hbm>>
      %dma_wait3A_1095 = tpu.memref_slice %arg4[%add3A_1091] : memref<26214400xf32, #tpu.memory_space<hbm>> -> memref<4096xf32, #tpu.memory_space<hbm>>
      %dma_wait3A_1096 = arith.constant 24576 : i32
      %dma_wait3A_1097 = tpu.memref_slice %arg9[%dma_wait3A_1096] : memref<32768xf32, #tpu.memory_space<vmem>> -> memref<4096xf32, #tpu.memory_space<vmem>>
      tpu.wait_dma2 semaphore(%arg13 : memref<!tpu.dma_semaphore, #tpu.memory_space<semaphore_mem>>) src(%dma_wait3A_1097 : memref<4096xf32, #tpu.memory_space<vmem>>) dst(%dma_wait3A_1095 : memref<4096xf32, #tpu.memory_space<hbm>>)
      %add3A_1098 = arith.constant 917504 : i32
      %add3A_1099 = arith.addi %add3A_1041, %add3A_1098 : i32
      %dma_wait3A_1100 = arith.constant 28672 : i32
      %dma_wait3A_1101 = tpu.memref_slice %arg9[%dma_wait3A_1100] : memref<32768xf32, #tpu.memory_space<vmem>> -> memref<4096xf32, #tpu.memory_space<vmem>>
      %dma_wait3A_1102 = tpu.memref_slice %arg4[%add3A_1099] : memref<26214400xf32, #tpu.memory_space<hbm>> -> memref<4096xf32, #tpu.memory_space<hbm>>
      %dma_wait3A_1103 = tpu.memref_slice %arg4[%add3A_1099] : memref<26214400xf32, #tpu.memory_space<hbm>> -> memref<4096xf32, #tpu.memory_space<hbm>>
      %dma_wait3A_1104 = arith.constant 28672 : i32
      %dma_wait3A_1105 = tpu.memref_slice %arg9[%dma_wait3A_1104] : memref<32768xf32, #tpu.memory_space<vmem>> -> memref<4096xf32, #tpu.memory_space<vmem>>
      tpu.wait_dma2 semaphore(%arg13 : memref<!tpu.dma_semaphore, #tpu.memory_space<semaphore_mem>>) src(%dma_wait3A_1105 : memref<4096xf32, #tpu.memory_space<vmem>>) dst(%dma_wait3A_1103 : memref<4096xf32, #tpu.memory_space<hbm>>)
      %parallel_loop3A_1106 = arith.constant 0 : i32
      %parallel_loop3A_1107 = arith.constant 256 : i32
      %parallel_loop3A_1108 = arith.constant 1 : i32
      scf.for %parallel_loop3A_1223 = %parallel_loop3A_1106 to %parallel_loop3A_1107 step %parallel_loop3A_1108  : i32 {
        %parallel_loop3A_1224 = arith.constant 16 : i32
        %parallel_loop3A_1225 = arith.muli %parallel_loop3A_1223, %parallel_loop3A_1224 : i32
        %parallel_loop3A_1226 = arith.index_cast %parallel_loop3A_1225 : i32 to index
        %parallel_loop3A_1227 = tpu.vector_load %arg7[%parallel_loop3A_1226] {strides = array<i32>} : memref<4096xi32, #tpu.memory_space<vmem>>, vector<16xi32>,
        %parallel_loop3A_1228 = arith.constant 6 : i32
        %parallel_loop3A_1229 = arith.shrsi %parallel_loop3A_1223, %parallel_loop3A_1228 : i32
        %parallel_loop3A_1230 = arith.constant 3 : i32
        %parallel_loop3A_1231 = arith.shrsi %parallel_loop3A_1223, %parallel_loop3A_1230 : i32
        %parallel_loop3A_1232 = arith.constant 7 : i32
        %parallel_loop3A_1233 = arith.andi %parallel_loop3A_1231, %parallel_loop3A_1232 : i32
        %parallel_loop3A_1234 = arith.constant 7 : i32
        %parallel_loop3A_1235 = arith.andi %parallel_loop3A_1223, %parallel_loop3A_1234 : i32
        %parallel_loop3A_1236 = arith.constant 4096 : i32
        %parallel_loop3A_1237 = arith.muli %parallel_loop3A_1233, %parallel_loop3A_1236 : i32
        %parallel_loop3A_1238 = arith.constant 1024 : i32
        %parallel_loop3A_1239 = arith.muli %parallel_loop3A_1229, %parallel_loop3A_1238 : i32
        %parallel_loop3A_1240 = arith.addi %parallel_loop3A_1237, %parallel_loop3A_1239 : i32
        %parallel_loop3A_1241 = arith.constant 16 : i32
        %parallel_loop3A_1242 = arith.muli %parallel_loop3A_1235, %parallel_loop3A_1241 : i32
        %parallel_loop3A_1243 = arith.addi %parallel_loop3A_1240, %parallel_loop3A_1242 : i32
        %parallel_loop3A_1244 = arith.constant 4 : i32
        %parallel_loop3A_1245 = vector.broadcast %parallel_loop3A_1244 : i32 to vector<16xi32>
        %parallel_loop3A_1246 = arith.shli %parallel_loop3A_1227, %parallel_loop3A_1245 : vector<16xi32>
        %parallel_loop3A_1247 = arith.addi %parallel_loop3A_1246, %iota3A : vector<16xi32>
        %parallel_loop3A_1248 = arith.constant 0 : i32
        %parallel_loop3A_1249 = vector.broadcast %parallel_loop3A_1248 : i32 to vector<16xi32>
        %parallel_loop3A_1250 = arith.addi %parallel_loop3A_1247, %parallel_loop3A_1249 : vector<16xi32>
        %parallel_loop3A_1251 = tpu.vector_load_idx %arg5[%parallel_loop3A_1250] : memref<12800xf32, #tpu.memory_space<vmem>>[vector<16xi32>], vector<16xf32>,
        %parallel_loop3A_1252 = arith.constant 0 : i32
        %parallel_loop3A_1253 = arith.addi %parallel_loop3A_1243, %parallel_loop3A_1252 : i32
        %parallel_loop3A_1254 = arith.index_cast %parallel_loop3A_1253 : i32 to index
        %parallel_loop3A_1255 = tpu.vector_load %arg9[%parallel_loop3A_1254] {strides = array<i32>} : memref<32768xf32, #tpu.memory_space<vmem>>, vector<16xf32>,
        tpu.vector_store %arg9[%parallel_loop3A_1254], %parallel_loop3A_1251 {strides = array<i32>} : memref<32768xf32, #tpu.memory_space<vmem>>, vector<16xf32>,
        %parallel_loop3A_1256 = arith.constant 1600 : i32
        %parallel_loop3A_1257 = vector.broadcast %parallel_loop3A_1256 : i32 to vector<16xi32>
        %parallel_loop3A_1258 = arith.addi %parallel_loop3A_1247, %parallel_loop3A_1257 : vector<16xi32>
        %parallel_loop3A_1259 = tpu.vector_load_idx %arg5[%parallel_loop3A_1258] : memref<12800xf32, #tpu.memory_space<vmem>>[vector<16xi32>], vector<16xf32>,
        %parallel_loop3A_1260 = arith.constant 128 : i32
        %parallel_loop3A_1261 = arith.addi %parallel_loop3A_1243, %parallel_loop3A_1260 : i32
        %parallel_loop3A_1262 = arith.index_cast %parallel_loop3A_1261 : i32 to index
        %parallel_loop3A_1263 = tpu.vector_load %arg9[%parallel_loop3A_1262] {strides = array<i32>} : memref<32768xf32, #tpu.memory_space<vmem>>, vector<16xf32>,
        tpu.vector_store %arg9[%parallel_loop3A_1262], %parallel_loop3A_1259 {strides = array<i32>} : memref<32768xf32, #tpu.memory_space<vmem>>, vector<16xf32>,
        %parallel_loop3A_1264 = arith.constant 3200 : i32
        %parallel_loop3A_1265 = vector.broadcast %parallel_loop3A_1264 : i32 to vector<16xi32>
        %parallel_loop3A_1266 = arith.addi %parallel_loop3A_1247, %parallel_loop3A_1265 : vector<16xi32>
        %parallel_loop3A_1267 = tpu.vector_load_idx %arg5[%parallel_loop3A_1266] : memref<12800xf32, #tpu.memory_space<vmem>>[vector<16xi32>], vector<16xf32>,
        %parallel_loop3A_1268 = arith.constant 256 : i32
        %parallel_loop3A_1269 = arith.addi %parallel_loop3A_1243, %parallel_loop3A_1268 : i32
        %parallel_loop3A_1270 = arith.index_cast %parallel_loop3A_1269 : i32 to index
        %parallel_loop3A_1271 = tpu.vector_load %arg9[%parallel_loop3A_1270] {strides = array<i32>} : memref<32768xf32, #tpu.memory_space<vmem>>, vector<16xf32>,
        tpu.vector_store %arg9[%parallel_loop3A_1270], %parallel_loop3A_1267 {strides = array<i32>} : memref<32768xf32, #tpu.memory_space<vmem>>, vector<16xf32>,
        %parallel_loop3A_1272 = arith.constant 4800 : i32
        %parallel_loop3A_1273 = vector.broadcast %parallel_loop3A_1272 : i32 to vector<16xi32>
        %parallel_loop3A_1274 = arith.addi %parallel_loop3A_1247, %parallel_loop3A_1273 : vector<16xi32>
        %parallel_loop3A_1275 = tpu.vector_load_idx %arg5[%parallel_loop3A_1274] : memref<12800xf32, #tpu.memory_space<vmem>>[vector<16xi32>], vector<16xf32>,
        %parallel_loop3A_1276 = arith.constant 384 : i32
        %parallel_loop3A_1277 = arith.addi %parallel_loop3A_1243, %parallel_loop3A_1276 : i32
        %parallel_loop3A_1278 = arith.index_cast %parallel_loop3A_1277 : i32 to index
        %parallel_loop3A_1279 = tpu.vector_load %arg9[%parallel_loop3A_1278] {strides = array<i32>} : memref<32768xf32, #tpu.memory_space<vmem>>, vector<16xf32>,
        tpu.vector_store %arg9[%parallel_loop3A_1278], %parallel_loop3A_1275 {strides = array<i32>} : memref<32768xf32, #tpu.memory_space<vmem>>, vector<16xf32>,
        %parallel_loop3A_1280 = arith.constant 6400 : i32
        %parallel_loop3A_1281 = vector.broadcast %parallel_loop3A_1280 : i32 to vector<16xi32>
        %parallel_loop3A_1282 = arith.addi %parallel_loop3A_1247, %parallel_loop3A_1281 : vector<16xi32>
        %parallel_loop3A_1283 = tpu.vector_load_idx %arg5[%parallel_loop3A_1282] : memref<12800xf32, #tpu.memory_space<vmem>>[vector<16xi32>], vector<16xf32>,
        %parallel_loop3A_1284 = arith.constant 512 : i32
        %parallel_loop3A_1285 = arith.addi %parallel_loop3A_1243, %parallel_loop3A_1284 : i32
        %parallel_loop3A_1286 = arith.index_cast %parallel_loop3A_1285 : i32 to index
        %parallel_loop3A_1287 = tpu.vector_load %arg9[%parallel_loop3A_1286] {strides = array<i32>} : memref<32768xf32, #tpu.memory_space<vmem>>, vector<16xf32>,
        tpu.vector_store %arg9[%parallel_loop3A_1286], %parallel_loop3A_1283 {strides = array<i32>} : memref<32768xf32, #tpu.memory_space<vmem>>, vector<16xf32>,
        %parallel_loop3A_1288 = arith.constant 8000 : i32
        %parallel_loop3A_1289 = vector.broadcast %parallel_loop3A_1288 : i32 to vector<16xi32>
        %parallel_loop3A_1290 = arith.addi %parallel_loop3A_1247, %parallel_loop3A_1289 : vector<16xi32>
        %parallel_loop3A_1291 = tpu.vector_load_idx %arg5[%parallel_loop3A_1290] : memref<12800xf32, #tpu.memory_space<vmem>>[vector<16xi32>], vector<16xf32>,
        %parallel_loop3A_1292 = arith.constant 640 : i32
        %parallel_loop3A_1293 = arith.addi %parallel_loop3A_1243, %parallel_loop3A_1292 : i32
        %parallel_loop3A_1294 = arith.index_cast %parallel_loop3A_1293 : i32 to index
        %parallel_loop3A_1295 = tpu.vector_load %arg9[%parallel_loop3A_1294] {strides = array<i32>} : memref<32768xf32, #tpu.memory_space<vmem>>, vector<16xf32>,
        tpu.vector_store %arg9[%parallel_loop3A_1294], %parallel_loop3A_1291 {strides = array<i32>} : memref<32768xf32, #tpu.memory_space<vmem>>, vector<16xf32>,
        %parallel_loop3A_1296 = arith.constant 9600 : i32
        %parallel_loop3A_1297 = vector.broadcast %parallel_loop3A_1296 : i32 to vector<16xi32>
        %parallel_loop3A_1298 = arith.addi %parallel_loop3A_1247, %parallel_loop3A_1297 : vector<16xi32>
        %parallel_loop3A_1299 = tpu.vector_load_idx %arg5[%parallel_loop3A_1298] : memref<12800xf32, #tpu.memory_space<vmem>>[vector<16xi32>], vector<16xf32>,
        %parallel_loop3A_1300 = arith.constant 768 : i32
        %parallel_loop3A_1301 = arith.addi %parallel_loop3A_1243, %parallel_loop3A_1300 : i32
        %parallel_loop3A_1302 = arith.index_cast %parallel_loop3A_1301 : i32 to index
        %parallel_loop3A_1303 = tpu.vector_load %arg9[%parallel_loop3A_1302] {strides = array<i32>} : memref<32768xf32, #tpu.memory_space<vmem>>, vector<16xf32>,
        tpu.vector_store %arg9[%parallel_loop3A_1302], %parallel_loop3A_1299 {strides = array<i32>} : memref<32768xf32, #tpu.memory_space<vmem>>, vector<16xf32>,
        %parallel_loop3A_1304 = arith.constant 11200 : i32
        %parallel_loop3A_1305 = vector.broadcast %parallel_loop3A_1304 : i32 to vector<16xi32>
        %parallel_loop3A_1306 = arith.addi %parallel_loop3A_1247, %parallel_loop3A_1305 : vector<16xi32>
        %parallel_loop3A_1307 = tpu.vector_load_idx %arg5[%parallel_loop3A_1306] : memref<12800xf32, #tpu.memory_space<vmem>>[vector<16xi32>], vector<16xf32>,
        %parallel_loop3A_1308 = arith.constant 896 : i32
        %parallel_loop3A_1309 = arith.addi %parallel_loop3A_1243, %parallel_loop3A_1308 : i32
        %parallel_loop3A_1310 = arith.index_cast %parallel_loop3A_1309 : i32 to index
        %parallel_loop3A_1311 = tpu.vector_load %arg9[%parallel_loop3A_1310] {strides = array<i32>} : memref<32768xf32, #tpu.memory_space<vmem>>, vector<16xf32>,
        tpu.vector_store %arg9[%parallel_loop3A_1310], %parallel_loop3A_1307 {strides = array<i32>} : memref<32768xf32, #tpu.memory_space<vmem>>, vector<16xf32>,
      } {sc.loop_unroll_factor = 8 : i64, sc.parallel_access}
      %mul3A_1109 = arith.constant 32 : i32
      %mul3A_1110 = arith.muli %add3A_973, %mul3A_1109 : i32
      %add3A_1111 = arith.addi %mul3A_1110, %add3A : i32
      %jit3A_1112 = arith.constant 32 : i32
      %div3A_1113 = arith.divsi %add3A_1111, %jit3A_1112 : i32
      %sign3A_1114 = arith.constant 0 : i32
      %sign3A_1115 = arith.cmpi sgt, %add3A_1111, %sign3A_1114 : i32
      %sign3A_1116 = arith.extui %sign3A_1115 : i1 to i32
      %sign3A_1117 = arith.constant 0 : i32
      %sign3A_1118 = arith.cmpi slt, %add3A_1111, %sign3A_1117 : i32
      %sign3A_1119 = arith.extui %sign3A_1118 : i1 to i32
      %sign3A_1120 = arith.subi %sign3A_1116, %sign3A_1119 : i32
      %sign3A_1121 = arith.constant 0 : i32
      %sign3A_1122 = arith.cmpi sgt, %jit3A_1112, %sign3A_1121 : i32
      %sign3A_1123 = arith.extui %sign3A_1122 : i1 to i32
      %sign3A_1124 = arith.constant 0 : i32
      %sign3A_1125 = arith.cmpi slt, %jit3A_1112, %sign3A_1124 : i32
      %sign3A_1126 = arith.extui %sign3A_1125 : i1 to i32
      %sign3A_1127 = arith.subi %sign3A_1123, %sign3A_1126 : i32
      %ne3A_1128 = arith.cmpi ne, %sign3A_1120, %sign3A_1127 : i32
      %rem3A_1129 = arith.remsi %add3A_1111, %jit3A_1112 : i32
      %ne3A_1130 = arith.constant 0 : i32
      %ne3A_1131 = arith.cmpi ne, %rem3A_1129, %ne3A_1130 : i32
      %and3A_1132 = arith.andi %ne3A_1128, %ne3A_1131 : i1
      %sub3A_1133 = arith.constant 1 : i32
      %sub3A_1134 = arith.subi %div3A_1113, %sub3A_1133 : i32
      %select_n3A_1135 = arith.select %and3A_1132, %sub3A_1134, %div3A_1113 : i32
      %jit3A_1136 = arith.constant 32 : i32
      %eq3A_1137 = arith.constant 0 : i32
      %eq3A_1138 = arith.cmpi eq, %jit3A_1136, %eq3A_1137 : i32
      %jit3A_1139 = arith.constant 1 : i32
      %select_n3A_1140 = arith.select %eq3A_1138, %jit3A_1139, %jit3A_1136 : i32
      %rem3A_1141 = arith.remsi %add3A_1111, %select_n3A_1140 : i32
      %ne3A_1142 = arith.constant 0 : i32
      %ne3A_1143 = arith.cmpi ne, %rem3A_1141, %ne3A_1142 : i32
      %lt3A_1144 = arith.constant 0 : i32
      %lt3A_1145 = arith.cmpi slt, %rem3A_1141, %lt3A_1144 : i32
      %lt3A_1146 = arith.constant 0 : i32
      %lt3A_1147 = arith.cmpi slt, %select_n3A_1140, %lt3A_1146 : i32
      %ne3A_1148 = arith.xori %lt3A_1145, %lt3A_1147 : i1
      %and3A_1149 = arith.andi %ne3A_1148, %ne3A_1143 : i1
      %add3A_1150 = arith.addi %rem3A_1141, %select_n3A_1140 : i32
      %select_n3A_1151 = arith.select %and3A_1149, %add3A_1150, %rem3A_1141 : i32
      %mul3A_1152 = arith.constant 8 : i32
      %mul3A_1153 = arith.muli %select_n3A_1135, %mul3A_1152 : i32
      %mul3A_1154 = arith.constant 131072 : i32
      %mul3A_1155 = arith.muli %mul3A_1153, %mul3A_1154 : i32
      %mul3A_1156 = arith.constant 4096 : i32
      %mul3A_1157 = arith.muli %select_n3A_1151, %mul3A_1156 : i32
      %add3A_1158 = arith.addi %mul3A_1155, %mul3A_1157 : i32
      %add3A_1159 = arith.constant 0 : i32
      %add3A_1160 = arith.addi %add3A_1158, %add3A_1159 : i32
      %dma_start3A_1161 = arith.constant 0 : i32
      %dma_start3A_1162 = tpu.memref_slice %arg9[%dma_start3A_1161] : memref<32768xf32, #tpu.memory_space<vmem>> -> memref<4096xf32, #tpu.memory_space<vmem>>
      %dma_start3A_1163 = tpu.memref_slice %arg4[%add3A_1160] : memref<26214400xf32, #tpu.memory_space<hbm>> -> memref<4096xf32, #tpu.memory_space<hbm>>
      %dma_start3A_1164 = tpu.memref_slice %arg4[%add3A_1160] : memref<26214400xf32, #tpu.memory_space<hbm>> -> memref<4096xf32, #tpu.memory_space<hbm>>
      %dma_start3A_1165 = arith.constant 0 : i32
      %dma_start3A_1166 = tpu.memref_slice %arg9[%dma_start3A_1165] : memref<32768xf32, #tpu.memory_space<vmem>> -> memref<4096xf32, #tpu.memory_space<vmem>>
      tpu.enqueue_dma source(%dma_start3A_1166 : memref<4096xf32, #tpu.memory_space<vmem>>) target(%dma_start3A_1164 : memref<4096xf32, #tpu.memory_space<hbm>>) target_semaphore(%arg13 : memref<!tpu.dma_semaphore, #tpu.memory_space<semaphore_mem>>)
      %add3A_1167 = arith.constant 131072 : i32
      %add3A_1168 = arith.addi %add3A_1158, %add3A_1167 : i32
      %dma_start3A_1169 = arith.constant 4096 : i32
      %dma_start3A_1170 = tpu.memref_slice %arg9[%dma_start3A_1169] : memref<32768xf32, #tpu.memory_space<vmem>> -> memref<4096xf32, #tpu.memory_space<vmem>>
      %dma_start3A_1171 = tpu.memref_slice %arg4[%add3A_1168] : memref<26214400xf32, #tpu.memory_space<hbm>> -> memref<4096xf32, #tpu.memory_space<hbm>>
      %dma_start3A_1172 = tpu.memref_slice %arg4[%add3A_1168] : memref<26214400xf32, #tpu.memory_space<hbm>> -> memref<4096xf32, #tpu.memory_space<hbm>>
      %dma_start3A_1173 = arith.constant 4096 : i32
      %dma_start3A_1174 = tpu.memref_slice %arg9[%dma_start3A_1173] : memref<32768xf32, #tpu.memory_space<vmem>> -> memref<4096xf32, #tpu.memory_space<vmem>>
      tpu.enqueue_dma source(%dma_start3A_1174 : memref<4096xf32, #tpu.memory_space<vmem>>) target(%dma_start3A_1172 : memref<4096xf32, #tpu.memory_space<hbm>>) target_semaphore(%arg13 : memref<!tpu.dma_semaphore, #tpu.memory_space<semaphore_mem>>)
      %add3A_1175 = arith.constant 262144 : i32
      %add3A_1176 = arith.addi %add3A_1158, %add3A_1175 : i32
      %dma_start3A_1177 = arith.constant 8192 : i32
      %dma_start3A_1178 = tpu.memref_slice %arg9[%dma_start3A_1177] : memref<32768xf32, #tpu.memory_space<vmem>> -> memref<4096xf32, #tpu.memory_space<vmem>>
      %dma_start3A_1179 = tpu.memref_slice %arg4[%add3A_1176] : memref<26214400xf32, #tpu.memory_space<hbm>> -> memref<4096xf32, #tpu.memory_space<hbm>>
      %dma_start3A_1180 = tpu.memref_slice %arg4[%add3A_1176] : memref<26214400xf32, #tpu.memory_space<hbm>> -> memref<4096xf32, #tpu.memory_space<hbm>>
      %dma_start3A_1181 = arith.constant 8192 : i32
      %dma_start3A_1182 = tpu.memref_slice %arg9[%dma_start3A_1181] : memref<32768xf32, #tpu.memory_space<vmem>> -> memref<4096xf32, #tpu.memory_space<vmem>>
      tpu.enqueue_dma source(%dma_start3A_1182 : memref<4096xf32, #tpu.memory_space<vmem>>) target(%dma_start3A_1180 : memref<4096xf32, #tpu.memory_space<hbm>>) target_semaphore(%arg13 : memref<!tpu.dma_semaphore, #tpu.memory_space<semaphore_mem>>)
      %add3A_1183 = arith.constant 393216 : i32
      %add3A_1184 = arith.addi %add3A_1158, %add3A_1183 : i32
      %dma_start3A_1185 = arith.constant 12288 : i32
      %dma_start3A_1186 = tpu.memref_slice %arg9[%dma_start3A_1185] : memref<32768xf32, #tpu.memory_space<vmem>> -> memref<4096xf32, #tpu.memory_space<vmem>>
      %dma_start3A_1187 = tpu.memref_slice %arg4[%add3A_1184] : memref<26214400xf32, #tpu.memory_space<hbm>> -> memref<4096xf32, #tpu.memory_space<hbm>>
      %dma_start3A_1188 = tpu.memref_slice %arg4[%add3A_1184] : memref<26214400xf32, #tpu.memory_space<hbm>> -> memref<4096xf32, #tpu.memory_space<hbm>>
      %dma_start3A_1189 = arith.constant 12288 : i32
      %dma_start3A_1190 = tpu.memref_slice %arg9[%dma_start3A_1189] : memref<32768xf32, #tpu.memory_space<vmem>> -> memref<4096xf32, #tpu.memory_space<vmem>>
      tpu.enqueue_dma source(%dma_start3A_1190 : memref<4096xf32, #tpu.memory_space<vmem>>) target(%dma_start3A_1188 : memref<4096xf32, #tpu.memory_space<hbm>>) target_semaphore(%arg13 : memref<!tpu.dma_semaphore, #tpu.memory_space<semaphore_mem>>)
      %add3A_1191 = arith.constant 524288 : i32
      %add3A_1192 = arith.addi %add3A_1158, %add3A_1191 : i32
      %dma_start3A_1193 = arith.constant 16384 : i32
      %dma_start3A_1194 = tpu.memref_slice %arg9[%dma_start3A_1193] : memref<32768xf32, #tpu.memory_space<vmem>> -> memref<4096xf32, #tpu.memory_space<vmem>>
      %dma_start3A_1195 = tpu.memref_slice %arg4[%add3A_1192] : memref<26214400xf32, #tpu.memory_space<hbm>> -> memref<4096xf32, #tpu.memory_space<hbm>>
      %dma_start3A_1196 = tpu.memref_slice %arg4[%add3A_1192] : memref<26214400xf32, #tpu.memory_space<hbm>> -> memref<4096xf32, #tpu.memory_space<hbm>>
      %dma_start3A_1197 = arith.constant 16384 : i32
      %dma_start3A_1198 = tpu.memref_slice %arg9[%dma_start3A_1197] : memref<32768xf32, #tpu.memory_space<vmem>> -> memref<4096xf32, #tpu.memory_space<vmem>>
      tpu.enqueue_dma source(%dma_start3A_1198 : memref<4096xf32, #tpu.memory_space<vmem>>) target(%dma_start3A_1196 : memref<4096xf32, #tpu.memory_space<hbm>>) target_semaphore(%arg13 : memref<!tpu.dma_semaphore, #tpu.memory_space<semaphore_mem>>)
      %add3A_1199 = arith.constant 655360 : i32
      %add3A_1200 = arith.addi %add3A_1158, %add3A_1199 : i32
      %dma_start3A_1201 = arith.constant 20480 : i32
      %dma_start3A_1202 = tpu.memref_slice %arg9[%dma_start3A_1201] : memref<32768xf32, #tpu.memory_space<vmem>> -> memref<4096xf32, #tpu.memory_space<vmem>>
      %dma_start3A_1203 = tpu.memref_slice %arg4[%add3A_1200] : memref<26214400xf32, #tpu.memory_space<hbm>> -> memref<4096xf32, #tpu.memory_space<hbm>>
      %dma_start3A_1204 = tpu.memref_slice %arg4[%add3A_1200] : memref<26214400xf32, #tpu.memory_space<hbm>> -> memref<4096xf32, #tpu.memory_space<hbm>>
      %dma_start3A_1205 = arith.constant 20480 : i32
      %dma_start3A_1206 = tpu.memref_slice %arg9[%dma_start3A_1205] : memref<32768xf32, #tpu.memory_space<vmem>> -> memref<4096xf32, #tpu.memory_space<vmem>>
      tpu.enqueue_dma source(%dma_start3A_1206 : memref<4096xf32, #tpu.memory_space<vmem>>) target(%dma_start3A_1204 : memref<4096xf32, #tpu.memory_space<hbm>>) target_semaphore(%arg13 : memref<!tpu.dma_semaphore, #tpu.memory_space<semaphore_mem>>)
      %add3A_1207 = arith.constant 786432 : i32
      %add3A_1208 = arith.addi %add3A_1158, %add3A_1207 : i32
      %dma_start3A_1209 = arith.constant 24576 : i32
      %dma_start3A_1210 = tpu.memref_slice %arg9[%dma_start3A_1209] : memref<32768xf32, #tpu.memory_space<vmem>> -> memref<4096xf32, #tpu.memory_space<vmem>>
      %dma_start3A_1211 = tpu.memref_slice %arg4[%add3A_1208] : memref<26214400xf32, #tpu.memory_space<hbm>> -> memref<4096xf32, #tpu.memory_space<hbm>>
      %dma_start3A_1212 = tpu.memref_slice %arg4[%add3A_1208] : memref<26214400xf32, #tpu.memory_space<hbm>> -> memref<4096xf32, #tpu.memory_space<hbm>>
      %dma_start3A_1213 = arith.constant 24576 : i32
      %dma_start3A_1214 = tpu.memref_slice %arg9[%dma_start3A_1213] : memref<32768xf32, #tpu.memory_space<vmem>> -> memref<4096xf32, #tpu.memory_space<vmem>>
      tpu.enqueue_dma source(%dma_start3A_1214 : memref<4096xf32, #tpu.memory_space<vmem>>) target(%dma_start3A_1212 : memref<4096xf32, #tpu.memory_space<hbm>>) target_semaphore(%arg13 : memref<!tpu.dma_semaphore, #tpu.memory_space<semaphore_mem>>)
      %add3A_1215 = arith.constant 917504 : i32
      %add3A_1216 = arith.addi %add3A_1158, %add3A_1215 : i32
      %dma_start3A_1217 = arith.constant 28672 : i32
      %dma_start3A_1218 = tpu.memref_slice %arg9[%dma_start3A_1217] : memref<32768xf32, #tpu.memory_space<vmem>> -> memref<4096xf32, #tpu.memory_space<vmem>>
      %dma_start3A_1219 = tpu.memref_slice %arg4[%add3A_1216] : memref<26214400xf32, #tpu.memory_space<hbm>> -> memref<4096xf32, #tpu.memory_space<hbm>>
      %dma_start3A_1220 = tpu.memref_slice %arg4[%add3A_1216] : memref<26214400xf32, #tpu.memory_space<hbm>> -> memref<4096xf32, #tpu.memory_space<hbm>>
      %dma_start3A_1221 = arith.constant 28672 : i32
      %dma_start3A_1222 = tpu.memref_slice %arg9[%dma_start3A_1221] : memref<32768xf32, #tpu.memory_space<vmem>> -> memref<4096xf32, #tpu.memory_space<vmem>>
      tpu.enqueue_dma source(%dma_start3A_1222 : memref<4096xf32, #tpu.memory_space<vmem>>) target(%dma_start3A_1220 : memref<4096xf32, #tpu.memory_space<hbm>>) target_semaphore(%arg13 : memref<!tpu.dma_semaphore, #tpu.memory_space<semaphore_mem>>)
    }
    %scan3A_254 = arith.constant 11 : i32
    %add3A_255 = arith.constant 768 : i32
    %add3A_256 = arith.addi %add3A_255, %add3A : i32
    %mul3A_257 = arith.constant 4096 : i32
    %mul3A_258 = arith.muli %add3A_256, %mul3A_257 : i32
    %dma_wait3A_259 = tpu.memref_slice %arg2[%mul3A_258] : memref<3276800xi32, #tpu.memory_space<hbm>> -> memref<4096xi32, #tpu.memory_space<hbm>>
    %dma_wait3A_260 = tpu.memref_slice %arg2[%mul3A_258] : memref<3276800xi32, #tpu.memory_space<hbm>> -> memref<4096xi32, #tpu.memory_space<hbm>>
    tpu.wait_dma2 semaphore(%arg10 : memref<!tpu.dma_semaphore, #tpu.memory_space<semaphore_mem>>) src(%dma_wait3A_260 : memref<4096xi32, #tpu.memory_space<hbm>>) dst(%arg6 : memref<4096xi32, #tpu.memory_space<vmem>>)
    %add3A_261 = arith.constant 704 : i32
    %add3A_262 = arith.addi %add3A_261, %add3A : i32
    %jit3A_263 = arith.constant 32 : i32
    %div3A_264 = arith.divsi %add3A_262, %jit3A_263 : i32
    %sign3A_265 = arith.constant 0 : i32
    %sign3A_266 = arith.cmpi sgt, %add3A_262, %sign3A_265 : i32
    %sign3A_267 = arith.extui %sign3A_266 : i1 to i32
    %sign3A_268 = arith.constant 0 : i32
    %sign3A_269 = arith.cmpi slt, %add3A_262, %sign3A_268 : i32
    %sign3A_270 = arith.extui %sign3A_269 : i1 to i32
    %sign3A_271 = arith.subi %sign3A_267, %sign3A_270 : i32
    %sign3A_272 = arith.constant 0 : i32
    %sign3A_273 = arith.cmpi sgt, %jit3A_263, %sign3A_272 : i32
    %sign3A_274 = arith.extui %sign3A_273 : i1 to i32
    %sign3A_275 = arith.constant 0 : i32
    %sign3A_276 = arith.cmpi slt, %jit3A_263, %sign3A_275 : i32
    %sign3A_277 = arith.extui %sign3A_276 : i1 to i32
    %sign3A_278 = arith.subi %sign3A_274, %sign3A_277 : i32
    %ne3A_279 = arith.cmpi ne, %sign3A_271, %sign3A_278 : i32
    %rem3A_280 = arith.remsi %add3A_262, %jit3A_263 : i32
    %ne3A_281 = arith.constant 0 : i32
    %ne3A_282 = arith.cmpi ne, %rem3A_280, %ne3A_281 : i32
    %and3A_283 = arith.andi %ne3A_279, %ne3A_282 : i1
    %sub3A_284 = arith.constant 1 : i32
    %sub3A_285 = arith.subi %div3A_264, %sub3A_284 : i32
    %select_n3A_286 = arith.select %and3A_283, %sub3A_285, %div3A_264 : i32
    %jit3A_287 = arith.constant 32 : i32
    %eq3A_288 = arith.constant 0 : i32
    %eq3A_289 = arith.cmpi eq, %jit3A_287, %eq3A_288 : i32
    %jit3A_290 = arith.constant 1 : i32
    %select_n3A_291 = arith.select %eq3A_289, %jit3A_290, %jit3A_287 : i32
    %rem3A_292 = arith.remsi %add3A_262, %select_n3A_291 : i32
    %ne3A_293 = arith.constant 0 : i32
    %ne3A_294 = arith.cmpi ne, %rem3A_292, %ne3A_293 : i32
    %lt3A_295 = arith.constant 0 : i32
    %lt3A_296 = arith.cmpi slt, %rem3A_292, %lt3A_295 : i32
    %lt3A_297 = arith.constant 0 : i32
    %lt3A_298 = arith.cmpi slt, %select_n3A_291, %lt3A_297 : i32
    %ne3A_299 = arith.xori %lt3A_296, %lt3A_298 : i1
    %and3A_300 = arith.andi %ne3A_299, %ne3A_294 : i1
    %add3A_301 = arith.addi %rem3A_292, %select_n3A_291 : i32
    %select_n3A_302 = arith.select %and3A_300, %add3A_301, %rem3A_292 : i32
    %mul3A_303 = arith.constant 8 : i32
    %mul3A_304 = arith.muli %select_n3A_286, %mul3A_303 : i32
    %mul3A_305 = arith.constant 131072 : i32
    %mul3A_306 = arith.muli %mul3A_304, %mul3A_305 : i32
    %mul3A_307 = arith.constant 4096 : i32
    %mul3A_308 = arith.muli %select_n3A_302, %mul3A_307 : i32
    %add3A_309 = arith.addi %mul3A_306, %mul3A_308 : i32
    %add3A_310 = arith.constant 0 : i32
    %add3A_311 = arith.addi %add3A_309, %add3A_310 : i32
    %dma_wait3A_312 = arith.constant 0 : i32
    %dma_wait3A_313 = tpu.memref_slice %arg8[%dma_wait3A_312] : memref<32768xf32, #tpu.memory_space<vmem>> -> memref<4096xf32, #tpu.memory_space<vmem>>
    %dma_wait3A_314 = tpu.memref_slice %arg4[%add3A_311] : memref<26214400xf32, #tpu.memory_space<hbm>> -> memref<4096xf32, #tpu.memory_space<hbm>>
    %dma_wait3A_315 = tpu.memref_slice %arg4[%add3A_311] : memref<26214400xf32, #tpu.memory_space<hbm>> -> memref<4096xf32, #tpu.memory_space<hbm>>
    %dma_wait3A_316 = arith.constant 0 : i32
    %dma_wait3A_317 = tpu.memref_slice %arg8[%dma_wait3A_316] : memref<32768xf32, #tpu.memory_space<vmem>> -> memref<4096xf32, #tpu.memory_space<vmem>>
    tpu.wait_dma2 semaphore(%arg12 : memref<!tpu.dma_semaphore, #tpu.memory_space<semaphore_mem>>) src(%dma_wait3A_317 : memref<4096xf32, #tpu.memory_space<vmem>>) dst(%dma_wait3A_315 : memref<4096xf32, #tpu.memory_space<hbm>>)
    %add3A_318 = arith.constant 131072 : i32
    %add3A_319 = arith.addi %add3A_309, %add3A_318 : i32
    %dma_wait3A_320 = arith.constant 4096 : i32
    %dma_wait3A_321 = tpu.memref_slice %arg8[%dma_wait3A_320] : memref<32768xf32, #tpu.memory_space<vmem>> -> memref<4096xf32, #tpu.memory_space<vmem>>
    %dma_wait3A_322 = tpu.memref_slice %arg4[%add3A_319] : memref<26214400xf32, #tpu.memory_space<hbm>> -> memref<4096xf32, #tpu.memory_space<hbm>>
    %dma_wait3A_323 = tpu.memref_slice %arg4[%add3A_319] : memref<26214400xf32, #tpu.memory_space<hbm>> -> memref<4096xf32, #tpu.memory_space<hbm>>
    %dma_wait3A_324 = arith.constant 4096 : i32
    %dma_wait3A_325 = tpu.memref_slice %arg8[%dma_wait3A_324] : memref<32768xf32, #tpu.memory_space<vmem>> -> memref<4096xf32, #tpu.memory_space<vmem>>
    tpu.wait_dma2 semaphore(%arg12 : memref<!tpu.dma_semaphore, #tpu.memory_space<semaphore_mem>>) src(%dma_wait3A_325 : memref<4096xf32, #tpu.memory_space<vmem>>) dst(%dma_wait3A_323 : memref<4096xf32, #tpu.memory_space<hbm>>)
    %add3A_326 = arith.constant 262144 : i32
    %add3A_327 = arith.addi %add3A_309, %add3A_326 : i32
    %dma_wait3A_328 = arith.constant 8192 : i32
    %dma_wait3A_329 = tpu.memref_slice %arg8[%dma_wait3A_328] : memref<32768xf32, #tpu.memory_space<vmem>> -> memref<4096xf32, #tpu.memory_space<vmem>>
    %dma_wait3A_330 = tpu.memref_slice %arg4[%add3A_327] : memref<26214400xf32, #tpu.memory_space<hbm>> -> memref<4096xf32, #tpu.memory_space<hbm>>
    %dma_wait3A_331 = tpu.memref_slice %arg4[%add3A_327] : memref<26214400xf32, #tpu.memory_space<hbm>> -> memref<4096xf32, #tpu.memory_space<hbm>>
    %dma_wait3A_332 = arith.constant 8192 : i32
    %dma_wait3A_333 = tpu.memref_slice %arg8[%dma_wait3A_332] : memref<32768xf32, #tpu.memory_space<vmem>> -> memref<4096xf32, #tpu.memory_space<vmem>>
    tpu.wait_dma2 semaphore(%arg12 : memref<!tpu.dma_semaphore, #tpu.memory_space<semaphore_mem>>) src(%dma_wait3A_333 : memref<4096xf32, #tpu.memory_space<vmem>>) dst(%dma_wait3A_331 : memref<4096xf32, #tpu.memory_space<hbm>>)
    %add3A_334 = arith.constant 393216 : i32
    %add3A_335 = arith.addi %add3A_309, %add3A_334 : i32
    %dma_wait3A_336 = arith.constant 12288 : i32
    %dma_wait3A_337 = tpu.memref_slice %arg8[%dma_wait3A_336] : memref<32768xf32, #tpu.memory_space<vmem>> -> memref<4096xf32, #tpu.memory_space<vmem>>
    %dma_wait3A_338 = tpu.memref_slice %arg4[%add3A_335] : memref<26214400xf32, #tpu.memory_space<hbm>> -> memref<4096xf32, #tpu.memory_space<hbm>>
    %dma_wait3A_339 = tpu.memref_slice %arg4[%add3A_335] : memref<26214400xf32, #tpu.memory_space<hbm>> -> memref<4096xf32, #tpu.memory_space<hbm>>
    %dma_wait3A_340 = arith.constant 12288 : i32
    %dma_wait3A_341 = tpu.memref_slice %arg8[%dma_wait3A_340] : memref<32768xf32, #tpu.memory_space<vmem>> -> memref<4096xf32, #tpu.memory_space<vmem>>
    tpu.wait_dma2 semaphore(%arg12 : memref<!tpu.dma_semaphore, #tpu.memory_space<semaphore_mem>>) src(%dma_wait3A_341 : memref<4096xf32, #tpu.memory_space<vmem>>) dst(%dma_wait3A_339 : memref<4096xf32, #tpu.memory_space<hbm>>)
    %add3A_342 = arith.constant 524288 : i32
    %add3A_343 = arith.addi %add3A_309, %add3A_342 : i32
    %dma_wait3A_344 = arith.constant 16384 : i32
    %dma_wait3A_345 = tpu.memref_slice %arg8[%dma_wait3A_344] : memref<32768xf32, #tpu.memory_space<vmem>> -> memref<4096xf32, #tpu.memory_space<vmem>>
    %dma_wait3A_346 = tpu.memref_slice %arg4[%add3A_343] : memref<26214400xf32, #tpu.memory_space<hbm>> -> memref<4096xf32, #tpu.memory_space<hbm>>
    %dma_wait3A_347 = tpu.memref_slice %arg4[%add3A_343] : memref<26214400xf32, #tpu.memory_space<hbm>> -> memref<4096xf32, #tpu.memory_space<hbm>>
    %dma_wait3A_348 = arith.constant 16384 : i32
    %dma_wait3A_349 = tpu.memref_slice %arg8[%dma_wait3A_348] : memref<32768xf32, #tpu.memory_space<vmem>> -> memref<4096xf32, #tpu.memory_space<vmem>>
    tpu.wait_dma2 semaphore(%arg12 : memref<!tpu.dma_semaphore, #tpu.memory_space<semaphore_mem>>) src(%dma_wait3A_349 : memref<4096xf32, #tpu.memory_space<vmem>>) dst(%dma_wait3A_347 : memref<4096xf32, #tpu.memory_space<hbm>>)
    %add3A_350 = arith.constant 655360 : i32
    %add3A_351 = arith.addi %add3A_309, %add3A_350 : i32
    %dma_wait3A_352 = arith.constant 20480 : i32
    %dma_wait3A_353 = tpu.memref_slice %arg8[%dma_wait3A_352] : memref<32768xf32, #tpu.memory_space<vmem>> -> memref<4096xf32, #tpu.memory_space<vmem>>
    %dma_wait3A_354 = tpu.memref_slice %arg4[%add3A_351] : memref<26214400xf32, #tpu.memory_space<hbm>> -> memref<4096xf32, #tpu.memory_space<hbm>>
    %dma_wait3A_355 = tpu.memref_slice %arg4[%add3A_351] : memref<26214400xf32, #tpu.memory_space<hbm>> -> memref<4096xf32, #tpu.memory_space<hbm>>
    %dma_wait3A_356 = arith.constant 20480 : i32
    %dma_wait3A_357 = tpu.memref_slice %arg8[%dma_wait3A_356] : memref<32768xf32, #tpu.memory_space<vmem>> -> memref<4096xf32, #tpu.memory_space<vmem>>
    tpu.wait_dma2 semaphore(%arg12 : memref<!tpu.dma_semaphore, #tpu.memory_space<semaphore_mem>>) src(%dma_wait3A_357 : memref<4096xf32, #tpu.memory_space<vmem>>) dst(%dma_wait3A_355 : memref<4096xf32, #tpu.memory_space<hbm>>)
    %add3A_358 = arith.constant 786432 : i32
    %add3A_359 = arith.addi %add3A_309, %add3A_358 : i32
    %dma_wait3A_360 = arith.constant 24576 : i32
    %dma_wait3A_361 = tpu.memref_slice %arg8[%dma_wait3A_360] : memref<32768xf32, #tpu.memory_space<vmem>> -> memref<4096xf32, #tpu.memory_space<vmem>>
    %dma_wait3A_362 = tpu.memref_slice %arg4[%add3A_359] : memref<26214400xf32, #tpu.memory_space<hbm>> -> memref<4096xf32, #tpu.memory_space<hbm>>
    %dma_wait3A_363 = tpu.memref_slice %arg4[%add3A_359] : memref<26214400xf32, #tpu.memory_space<hbm>> -> memref<4096xf32, #tpu.memory_space<hbm>>
    %dma_wait3A_364 = arith.constant 24576 : i32
    %dma_wait3A_365 = tpu.memref_slice %arg8[%dma_wait3A_364] : memref<32768xf32, #tpu.memory_space<vmem>> -> memref<4096xf32, #tpu.memory_space<vmem>>
    tpu.wait_dma2 semaphore(%arg12 : memref<!tpu.dma_semaphore, #tpu.memory_space<semaphore_mem>>) src(%dma_wait3A_365 : memref<4096xf32, #tpu.memory_space<vmem>>) dst(%dma_wait3A_363 : memref<4096xf32, #tpu.memory_space<hbm>>)
    %add3A_366 = arith.constant 917504 : i32
    %add3A_367 = arith.addi %add3A_309, %add3A_366 : i32
    %dma_wait3A_368 = arith.constant 28672 : i32
    %dma_wait3A_369 = tpu.memref_slice %arg8[%dma_wait3A_368] : memref<32768xf32, #tpu.memory_space<vmem>> -> memref<4096xf32, #tpu.memory_space<vmem>>
    %dma_wait3A_370 = tpu.memref_slice %arg4[%add3A_367] : memref<26214400xf32, #tpu.memory_space<hbm>> -> memref<4096xf32, #tpu.memory_space<hbm>>
    %dma_wait3A_371 = tpu.memref_slice %arg4[%add3A_367] : memref<26214400xf32, #tpu.memory_space<hbm>> -> memref<4096xf32, #tpu.memory_space<hbm>>
    %dma_wait3A_372 = arith.constant 28672 : i32
    %dma_wait3A_373 = tpu.memref_slice %arg8[%dma_wait3A_372] : memref<32768xf32, #tpu.memory_space<vmem>> -> memref<4096xf32, #tpu.memory_space<vmem>>
    tpu.wait_dma2 semaphore(%arg12 : memref<!tpu.dma_semaphore, #tpu.memory_space<semaphore_mem>>) src(%dma_wait3A_373 : memref<4096xf32, #tpu.memory_space<vmem>>) dst(%dma_wait3A_371 : memref<4096xf32, #tpu.memory_space<hbm>>)
    %parallel_loop3A_374 = arith.constant 0 : i32
    %parallel_loop3A_375 = arith.constant 256 : i32
    %parallel_loop3A_376 = arith.constant 1 : i32
    scf.for %parallel_loop3A_716 = %parallel_loop3A_374 to %parallel_loop3A_375 step %parallel_loop3A_376  : i32 {
      %parallel_loop3A_717 = arith.constant 16 : i32
      %parallel_loop3A_718 = arith.muli %parallel_loop3A_716, %parallel_loop3A_717 : i32
      %parallel_loop3A_719 = arith.index_cast %parallel_loop3A_718 : i32 to index
      %parallel_loop3A_720 = tpu.vector_load %arg6[%parallel_loop3A_719] {strides = array<i32>} : memref<4096xi32, #tpu.memory_space<vmem>>, vector<16xi32>,
      %parallel_loop3A_721 = arith.constant 6 : i32
      %parallel_loop3A_722 = arith.shrsi %parallel_loop3A_716, %parallel_loop3A_721 : i32
      %parallel_loop3A_723 = arith.constant 3 : i32
      %parallel_loop3A_724 = arith.shrsi %parallel_loop3A_716, %parallel_loop3A_723 : i32
      %parallel_loop3A_725 = arith.constant 7 : i32
      %parallel_loop3A_726 = arith.andi %parallel_loop3A_724, %parallel_loop3A_725 : i32
      %parallel_loop3A_727 = arith.constant 7 : i32
      %parallel_loop3A_728 = arith.andi %parallel_loop3A_716, %parallel_loop3A_727 : i32
      %parallel_loop3A_729 = arith.constant 4096 : i32
      %parallel_loop3A_730 = arith.muli %parallel_loop3A_726, %parallel_loop3A_729 : i32
      %parallel_loop3A_731 = arith.constant 1024 : i32
      %parallel_loop3A_732 = arith.muli %parallel_loop3A_722, %parallel_loop3A_731 : i32
      %parallel_loop3A_733 = arith.addi %parallel_loop3A_730, %parallel_loop3A_732 : i32
      %parallel_loop3A_734 = arith.constant 16 : i32
      %parallel_loop3A_735 = arith.muli %parallel_loop3A_728, %parallel_loop3A_734 : i32
      %parallel_loop3A_736 = arith.addi %parallel_loop3A_733, %parallel_loop3A_735 : i32
      %parallel_loop3A_737 = arith.constant 4 : i32
      %parallel_loop3A_738 = vector.broadcast %parallel_loop3A_737 : i32 to vector<16xi32>
      %parallel_loop3A_739 = arith.shli %parallel_loop3A_720, %parallel_loop3A_738 : vector<16xi32>
      %parallel_loop3A_740 = arith.addi %parallel_loop3A_739, %iota3A : vector<16xi32>
      %parallel_loop3A_741 = arith.constant 0 : i32
      %parallel_loop3A_742 = vector.broadcast %parallel_loop3A_741 : i32 to vector<16xi32>
      %parallel_loop3A_743 = arith.addi %parallel_loop3A_740, %parallel_loop3A_742 : vector<16xi32>
      %parallel_loop3A_744 = tpu.vector_load_idx %arg5[%parallel_loop3A_743] : memref<12800xf32, #tpu.memory_space<vmem>>[vector<16xi32>], vector<16xf32>,
      %parallel_loop3A_745 = arith.constant 0 : i32
      %parallel_loop3A_746 = arith.addi %parallel_loop3A_736, %parallel_loop3A_745 : i32
      %parallel_loop3A_747 = arith.index_cast %parallel_loop3A_746 : i32 to index
      %parallel_loop3A_748 = tpu.vector_load %arg8[%parallel_loop3A_747] {strides = array<i32>} : memref<32768xf32, #tpu.memory_space<vmem>>, vector<16xf32>,
      tpu.vector_store %arg8[%parallel_loop3A_747], %parallel_loop3A_744 {strides = array<i32>} : memref<32768xf32, #tpu.memory_space<vmem>>, vector<16xf32>,
      %parallel_loop3A_749 = arith.constant 1600 : i32
      %parallel_loop3A_750 = vector.broadcast %parallel_loop3A_749 : i32 to vector<16xi32>
      %parallel_loop3A_751 = arith.addi %parallel_loop3A_740, %parallel_loop3A_750 : vector<16xi32>
      %parallel_loop3A_752 = tpu.vector_load_idx %arg5[%parallel_loop3A_751] : memref<12800xf32, #tpu.memory_space<vmem>>[vector<16xi32>], vector<16xf32>,
      %parallel_loop3A_753 = arith.constant 128 : i32
      %parallel_loop3A_754 = arith.addi %parallel_loop3A_736, %parallel_loop3A_753 : i32
      %parallel_loop3A_755 = arith.index_cast %parallel_loop3A_754 : i32 to index
      %parallel_loop3A_756 = tpu.vector_load %arg8[%parallel_loop3A_755] {strides = array<i32>} : memref<32768xf32, #tpu.memory_space<vmem>>, vector<16xf32>,
      tpu.vector_store %arg8[%parallel_loop3A_755], %parallel_loop3A_752 {strides = array<i32>} : memref<32768xf32, #tpu.memory_space<vmem>>, vector<16xf32>,
      %parallel_loop3A_757 = arith.constant 3200 : i32
      %parallel_loop3A_758 = vector.broadcast %parallel_loop3A_757 : i32 to vector<16xi32>
      %parallel_loop3A_759 = arith.addi %parallel_loop3A_740, %parallel_loop3A_758 : vector<16xi32>
      %parallel_loop3A_760 = tpu.vector_load_idx %arg5[%parallel_loop3A_759] : memref<12800xf32, #tpu.memory_space<vmem>>[vector<16xi32>], vector<16xf32>,
      %parallel_loop3A_761 = arith.constant 256 : i32
      %parallel_loop3A_762 = arith.addi %parallel_loop3A_736, %parallel_loop3A_761 : i32
      %parallel_loop3A_763 = arith.index_cast %parallel_loop3A_762 : i32 to index
      %parallel_loop3A_764 = tpu.vector_load %arg8[%parallel_loop3A_763] {strides = array<i32>} : memref<32768xf32, #tpu.memory_space<vmem>>, vector<16xf32>,
      tpu.vector_store %arg8[%parallel_loop3A_763], %parallel_loop3A_760 {strides = array<i32>} : memref<32768xf32, #tpu.memory_space<vmem>>, vector<16xf32>,
      %parallel_loop3A_765 = arith.constant 4800 : i32
      %parallel_loop3A_766 = vector.broadcast %parallel_loop3A_765 : i32 to vector<16xi32>
      %parallel_loop3A_767 = arith.addi %parallel_loop3A_740, %parallel_loop3A_766 : vector<16xi32>
      %parallel_loop3A_768 = tpu.vector_load_idx %arg5[%parallel_loop3A_767] : memref<12800xf32, #tpu.memory_space<vmem>>[vector<16xi32>], vector<16xf32>,
      %parallel_loop3A_769 = arith.constant 384 : i32
      %parallel_loop3A_770 = arith.addi %parallel_loop3A_736, %parallel_loop3A_769 : i32
      %parallel_loop3A_771 = arith.index_cast %parallel_loop3A_770 : i32 to index
      %parallel_loop3A_772 = tpu.vector_load %arg8[%parallel_loop3A_771] {strides = array<i32>} : memref<32768xf32, #tpu.memory_space<vmem>>, vector<16xf32>,
      tpu.vector_store %arg8[%parallel_loop3A_771], %parallel_loop3A_768 {strides = array<i32>} : memref<32768xf32, #tpu.memory_space<vmem>>, vector<16xf32>,
      %parallel_loop3A_773 = arith.constant 6400 : i32
      %parallel_loop3A_774 = vector.broadcast %parallel_loop3A_773 : i32 to vector<16xi32>
      %parallel_loop3A_775 = arith.addi %parallel_loop3A_740, %parallel_loop3A_774 : vector<16xi32>
      %parallel_loop3A_776 = tpu.vector_load_idx %arg5[%parallel_loop3A_775] : memref<12800xf32, #tpu.memory_space<vmem>>[vector<16xi32>], vector<16xf32>,
      %parallel_loop3A_777 = arith.constant 512 : i32
      %parallel_loop3A_778 = arith.addi %parallel_loop3A_736, %parallel_loop3A_777 : i32
      %parallel_loop3A_779 = arith.index_cast %parallel_loop3A_778 : i32 to index
      %parallel_loop3A_780 = tpu.vector_load %arg8[%parallel_loop3A_779] {strides = array<i32>} : memref<32768xf32, #tpu.memory_space<vmem>>, vector<16xf32>,
      tpu.vector_store %arg8[%parallel_loop3A_779], %parallel_loop3A_776 {strides = array<i32>} : memref<32768xf32, #tpu.memory_space<vmem>>, vector<16xf32>,
      %parallel_loop3A_781 = arith.constant 8000 : i32
      %parallel_loop3A_782 = vector.broadcast %parallel_loop3A_781 : i32 to vector<16xi32>
      %parallel_loop3A_783 = arith.addi %parallel_loop3A_740, %parallel_loop3A_782 : vector<16xi32>
      %parallel_loop3A_784 = tpu.vector_load_idx %arg5[%parallel_loop3A_783] : memref<12800xf32, #tpu.memory_space<vmem>>[vector<16xi32>], vector<16xf32>,
      %parallel_loop3A_785 = arith.constant 640 : i32
      %parallel_loop3A_786 = arith.addi %parallel_loop3A_736, %parallel_loop3A_785 : i32
      %parallel_loop3A_787 = arith.index_cast %parallel_loop3A_786 : i32 to index
      %parallel_loop3A_788 = tpu.vector_load %arg8[%parallel_loop3A_787] {strides = array<i32>} : memref<32768xf32, #tpu.memory_space<vmem>>, vector<16xf32>,
      tpu.vector_store %arg8[%parallel_loop3A_787], %parallel_loop3A_784 {strides = array<i32>} : memref<32768xf32, #tpu.memory_space<vmem>>, vector<16xf32>,
      %parallel_loop3A_789 = arith.constant 9600 : i32
      %parallel_loop3A_790 = vector.broadcast %parallel_loop3A_789 : i32 to vector<16xi32>
      %parallel_loop3A_791 = arith.addi %parallel_loop3A_740, %parallel_loop3A_790 : vector<16xi32>
      %parallel_loop3A_792 = tpu.vector_load_idx %arg5[%parallel_loop3A_791] : memref<12800xf32, #tpu.memory_space<vmem>>[vector<16xi32>], vector<16xf32>,
      %parallel_loop3A_793 = arith.constant 768 : i32
      %parallel_loop3A_794 = arith.addi %parallel_loop3A_736, %parallel_loop3A_793 : i32
      %parallel_loop3A_795 = arith.index_cast %parallel_loop3A_794 : i32 to index
      %parallel_loop3A_796 = tpu.vector_load %arg8[%parallel_loop3A_795] {strides = array<i32>} : memref<32768xf32, #tpu.memory_space<vmem>>, vector<16xf32>,
      tpu.vector_store %arg8[%parallel_loop3A_795], %parallel_loop3A_792 {strides = array<i32>} : memref<32768xf32, #tpu.memory_space<vmem>>, vector<16xf32>,
      %parallel_loop3A_797 = arith.constant 11200 : i32
      %parallel_loop3A_798 = vector.broadcast %parallel_loop3A_797 : i32 to vector<16xi32>
      %parallel_loop3A_799 = arith.addi %parallel_loop3A_740, %parallel_loop3A_798 : vector<16xi32>
      %parallel_loop3A_800 = tpu.vector_load_idx %arg5[%parallel_loop3A_799] : memref<12800xf32, #tpu.memory_space<vmem>>[vector<16xi32>], vector<16xf32>,
      %parallel_loop3A_801 = arith.constant 896 : i32
      %parallel_loop3A_802 = arith.addi %parallel_loop3A_736, %parallel_loop3A_801 : i32
      %parallel_loop3A_803 = arith.index_cast %parallel_loop3A_802 : i32 to index
      %parallel_loop3A_804 = tpu.vector_load %arg8[%parallel_loop3A_803] {strides = array<i32>} : memref<32768xf32, #tpu.memory_space<vmem>>, vector<16xf32>,
      tpu.vector_store %arg8[%parallel_loop3A_803], %parallel_loop3A_800 {strides = array<i32>} : memref<32768xf32, #tpu.memory_space<vmem>>, vector<16xf32>,
    } {sc.loop_unroll_factor = 8 : i64, sc.parallel_access}
    %add3A_377 = arith.constant 768 : i32
    %add3A_378 = arith.addi %add3A_377, %add3A : i32
    %jit3A_379 = arith.constant 32 : i32
    %div3A_380 = arith.divsi %add3A_378, %jit3A_379 : i32
    %sign3A_381 = arith.constant 0 : i32
    %sign3A_382 = arith.cmpi sgt, %add3A_378, %sign3A_381 : i32
    %sign3A_383 = arith.extui %sign3A_382 : i1 to i32
    %sign3A_384 = arith.constant 0 : i32
    %sign3A_385 = arith.cmpi slt, %add3A_378, %sign3A_384 : i32
    %sign3A_386 = arith.extui %sign3A_385 : i1 to i32
    %sign3A_387 = arith.subi %sign3A_383, %sign3A_386 : i32
    %sign3A_388 = arith.constant 0 : i32
    %sign3A_389 = arith.cmpi sgt, %jit3A_379, %sign3A_388 : i32
    %sign3A_390 = arith.extui %sign3A_389 : i1 to i32
    %sign3A_391 = arith.constant 0 : i32
    %sign3A_392 = arith.cmpi slt, %jit3A_379, %sign3A_391 : i32
    %sign3A_393 = arith.extui %sign3A_392 : i1 to i32
    %sign3A_394 = arith.subi %sign3A_390, %sign3A_393 : i32
    %ne3A_395 = arith.cmpi ne, %sign3A_387, %sign3A_394 : i32
    %rem3A_396 = arith.remsi %add3A_378, %jit3A_379 : i32
    %ne3A_397 = arith.constant 0 : i32
    %ne3A_398 = arith.cmpi ne, %rem3A_396, %ne3A_397 : i32
    %and3A_399 = arith.andi %ne3A_395, %ne3A_398 : i1
    %sub3A_400 = arith.constant 1 : i32
    %sub3A_401 = arith.subi %div3A_380, %sub3A_400 : i32
    %select_n3A_402 = arith.select %and3A_399, %sub3A_401, %div3A_380 : i32
    %jit3A_403 = arith.constant 32 : i32
    %eq3A_404 = arith.constant 0 : i32
    %eq3A_405 = arith.cmpi eq, %jit3A_403, %eq3A_404 : i32
    %jit3A_406 = arith.constant 1 : i32
    %select_n3A_407 = arith.select %eq3A_405, %jit3A_406, %jit3A_403 : i32
    %rem3A_408 = arith.remsi %add3A_378, %select_n3A_407 : i32
    %ne3A_409 = arith.constant 0 : i32
    %ne3A_410 = arith.cmpi ne, %rem3A_408, %ne3A_409 : i32
    %lt3A_411 = arith.constant 0 : i32
    %lt3A_412 = arith.cmpi slt, %rem3A_408, %lt3A_411 : i32
    %lt3A_413 = arith.constant 0 : i32
    %lt3A_414 = arith.cmpi slt, %select_n3A_407, %lt3A_413 : i32
    %ne3A_415 = arith.xori %lt3A_412, %lt3A_414 : i1
    %and3A_416 = arith.andi %ne3A_415, %ne3A_410 : i1
    %add3A_417 = arith.addi %rem3A_408, %select_n3A_407 : i32
    %select_n3A_418 = arith.select %and3A_416, %add3A_417, %rem3A_408 : i32
    %mul3A_419 = arith.constant 8 : i32
    %mul3A_420 = arith.muli %select_n3A_402, %mul3A_419 : i32
    %mul3A_421 = arith.constant 131072 : i32
    %mul3A_422 = arith.muli %mul3A_420, %mul3A_421 : i32
    %mul3A_423 = arith.constant 4096 : i32
    %mul3A_424 = arith.muli %select_n3A_418, %mul3A_423 : i32
    %add3A_425 = arith.addi %mul3A_422, %mul3A_424 : i32
    %add3A_426 = arith.constant 0 : i32
    %add3A_427 = arith.addi %add3A_425, %add3A_426 : i32
    %dma_start3A_428 = arith.constant 0 : i32
    %dma_start3A_429 = tpu.memref_slice %arg8[%dma_start3A_428] : memref<32768xf32, #tpu.memory_space<vmem>> -> memref<4096xf32, #tpu.memory_space<vmem>>
    %dma_start3A_430 = tpu.memref_slice %arg4[%add3A_427] : memref<26214400xf32, #tpu.memory_space<hbm>> -> memref<4096xf32, #tpu.memory_space<hbm>>
    %dma_start3A_431 = tpu.memref_slice %arg4[%add3A_427] : memref<26214400xf32, #tpu.memory_space<hbm>> -> memref<4096xf32, #tpu.memory_space<hbm>>
    %dma_start3A_432 = arith.constant 0 : i32
    %dma_start3A_433 = tpu.memref_slice %arg8[%dma_start3A_432] : memref<32768xf32, #tpu.memory_space<vmem>> -> memref<4096xf32, #tpu.memory_space<vmem>>
    tpu.enqueue_dma source(%dma_start3A_433 : memref<4096xf32, #tpu.memory_space<vmem>>) target(%dma_start3A_431 : memref<4096xf32, #tpu.memory_space<hbm>>) target_semaphore(%arg12 : memref<!tpu.dma_semaphore, #tpu.memory_space<semaphore_mem>>)
    %add3A_434 = arith.constant 131072 : i32
    %add3A_435 = arith.addi %add3A_425, %add3A_434 : i32
    %dma_start3A_436 = arith.constant 4096 : i32
    %dma_start3A_437 = tpu.memref_slice %arg8[%dma_start3A_436] : memref<32768xf32, #tpu.memory_space<vmem>> -> memref<4096xf32, #tpu.memory_space<vmem>>
    %dma_start3A_438 = tpu.memref_slice %arg4[%add3A_435] : memref<26214400xf32, #tpu.memory_space<hbm>> -> memref<4096xf32, #tpu.memory_space<hbm>>
    %dma_start3A_439 = tpu.memref_slice %arg4[%add3A_435] : memref<26214400xf32, #tpu.memory_space<hbm>> -> memref<4096xf32, #tpu.memory_space<hbm>>
    %dma_start3A_440 = arith.constant 4096 : i32
    %dma_start3A_441 = tpu.memref_slice %arg8[%dma_start3A_440] : memref<32768xf32, #tpu.memory_space<vmem>> -> memref<4096xf32, #tpu.memory_space<vmem>>
    tpu.enqueue_dma source(%dma_start3A_441 : memref<4096xf32, #tpu.memory_space<vmem>>) target(%dma_start3A_439 : memref<4096xf32, #tpu.memory_space<hbm>>) target_semaphore(%arg12 : memref<!tpu.dma_semaphore, #tpu.memory_space<semaphore_mem>>)
    %add3A_442 = arith.constant 262144 : i32
    %add3A_443 = arith.addi %add3A_425, %add3A_442 : i32
    %dma_start3A_444 = arith.constant 8192 : i32
    %dma_start3A_445 = tpu.memref_slice %arg8[%dma_start3A_444] : memref<32768xf32, #tpu.memory_space<vmem>> -> memref<4096xf32, #tpu.memory_space<vmem>>
    %dma_start3A_446 = tpu.memref_slice %arg4[%add3A_443] : memref<26214400xf32, #tpu.memory_space<hbm>> -> memref<4096xf32, #tpu.memory_space<hbm>>
    %dma_start3A_447 = tpu.memref_slice %arg4[%add3A_443] : memref<26214400xf32, #tpu.memory_space<hbm>> -> memref<4096xf32, #tpu.memory_space<hbm>>
    %dma_start3A_448 = arith.constant 8192 : i32
    %dma_start3A_449 = tpu.memref_slice %arg8[%dma_start3A_448] : memref<32768xf32, #tpu.memory_space<vmem>> -> memref<4096xf32, #tpu.memory_space<vmem>>
    tpu.enqueue_dma source(%dma_start3A_449 : memref<4096xf32, #tpu.memory_space<vmem>>) target(%dma_start3A_447 : memref<4096xf32, #tpu.memory_space<hbm>>) target_semaphore(%arg12 : memref<!tpu.dma_semaphore, #tpu.memory_space<semaphore_mem>>)
    %add3A_450 = arith.constant 393216 : i32
    %add3A_451 = arith.addi %add3A_425, %add3A_450 : i32
    %dma_start3A_452 = arith.constant 12288 : i32
    %dma_start3A_453 = tpu.memref_slice %arg8[%dma_start3A_452] : memref<32768xf32, #tpu.memory_space<vmem>> -> memref<4096xf32, #tpu.memory_space<vmem>>
    %dma_start3A_454 = tpu.memref_slice %arg4[%add3A_451] : memref<26214400xf32, #tpu.memory_space<hbm>> -> memref<4096xf32, #tpu.memory_space<hbm>>
    %dma_start3A_455 = tpu.memref_slice %arg4[%add3A_451] : memref<26214400xf32, #tpu.memory_space<hbm>> -> memref<4096xf32, #tpu.memory_space<hbm>>
    %dma_start3A_456 = arith.constant 12288 : i32
    %dma_start3A_457 = tpu.memref_slice %arg8[%dma_start3A_456] : memref<32768xf32, #tpu.memory_space<vmem>> -> memref<4096xf32, #tpu.memory_space<vmem>>
    tpu.enqueue_dma source(%dma_start3A_457 : memref<4096xf32, #tpu.memory_space<vmem>>) target(%dma_start3A_455 : memref<4096xf32, #tpu.memory_space<hbm>>) target_semaphore(%arg12 : memref<!tpu.dma_semaphore, #tpu.memory_space<semaphore_mem>>)
    %add3A_458 = arith.constant 524288 : i32
    %add3A_459 = arith.addi %add3A_425, %add3A_458 : i32
    %dma_start3A_460 = arith.constant 16384 : i32
    %dma_start3A_461 = tpu.memref_slice %arg8[%dma_start3A_460] : memref<32768xf32, #tpu.memory_space<vmem>> -> memref<4096xf32, #tpu.memory_space<vmem>>
    %dma_start3A_462 = tpu.memref_slice %arg4[%add3A_459] : memref<26214400xf32, #tpu.memory_space<hbm>> -> memref<4096xf32, #tpu.memory_space<hbm>>
    %dma_start3A_463 = tpu.memref_slice %arg4[%add3A_459] : memref<26214400xf32, #tpu.memory_space<hbm>> -> memref<4096xf32, #tpu.memory_space<hbm>>
    %dma_start3A_464 = arith.constant 16384 : i32
    %dma_start3A_465 = tpu.memref_slice %arg8[%dma_start3A_464] : memref<32768xf32, #tpu.memory_space<vmem>> -> memref<4096xf32, #tpu.memory_space<vmem>>
    tpu.enqueue_dma source(%dma_start3A_465 : memref<4096xf32, #tpu.memory_space<vmem>>) target(%dma_start3A_463 : memref<4096xf32, #tpu.memory_space<hbm>>) target_semaphore(%arg12 : memref<!tpu.dma_semaphore, #tpu.memory_space<semaphore_mem>>)
    %add3A_466 = arith.constant 655360 : i32
    %add3A_467 = arith.addi %add3A_425, %add3A_466 : i32
    %dma_start3A_468 = arith.constant 20480 : i32
    %dma_start3A_469 = tpu.memref_slice %arg8[%dma_start3A_468] : memref<32768xf32, #tpu.memory_space<vmem>> -> memref<4096xf32, #tpu.memory_space<vmem>>
    %dma_start3A_470 = tpu.memref_slice %arg4[%add3A_467] : memref<26214400xf32, #tpu.memory_space<hbm>> -> memref<4096xf32, #tpu.memory_space<hbm>>
    %dma_start3A_471 = tpu.memref_slice %arg4[%add3A_467] : memref<26214400xf32, #tpu.memory_space<hbm>> -> memref<4096xf32, #tpu.memory_space<hbm>>
    %dma_start3A_472 = arith.constant 20480 : i32
    %dma_start3A_473 = tpu.memref_slice %arg8[%dma_start3A_472] : memref<32768xf32, #tpu.memory_space<vmem>> -> memref<4096xf32, #tpu.memory_space<vmem>>
    tpu.enqueue_dma source(%dma_start3A_473 : memref<4096xf32, #tpu.memory_space<vmem>>) target(%dma_start3A_471 : memref<4096xf32, #tpu.memory_space<hbm>>) target_semaphore(%arg12 : memref<!tpu.dma_semaphore, #tpu.memory_space<semaphore_mem>>)
    %add3A_474 = arith.constant 786432 : i32
    %add3A_475 = arith.addi %add3A_425, %add3A_474 : i32
    %dma_start3A_476 = arith.constant 24576 : i32
    %dma_start3A_477 = tpu.memref_slice %arg8[%dma_start3A_476] : memref<32768xf32, #tpu.memory_space<vmem>> -> memref<4096xf32, #tpu.memory_space<vmem>>
    %dma_start3A_478 = tpu.memref_slice %arg4[%add3A_475] : memref<26214400xf32, #tpu.memory_space<hbm>> -> memref<4096xf32, #tpu.memory_space<hbm>>
    %dma_start3A_479 = tpu.memref_slice %arg4[%add3A_475] : memref<26214400xf32, #tpu.memory_space<hbm>> -> memref<4096xf32, #tpu.memory_space<hbm>>
    %dma_start3A_480 = arith.constant 24576 : i32
    %dma_start3A_481 = tpu.memref_slice %arg8[%dma_start3A_480] : memref<32768xf32, #tpu.memory_space<vmem>> -> memref<4096xf32, #tpu.memory_space<vmem>>
    tpu.enqueue_dma source(%dma_start3A_481 : memref<4096xf32, #tpu.memory_space<vmem>>) target(%dma_start3A_479 : memref<4096xf32, #tpu.memory_space<hbm>>) target_semaphore(%arg12 : memref<!tpu.dma_semaphore, #tpu.memory_space<semaphore_mem>>)
    %add3A_482 = arith.constant 917504 : i32
    %add3A_483 = arith.addi %add3A_425, %add3A_482 : i32
    %dma_start3A_484 = arith.constant 28672 : i32
    %dma_start3A_485 = tpu.memref_slice %arg8[%dma_start3A_484] : memref<32768xf32, #tpu.memory_space<vmem>> -> memref<4096xf32, #tpu.memory_space<vmem>>
    %dma_start3A_486 = tpu.memref_slice %arg4[%add3A_483] : memref<26214400xf32, #tpu.memory_space<hbm>> -> memref<4096xf32, #tpu.memory_space<hbm>>
    %dma_start3A_487 = tpu.memref_slice %arg4[%add3A_483] : memref<26214400xf32, #tpu.memory_space<hbm>> -> memref<4096xf32, #tpu.memory_space<hbm>>
    %dma_start3A_488 = arith.constant 28672 : i32
    %dma_start3A_489 = tpu.memref_slice %arg8[%dma_start3A_488] : memref<32768xf32, #tpu.memory_space<vmem>> -> memref<4096xf32, #tpu.memory_space<vmem>>
    tpu.enqueue_dma source(%dma_start3A_489 : memref<4096xf32, #tpu.memory_space<vmem>>) target(%dma_start3A_487 : memref<4096xf32, #tpu.memory_space<hbm>>) target_semaphore(%arg12 : memref<!tpu.dma_semaphore, #tpu.memory_space<semaphore_mem>>)
    %add3A_490 = arith.constant 736 : i32
    %add3A_491 = arith.addi %add3A_490, %add3A : i32
    %jit3A_492 = arith.constant 32 : i32
    %div3A_493 = arith.divsi %add3A_491, %jit3A_492 : i32
    %sign3A_494 = arith.constant 0 : i32
    %sign3A_495 = arith.cmpi sgt, %add3A_491, %sign3A_494 : i32
    %sign3A_496 = arith.extui %sign3A_495 : i1 to i32
    %sign3A_497 = arith.constant 0 : i32
    %sign3A_498 = arith.cmpi slt, %add3A_491, %sign3A_497 : i32
    %sign3A_499 = arith.extui %sign3A_498 : i1 to i32
    %sign3A_500 = arith.subi %sign3A_496, %sign3A_499 : i32
    %sign3A_501 = arith.constant 0 : i32
    %sign3A_502 = arith.cmpi sgt, %jit3A_492, %sign3A_501 : i32
    %sign3A_503 = arith.extui %sign3A_502 : i1 to i32
    %sign3A_504 = arith.constant 0 : i32
    %sign3A_505 = arith.cmpi slt, %jit3A_492, %sign3A_504 : i32
    %sign3A_506 = arith.extui %sign3A_505 : i1 to i32
    %sign3A_507 = arith.subi %sign3A_503, %sign3A_506 : i32
    %ne3A_508 = arith.cmpi ne, %sign3A_500, %sign3A_507 : i32
    %rem3A_509 = arith.remsi %add3A_491, %jit3A_492 : i32
    %ne3A_510 = arith.constant 0 : i32
    %ne3A_511 = arith.cmpi ne, %rem3A_509, %ne3A_510 : i32
    %and3A_512 = arith.andi %ne3A_508, %ne3A_511 : i1
    %sub3A_513 = arith.constant 1 : i32
    %sub3A_514 = arith.subi %div3A_493, %sub3A_513 : i32
    %select_n3A_515 = arith.select %and3A_512, %sub3A_514, %div3A_493 : i32
    %jit3A_516 = arith.constant 32 : i32
    %eq3A_517 = arith.constant 0 : i32
    %eq3A_518 = arith.cmpi eq, %jit3A_516, %eq3A_517 : i32
    %jit3A_519 = arith.constant 1 : i32
    %select_n3A_520 = arith.select %eq3A_518, %jit3A_519, %jit3A_516 : i32
    %rem3A_521 = arith.remsi %add3A_491, %select_n3A_520 : i32
    %ne3A_522 = arith.constant 0 : i32
    %ne3A_523 = arith.cmpi ne, %rem3A_521, %ne3A_522 : i32
    %lt3A_524 = arith.constant 0 : i32
    %lt3A_525 = arith.cmpi slt, %rem3A_521, %lt3A_524 : i32
    %lt3A_526 = arith.constant 0 : i32
    %lt3A_527 = arith.cmpi slt, %select_n3A_520, %lt3A_526 : i32
    %ne3A_528 = arith.xori %lt3A_525, %lt3A_527 : i1
    %and3A_529 = arith.andi %ne3A_528, %ne3A_523 : i1
    %add3A_530 = arith.addi %rem3A_521, %select_n3A_520 : i32
    %select_n3A_531 = arith.select %and3A_529, %add3A_530, %rem3A_521 : i32
    %mul3A_532 = arith.constant 8 : i32
    %mul3A_533 = arith.muli %select_n3A_515, %mul3A_532 : i32
    %mul3A_534 = arith.constant 131072 : i32
    %mul3A_535 = arith.muli %mul3A_533, %mul3A_534 : i32
    %mul3A_536 = arith.constant 4096 : i32
    %mul3A_537 = arith.muli %select_n3A_531, %mul3A_536 : i32
    %add3A_538 = arith.addi %mul3A_535, %mul3A_537 : i32
    %add3A_539 = arith.constant 0 : i32
    %add3A_540 = arith.addi %add3A_538, %add3A_539 : i32
    %dma_wait3A_541 = arith.constant 0 : i32
    %dma_wait3A_542 = tpu.memref_slice %arg9[%dma_wait3A_541] : memref<32768xf32, #tpu.memory_space<vmem>> -> memref<4096xf32, #tpu.memory_space<vmem>>
    %dma_wait3A_543 = tpu.memref_slice %arg4[%add3A_540] : memref<26214400xf32, #tpu.memory_space<hbm>> -> memref<4096xf32, #tpu.memory_space<hbm>>
    %dma_wait3A_544 = tpu.memref_slice %arg4[%add3A_540] : memref<26214400xf32, #tpu.memory_space<hbm>> -> memref<4096xf32, #tpu.memory_space<hbm>>
    %dma_wait3A_545 = arith.constant 0 : i32
    %dma_wait3A_546 = tpu.memref_slice %arg9[%dma_wait3A_545] : memref<32768xf32, #tpu.memory_space<vmem>> -> memref<4096xf32, #tpu.memory_space<vmem>>
    tpu.wait_dma2 semaphore(%arg13 : memref<!tpu.dma_semaphore, #tpu.memory_space<semaphore_mem>>) src(%dma_wait3A_546 : memref<4096xf32, #tpu.memory_space<vmem>>) dst(%dma_wait3A_544 : memref<4096xf32, #tpu.memory_space<hbm>>)
    %add3A_547 = arith.constant 131072 : i32
    %add3A_548 = arith.addi %add3A_538, %add3A_547 : i32
    %dma_wait3A_549 = arith.constant 4096 : i32
    %dma_wait3A_550 = tpu.memref_slice %arg9[%dma_wait3A_549] : memref<32768xf32, #tpu.memory_space<vmem>> -> memref<4096xf32, #tpu.memory_space<vmem>>
    %dma_wait3A_551 = tpu.memref_slice %arg4[%add3A_548] : memref<26214400xf32, #tpu.memory_space<hbm>> -> memref<4096xf32, #tpu.memory_space<hbm>>
    %dma_wait3A_552 = tpu.memref_slice %arg4[%add3A_548] : memref<26214400xf32, #tpu.memory_space<hbm>> -> memref<4096xf32, #tpu.memory_space<hbm>>
    %dma_wait3A_553 = arith.constant 4096 : i32
    %dma_wait3A_554 = tpu.memref_slice %arg9[%dma_wait3A_553] : memref<32768xf32, #tpu.memory_space<vmem>> -> memref<4096xf32, #tpu.memory_space<vmem>>
    tpu.wait_dma2 semaphore(%arg13 : memref<!tpu.dma_semaphore, #tpu.memory_space<semaphore_mem>>) src(%dma_wait3A_554 : memref<4096xf32, #tpu.memory_space<vmem>>) dst(%dma_wait3A_552 : memref<4096xf32, #tpu.memory_space<hbm>>)
    %add3A_555 = arith.constant 262144 : i32
    %add3A_556 = arith.addi %add3A_538, %add3A_555 : i32
    %dma_wait3A_557 = arith.constant 8192 : i32
    %dma_wait3A_558 = tpu.memref_slice %arg9[%dma_wait3A_557] : memref<32768xf32, #tpu.memory_space<vmem>> -> memref<4096xf32, #tpu.memory_space<vmem>>
    %dma_wait3A_559 = tpu.memref_slice %arg4[%add3A_556] : memref<26214400xf32, #tpu.memory_space<hbm>> -> memref<4096xf32, #tpu.memory_space<hbm>>
    %dma_wait3A_560 = tpu.memref_slice %arg4[%add3A_556] : memref<26214400xf32, #tpu.memory_space<hbm>> -> memref<4096xf32, #tpu.memory_space<hbm>>
    %dma_wait3A_561 = arith.constant 8192 : i32
    %dma_wait3A_562 = tpu.memref_slice %arg9[%dma_wait3A_561] : memref<32768xf32, #tpu.memory_space<vmem>> -> memref<4096xf32, #tpu.memory_space<vmem>>
    tpu.wait_dma2 semaphore(%arg13 : memref<!tpu.dma_semaphore, #tpu.memory_space<semaphore_mem>>) src(%dma_wait3A_562 : memref<4096xf32, #tpu.memory_space<vmem>>) dst(%dma_wait3A_560 : memref<4096xf32, #tpu.memory_space<hbm>>)
    %add3A_563 = arith.constant 393216 : i32
    %add3A_564 = arith.addi %add3A_538, %add3A_563 : i32
    %dma_wait3A_565 = arith.constant 12288 : i32
    %dma_wait3A_566 = tpu.memref_slice %arg9[%dma_wait3A_565] : memref<32768xf32, #tpu.memory_space<vmem>> -> memref<4096xf32, #tpu.memory_space<vmem>>
    %dma_wait3A_567 = tpu.memref_slice %arg4[%add3A_564] : memref<26214400xf32, #tpu.memory_space<hbm>> -> memref<4096xf32, #tpu.memory_space<hbm>>
    %dma_wait3A_568 = tpu.memref_slice %arg4[%add3A_564] : memref<26214400xf32, #tpu.memory_space<hbm>> -> memref<4096xf32, #tpu.memory_space<hbm>>
    %dma_wait3A_569 = arith.constant 12288 : i32
    %dma_wait3A_570 = tpu.memref_slice %arg9[%dma_wait3A_569] : memref<32768xf32, #tpu.memory_space<vmem>> -> memref<4096xf32, #tpu.memory_space<vmem>>
    tpu.wait_dma2 semaphore(%arg13 : memref<!tpu.dma_semaphore, #tpu.memory_space<semaphore_mem>>) src(%dma_wait3A_570 : memref<4096xf32, #tpu.memory_space<vmem>>) dst(%dma_wait3A_568 : memref<4096xf32, #tpu.memory_space<hbm>>)
    %add3A_571 = arith.constant 524288 : i32
    %add3A_572 = arith.addi %add3A_538, %add3A_571 : i32
    %dma_wait3A_573 = arith.constant 16384 : i32
    %dma_wait3A_574 = tpu.memref_slice %arg9[%dma_wait3A_573] : memref<32768xf32, #tpu.memory_space<vmem>> -> memref<4096xf32, #tpu.memory_space<vmem>>
    %dma_wait3A_575 = tpu.memref_slice %arg4[%add3A_572] : memref<26214400xf32, #tpu.memory_space<hbm>> -> memref<4096xf32, #tpu.memory_space<hbm>>
    %dma_wait3A_576 = tpu.memref_slice %arg4[%add3A_572] : memref<26214400xf32, #tpu.memory_space<hbm>> -> memref<4096xf32, #tpu.memory_space<hbm>>
    %dma_wait3A_577 = arith.constant 16384 : i32
    %dma_wait3A_578 = tpu.memref_slice %arg9[%dma_wait3A_577] : memref<32768xf32, #tpu.memory_space<vmem>> -> memref<4096xf32, #tpu.memory_space<vmem>>
    tpu.wait_dma2 semaphore(%arg13 : memref<!tpu.dma_semaphore, #tpu.memory_space<semaphore_mem>>) src(%dma_wait3A_578 : memref<4096xf32, #tpu.memory_space<vmem>>) dst(%dma_wait3A_576 : memref<4096xf32, #tpu.memory_space<hbm>>)
    %add3A_579 = arith.constant 655360 : i32
    %add3A_580 = arith.addi %add3A_538, %add3A_579 : i32
    %dma_wait3A_581 = arith.constant 20480 : i32
    %dma_wait3A_582 = tpu.memref_slice %arg9[%dma_wait3A_581] : memref<32768xf32, #tpu.memory_space<vmem>> -> memref<4096xf32, #tpu.memory_space<vmem>>
    %dma_wait3A_583 = tpu.memref_slice %arg4[%add3A_580] : memref<26214400xf32, #tpu.memory_space<hbm>> -> memref<4096xf32, #tpu.memory_space<hbm>>
    %dma_wait3A_584 = tpu.memref_slice %arg4[%add3A_580] : memref<26214400xf32, #tpu.memory_space<hbm>> -> memref<4096xf32, #tpu.memory_space<hbm>>
    %dma_wait3A_585 = arith.constant 20480 : i32
    %dma_wait3A_586 = tpu.memref_slice %arg9[%dma_wait3A_585] : memref<32768xf32, #tpu.memory_space<vmem>> -> memref<4096xf32, #tpu.memory_space<vmem>>
    tpu.wait_dma2 semaphore(%arg13 : memref<!tpu.dma_semaphore, #tpu.memory_space<semaphore_mem>>) src(%dma_wait3A_586 : memref<4096xf32, #tpu.memory_space<vmem>>) dst(%dma_wait3A_584 : memref<4096xf32, #tpu.memory_space<hbm>>)
    %add3A_587 = arith.constant 786432 : i32
    %add3A_588 = arith.addi %add3A_538, %add3A_587 : i32
    %dma_wait3A_589 = arith.constant 24576 : i32
    %dma_wait3A_590 = tpu.memref_slice %arg9[%dma_wait3A_589] : memref<32768xf32, #tpu.memory_space<vmem>> -> memref<4096xf32, #tpu.memory_space<vmem>>
    %dma_wait3A_591 = tpu.memref_slice %arg4[%add3A_588] : memref<26214400xf32, #tpu.memory_space<hbm>> -> memref<4096xf32, #tpu.memory_space<hbm>>
    %dma_wait3A_592 = tpu.memref_slice %arg4[%add3A_588] : memref<26214400xf32, #tpu.memory_space<hbm>> -> memref<4096xf32, #tpu.memory_space<hbm>>
    %dma_wait3A_593 = arith.constant 24576 : i32
    %dma_wait3A_594 = tpu.memref_slice %arg9[%dma_wait3A_593] : memref<32768xf32, #tpu.memory_space<vmem>> -> memref<4096xf32, #tpu.memory_space<vmem>>
    tpu.wait_dma2 semaphore(%arg13 : memref<!tpu.dma_semaphore, #tpu.memory_space<semaphore_mem>>) src(%dma_wait3A_594 : memref<4096xf32, #tpu.memory_space<vmem>>) dst(%dma_wait3A_592 : memref<4096xf32, #tpu.memory_space<hbm>>)
    %add3A_595 = arith.constant 917504 : i32
    %add3A_596 = arith.addi %add3A_538, %add3A_595 : i32
    %dma_wait3A_597 = arith.constant 28672 : i32
    %dma_wait3A_598 = tpu.memref_slice %arg9[%dma_wait3A_597] : memref<32768xf32, #tpu.memory_space<vmem>> -> memref<4096xf32, #tpu.memory_space<vmem>>
    %dma_wait3A_599 = tpu.memref_slice %arg4[%add3A_596] : memref<26214400xf32, #tpu.memory_space<hbm>> -> memref<4096xf32, #tpu.memory_space<hbm>>
    %dma_wait3A_600 = tpu.memref_slice %arg4[%add3A_596] : memref<26214400xf32, #tpu.memory_space<hbm>> -> memref<4096xf32, #tpu.memory_space<hbm>>
    %dma_wait3A_601 = arith.constant 28672 : i32
    %dma_wait3A_602 = tpu.memref_slice %arg9[%dma_wait3A_601] : memref<32768xf32, #tpu.memory_space<vmem>> -> memref<4096xf32, #tpu.memory_space<vmem>>
    tpu.wait_dma2 semaphore(%arg13 : memref<!tpu.dma_semaphore, #tpu.memory_space<semaphore_mem>>) src(%dma_wait3A_602 : memref<4096xf32, #tpu.memory_space<vmem>>) dst(%dma_wait3A_600 : memref<4096xf32, #tpu.memory_space<hbm>>)
    %add3A_603 = arith.constant 768 : i32
    %add3A_604 = arith.addi %add3A_603, %add3A : i32
    %jit3A_605 = arith.constant 32 : i32
    %div3A_606 = arith.divsi %add3A_604, %jit3A_605 : i32
    %sign3A_607 = arith.constant 0 : i32
    %sign3A_608 = arith.cmpi sgt, %add3A_604, %sign3A_607 : i32
    %sign3A_609 = arith.extui %sign3A_608 : i1 to i32
    %sign3A_610 = arith.constant 0 : i32
    %sign3A_611 = arith.cmpi slt, %add3A_604, %sign3A_610 : i32
    %sign3A_612 = arith.extui %sign3A_611 : i1 to i32
    %sign3A_613 = arith.subi %sign3A_609, %sign3A_612 : i32
    %sign3A_614 = arith.constant 0 : i32
    %sign3A_615 = arith.cmpi sgt, %jit3A_605, %sign3A_614 : i32
    %sign3A_616 = arith.extui %sign3A_615 : i1 to i32
    %sign3A_617 = arith.constant 0 : i32
    %sign3A_618 = arith.cmpi slt, %jit3A_605, %sign3A_617 : i32
    %sign3A_619 = arith.extui %sign3A_618 : i1 to i32
    %sign3A_620 = arith.subi %sign3A_616, %sign3A_619 : i32
    %ne3A_621 = arith.cmpi ne, %sign3A_613, %sign3A_620 : i32
    %rem3A_622 = arith.remsi %add3A_604, %jit3A_605 : i32
    %ne3A_623 = arith.constant 0 : i32
    %ne3A_624 = arith.cmpi ne, %rem3A_622, %ne3A_623 : i32
    %and3A_625 = arith.andi %ne3A_621, %ne3A_624 : i1
    %sub3A_626 = arith.constant 1 : i32
    %sub3A_627 = arith.subi %div3A_606, %sub3A_626 : i32
    %select_n3A_628 = arith.select %and3A_625, %sub3A_627, %div3A_606 : i32
    %jit3A_629 = arith.constant 32 : i32
    %eq3A_630 = arith.constant 0 : i32
    %eq3A_631 = arith.cmpi eq, %jit3A_629, %eq3A_630 : i32
    %jit3A_632 = arith.constant 1 : i32
    %select_n3A_633 = arith.select %eq3A_631, %jit3A_632, %jit3A_629 : i32
    %rem3A_634 = arith.remsi %add3A_604, %select_n3A_633 : i32
    %ne3A_635 = arith.constant 0 : i32
    %ne3A_636 = arith.cmpi ne, %rem3A_634, %ne3A_635 : i32
    %lt3A_637 = arith.constant 0 : i32
    %lt3A_638 = arith.cmpi slt, %rem3A_634, %lt3A_637 : i32
    %lt3A_639 = arith.constant 0 : i32
    %lt3A_640 = arith.cmpi slt, %select_n3A_633, %lt3A_639 : i32
    %ne3A_641 = arith.xori %lt3A_638, %lt3A_640 : i1
    %and3A_642 = arith.andi %ne3A_641, %ne3A_636 : i1
    %add3A_643 = arith.addi %rem3A_634, %select_n3A_633 : i32
    %select_n3A_644 = arith.select %and3A_642, %add3A_643, %rem3A_634 : i32
    %mul3A_645 = arith.constant 8 : i32
    %mul3A_646 = arith.muli %select_n3A_628, %mul3A_645 : i32
    %mul3A_647 = arith.constant 131072 : i32
    %mul3A_648 = arith.muli %mul3A_646, %mul3A_647 : i32
    %mul3A_649 = arith.constant 4096 : i32
    %mul3A_650 = arith.muli %select_n3A_644, %mul3A_649 : i32
    %add3A_651 = arith.addi %mul3A_648, %mul3A_650 : i32
    %add3A_652 = arith.constant 0 : i32
    %add3A_653 = arith.addi %add3A_651, %add3A_652 : i32
    %dma_wait3A_654 = arith.constant 0 : i32
    %dma_wait3A_655 = tpu.memref_slice %arg8[%dma_wait3A_654] : memref<32768xf32, #tpu.memory_space<vmem>> -> memref<4096xf32, #tpu.memory_space<vmem>>
    %dma_wait3A_656 = tpu.memref_slice %arg4[%add3A_653] : memref<26214400xf32, #tpu.memory_space<hbm>> -> memref<4096xf32, #tpu.memory_space<hbm>>
    %dma_wait3A_657 = tpu.memref_slice %arg4[%add3A_653] : memref<26214400xf32, #tpu.memory_space<hbm>> -> memref<4096xf32, #tpu.memory_space<hbm>>
    %dma_wait3A_658 = arith.constant 0 : i32
    %dma_wait3A_659 = tpu.memref_slice %arg8[%dma_wait3A_658] : memref<32768xf32, #tpu.memory_space<vmem>> -> memref<4096xf32, #tpu.memory_space<vmem>>
    tpu.wait_dma2 semaphore(%arg12 : memref<!tpu.dma_semaphore, #tpu.memory_space<semaphore_mem>>) src(%dma_wait3A_659 : memref<4096xf32, #tpu.memory_space<vmem>>) dst(%dma_wait3A_657 : memref<4096xf32, #tpu.memory_space<hbm>>)
    %add3A_660 = arith.constant 131072 : i32
    %add3A_661 = arith.addi %add3A_651, %add3A_660 : i32
    %dma_wait3A_662 = arith.constant 4096 : i32
    %dma_wait3A_663 = tpu.memref_slice %arg8[%dma_wait3A_662] : memref<32768xf32, #tpu.memory_space<vmem>> -> memref<4096xf32, #tpu.memory_space<vmem>>
    %dma_wait3A_664 = tpu.memref_slice %arg4[%add3A_661] : memref<26214400xf32, #tpu.memory_space<hbm>> -> memref<4096xf32, #tpu.memory_space<hbm>>
    %dma_wait3A_665 = tpu.memref_slice %arg4[%add3A_661] : memref<26214400xf32, #tpu.memory_space<hbm>> -> memref<4096xf32, #tpu.memory_space<hbm>>
    %dma_wait3A_666 = arith.constant 4096 : i32
    %dma_wait3A_667 = tpu.memref_slice %arg8[%dma_wait3A_666] : memref<32768xf32, #tpu.memory_space<vmem>> -> memref<4096xf32, #tpu.memory_space<vmem>>
    tpu.wait_dma2 semaphore(%arg12 : memref<!tpu.dma_semaphore, #tpu.memory_space<semaphore_mem>>) src(%dma_wait3A_667 : memref<4096xf32, #tpu.memory_space<vmem>>) dst(%dma_wait3A_665 : memref<4096xf32, #tpu.memory_space<hbm>>)
    %add3A_668 = arith.constant 262144 : i32
    %add3A_669 = arith.addi %add3A_651, %add3A_668 : i32
    %dma_wait3A_670 = arith.constant 8192 : i32
    %dma_wait3A_671 = tpu.memref_slice %arg8[%dma_wait3A_670] : memref<32768xf32, #tpu.memory_space<vmem>> -> memref<4096xf32, #tpu.memory_space<vmem>>
    %dma_wait3A_672 = tpu.memref_slice %arg4[%add3A_669] : memref<26214400xf32, #tpu.memory_space<hbm>> -> memref<4096xf32, #tpu.memory_space<hbm>>
    %dma_wait3A_673 = tpu.memref_slice %arg4[%add3A_669] : memref<26214400xf32, #tpu.memory_space<hbm>> -> memref<4096xf32, #tpu.memory_space<hbm>>
    %dma_wait3A_674 = arith.constant 8192 : i32
    %dma_wait3A_675 = tpu.memref_slice %arg8[%dma_wait3A_674] : memref<32768xf32, #tpu.memory_space<vmem>> -> memref<4096xf32, #tpu.memory_space<vmem>>
    tpu.wait_dma2 semaphore(%arg12 : memref<!tpu.dma_semaphore, #tpu.memory_space<semaphore_mem>>) src(%dma_wait3A_675 : memref<4096xf32, #tpu.memory_space<vmem>>) dst(%dma_wait3A_673 : memref<4096xf32, #tpu.memory_space<hbm>>)
    %add3A_676 = arith.constant 393216 : i32
    %add3A_677 = arith.addi %add3A_651, %add3A_676 : i32
    %dma_wait3A_678 = arith.constant 12288 : i32
    %dma_wait3A_679 = tpu.memref_slice %arg8[%dma_wait3A_678] : memref<32768xf32, #tpu.memory_space<vmem>> -> memref<4096xf32, #tpu.memory_space<vmem>>
    %dma_wait3A_680 = tpu.memref_slice %arg4[%add3A_677] : memref<26214400xf32, #tpu.memory_space<hbm>> -> memref<4096xf32, #tpu.memory_space<hbm>>
    %dma_wait3A_681 = tpu.memref_slice %arg4[%add3A_677] : memref<26214400xf32, #tpu.memory_space<hbm>> -> memref<4096xf32, #tpu.memory_space<hbm>>
    %dma_wait3A_682 = arith.constant 12288 : i32
    %dma_wait3A_683 = tpu.memref_slice %arg8[%dma_wait3A_682] : memref<32768xf32, #tpu.memory_space<vmem>> -> memref<4096xf32, #tpu.memory_space<vmem>>
    tpu.wait_dma2 semaphore(%arg12 : memref<!tpu.dma_semaphore, #tpu.memory_space<semaphore_mem>>) src(%dma_wait3A_683 : memref<4096xf32, #tpu.memory_space<vmem>>) dst(%dma_wait3A_681 : memref<4096xf32, #tpu.memory_space<hbm>>)
    %add3A_684 = arith.constant 524288 : i32
    %add3A_685 = arith.addi %add3A_651, %add3A_684 : i32
    %dma_wait3A_686 = arith.constant 16384 : i32
    %dma_wait3A_687 = tpu.memref_slice %arg8[%dma_wait3A_686] : memref<32768xf32, #tpu.memory_space<vmem>> -> memref<4096xf32, #tpu.memory_space<vmem>>
    %dma_wait3A_688 = tpu.memref_slice %arg4[%add3A_685] : memref<26214400xf32, #tpu.memory_space<hbm>> -> memref<4096xf32, #tpu.memory_space<hbm>>
    %dma_wait3A_689 = tpu.memref_slice %arg4[%add3A_685] : memref<26214400xf32, #tpu.memory_space<hbm>> -> memref<4096xf32, #tpu.memory_space<hbm>>
    %dma_wait3A_690 = arith.constant 16384 : i32
    %dma_wait3A_691 = tpu.memref_slice %arg8[%dma_wait3A_690] : memref<32768xf32, #tpu.memory_space<vmem>> -> memref<4096xf32, #tpu.memory_space<vmem>>
    tpu.wait_dma2 semaphore(%arg12 : memref<!tpu.dma_semaphore, #tpu.memory_space<semaphore_mem>>) src(%dma_wait3A_691 : memref<4096xf32, #tpu.memory_space<vmem>>) dst(%dma_wait3A_689 : memref<4096xf32, #tpu.memory_space<hbm>>)
    %add3A_692 = arith.constant 655360 : i32
    %add3A_693 = arith.addi %add3A_651, %add3A_692 : i32
    %dma_wait3A_694 = arith.constant 20480 : i32
    %dma_wait3A_695 = tpu.memref_slice %arg8[%dma_wait3A_694] : memref<32768xf32, #tpu.memory_space<vmem>> -> memref<4096xf32, #tpu.memory_space<vmem>>
    %dma_wait3A_696 = tpu.memref_slice %arg4[%add3A_693] : memref<26214400xf32, #tpu.memory_space<hbm>> -> memref<4096xf32, #tpu.memory_space<hbm>>
    %dma_wait3A_697 = tpu.memref_slice %arg4[%add3A_693] : memref<26214400xf32, #tpu.memory_space<hbm>> -> memref<4096xf32, #tpu.memory_space<hbm>>
    %dma_wait3A_698 = arith.constant 20480 : i32
    %dma_wait3A_699 = tpu.memref_slice %arg8[%dma_wait3A_698] : memref<32768xf32, #tpu.memory_space<vmem>> -> memref<4096xf32, #tpu.memory_space<vmem>>
    tpu.wait_dma2 semaphore(%arg12 : memref<!tpu.dma_semaphore, #tpu.memory_space<semaphore_mem>>) src(%dma_wait3A_699 : memref<4096xf32, #tpu.memory_space<vmem>>) dst(%dma_wait3A_697 : memref<4096xf32, #tpu.memory_space<hbm>>)
    %add3A_700 = arith.constant 786432 : i32
    %add3A_701 = arith.addi %add3A_651, %add3A_700 : i32
    %dma_wait3A_702 = arith.constant 24576 : i32
    %dma_wait3A_703 = tpu.memref_slice %arg8[%dma_wait3A_702] : memref<32768xf32, #tpu.memory_space<vmem>> -> memref<4096xf32, #tpu.memory_space<vmem>>
    %dma_wait3A_704 = tpu.memref_slice %arg4[%add3A_701] : memref<26214400xf32, #tpu.memory_space<hbm>> -> memref<4096xf32, #tpu.memory_space<hbm>>
    %dma_wait3A_705 = tpu.memref_slice %arg4[%add3A_701] : memref<26214400xf32, #tpu.memory_space<hbm>> -> memref<4096xf32, #tpu.memory_space<hbm>>
    %dma_wait3A_706 = arith.constant 24576 : i32
    %dma_wait3A_707 = tpu.memref_slice %arg8[%dma_wait3A_706] : memref<32768xf32, #tpu.memory_space<vmem>> -> memref<4096xf32, #tpu.memory_space<vmem>>
    tpu.wait_dma2 semaphore(%arg12 : memref<!tpu.dma_semaphore, #tpu.memory_space<semaphore_mem>>) src(%dma_wait3A_707 : memref<4096xf32, #tpu.memory_space<vmem>>) dst(%dma_wait3A_705 : memref<4096xf32, #tpu.memory_space<hbm>>)
    %add3A_708 = arith.constant 917504 : i32
    %add3A_709 = arith.addi %add3A_651, %add3A_708 : i32
    %dma_wait3A_710 = arith.constant 28672 : i32
    %dma_wait3A_711 = tpu.memref_slice %arg8[%dma_wait3A_710] : memref<32768xf32, #tpu.memory_space<vmem>> -> memref<4096xf32, #tpu.memory_space<vmem>>
    %dma_wait3A_712 = tpu.memref_slice %arg4[%add3A_709] : memref<26214400xf32, #tpu.memory_space<hbm>> -> memref<4096xf32, #tpu.memory_space<hbm>>
    %dma_wait3A_713 = tpu.memref_slice %arg4[%add3A_709] : memref<26214400xf32, #tpu.memory_space<hbm>> -> memref<4096xf32, #tpu.memory_space<hbm>>
    %dma_wait3A_714 = arith.constant 28672 : i32
    %dma_wait3A_715 = tpu.memref_slice %arg8[%dma_wait3A_714] : memref<32768xf32, #tpu.memory_space<vmem>> -> memref<4096xf32, #tpu.memory_space<vmem>>
    tpu.wait_dma2 semaphore(%arg12 : memref<!tpu.dma_semaphore, #tpu.memory_space<semaphore_mem>>) src(%dma_wait3A_715 : memref<4096xf32, #tpu.memory_space<vmem>>) dst(%dma_wait3A_713 : memref<4096xf32, #tpu.memory_space<hbm>>)
    return
  }
}

</mosaic_0001>

<sc_bundles>
// kernel: kernel.3.cloned.1.call-start
scs
__scs_entry_jumppad:
0x0: {  	(pc) =	sbr.rel $0x88, $3  }
0x1: {  	(tag) =	ssettag $0x0;
	lr =	simm.s32 $0x1  }
0x2: {  	[smem:$0x3F9F] =	sst lr;
	_ =	strace $0xD0000000  }
0x3: {  	_ = 	snop  }
0x4: {  	_ = 	snop  }
0x5: {  	_ = 	snop  }
0x6: {  	_ = 	snop  }
0x7: {  	_ = 	snop  }
__scs_overlays_trampoline_lowered:
0x8: {  	[smem:$0x3FAE] =	sst s0  }
0x9: {  	[smem:$0x3FAF] =	sst s1  }
0xa: {  	[smem:$0x3FB0] =	sst s2  }
0xb: {  	[smem:$0x3FB1] =	sst s3  }
0xc: {  	[smem:$0x3FB2] =	sst s4  }
0xd: {  	[smem:$0x3FB3] =	sst s5  }
0xe: {  	[smem:$0x3FB4] =	sst s6  }
0xf: {  	[smem:$0x3FB5] =	sst s7  }
0x10: {  	[smem:$0x3FB6] =	sst s8  }
0x11: {  	[smem:$0x3FB7] =	sst s9;
	s0 =	simm.s32 @!p0 $0x0  }
0x12: {  	s1 =	sld [smem:$0x3F9D];
	s0 =	simm.s32 @p0 $0x1  }
0x13: {  	[smem:$0x3FB8] =	sst s0;
	s0 =	simm.s32 @!p1 $0x0  }
0x14: {  	s2 =	sld [smem:$0x3F9C];
	s0 =	simm.s32 @p1 $0x1  }
0x15: {  	[smem:$0x3FB9] =	sst s0;
	s0 =	simm.s32 @!p2 $0x0  }
0x16: {  	s3 =	sld [smem:$0x3FDB];
	s0 =	simm.s32 @p2 $0x1  }
0x17: {  	s4 =	simm.s32 $0x1BF5;
	[smem:$0x3FBB] =	sst s0  }
0x18: {  	s0 =	sld [smem:$0x3F9E];
	_ =	swait.ge [sflag:s4], $0x0  }
0x19: {  	s7 =	sld [smem:$0x3F9F]  }
0x1a: {  	s8 =	sadd.s32 $0xFFFFE003, lr  }
0x1b: {  	s9 =	sadd.s32 $0xFFFFFEF7, lr;
	s5 =	simm.s32 $0xFFFFFFFF;
	p2 =	slt.u32 s8, $0xFFFFF086  }
0x1c: {  	p1 =	slt.u32 s9, $0xF7A;
	s5 =	simm.s32 @!p2 $0x0  }
0x1d: {  	s5 =	simm.s32 @p1 $0x1;
	p0 =	seq.s32 s7, s2  }
0x1e: {  	s7 =	smul.u32 @!p0 $0xF7A, s2;
	p2 =	seq.s32 @!p0 s5, $0x0  }
0x1f: {  	s9 =	smul.u32 $0xF7A, s1;
	s8 =	simm.s32 @!p0 $0x1BF5;
	p2 =	por !p2, p0  }
0x20: {  	[sflag:s8] =	ssyncset.s32 @!p0 $0xFFFFF086;
	s6 =	sadd.s32 @!p0 s3, s7;
	s7 =	simm.s32 @!p0 $0x108  }
0x21: {  	s3 =	sadd.s32 s3, s9;
	s6 =	sadd.s32 @!p0 $0x88, s6;
	s7 =	simm.s32 @p2 $0x1082  }
0x22: {  	[simem:s7], [sflag:s8] =	dma.local @!p0 [hbm:s6], $0xF7A  }
0x23: {  	s9 =	sor.u32 $0xD0000000, s2;
	s6 =	simm.s32 $0x108;
	_ =	swait.ge @!p0 [sflag:s8], $0x0  }
0x24: {  	s3 =	sadd.s32 $0x88, s3;
	s6 =	simm.s32 @!p1 $0x1082;
	[sflag:s4] =	ssyncset.s32 $0xFFFFF086  }
0x25: {  	[simem:s6], [sflag:s4] =	dma.local [hbm:s3], $0xF7A  }
0x26: {  	[smem:$0x3F9F] =	sst s1;
	(tag) =	ssettag s2;
	_ =	strace s9  }
0x27: {  	s1 =	sld [smem:$0x3FAF]  }
0x28: {  	s2 =	sld [smem:$0x3FB0]  }
0x29: {  	s4 =	sld [smem:$0x3FB2]  }
0x2a: {  	p0 =	seq.s32 s5, $0x0;
	s5 =	sld [smem:$0x3FB3]  }
0x2b: {  	s6 =	sld [smem:$0x3FB4]  }
0x2c: {  	s7 =	sld [smem:$0x3FB5]  }
0x2d: {  	s3 =	simm.s32 $0x108;
	s8 =	sld [smem:$0x3FB6]  }
0x2e: {  	s3 =	simm.s32 @!p0 $0x1082;
	s9 =	sld [smem:$0x3FB7]  }
0x2f: {  	lr =	sadd.s32 s0, s3;
	s0 =	sld [smem:$0x3FAE]  }
0x30: {  	s3 =	sld [smem:$0x3FB1]  }
0x31: {  	[smem:$0x3FBA] =	sst s10  }
0x32: {  	s10 =	sld [smem:$0x3FB8];
	_ =	sdelay $0x3  }
0x33: {  	p0 =	seq.s32 s10, $0x1;
	s10 =	sld [smem:$0x3FBA];
	_ =	sdelay $0x3  }
0x34: {  	[smem:$0x3FBA] =	sst s10  }
0x35: {  	s10 =	sld [smem:$0x3FB9];
	_ =	sdelay $0x3  }
0x36: {  	p1 =	seq.s32 s10, $0x1;
	s10 =	sld [smem:$0x3FBA];
	_ =	sdelay $0x3  }
0x37: {  	[smem:$0x3FBA] =	sst s10  }
0x38: {  	s10 =	sld [smem:$0x3FBB]  }
0x39: {  	_ = 	snop;
	(pc) =	sbr.ind lr, $3  }
0x3a: {  	_ = 	snop  }
0x3b: {  	_ = 	snop  }
0x3c: {  	p2 =	seq.s32 s10, $0x1;
	s10 =	sld [smem:$0x3FBA]  }
0x3d: {  	_ =	shalt  }
0x3e: {  	_ =	shalt  }
0x3f: {  	_ =	shalt  }
0x40: {  	_ =	shalt  }
0x41: {  	_ =	shalt  }
0x42: {  	_ =	shalt  }
0x43: {  	_ =	shalt  }
0x44: {  	_ =	shalt  }
0x45: {  	_ =	shalt  }
0x46: {  	_ =	shalt  }
0x47: {  	_ =	shalt  }
0x48: {  	_ =	shalt  }
0x49: {  	_ =	shalt  }
0x4a: {  	_ =	shalt  }
0x4b: {  	_ =	shalt  }
0x4c: {  	_ =	shalt  }
0x4d: {  	_ =	shalt  }
0x4e: {  	_ =	shalt  }
0x4f: {  	_ =	shalt  }
0x50: {  	_ =	shalt  }
0x51: {  	_ =	shalt  }
0x52: {  	_ =	shalt  }
0x53: {  	_ =	shalt  }
0x54: {  	_ =	shalt  }
0x55: {  	_ =	shalt  }
0x56: {  	_ =	shalt  }
0x57: {  	_ =	shalt  }
0x58: {  	_ =	shalt  }
0x59: {  	_ =	shalt  }
0x5a: {  	_ =	shalt  }
0x5b: {  	_ =	shalt  }
0x5c: {  	_ =	shalt  }
0x5d: {  	_ =	shalt  }
0x5e: {  	_ =	shalt  }
0x5f: {  	_ =	shalt  }
0x60: {  	_ =	shalt  }
0x61: {  	_ =	shalt  }
0x62: {  	_ =	shalt  }
0x63: {  	_ =	shalt  }
0x64: {  	_ =	shalt  }
0x65: {  	_ =	shalt  }
0x66: {  	_ =	shalt  }
0x67: {  	_ =	shalt  }
0x68: {  	_ =	shalt  }
0x69: {  	_ =	shalt  }
0x6a: {  	_ =	shalt  }
0x6b: {  	_ =	shalt  }
0x6c: {  	_ =	shalt  }
0x6d: {  	_ =	shalt  }
0x6e: {  	_ =	shalt  }
0x6f: {  	_ =	shalt  }
0x70: {  	_ =	shalt  }
0x71: {  	_ =	shalt  }
0x72: {  	_ =	shalt  }
0x73: {  	_ =	shalt  }
0x74: {  	_ =	shalt  }
0x75: {  	_ =	shalt  }
0x76: {  	_ =	shalt  }
0x77: {  	_ =	shalt  }
0x78: {  	_ =	shalt  }
0x79: {  	_ =	shalt  }
0x7a: {  	_ =	shalt  }
0x7b: {  	_ =	shalt  }
0x7c: {  	_ =	shalt  }
0x7d: {  	_ =	shalt  }
0x7e: {  	_ =	shalt  }
0x7f: {  	_ =	shalt  }
0x80: {  	_ =	shalt  }
0x81: {  	_ =	shalt  }
0x82: {  	_ =	shalt  }
0x83: {  	_ =	shalt  }
0x84: {  	_ =	shalt  }
0x85: {  	_ =	shalt  }
0x86: {  	_ =	shalt  }
0x87: {  	_ =	shalt  }
.Lfunc_end0:
.L_simem_size_0:
called_computation_lowered:
.L_overlay_start_0:
0x88: {  	s2 =	sld [smem:$0x3FD9]  }
0x89: {  	s3 =	sld [smem:$0x3FFE];
	_ =	sdelay $0x1  }
0x8a: {  	s1 =	srdreg.scid  }
0x8b: {  	s0 =	sand.u32 $0x1, s1  }
0x8c: {  	s17 =	sshll.u32 s0, $0xA;
	s2 =	sadd.s32 s3, s2  }
0x8d: {  	s2 =	sadd.s32 s2, s17  }
0x8e: {  	[smem:$0x3FC6] =	sst s2  }
0x8f: {  	_ = 	snop  }
0x90: {  	s2 =	sld [smem:$0x3FC9]  }
0x91: {  	s18 =	sld [smem:$0x3FD0];
	(tm) =	ssettm $0x1  }
0x92: {  	s4 =	sld [smem:$0x3FFB];
	_ =	sdelay $0x3  }
0x93: {  	_ =	strace s4  }
0x94: {  	s4 =	sld [smem:$0x3FFC];
	_ =	sdelay $0x3  }
0x95: {  	_ =	strace s4  }
0x96: {  	s4 =	sld [smem:$0x3FFD];
	_ =	sdelay $0x3  }
0x97: {  	_ =	strace s4  }
0x98: {  	_ =	strace $0x8FFFFFFF  }
0x99: {  	s19 =	sld [smem:$0x3FDB];
	_ =	sdelay $0x1  }
0x9a: {  	s5 =	simm.s32 $_scs_section_size  }
0x9b: {  	s6 =	simm.s32 $_size__tile_overlayer_lowered;
	s7 =	simm.s32 $_tile_overlayer_lowered  }
0x9c: {  	s22 =	simm.s32 $0x1BFF;
	s21 =	sshll.u32 s7, $0x1;
	s4 =	sadd.s32 s5, s19  }
0x9d: {  	s8 =	simm.s32 $0x0;
	s20 =	sshll.u32 s6, $0x1;
	s6 =	sadd.s32 s21, s4  }
0x9e: {  	[timem:s8], [sflag:s22] =	dma.local [hbm:s6], s20  }
0x9f: {  	_ =	swait.ge [sflag:s22], s20  }
0xa0: {  	s5 =	ssub.s32 $0x0, s20;
	[sflag:s22] =	ssyncset.done $0x0  }
0xa1: {  	[sflag:s22] =	ssyncadd.s32 s5;
	_ =	sdelay $0x1  }
0xa2: {  	s23 =	simm.s32 $0x1B8B  }
0xa3: {  	_ =	swait.ge [sflag:s23], $0x1  }
0xa4: {  	[sflag:s23] =	ssyncset.done $0x0  }
0xa5: {  	s25 =	simm.s32 $0x1B8E;
	s24 =	sld [smem:$0x3FFE];
	[sflag:s23] =	ssyncadd.s32 $0xFFFFFFFF  }
0xa6: {  	s26 =	simm.s32 $execute0_lowered;
	[smem:$0x3FD2] =	sst s25  }
0xa7: {  	s6 =	sshll.u32 s26, $0x1;
	_ =	strace $0x80000046;
	[dreg:$0x1] =	wrdreg $0xFFFFFFFF  }
0xa8: {  	s28 =	simm.s32 $_size_execute0_lowered;
	s4 =	sadd.s32 s4, s6;
	[dreg:$0x0] =	wrdreg $0x0  }
0xa9: {  	s6 =	sshll.u32 s28, $0x1;
	[dreg:$0x2] =	wrdreg s4  }
0xaa: {  	[dreg:$0x3] =	wrdreg s6  }
0xab: {  	[dreg:$0x4] =	wrdreg $0xC0  }
0xac: {  	_ =	task [dreg:s8], $0x5FFFF  }
0xad: {  	[dreg:$0x1] =	wrdreg $0xFFFFFFFF  }
0xae: {  	[dreg:$0x0] =	wrdreg $0x60  }
0xaf: {  	[dreg:$0x2] =	wrdreg s2  }
0xb0: {  	[dreg:$0x3] =	wrdreg s24  }
0xb1: {  	[dreg:$0x4] =	wrdreg s18  }
0xb2: {  	[dreg:$0x5] =	wrdreg $0x9  }
0xb3: {  	_ =	task.clear_ibuf [dreg:s8], $0x6FFFF;
	_ =	strace $0x90000046  }
0xb4: {  	s29 =	simm.s32 $0x9;
	_ =	strace $0x80000048  }
0xb5: {  	_ =	swait.ge [sflag:s29], $0x1  }
0xb6: {  	[sflag:s29] =	ssyncadd.s32 $0xFFFFFFFF  }
0xb7: {  	_ =	strace $0x90000048  }
0xb8: {  	_ =	sfence  }
0xb9: {  	s30 =	sld [smem:$0x0];
	_ =	sdelay $0x2  }
0xba: {  	s31 =	sshll.u32 s1, $0xD;
	s1 =	sshrl.u32 s1, $0x2  }
0xbb: {  	s3 =	sand.u32 $0x4000, s31;
	s1 =	sadd.s32 s1, s30  }
0xbc: {  	s0 =	sor.u32 s3, s0;
	s1 =	sshll.u32 s1, $0x11  }
0xbd: {  	s0 =	sor.u32 s1, s0  }
0xbe: {  	s0 =	sadd.s32 $0x8F2B, s0  }
0xbf: {  	[sflag:s0] =	ssyncadd.remote.s32 $0x1  }
0xc0: {  	_ =	sfence.sel $0xFFFF  }
0xc1: {  	[dreg:$0x0] =	wrdreg $0xFFFFFFFF;
	(pc) =	sbr.abs _section_cstart, $3  }
0xc2: {  	[dreg:$0x1] =	wrdreg $0xFFFFFFFF  }
0xc3: {  	_ =	task.clear_ibuf [dreg:s8], $0x2FFFF;
	_ =	strace $0x9FFFFFFF  }
0xc4: {  	(tm) =	ssettm $0x7FFFFFFF  }
0xc5: {  	_ =	shalt  }
tec
execute0_lowered:
.L_overlay_start_1:
0x0: {  	(tag) =	ssettag $0x1  }
0x1: {  	s1 =	rddreg [dreg:$0x0]  }
0x2: {  	s0 =	rddreg [dreg:$0x1]  }
0x3: {  	s3 =	rddreg [dreg:$0x2]  }
0x4: {  	s4 =	simm.s32 $0x0;
	s2 =	srdreg.scid;
	s5 =	stileid.u32  }
0x5: {  	[smem:$0x7FF] =	sst s4;
	s2 =	sand.u32 $0x1, s2;
	s5 =	sshll.u32 s5, $0x1  }
0x6: {  	s0 =	sadd.s32 $0x400, s0;
	s6 =	ssub.s32 $0x2, s2;
	s2 =	sor.u32 s2, s5  }
0x7: {  	s10 =	sadd.s32 $0x8000, s3;
	s11 =	sadd.s32 $0xC000, s3;
	s5 =	sshll.u32 s2, $0x9  }
0x8: {  	_ =	strace $0x80000047;
	[dreg:$0x4] =	wrdreg s0;
	s22 =	sadd.s32 s5, s10  }
0x9: {  	s12 =	sadd.s32 $0x10000, s3;
	s23 =	sadd.s32 s5, s11;
	[dreg:$0x9] =	wrdreg s22  }
0xa: {  	s16 =	sadd.s32 $0x14000, s3;
	s24 =	sadd.s32 s5, s12;
	[dreg:$0xa] =	wrdreg s23  }
0xb: {  	s17 =	sadd.s32 $0x18000, s3;
	s25 =	sadd.s32 s5, s16;
	[dreg:$0xb] =	wrdreg s24  }
0xc: {  	s26 =	sadd.s32 s5, s17;
	[dreg:$0xc] =	wrdreg s25  }
0xd: {  	s7 =	sadd.s32 s1, s5;
	s21 =	sor.u32 $0x4000, s5;
	[dreg:$0xd] =	wrdreg s26  }
0xe: {  	s20 =	sshrl.u32 s6, $0x1;
	s8 =	sadd.s32 s1, s21;
	[dreg:$0x5] =	wrdreg s7  }
0xf: {  	s0 =	ssub.s32 s6, s20;
	s6 =	sadd.s32 s3, s21;
	[dreg:$0x6] =	wrdreg s8  }
0x10: {  	s0 =	smax.u32 s0, $0x1;
	[dreg:$0x8] =	wrdreg s6  }
0x11: {  	s18 =	sadd.s32 $0x1C000, s3;
	s28 =	sadd.s32 $0x8000, s7;
	[dreg:$0xf] =	wrdreg s0  }
0x12: {  	s8 =	sadd.s32 s3, s5;
	s5 =	sadd.s32 s5, s18;
	[dreg:$0x10] =	wrdreg s28  }
0x13: {  	s22 =	sshll.u32 s2, $0xC;
	[dreg:$0xe] =	wrdreg s5  }
0x14: {  	s23 =	sor.u32 $0x40, s2;
	s30 =	sadd.s32 $0x20000, s8;
	[dreg:$0x7] =	wrdreg s8  }
0x15: {  	s25 =	sor.u32 $0x20, s2;
	s2 =	sadd.s32 $0x24000, s8;
	[dreg:$0x11] =	wrdreg s30  }
0x16: {  	s5 =	sadd.s32 $0x28000, s8;
	[dreg:$0x12] =	wrdreg s2  }
0x17: {  	s6 =	sadd.s32 $0x2C000, s8;
	[dreg:$0x13] =	wrdreg s5  }
0x18: {  	s7 =	sadd.s32 $0x30000, s8;
	[dreg:$0x14] =	wrdreg s6  }
0x19: {  	s9 =	sadd.s32 $0x34000, s8;
	[dreg:$0x15] =	wrdreg s7  }
0x1a: {  	s13 =	sadd.s32 $0x38000, s8;
	[dreg:$0x16] =	wrdreg s9  }
0x1b: {  	s14 =	sadd.s32 $0x3C000, s8;
	[dreg:$0x17] =	wrdreg s13  }
0x1c: {  	s15 =	sadd.s32 $0x300000, s8;
	[dreg:$0x18] =	wrdreg s14  }
0x1d: {  	s19 =	sadd.s32 $0x304000, s8;
	[dreg:$0x19] =	wrdreg s15  }
0x1e: {  	s20 =	sadd.s32 $0x308000, s8;
	[dreg:$0x1a] =	wrdreg s19  }
0x1f: {  	s21 =	sadd.s32 $0x30C000, s8;
	[dreg:$0x1b] =	wrdreg s20  }
0x20: {  	s24 =	sadd.s32 $0x310000, s8;
	[dreg:$0x1c] =	wrdreg s21  }
0x21: {  	s26 =	sadd.s32 $0x314000, s8;
	[dreg:$0x1d] =	wrdreg s24  }
0x22: {  	s29 =	simm.s32 $0x3;
	s28 =	sadd.s32 $0x318000, s8;
	[dreg:$0x1e] =	wrdreg s26  }
0x23: {  	s31 =	simm.s32 $0x1;
	v0 =	vlaneseq.u32;
	s9 =	sadd.s32 $0x4000, s3;
	[dreg:$0x1f] =	wrdreg s28  }
0x24: {  	v1 =	vor.u32 $0x640, v0;
	s30 =	sadd.s32 $0x31C000, s8;
	s13 =	simm.s32 $0x9200;
	s14 =	simm.s32 $0xA200  }
0x25: {  	v2 =	vor.u32 $0xC80, v0;
	v3 =	vor.u32 $0x12C0, v0;
	v4 =	vor.u32 $0x1900, v0;
	s15 =	simm.s32 $0xB200;
	s19 =	simm.s32 $0xC200;
	s20 =	simm.s32 $0x2  }
0x26: {  	v5 =	vor.u32 $0x1F40, v0;
	v6 =	vor.u32 $0x2580, v0;
	v7 =	vor.u32 $0x2BC0, v0;
	s26 =	simm.s32 $0x4;
	s2 =	simm.s32 $0x0;
	[smem:$0x7FD] =	sst s30  }
.LBB2_1:
0x27: {  	[smem:$0x7FC] =	sst s2  }
0x28: {  	s0 =	rddreg [dreg:$0x5];
	s30 =	simm.s32 $0x3200  }
0x29: {  	[tilespmem:s30], [sflag:$0x1] =	stream.linear.gather [hbm4b:s0+s4], $0x1000, $0x38;
	[tilespmem:$0x15200] =	vst v63  }
0x2a: {  	s2 =	rddreg [dreg:$0x4]  }
0x2b: {  	[tilespmem:s4], [sflag:$0x3] =	stream.linear.gather [hbm4b:s2+s4], $0x3200, $0x38;
	[tilespmem:$0x15200] =	vst v63  }
0x2c: {  	_ =	swait.ge [sflag:s29], $0x3200  }
0x2d: {  	[sflag:s29] =	ssyncset.done $0x0  }
0x2e: {  	s6 =	simm.s32 $0x4200;
	s5 =	rddreg [dreg:$0x6];
	[sflag:s29] =	ssyncadd.s32 $0xFFFFCE00  }
0x2f: {  	[tilespmem:s6], [sflag:$0x2] =	stream.linear.gather [hbm4b:s5+s4], $0x1000, $0x38;
	[tilespmem:$0x15200] =	vst v63  }
0x30: {  	_ =	swait.ge [sflag:s31], $0x1000  }
0x31: {  	[sflag:s31] =	ssyncset.done $0x0  }
0x32: {  	s7 =	simm.s32 $0x3240;
	[sflag:s31] =	ssyncadd.s32 $0xFFFFF000  }
0x33: {  	v8 =	vld [tilespmem:s7+$0x30]  }
0x34: {  	v9 =	vld [tilespmem:s7+$0xFFFFFFD0]  }
0x35: {  	v10 =	vld [tilespmem:s7+$0xFFFFFFE0]  }
0x36: {  	v13 =	vld [tilespmem:s7+$0xFFFFFFF0]  }
0x37: {  	v14 =	vld [tilespmem:s7+$0x0]  }
0x38: {  	v16 =	vld [tilespmem:s7+$0x10];
	v15 =	vshll.u32 v8, $0x4  }
0x39: {  	v17 =	vld [tilespmem:s7+$0x20];
	v11 =	vshll.u32 v9, $0x4;
	v18 =	vor.u32 v0, v15  }
0x3a: {  	v20 =	vld [tilespmem:s7+$0xFFFFFFC0];
	v12 =	vshll.u32 v10, $0x4;
	v19 =	vor.u32 v0, v11  }
0x3b: {  	s24 =	simm.s32 $0x32C0;
	v13 =	vshll.u32 v13, $0x4;
	v21 =	vor.u32 v0, v12  }
0x3c: {  	v53 =	vld [tilespmem:s24+$0x0];
	v8 =	vshll.u32 v14, $0x4;
	v22 =	vor.u32 v0, v13  }
0x3d: {  	v54 =	vld [tilespmem:s24+$0x10];
	v9 =	vshll.u32 v16, $0x4;
	v23 =	vor.u32 v0, v8  }
0x3e: {  	v10 =	vshll.u32 v17, $0x4;
	v16 =	vor.u32 v0, v9;
	v17 =	vld.idx.msk [tilespmem:v18+s4+$0x0], $0xffff  }
0x3f: {  	v14 =	vshll.u32 v20, $0x4;
	v18 =	vld.idx.msk [tilespmem:v19+s4+$0x0], $0xffff;
	v19 =	vor.u32 v0, v10  }
0x40: {  	v24 =	vor.u32 v0, v14;
	v20 =	vld.idx.msk [tilespmem:v21+s4+$0x0], $0xffff  }
0x41: {  	v21 =	vadd.s32 v1, v15;
	v22 =	vld.idx.msk [tilespmem:v22+s4+$0x0], $0xffff  }
0x42: {  	s8 =	sand.u32 $0x7000, s4;
	s21 =	sand.u32 $0xC00, s4;
	v25 =	vadd.s32 v1, v11;
	v23 =	vld.idx.msk [tilespmem:v23+s4+$0x0], $0xffff  }
0x43: {  	s6 =	sor.u32 s21, s8;
	v26 =	vadd.s32 v1, v12;
	v16 =	vld.idx.msk [tilespmem:v16+s4+$0x0], $0xffff  }
0x44: {  	v27 =	vadd.s32 v1, v13;
	v19 =	vld.idx.msk [tilespmem:v19+s4+$0x0], $0xffff;
	[tilespmem:s6+$0x5270] =	vst v17  }
0x45: {  	v28 =	vadd.s32 v1, v9;
	[tilespmem:s6+$0x5210] =	vst v18;
	v18 =	vld.idx.msk [tilespmem:v24+s4+$0x0], $0xffff  }
0x46: {  	v17 =	vadd.s32 v1, v8;
	[tilespmem:s6+$0x5220] =	vst v20;
	v21 =	vld.idx.msk [tilespmem:v21+s4+$0x0], $0xffff  }
0x47: {  	v61 =	vadd.s32 v1, v14;
	[tilespmem:s6+$0x5230] =	vst v22;
	v20 =	vld.idx.msk [tilespmem:v25+s4+$0x0], $0xffff  }
0x48: {  	v62 =	vadd.s32 v1, v10;
	[tilespmem:s6+$0x5240] =	vst v23;
	v22 =	vld.idx.msk [tilespmem:v26+s4+$0x0], $0xffff  }
0x49: {  	v60 =	vadd.s32 v2, v15;
	[tilespmem:s6+$0x5250] =	vst v16;
	v23 =	vld.idx.msk [tilespmem:v27+s4+$0x0], $0xffff  }
0x4a: {  	v63 =	vadd.s32 v2, v11;
	v28 =	vld.idx.msk [tilespmem:v28+s4+$0x0], $0xffff;
	[tilespmem:s6+$0x5200] =	vst v18  }
0x4b: {  	v16 =	vld.idx.msk [tilespmem:v17+s4+$0x0], $0xffff;
	v17 =	vadd.s32 v2, v12;
	[tilespmem:s6+$0x5260] =	vst v19  }
0x4c: {  	[tilespmem:s6+$0x52F0] =	vst v21;
	v21 =	vadd.s32 v2, v13;
	v19 =	vld.idx.msk [tilespmem:v61+s4+$0x0], $0xffff  }
0x4d: {  	v31 =	vadd.s32 v2, v8;
	[tilespmem:s6+$0x5290] =	vst v20;
	v20 =	vld.idx.msk [tilespmem:v62+s4+$0x0], $0xffff  }
0x4e: {  	v34 =	vadd.s32 v2, v9;
	[tilespmem:s6+$0x52A0] =	vst v22;
	v18 =	vld.idx.msk [tilespmem:v60+s4+$0x0], $0xffff  }
0x4f: {  	v33 =	vadd.s32 v2, v14;
	[tilespmem:s6+$0x52B0] =	vst v23;
	v22 =	vld.idx.msk [tilespmem:v63+s4+$0x0], $0xffff  }
0x50: {  	v23 =	vadd.s32 v2, v10;
	[tilespmem:s6+$0x52D0] =	vst v28;
	v17 =	vld.idx.msk [tilespmem:v17+s4+$0x0], $0xffff  }
0x51: {  	v32 =	vadd.s32 v3, v15;
	[tilespmem:s6+$0x52C0] =	vst v16;
	v16 =	vld.idx.msk [tilespmem:v21+s4+$0x0], $0xffff  }
0x52: {  	v24 =	vld.idx.msk [tilespmem:v31+s4+$0x0], $0xffff;
	[tilespmem:s6+$0x5280] =	vst v19  }
0x53: {  	v21 =	vadd.s32 v3, v11;
	[tilespmem:s6+$0x52E0] =	vst v20;
	v20 =	vld.idx.msk [tilespmem:v34+s4+$0x0], $0xffff  }
0x54: {  	[tilespmem:s6+$0x5370] =	vst v18;
	v18 =	vadd.s32 v3, v12;
	v26 =	vld.idx.msk [tilespmem:v33+s4+$0x0], $0xffff  }
0x55: {  	v35 =	vadd.s32 v3, v13;
	[tilespmem:s6+$0x5310] =	vst v22;
	v22 =	vld.idx.msk [tilespmem:v23+s4+$0x0], $0xffff  }
0x56: {  	v23 =	vadd.s32 v3, v8;
	v19 =	vld.idx.msk [tilespmem:v32+s4+$0x0], $0xffff;
	[tilespmem:s6+$0x5320] =	vst v17  }
0x57: {  	v30 =	vld [tilespmem:s24+$0xFFFFFFC0];
	v37 =	vadd.s32 v3, v14;
	[tilespmem:s6+$0x5330] =	vst v16  }
0x58: {  	v36 =	vadd.s32 v4, v15;
	v17 =	vld.idx.msk [tilespmem:v21+s4+$0x0], $0xffff;
	[tilespmem:s6+$0x5340] =	vst v24  }
0x59: {  	v21 =	vadd.s32 v3, v9;
	[tilespmem:s6+$0x5350] =	vst v20;
	v16 =	vld.idx.msk [tilespmem:v18+s4+$0x0], $0xffff  }
0x5a: {  	v18 =	vadd.s32 v3, v10;
	v25 =	vld.idx.msk [tilespmem:v35+s4+$0x0], $0xffff;
	[tilespmem:s6+$0x5300] =	vst v26  }
0x5b: {  	v20 =	vld.idx.msk [tilespmem:v23+s4+$0x0], $0xffff;
	[tilespmem:s6+$0x53F0] =	vst v19;
	v19 =	vadd.s32 v4, v11  }
0x5c: {  	v39 =	vadd.s32 v4, v12;
	v40 =	vld.idx.msk [tilespmem:v37+s4+$0x0], $0xffff  }
0x5d: {  	[tilespmem:s6+$0x5360] =	vst v22;
	v22 =	vadd.s32 v4, v13;
	v38 =	vld.idx.msk [tilespmem:v36+s4+$0x0], $0xffff  }
0x5e: {  	v41 =	vadd.s32 v4, v14;
	v21 =	vld.idx.msk [tilespmem:v21+s4+$0x0], $0xffff;
	[tilespmem:s6+$0x5390] =	vst v17  }
0x5f: {  	v23 =	vadd.s32 v5, v15;
	v17 =	vld.idx.msk [tilespmem:v18+s4+$0x0], $0xffff;
	[tilespmem:s6+$0x53A0] =	vst v16  }
0x60: {  	v18 =	vadd.s32 v4, v8;
	[tilespmem:s6+$0x53B0] =	vst v25;
	v16 =	vld.idx.msk [tilespmem:v19+s4+$0x0], $0xffff  }
0x61: {  	[tilespmem:s6+$0x53C0] =	vst v20;
	v19 =	vadd.s32 v4, v9;
	v27 =	vld.idx.msk [tilespmem:v39+s4+$0x0], $0xffff  }
0x62: {  	v42 =	vadd.s32 v4, v10;
	[tilespmem:s6+$0x5380] =	vst v40;
	v20 =	vld.idx.msk [tilespmem:v22+s4+$0x0], $0xffff  }
0x63: {  	v43 =	vadd.s32 v5, v11;
	[tilespmem:s6+$0x5470] =	vst v38;
	v44 =	vld.idx.msk [tilespmem:v41+s4+$0x0], $0xffff  }
0x64: {  	v45 =	vadd.s32 v5, v14;
	v23 =	vld.idx.msk [tilespmem:v23+s4+$0x0], $0xffff;
	[tilespmem:s6+$0x53D0] =	vst v21  }
0x65: {  	v22 =	vadd.s32 v6, v15;
	v18 =	vld.idx.msk [tilespmem:v18+s4+$0x0], $0xffff;
	[tilespmem:s6+$0x53E0] =	vst v17  }
0x66: {  	v21 =	vadd.s32 v5, v12;
	v17 =	vld.idx.msk [tilespmem:v19+s4+$0x0], $0xffff;
	[tilespmem:s6+$0x5410] =	vst v16  }
0x67: {  	v19 =	vadd.s32 v5, v13;
	v16 =	vld.idx.msk [tilespmem:v42+s4+$0x0], $0xffff;
	[tilespmem:s6+$0x5420] =	vst v27  }
0x68: {  	v46 =	vadd.s32 v5, v8;
	v24 =	vld.idx.msk [tilespmem:v43+s4+$0x0], $0xffff;
	[tilespmem:s6+$0x5400] =	vst v44  }
0x69: {  	v47 =	vadd.s32 v5, v10;
	[tilespmem:s6+$0x54F0] =	vst v23;
	v48 =	vld.idx.msk [tilespmem:v45+s4+$0x0], $0xffff  }
0x6a: {  	[tilespmem:s6+$0x5430] =	vst v20;
	v23 =	vadd.s32 v5, v9;
	v22 =	vld.idx.msk [tilespmem:v22+s4+$0x0], $0xffff  }
0x6b: {  	v20 =	vld.idx.msk [tilespmem:v21+s4+$0x0], $0xffff;
	v21 =	vadd.s32 v6, v14;
	[tilespmem:s6+$0x5440] =	vst v18  }
0x6c: {  	v15 =	vadd.s32 v7, v15;
	v18 =	vld.idx.msk [tilespmem:v19+s4+$0x0], $0xffff;
	[tilespmem:s6+$0x5450] =	vst v17  }
0x6d: {  	v19 =	vadd.s32 v6, v11;
	v17 =	vld.idx.msk [tilespmem:v46+s4+$0x0], $0xffff;
	[tilespmem:s6+$0x5460] =	vst v16  }
0x6e: {  	v49 =	vadd.s32 v6, v12;
	v25 =	vld.idx.msk [tilespmem:v47+s4+$0x0], $0xffff;
	[tilespmem:s6+$0x5490] =	vst v24  }
0x6f: {  	v16 =	vld.idx.msk [tilespmem:v23+s4+$0x0], $0xffff;
	v23 =	vadd.s32 v6, v13;
	[tilespmem:s6+$0x5480] =	vst v48  }
0x70: {  	[tilespmem:s6+$0x5570] =	vst v22;
	v22 =	vadd.s32 v6, v8;
	v21 =	vld.idx.msk [tilespmem:v21+s4+$0x0], $0xffff  }
0x71: {  	v51 =	vadd.s32 v6, v10;
	[tilespmem:s6+$0x54A0] =	vst v20;
	v50 =	vld.idx.msk [tilespmem:v15+s4+$0x0], $0xffff  }
0x72: {  	v15 =	vadd.s32 v6, v9;
	v19 =	vld.idx.msk [tilespmem:v19+s4+$0x0], $0xffff;
	[tilespmem:s6+$0x54B0] =	vst v18  }
0x73: {  	v18 =	vld.idx.msk [tilespmem:v49+s4+$0x0], $0xffff;
	[tilespmem:s6+$0x54C0] =	vst v17  }
0x74: {  	v11 =	vadd.s32 v7, v11;
	[tilespmem:s6+$0x54E0] =	vst v25;
	v17 =	vld.idx.msk [tilespmem:v23+s4+$0x0], $0xffff  }
0x75: {  	v12 =	vadd.s32 v7, v12;
	[tilespmem:s6+$0x54D0] =	vst v16;
	v16 =	vld.idx.msk [tilespmem:v22+s4+$0x0], $0xffff  }
0x76: {  	[tilespmem:s6+$0x5500] =	vst v21;
	v21 =	vld.idx.msk [tilespmem:v51+s4+$0x0], $0xffff  }
0x77: {  	v20 =	vld.idx.msk [tilespmem:v15+s4+$0x0], $0xffff;
	[tilespmem:s6+$0x5510] =	vst v19  }
0x78: {  	v13 =	vadd.s32 v7, v13;
	[tilespmem:s6+$0x5520] =	vst v18;
	v18 =	vld [tilespmem:s24+$0xFFFFFFF0]  }
0x79: {  	v19 =	vld.idx.msk [tilespmem:v11+s4+$0x0], $0xffff  }
0x7a: {  	v23 =	vld.idx.msk [tilespmem:v12+s4+$0x0], $0xffff  }
0x7b: {  	v14 =	vadd.s32 v7, v14;
	v11 =	vld [tilespmem:s24+$0x30]  }
0x7c: {  	v8 =	vadd.s32 v7, v8;
	v12 =	vld [tilespmem:s24+$0xFFFFFFD0];
	[tilespmem:s6+$0x5530] =	vst v17  }
0x7d: {  	v10 =	vadd.s32 v7, v10;
	v52 =	vld.idx.msk [tilespmem:v13+s4+$0x0], $0xffff  }
0x7e: {  	v9 =	vadd.s32 v7, v9;
	v13 =	vld [tilespmem:s24+$0xFFFFFFE0];
	[tilespmem:s6+$0x5540] =	vst v16;
	v16 =	vshll.u32 v18, $0x4  }
0x7f: {  	v55 =	vld [tilespmem:s24+$0x20];
	[tilespmem:s6+$0x5560] =	vst v21;
	v18 =	vshll.u32 v30, $0x4;
	v21 =	vor.u32 v0, v16  }
0x80: {  	v22 =	vld.idx.msk [tilespmem:v14+s4+$0x0], $0xffff;
	v17 =	vshll.u32 v11, $0x4;
	[tilespmem:s6+$0x5590] =	vst v19;
	v19 =	vor.u32 v0, v18  }
0x81: {  	v8 =	vld.idx.msk [tilespmem:v8+s4+$0x0], $0xffff;
	v14 =	vshll.u32 v12, $0x4;
	v29 =	vor.u32 v0, v17  }
0x82: {  	[tilespmem:s6+$0x5550] =	vst v20;
	v10 =	vld.idx.msk [tilespmem:v10+s4+$0x0], $0xffff;
	v12 =	vshll.u32 v53, $0x4;
	v31 =	vor.u32 v0, v14  }
0x83: {  	v9 =	vld.idx.msk [tilespmem:v9+s4+$0x0], $0xffff;
	v25 =	vor.u32 v0, v12;
	v15 =	vshll.u32 v13, $0x4  }
0x84: {  	v11 =	vshll.u32 v54, $0x4;
	v20 =	vor.u32 v0, v15;
	v21 =	vld.idx.msk [tilespmem:v21+s4+$0x0], $0xffff  }
0x85: {  	v26 =	vor.u32 v0, v11;
	v13 =	vshll.u32 v55, $0x4;
	v19 =	vld.idx.msk [tilespmem:v19+s4+$0x0], $0xffff  }
0x86: {  	[tilespmem:s6+$0x55F0] =	vst v50;
	v58 =	vor.u32 v0, v13;
	v56 =	vld.idx.msk [tilespmem:v29+s4+$0x0], $0xffff  }
0x87: {  	s8 =	simm.s32 $0x80;
	s21 =	simm.s32 $0x1000;
	[tilespmem:s6+$0x5580] =	vst v22;
	v22 =	vadd.s32 v1, v17;
	v57 =	vld.idx.msk [tilespmem:v31+s4+$0x0], $0xffff  }
0x88: {  	s28 =	sand.u32 $0x7000, s21;
	s30 =	sand.u32 $0xC00, s8;
	[tilespmem:s6+$0x55A0] =	vst v23;
	v60 =	vadd.s32 v1, v16;
	v25 =	vld.idx.msk [tilespmem:v25+s4+$0x0], $0xffff  }
0x89: {  	s0 =	sor.u32 s30, s28;
	v23 =	vadd.s32 v1, v14;
	[tilespmem:s6+$0x55B0] =	vst v52;
	v20 =	vld.idx.msk [tilespmem:v20+s4+$0x0], $0xffff  }
0x8a: {  	v61 =	vadd.s32 v1, v12;
	v26 =	vld.idx.msk [tilespmem:v26+s4+$0x0], $0xffff;
	[tilespmem:s0+$0x5230] =	vst v21  }
0x8b: {  	v59 =	vadd.s32 v1, v15;
	v29 =	vld.idx.msk [tilespmem:v58+s4+$0x0], $0xffff;
	[tilespmem:s0+$0x5270] =	vst v56  }
0x8c: {  	v62 =	vadd.s32 v1, v11;
	[tilespmem:s0+$0x5210] =	vst v57;
	v22 =	vld.idx.msk [tilespmem:v22+s4+$0x0], $0xffff  }
0x8d: {  	v21 =	vadd.s32 v2, v17;
	[tilespmem:s0+$0x5240] =	vst v25;
	v30 =	vld.idx.msk [tilespmem:v60+s4+$0x0], $0xffff  }
0x8e: {  	[tilespmem:s0+$0x5220] =	vst v20;
	v20 =	vld.idx.msk [tilespmem:v23+s4+$0x0], $0xffff;
	v23 =	vadd.s32 v1, v18  }
0x8f: {  	v63 =	vadd.s32 v1, v13;
	[tilespmem:s0+$0x5200] =	vst v19;
	v28 =	vld.idx.msk [tilespmem:v61+s4+$0x0], $0xffff  }
0x90: {  	v32 =	vadd.s32 v2, v14;
	[tilespmem:s0+$0x5250] =	vst v26;
	v24 =	vld.idx.msk [tilespmem:v59+s4+$0x0], $0xffff  }
0x91: {  	v33 =	vadd.s32 v2, v15;
	v27 =	vld.idx.msk [tilespmem:v62+s4+$0x0], $0xffff;
	[tilespmem:s0+$0x52F0] =	vst v22  }
0x92: {  	[tilespmem:s0+$0x5260] =	vst v29;
	v22 =	vadd.s32 v2, v16;
	v19 =	vld.idx.msk [tilespmem:v21+s4+$0x0], $0xffff  }
0x93: {  	[tilespmem:s0+$0x52B0] =	vst v30;
	v21 =	vadd.s32 v2, v12;
	v23 =	vld.idx.msk [tilespmem:v23+s4+$0x0], $0xffff  }
0x94: {  	v36 =	vadd.s32 v2, v11;
	[tilespmem:s0+$0x5290] =	vst v20;
	v20 =	vld.idx.msk [tilespmem:v63+s4+$0x0], $0xffff  }
0x95: {  	v34 =	vadd.s32 v3, v17;
	[tilespmem:s0+$0x52A0] =	vst v24;
	v26 =	vld.idx.msk [tilespmem:v32+s4+$0x0], $0xffff  }
0x96: {  	v35 =	vadd.s32 v2, v18;
	[tilespmem:s0+$0x52C0] =	vst v28;
	v29 =	vld.idx.msk [tilespmem:v33+s4+$0x0], $0xffff  }
0x97: {  	v37 =	vadd.s32 v2, v13;
	[tilespmem:s0+$0x52D0] =	vst v27;
	v22 =	vld.idx.msk [tilespmem:v22+s4+$0x0], $0xffff  }
0x98: {  	v38 =	vadd.s32 v3, v14;
	v21 =	vld.idx.msk [tilespmem:v21+s4+$0x0], $0xffff;
	[tilespmem:s0+$0x5370] =	vst v19  }
0x99: {  	v19 =	vadd.s32 v3, v15;
	[tilespmem:s0+$0x52E0] =	vst v20;
	v20 =	vld.idx.msk [tilespmem:v36+s4+$0x0], $0xffff  }
0x9a: {  	v39 =	vadd.s32 v3, v16;
	[tilespmem:s0+$0x5280] =	vst v23;
	v23 =	vld.idx.msk [tilespmem:v34+s4+$0x0], $0xffff  }
0x9b: {  	v42 =	vadd.s32 v3, v12;
	v25 =	vld.idx.msk [tilespmem:v35+s4+$0x0], $0xffff;
	[tilespmem:s0+$0x5310] =	vst v26  }
0x9c: {  	v40 =	vadd.s32 v4, v17;
	v28 =	vld.idx.msk [tilespmem:v37+s4+$0x0], $0xffff;
	[tilespmem:s0+$0x5320] =	vst v29  }
0x9d: {  	v41 =	vadd.s32 v3, v18;
	v27 =	vld.idx.msk [tilespmem:v38+s4+$0x0], $0xffff;
	[tilespmem:s0+$0x5330] =	vst v22  }
0x9e: {  	v22 =	vadd.s32 v3, v11;
	v19 =	vld.idx.msk [tilespmem:v19+s4+$0x0], $0xffff;
	[tilespmem:s0+$0x5340] =	vst v21  }
0x9f: {  	v21 =	vadd.s32 v3, v13;
	v24 =	vld.idx.msk [tilespmem:v39+s4+$0x0], $0xffff;
	[tilespmem:s0+$0x5350] =	vst v20  }
0xa0: {  	[tilespmem:s0+$0x53F0] =	vst v23;
	v23 =	vadd.s32 v4, v14;
	v20 =	vld.idx.msk [tilespmem:v42+s4+$0x0], $0xffff  }
0xa1: {  	v44 =	vadd.s32 v4, v15;
	[tilespmem:s0+$0x5300] =	vst v25;
	v43 =	vld.idx.msk [tilespmem:v40+s4+$0x0], $0xffff  }
0xa2: {  	v47 =	vadd.s32 v4, v16;
	[tilespmem:s0+$0x5360] =	vst v28;
	v30 =	vld.idx.msk [tilespmem:v41+s4+$0x0], $0xffff  }
0xa3: {  	v45 =	vadd.s32 v5, v17;
	[tilespmem:s0+$0x5390] =	vst v27;
	v22 =	vld.idx.msk [tilespmem:v22+s4+$0x0], $0xffff  }
0xa4: {  	v46 =	vadd.s32 v4, v18;
	[tilespmem:s0+$0x53A0] =	vst v19;
	v19 =	vld.idx.msk [tilespmem:v21+s4+$0x0], $0xffff  }
0xa5: {  	v21 =	vadd.s32 v4, v12;
	[tilespmem:s0+$0x53B0] =	vst v24;
	v23 =	vld.idx.msk [tilespmem:v23+s4+$0x0], $0xffff  }
0xa6: {  	v48 =	vadd.s32 v4, v11;
	v26 =	vld.idx.msk [tilespmem:v44+s4+$0x0], $0xffff;
	[tilespmem:s0+$0x53C0] =	vst v20  }
0xa7: {  	v49 =	vadd.s32 v4, v13;
	v20 =	vld.idx.msk [tilespmem:v47+s4+$0x0], $0xffff;
	[tilespmem:s0+$0x5470] =	vst v43  }
0xa8: {  	v50 =	vadd.s32 v5, v14;
	[tilespmem:s0+$0x5380] =	vst v30;
	v28 =	vld.idx.msk [tilespmem:v45+s4+$0x0], $0xffff  }
0xa9: {  	v29 =	vld.idx.msk [tilespmem:v46+s4+$0x0], $0xffff;
	[tilespmem:s0+$0x53D0] =	vst v22;
	v22 =	vadd.s32 v6, v17  }
0xaa: {  	v51 =	vadd.s32 v5, v18;
	v21 =	vld.idx.msk [tilespmem:v21+s4+$0x0], $0xffff;
	[tilespmem:s0+$0x53E0] =	vst v19  }
0xab: {  	v19 =	vadd.s32 v5, v15;
	[tilespmem:s0+$0x5410] =	vst v23;
	v23 =	vld.idx.msk [tilespmem:v48+s4+$0x0], $0xffff  }
0xac: {  	v52 =	vadd.s32 v5, v16;
	[tilespmem:s0+$0x5420] =	vst v26;
	v25 =	vld.idx.msk [tilespmem:v49+s4+$0x0], $0xffff  }
0xad: {  	v53 =	vadd.s32 v5, v12;
	v30 =	vld.idx.msk [tilespmem:v50+s4+$0x0], $0xffff;
	[tilespmem:s0+$0x54F0] =	vst v28  }
0xae: {  	v54 =	vadd.s32 v5, v11;
	[tilespmem:s0+$0x5400] =	vst v29;
	v22 =	vld.idx.msk [tilespmem:v22+s4+$0x0], $0xffff  }
0xaf: {  	v55 =	vadd.s32 v5, v13;
	[tilespmem:s0+$0x5430] =	vst v20;
	v27 =	vld.idx.msk [tilespmem:v51+s4+$0x0], $0xffff  }
0xb0: {  	v17 =	vadd.s32 v7, v17;
	v19 =	vld.idx.msk [tilespmem:v19+s4+$0x0], $0xffff;
	[tilespmem:s0+$0x5440] =	vst v21  }
0xb1: {  	v20 =	vadd.s32 v6, v18;
	v21 =	vld.idx.msk [tilespmem:v52+s4+$0x0], $0xffff;
	[tilespmem:s0+$0x5450] =	vst v23  }
0xb2: {  	v23 =	vadd.s32 v6, v14;
	v56 =	vld.idx.msk [tilespmem:v53+s4+$0x0], $0xffff;
	[tilespmem:s0+$0x5460] =	vst v25  }
0xb3: {  	v57 =	vadd.s32 v6, v15;
	[tilespmem:s0+$0x5490] =	vst v30;
	v58 =	vld.idx.msk [tilespmem:v54+s4+$0x0], $0xffff  }
0xb4: {  	v59 =	vadd.s32 v6, v16;
	v29 =	vld.idx.msk [tilespmem:v55+s4+$0x0], $0xffff;
	[tilespmem:s0+$0x5570] =	vst v22  }
0xb5: {  	v60 =	vadd.s32 v6, v11;
	[tilespmem:s0+$0x5480] =	vst v27;
	v17 =	vld.idx.msk [tilespmem:v17+s4+$0x0], $0xffff  }
0xb6: {  	v22 =	vadd.s32 v6, v12;
	v20 =	vld.idx.msk [tilespmem:v20+s4+$0x0], $0xffff;
	[tilespmem:s0+$0x54A0] =	vst v19  }
0xb7: {  	v19 =	vadd.s32 v6, v13;
	[tilespmem:s0+$0x54B0] =	vst v21;
	v23 =	vld.idx.msk [tilespmem:v23+s4+$0x0], $0xffff  }
0xb8: {  	v21 =	vadd.s32 v7, v18;
	v25 =	vld.idx.msk [tilespmem:v57+s4+$0x0], $0xffff;
	[tilespmem:s0+$0x54C0] =	vst v56  }
0xb9: {  	v14 =	vadd.s32 v7, v14;
	v61 =	vld.idx.msk [tilespmem:v59+s4+$0x0], $0xffff;
	[tilespmem:s0+$0x54D0] =	vst v58  }
0xba: {  	v62 =	vadd.s32 v7, v15;
	v63 =	vadd.s32 v7, v16;
	[tilespmem:s0+$0x54E0] =	vst v29;
	v16 =	vld.idx.msk [tilespmem:v60+s4+$0x0], $0xffff  }
0xbb: {  	v22 =	vld.idx.msk [tilespmem:v22+s4+$0x0], $0xffff;
	[tilespmem:s0+$0x55F0] =	vst v17  }
0xbc: {  	[tilespmem:s0+$0x5500] =	vst v20;
	v18 =	vld.idx.msk [tilespmem:v19+s4+$0x0], $0xffff  }
0xbd: {  	v17 =	vld.idx.msk [tilespmem:v21+s4+$0x0], $0xffff;
	[tilespmem:s0+$0x5510] =	vst v23  }
0xbe: {  	[tilespmem:s0+$0x5520] =	vst v25;
	v19 =	vld.idx.msk [tilespmem:v14+s4+$0x0], $0xffff  }
0xbf: {  	v15 =	vadd.s32 v7, v12;
	[tilespmem:s0+$0x5530] =	vst v61;
	v20 =	vld.idx.msk [tilespmem:v62+s4+$0x0], $0xffff  }
0xc0: {  	s2 =	simm.s32 $0x3340;
	s24 =	simm.s32 $0x8;
	v12 =	vadd.s32 v7, v13;
	v14 =	vadd.s32 v7, v11;
	v13 =	vld.idx.msk [tilespmem:v63+s4+$0x0], $0xffff;
	[tilespmem:s0+$0x5540] =	vst v22  }
.LBB2_2:
0xc1: {  	v11 =	vld [tilespmem:s2+$0x30];
	s24 =	sadd.s32 $0x8, s24;
	[tilespmem:s0+$0x5550] =	vst v16  }
0xc2: {  	v16 =	vld [tilespmem:s2+$0xFFFFFFD0];
	p0 =	slt.u32 s24, $0xF8;
	[tilespmem:s0+$0x5560] =	vst v18  }
0xc3: {  	v18 =	vld [tilespmem:s2+$0xFFFFFFE0];
	[tilespmem:s0+$0x5580] =	vst v17  }
0xc4: {  	v17 =	vld [tilespmem:s2+$0xFFFFFFF0];
	[tilespmem:s0+$0x5590] =	vst v19  }
0xc5: {  	v19 =	vld [tilespmem:s2+$0x0];
	[tilespmem:s0+$0x55A0] =	vst v20  }
0xc6: {  	v20 =	vld [tilespmem:s2+$0x10];
	v11 =	vshll.u32 v11, $0x4;
	[tilespmem:s0+$0x55B0] =	vst v13  }
0xc7: {  	v13 =	vshll.u32 v16, $0x4;
	v21 =	vld [tilespmem:s2+$0x20];
	v22 =	vor.u32 v0, v11;
	[tilespmem:s6+$0x55C0] =	vst v8  }
0xc8: {  	v23 =	vld [tilespmem:s2+$0xFFFFFFC0];
	v24 =	vor.u32 v0, v13;
	v25 =	vadd.s32 v1, v13;
	v16 =	vshll.u32 v18, $0x4;
	[tilespmem:s6+$0x55D0] =	vst v9  }
0xc9: {  	v18 =	vor.u32 v0, v16;
	v26 =	vadd.s32 v1, v16;
	v17 =	vshll.u32 v17, $0x4;
	v8 =	vld.idx.msk [tilespmem:v15+s4+$0x0], $0xffff;
	[tilespmem:s6+$0x55E0] =	vst v10;
	s6 =	smov.u32 s0  }
0xca: {  	v15 =	vor.u32 v0, v17;
	v27 =	vadd.s32 v1, v17;
	v19 =	vshll.u32 v19, $0x4;
	v9 =	vld.idx.msk [tilespmem:v14+s4+$0x0], $0xffff  }
0xcb: {  	v14 =	vor.u32 v0, v19;
	v28 =	vadd.s32 v1, v19;
	v20 =	vshll.u32 v20, $0x4;
	v10 =	vld.idx.msk [tilespmem:v12+s4+$0x0], $0xffff  }
0xcc: {  	v12 =	vor.u32 v0, v20;
	v29 =	vadd.s32 v1, v20;
	v21 =	vshll.u32 v21, $0x4;
	v22 =	vld.idx.msk [tilespmem:v22+s4+$0x0], $0xffff  }
0xcd: {  	v23 =	vshll.u32 v23, $0x4;
	v24 =	vld.idx.msk [tilespmem:v24+s4+$0x0], $0xffff;
	v30 =	vor.u32 v0, v21;
	v31 =	vadd.s32 v1, v21  }
0xce: {  	v34 =	vadd.s32 v1, v11;
	v32 =	vor.u32 v0, v23;
	v33 =	vadd.s32 v1, v23;
	v18 =	vld.idx.msk [tilespmem:v18+s4+$0x0], $0xffff  }
0xcf: {  	s8 =	sadd.s32 $0x80, s8;
	s21 =	sadd.s32 $0x1000, s21;
	v36 =	vadd.s32 v2, v13;
	v37 =	vadd.s32 v2, v16;
	v35 =	vadd.s32 v2, v23;
	v15 =	vld.idx.msk [tilespmem:v15+s4+$0x0], $0xffff  }
0xd0: {  	s5 =	sand.u32 $0xC00, s8;
	s0 =	sand.u32 $0x7000, s21;
	v38 =	vadd.s32 v2, v17;
	v39 =	vadd.s32 v2, v19;
	v40 =	vadd.s32 v2, v20;
	v14 =	vld.idx.msk [tilespmem:v14+s4+$0x0], $0xffff  }
0xd1: {  	v42 =	vadd.s32 v3, v13;
	s0 =	sor.u32 s5, s0;
	v43 =	vadd.s32 v2, v21;
	v41 =	vadd.s32 v3, v23;
	v12 =	vld.idx.msk [tilespmem:v12+s4+$0x0], $0xffff  }
0xd2: {  	v44 =	vadd.s32 v3, v16;
	v45 =	vadd.s32 v3, v17;
	v30 =	vld.idx.msk [tilespmem:v30+s4+$0x0], $0xffff;
	[tilespmem:s0+$0x5270] =	vst v22  }
0xd3: {  	v22 =	vadd.s32 v3, v19;
	[tilespmem:s0+$0x5210] =	vst v24;
	v24 =	vadd.s32 v3, v20;
	v34 =	vld.idx.msk [tilespmem:v34+s4+$0x0], $0xffff  }
0xd4: {  	v46 =	vadd.s32 v4, v23;
	v32 =	vld.idx.msk [tilespmem:v32+s4+$0x0], $0xffff;
	[tilespmem:s0+$0x5220] =	vst v18;
	v18 =	vadd.s32 v3, v21  }
0xd5: {  	v47 =	vadd.s32 v4, v13;
	v25 =	vld.idx.msk [tilespmem:v25+s4+$0x0], $0xffff;
	[tilespmem:s0+$0x5230] =	vst v15;
	v15 =	vadd.s32 v2, v11  }
0xd6: {  	v48 =	vadd.s32 v4, v16;
	v49 =	vadd.s32 v4, v17;
	v26 =	vld.idx.msk [tilespmem:v26+s4+$0x0], $0xffff;
	[tilespmem:s0+$0x5240] =	vst v14  }
0xd7: {  	v50 =	vadd.s32 v4, v20;
	v14 =	vld.idx.msk [tilespmem:v27+s4+$0x0], $0xffff;
	v27 =	vadd.s32 v4, v19;
	[tilespmem:s0+$0x5250] =	vst v12  }
0xd8: {  	v51 =	vadd.s32 v5, v23;
	v12 =	vld.idx.msk [tilespmem:v28+s4+$0x0], $0xffff;
	[tilespmem:s0+$0x5260] =	vst v30;
	v28 =	vadd.s32 v4, v21  }
0xd9: {  	v52 =	vadd.s32 v5, v16;
	v30 =	vadd.s32 v5, v13;
	v29 =	vld.idx.msk [tilespmem:v29+s4+$0x0], $0xffff;
	[tilespmem:s0+$0x52F0] =	vst v34  }
0xda: {  	v34 =	vadd.s32 v5, v19;
	[tilespmem:s0+$0x5200] =	vst v32;
	v32 =	vadd.s32 v5, v17;
	v15 =	vld.idx.msk [tilespmem:v15+s4+$0x0], $0xffff  }
0xdb: {  	v53 =	vadd.s32 v5, v21;
	v33 =	vld.idx.msk [tilespmem:v33+s4+$0x0], $0xffff;
	[tilespmem:s0+$0x5290] =	vst v25;
	v25 =	vadd.s32 v5, v20  }
0xdc: {  	v54 =	vadd.s32 v6, v23;
	[tilespmem:s0+$0x52A0] =	vst v26;
	v26 =	vld.idx.msk [tilespmem:v31+s4+$0x0], $0xffff;
	v31 =	vadd.s32 v3, v11  }
0xdd: {  	v55 =	vadd.s32 v6, v13;
	v56 =	vadd.s32 v6, v16;
	v36 =	vld.idx.msk [tilespmem:v36+s4+$0x0], $0xffff;
	[tilespmem:s0+$0x52B0] =	vst v14  }
0xde: {  	v57 =	vadd.s32 v6, v17;
	v58 =	vadd.s32 v6, v19;
	v37 =	vld.idx.msk [tilespmem:v37+s4+$0x0], $0xffff;
	[tilespmem:s0+$0x52C0] =	vst v12  }
0xdf: {  	v59 =	vadd.s32 v6, v21;
	v38 =	vld.idx.msk [tilespmem:v38+s4+$0x0], $0xffff;
	[tilespmem:s0+$0x52D0] =	vst v29;
	v29 =	vadd.s32 v6, v20  }
0xe0: {  	v23 =	vadd.s32 v7, v23;
	v13 =	vadd.s32 v7, v13;
	v39 =	vld.idx.msk [tilespmem:v39+s4+$0x0], $0xffff;
	[tilespmem:s0+$0x5370] =	vst v15  }
0xe1: {  	v60 =	vadd.s32 v7, v17;
	[tilespmem:s0+$0x5280] =	vst v33;
	v33 =	vadd.s32 v7, v16;
	v16 =	vld.idx.msk [tilespmem:v31+s4+$0x0], $0xffff  }
0xe2: {  	v14 =	vadd.s32 v7, v20;
	v15 =	vadd.s32 v7, v19;
	v17 =	vld.idx.msk [tilespmem:v35+s4+$0x0], $0xffff;
	[tilespmem:s0+$0x52E0] =	vst v26  }
0xe3: {  	v12 =	vadd.s32 v7, v21;
	v20 =	vadd.s32 v4, v11;
	[tilespmem:s0+$0x5310] =	vst v36;
	v19 =	vld.idx.msk [tilespmem:v40+s4+$0x0], $0xffff  }
0xe4: {  	[tilespmem:s0+$0x5320] =	vst v37;
	v21 =	vld.idx.msk [tilespmem:v43+s4+$0x0], $0xffff  }
0xe5: {  	v26 =	vld.idx.msk [tilespmem:v42+s4+$0x0], $0xffff;
	[tilespmem:s0+$0x5330] =	vst v38  }
0xe6: {  	v31 =	vld.idx.msk [tilespmem:v44+s4+$0x0], $0xffff;
	[tilespmem:s0+$0x5340] =	vst v39  }
0xe7: {  	v35 =	vld.idx.msk [tilespmem:v45+s4+$0x0], $0xffff;
	[tilespmem:s0+$0x53F0] =	vst v16  }
0xe8: {  	[tilespmem:s0+$0x5300] =	vst v17;
	v16 =	vld.idx.msk [tilespmem:v20+s4+$0x0], $0xffff  }
0xe9: {  	v17 =	vld.idx.msk [tilespmem:v41+s4+$0x0], $0xffff;
	[tilespmem:s0+$0x5350] =	vst v19  }
0xea: {  	v20 =	vadd.s32 v5, v11;
	v19 =	vld.idx.msk [tilespmem:v22+s4+$0x0], $0xffff;
	[tilespmem:s0+$0x5360] =	vst v21  }
0xeb: {  	[tilespmem:s0+$0x5390] =	vst v26;
	v21 =	vld.idx.msk [tilespmem:v24+s4+$0x0], $0xffff  }
0xec: {  	[tilespmem:s0+$0x53A0] =	vst v31;
	v18 =	vld.idx.msk [tilespmem:v18+s4+$0x0], $0xffff  }
0xed: {  	v22 =	vld.idx.msk [tilespmem:v47+s4+$0x0], $0xffff;
	[tilespmem:s0+$0x53B0] =	vst v35  }
0xee: {  	v24 =	vld.idx.msk [tilespmem:v48+s4+$0x0], $0xffff;
	[tilespmem:s0+$0x5470] =	vst v16  }
0xef: {  	[tilespmem:s0+$0x5380] =	vst v17;
	v16 =	vld.idx.msk [tilespmem:v20+s4+$0x0], $0xffff  }
0xf0: {  	v17 =	vld.idx.msk [tilespmem:v46+s4+$0x0], $0xffff;
	[tilespmem:s0+$0x53C0] =	vst v19  }
0xf1: {  	v20 =	vadd.s32 v6, v11;
	v19 =	vld.idx.msk [tilespmem:v49+s4+$0x0], $0xffff;
	[tilespmem:s0+$0x53D0] =	vst v21  }
0xf2: {  	v21 =	vld.idx.msk [tilespmem:v27+s4+$0x0], $0xffff;
	[tilespmem:s0+$0x53E0] =	vst v18  }
0xf3: {  	[tilespmem:s0+$0x5410] =	vst v22;
	v18 =	vld.idx.msk [tilespmem:v50+s4+$0x0], $0xffff  }
0xf4: {  	[tilespmem:s0+$0x5420] =	vst v24;
	v22 =	vld.idx.msk [tilespmem:v28+s4+$0x0], $0xffff  }
0xf5: {  	v24 =	vld.idx.msk [tilespmem:v30+s4+$0x0], $0xffff;
	[tilespmem:s0+$0x54F0] =	vst v16  }
0xf6: {  	[tilespmem:s0+$0x5400] =	vst v17;
	v16 =	vld.idx.msk [tilespmem:v20+s4+$0x0], $0xffff  }
0xf7: {  	v17 =	vld.idx.msk [tilespmem:v51+s4+$0x0], $0xffff;
	[tilespmem:s0+$0x5430] =	vst v19  }
0xf8: {  	v11 =	vadd.s32 v7, v11;
	v19 =	vld.idx.msk [tilespmem:v52+s4+$0x0], $0xffff;
	[tilespmem:s0+$0x5440] =	vst v21  }
0xf9: {  	v20 =	vld.idx.msk [tilespmem:v32+s4+$0x0], $0xffff;
	[tilespmem:s0+$0x5450] =	vst v18  }
0xfa: {  	v18 =	vld.idx.msk [tilespmem:v34+s4+$0x0], $0xffff;
	[tilespmem:s0+$0x5460] =	vst v22  }
0xfb: {  	[tilespmem:s0+$0x5490] =	vst v24;
	v21 =	vld.idx.msk [tilespmem:v25+s4+$0x0], $0xffff  }
0xfc: {  	v22 =	vld.idx.msk [tilespmem:v53+s4+$0x0], $0xffff;
	[tilespmem:s0+$0x5570] =	vst v16  }
0xfd: {  	[tilespmem:s0+$0x5480] =	vst v17;
	v11 =	vld.idx.msk [tilespmem:v11+s4+$0x0], $0xffff  }
0xfe: {  	v17 =	vld.idx.msk [tilespmem:v54+s4+$0x0], $0xffff;
	[tilespmem:s0+$0x54A0] =	vst v19  }
0xff: {  	v19 =	vld.idx.msk [tilespmem:v55+s4+$0x0], $0xffff;
	[tilespmem:s0+$0x54B0] =	vst v20  }
0x100: {  	v20 =	vld.idx.msk [tilespmem:v56+s4+$0x0], $0xffff;
	[tilespmem:s0+$0x54C0] =	vst v18  }
0x101: {  	v24 =	vld.idx.msk [tilespmem:v57+s4+$0x0], $0xffff;
	[tilespmem:s0+$0x54D0] =	vst v21  }
0x102: {  	v21 =	vld.idx.msk [tilespmem:v58+s4+$0x0], $0xffff;
	[tilespmem:s0+$0x54E0] =	vst v22  }
0x103: {  	v16 =	vld.idx.msk [tilespmem:v29+s4+$0x0], $0xffff;
	[tilespmem:s0+$0x55F0] =	vst v11  }
.Ltmp0:
0x104: {  	[tilespmem:s0+$0x5500] =	vst v17;
	v18 =	vld.idx.msk [tilespmem:v59+s4+$0x0], $0xffff;
	(pc) =	sbr.rel @p0 .LBB2_2-.Ltmp0, $4  }
0x105: {  	v17 =	vld.idx.msk [tilespmem:v23+s4+$0x0], $0xffff;
	[tilespmem:s0+$0x5510] =	vst v19  }
0x106: {  	v19 =	vld.idx.msk [tilespmem:v13+s4+$0x0], $0xffff;
	[tilespmem:s0+$0x5520] =	vst v20  }
0x107: {  	v20 =	vld.idx.msk [tilespmem:v33+s4+$0x0], $0xffff;
	[tilespmem:s0+$0x5530] =	vst v24  }
0x108: {  	s2 =	sadd.s32 $0x80, s2;
	v13 =	vld.idx.msk [tilespmem:v60+s4+$0x0], $0xffff;
	[tilespmem:s0+$0x5540] =	vst v21  }
0x109: {  	[tilespmem:s0+$0x5550] =	vst v16  }
0x10a: {  	[tilespmem:s0+$0x5560] =	vst v18  }
0x10b: {  	[tilespmem:s6+$0x55C0] =	vst v8  }
0x10c: {  	[tilespmem:s6+$0x55D0] =	vst v9  }
0x10d: {  	v11 =	vld.idx.msk [tilespmem:v15+s4+$0x0], $0xffff;
	[tilespmem:s6+$0x55E0] =	vst v10  }
0x10e: {  	[tilespmem:s0+$0x5580] =	vst v17;
	v8 =	vld.idx.msk [tilespmem:v12+s4+$0x0], $0xffff  }
0x10f: {  	[tilespmem:s0+$0x55B0] =	vst v13;
	v13 =	vld.idx.msk [tilespmem:v14+s4+$0x0], $0xffff  }
0x110: {  	[tilespmem:s0+$0x5590] =	vst v19  }
0x111: {  	[tilespmem:s0+$0x55A0] =	vst v20  }
0x112: {  	[tilespmem:s0+$0x55C0] =	vst v11  }
0x113: {  	[tilespmem:s0+$0x55E0] =	vst v8  }
0x114: {  	[tilespmem:s0+$0x55D0] =	vst v13  }
0x115: {  	s5 =	simm.s32 $0x5200;
	s0 =	simm.s32 $0x0;
	s2 =	rddreg [dreg:$0x7]  }
0x116: {  	[hbm4b:s2+s0] =	stream.linear.scatter [tilespmem:s5], [sflag:$0x3], $0x1000, $0x38;
	[tilespmem:$0x15200] =	vst v63  }
0x117: {  	s30 =	simm.s32 $0x6200;
	s28 =	rddreg [dreg:$0x8]  }
0x118: {  	[hbm4b:s28+s0] =	stream.linear.scatter [tilespmem:s30], [sflag:$0x3], $0x1000, $0x38;
	[tilespmem:$0x15200] =	vst v63  }
0x119: {  	s7 =	simm.s32 $0x7200;
	s6 =	rddreg [dreg:$0x9]  }
0x11a: {  	[hbm4b:s6+s0] =	stream.linear.scatter [tilespmem:s7], [sflag:$0x3], $0x1000, $0x38;
	[tilespmem:$0x15200] =	vst v63  }
0x11b: {  	s21 =	simm.s32 $0x8200;
	s8 =	rddreg [dreg:$0xa]  }
0x11c: {  	[hbm4b:s8+s0] =	stream.linear.scatter [tilespmem:s21], [sflag:$0x3], $0x1000, $0x38;
	[tilespmem:$0x15200] =	vst v63  }
0x11d: {  	s24 =	rddreg [dreg:$0xb]  }
0x11e: {  	[hbm4b:s24+s0] =	stream.linear.scatter [tilespmem:s13], [sflag:$0x3], $0x1000, $0x38;
	[tilespmem:$0x15200] =	vst v63  }
0x11f: {  	s28 =	rddreg [dreg:$0xc]  }
0x120: {  	[hbm4b:s28+s0] =	stream.linear.scatter [tilespmem:s14], [sflag:$0x3], $0x1000, $0x38;
	[tilespmem:$0x15200] =	vst v63  }
0x121: {  	s30 =	rddreg [dreg:$0xd]  }
0x122: {  	[hbm4b:s30+s0] =	stream.linear.scatter [tilespmem:s15], [sflag:$0x3], $0x1000, $0x38;
	[tilespmem:$0x15200] =	vst v63  }
0x123: {  	s5 =	rddreg [dreg:$0xe]  }
0x124: {  	[hbm4b:s5+s0] =	stream.linear.scatter [tilespmem:s19], [sflag:$0x3], $0x1000, $0x38;
	[tilespmem:$0x15200] =	vst v63  }
0x125: {  	s6 =	rddreg [dreg:$0x10];
	s7 =	simm.s32 $0x3200  }
0x126: {  	[tilespmem:s7], [sflag:$0x1] =	stream.linear.gather [hbm4b:s6+s0], $0x1000, $0x38;
	[tilespmem:$0x15200] =	vst v63  }
0x127: {  	_ =	swait.ge [sflag:s20], $0x1000  }
0x128: {  	[sflag:s20] =	ssyncset.done $0x0  }
0x129: {  	s8 =	simm.s32 $0x4240;
	[sflag:s20] =	ssyncadd.s32 $0xFFFFF000  }
0x12a: {  	v8 =	vld [tilespmem:s8+$0x30]  }
0x12b: {  	v9 =	vld [tilespmem:s8+$0xFFFFFFD0]  }
0x12c: {  	v10 =	vld [tilespmem:s8+$0xFFFFFFE0]  }
0x12d: {  	v13 =	vld [tilespmem:s8+$0xFFFFFFF0]  }
0x12e: {  	v14 =	vld [tilespmem:s8+$0x0]  }
0x12f: {  	v16 =	vld [tilespmem:s8+$0x10];
	v15 =	vshll.u32 v8, $0x4  }
0x130: {  	v17 =	vld [tilespmem:s8+$0x20];
	v11 =	vshll.u32 v9, $0x4;
	v18 =	vor.u32 v0, v15  }
0x131: {  	v20 =	vld [tilespmem:s8+$0xFFFFFFC0];
	v12 =	vshll.u32 v10, $0x4;
	v19 =	vor.u32 v0, v11  }
0x132: {  	s24 =	simm.s32 $0x42C0;
	v13 =	vshll.u32 v13, $0x4;
	v21 =	vor.u32 v0, v12  }
0x133: {  	v53 =	vld [tilespmem:s24+$0x0];
	v8 =	vshll.u32 v14, $0x4;
	v22 =	vor.u32 v0, v13  }
0x134: {  	v54 =	vld [tilespmem:s24+$0x10];
	v9 =	vshll.u32 v16, $0x4;
	v23 =	vor.u32 v0, v8  }
0x135: {  	v10 =	vshll.u32 v17, $0x4;
	v16 =	vor.u32 v0, v9;
	v17 =	vld.idx.msk [tilespmem:v18+s4+$0x0], $0xffff  }
0x136: {  	v14 =	vshll.u32 v20, $0x4;
	v18 =	vld.idx.msk [tilespmem:v19+s4+$0x0], $0xffff;
	v19 =	vor.u32 v0, v10  }
0x137: {  	v24 =	vor.u32 v0, v14;
	v20 =	vld.idx.msk [tilespmem:v21+s4+$0x0], $0xffff  }
0x138: {  	v21 =	vadd.s32 v1, v15;
	v22 =	vld.idx.msk [tilespmem:v22+s4+$0x0], $0xffff  }
0x139: {  	s21 =	sand.u32 $0x7000, s0;
	s0 =	sand.u32 $0xC00, s0;
	v25 =	vadd.s32 v1, v11;
	v23 =	vld.idx.msk [tilespmem:v23+s4+$0x0], $0xffff  }
0x13a: {  	s6 =	sor.u32 s0, s21;
	v26 =	vadd.s32 v1, v12;
	v16 =	vld.idx.msk [tilespmem:v16+s4+$0x0], $0xffff  }
0x13b: {  	v27 =	vadd.s32 v1, v13;
	v19 =	vld.idx.msk [tilespmem:v19+s4+$0x0], $0xffff;
	[tilespmem:s6+$0xD270] =	vst v17  }
0x13c: {  	v28 =	vadd.s32 v1, v9;
	[tilespmem:s6+$0xD210] =	vst v18;
	v18 =	vld.idx.msk [tilespmem:v24+s4+$0x0], $0xffff  }
0x13d: {  	v17 =	vadd.s32 v1, v8;
	[tilespmem:s6+$0xD220] =	vst v20;
	v21 =	vld.idx.msk [tilespmem:v21+s4+$0x0], $0xffff  }
0x13e: {  	v61 =	vadd.s32 v1, v14;
	[tilespmem:s6+$0xD230] =	vst v22;
	v20 =	vld.idx.msk [tilespmem:v25+s4+$0x0], $0xffff  }
0x13f: {  	v62 =	vadd.s32 v1, v10;
	[tilespmem:s6+$0xD240] =	vst v23;
	v22 =	vld.idx.msk [tilespmem:v26+s4+$0x0], $0xffff  }
0x140: {  	v60 =	vadd.s32 v2, v15;
	[tilespmem:s6+$0xD250] =	vst v16;
	v23 =	vld.idx.msk [tilespmem:v27+s4+$0x0], $0xffff  }
0x141: {  	v63 =	vadd.s32 v2, v11;
	v28 =	vld.idx.msk [tilespmem:v28+s4+$0x0], $0xffff;
	[tilespmem:s6+$0xD200] =	vst v18  }
0x142: {  	v16 =	vld.idx.msk [tilespmem:v17+s4+$0x0], $0xffff;
	v17 =	vadd.s32 v2, v12;
	[tilespmem:s6+$0xD260] =	vst v19  }
0x143: {  	[tilespmem:s6+$0xD2F0] =	vst v21;
	v21 =	vadd.s32 v2, v13;
	v19 =	vld.idx.msk [tilespmem:v61+s4+$0x0], $0xffff  }
0x144: {  	v31 =	vadd.s32 v2, v8;
	[tilespmem:s6+$0xD290] =	vst v20;
	v20 =	vld.idx.msk [tilespmem:v62+s4+$0x0], $0xffff  }
0x145: {  	v34 =	vadd.s32 v2, v9;
	[tilespmem:s6+$0xD2A0] =	vst v22;
	v18 =	vld.idx.msk [tilespmem:v60+s4+$0x0], $0xffff  }
0x146: {  	v33 =	vadd.s32 v2, v14;
	[tilespmem:s6+$0xD2B0] =	vst v23;
	v22 =	vld.idx.msk [tilespmem:v63+s4+$0x0], $0xffff  }
0x147: {  	v23 =	vadd.s32 v2, v10;
	[tilespmem:s6+$0xD2D0] =	vst v28;
	v17 =	vld.idx.msk [tilespmem:v17+s4+$0x0], $0xffff  }
0x148: {  	v32 =	vadd.s32 v3, v15;
	[tilespmem:s6+$0xD2C0] =	vst v16;
	v16 =	vld.idx.msk [tilespmem:v21+s4+$0x0], $0xffff  }
0x149: {  	v24 =	vld.idx.msk [tilespmem:v31+s4+$0x0], $0xffff;
	[tilespmem:s6+$0xD280] =	vst v19  }
0x14a: {  	v21 =	vadd.s32 v3, v11;
	[tilespmem:s6+$0xD2E0] =	vst v20;
	v20 =	vld.idx.msk [tilespmem:v34+s4+$0x0], $0xffff  }
0x14b: {  	[tilespmem:s6+$0xD370] =	vst v18;
	v18 =	vadd.s32 v3, v12;
	v26 =	vld.idx.msk [tilespmem:v33+s4+$0x0], $0xffff  }
0x14c: {  	v35 =	vadd.s32 v3, v13;
	[tilespmem:s6+$0xD310] =	vst v22;
	v22 =	vld.idx.msk [tilespmem:v23+s4+$0x0], $0xffff  }
0x14d: {  	v23 =	vadd.s32 v3, v8;
	v19 =	vld.idx.msk [tilespmem:v32+s4+$0x0], $0xffff;
	[tilespmem:s6+$0xD320] =	vst v17  }
0x14e: {  	v30 =	vld [tilespmem:s24+$0xFFFFFFC0];
	v37 =	vadd.s32 v3, v14;
	[tilespmem:s6+$0xD330] =	vst v16  }
0x14f: {  	v36 =	vadd.s32 v4, v15;
	v17 =	vld.idx.msk [tilespmem:v21+s4+$0x0], $0xffff;
	[tilespmem:s6+$0xD340] =	vst v24  }
0x150: {  	v21 =	vadd.s32 v3, v9;
	[tilespmem:s6+$0xD350] =	vst v20;
	v16 =	vld.idx.msk [tilespmem:v18+s4+$0x0], $0xffff  }
0x151: {  	v18 =	vadd.s32 v3, v10;
	v25 =	vld.idx.msk [tilespmem:v35+s4+$0x0], $0xffff;
	[tilespmem:s6+$0xD300] =	vst v26  }
0x152: {  	v20 =	vld.idx.msk [tilespmem:v23+s4+$0x0], $0xffff;
	[tilespmem:s6+$0xD3F0] =	vst v19;
	v19 =	vadd.s32 v4, v11  }
0x153: {  	v39 =	vadd.s32 v4, v12;
	v40 =	vld.idx.msk [tilespmem:v37+s4+$0x0], $0xffff  }
0x154: {  	[tilespmem:s6+$0xD360] =	vst v22;
	v22 =	vadd.s32 v4, v13;
	v38 =	vld.idx.msk [tilespmem:v36+s4+$0x0], $0xffff  }
0x155: {  	v41 =	vadd.s32 v4, v14;
	v21 =	vld.idx.msk [tilespmem:v21+s4+$0x0], $0xffff;
	[tilespmem:s6+$0xD390] =	vst v17  }
0x156: {  	v23 =	vadd.s32 v5, v15;
	v17 =	vld.idx.msk [tilespmem:v18+s4+$0x0], $0xffff;
	[tilespmem:s6+$0xD3A0] =	vst v16  }
0x157: {  	v18 =	vadd.s32 v4, v8;
	[tilespmem:s6+$0xD3B0] =	vst v25;
	v16 =	vld.idx.msk [tilespmem:v19+s4+$0x0], $0xffff  }
0x158: {  	[tilespmem:s6+$0xD3C0] =	vst v20;
	v19 =	vadd.s32 v4, v9;
	v27 =	vld.idx.msk [tilespmem:v39+s4+$0x0], $0xffff  }
0x159: {  	v42 =	vadd.s32 v4, v10;
	[tilespmem:s6+$0xD380] =	vst v40;
	v20 =	vld.idx.msk [tilespmem:v22+s4+$0x0], $0xffff  }
0x15a: {  	v43 =	vadd.s32 v5, v11;
	[tilespmem:s6+$0xD470] =	vst v38;
	v44 =	vld.idx.msk [tilespmem:v41+s4+$0x0], $0xffff  }
0x15b: {  	v45 =	vadd.s32 v5, v14;
	v23 =	vld.idx.msk [tilespmem:v23+s4+$0x0], $0xffff;
	[tilespmem:s6+$0xD3D0] =	vst v21  }
0x15c: {  	v22 =	vadd.s32 v6, v15;
	v18 =	vld.idx.msk [tilespmem:v18+s4+$0x0], $0xffff;
	[tilespmem:s6+$0xD3E0] =	vst v17  }
0x15d: {  	v21 =	vadd.s32 v5, v12;
	v17 =	vld.idx.msk [tilespmem:v19+s4+$0x0], $0xffff;
	[tilespmem:s6+$0xD410] =	vst v16  }
0x15e: {  	v19 =	vadd.s32 v5, v13;
	v16 =	vld.idx.msk [tilespmem:v42+s4+$0x0], $0xffff;
	[tilespmem:s6+$0xD420] =	vst v27  }
0x15f: {  	v46 =	vadd.s32 v5, v8;
	v24 =	vld.idx.msk [tilespmem:v43+s4+$0x0], $0xffff;
	[tilespmem:s6+$0xD400] =	vst v44  }
0x160: {  	v47 =	vadd.s32 v5, v10;
	[tilespmem:s6+$0xD4F0] =	vst v23;
	v48 =	vld.idx.msk [tilespmem:v45+s4+$0x0], $0xffff  }
0x161: {  	[tilespmem:s6+$0xD430] =	vst v20;
	v23 =	vadd.s32 v5, v9;
	v22 =	vld.idx.msk [tilespmem:v22+s4+$0x0], $0xffff  }
0x162: {  	v20 =	vld.idx.msk [tilespmem:v21+s4+$0x0], $0xffff;
	v21 =	vadd.s32 v6, v14;
	[tilespmem:s6+$0xD440] =	vst v18  }
0x163: {  	v15 =	vadd.s32 v7, v15;
	v18 =	vld.idx.msk [tilespmem:v19+s4+$0x0], $0xffff;
	[tilespmem:s6+$0xD450] =	vst v17  }
0x164: {  	v19 =	vadd.s32 v6, v11;
	v17 =	vld.idx.msk [tilespmem:v46+s4+$0x0], $0xffff;
	[tilespmem:s6+$0xD460] =	vst v16  }
0x165: {  	v49 =	vadd.s32 v6, v12;
	v25 =	vld.idx.msk [tilespmem:v47+s4+$0x0], $0xffff;
	[tilespmem:s6+$0xD490] =	vst v24  }
0x166: {  	v16 =	vld.idx.msk [tilespmem:v23+s4+$0x0], $0xffff;
	v23 =	vadd.s32 v6, v13;
	[tilespmem:s6+$0xD480] =	vst v48  }
0x167: {  	[tilespmem:s6+$0xD570] =	vst v22;
	v22 =	vadd.s32 v6, v8;
	v21 =	vld.idx.msk [tilespmem:v21+s4+$0x0], $0xffff  }
0x168: {  	v51 =	vadd.s32 v6, v10;
	[tilespmem:s6+$0xD4A0] =	vst v20;
	v50 =	vld.idx.msk [tilespmem:v15+s4+$0x0], $0xffff  }
0x169: {  	v15 =	vadd.s32 v6, v9;
	v19 =	vld.idx.msk [tilespmem:v19+s4+$0x0], $0xffff;
	[tilespmem:s6+$0xD4B0] =	vst v18  }
0x16a: {  	v18 =	vld.idx.msk [tilespmem:v49+s4+$0x0], $0xffff;
	[tilespmem:s6+$0xD4C0] =	vst v17  }
0x16b: {  	v11 =	vadd.s32 v7, v11;
	[tilespmem:s6+$0xD4E0] =	vst v25;
	v17 =	vld.idx.msk [tilespmem:v23+s4+$0x0], $0xffff  }
0x16c: {  	v12 =	vadd.s32 v7, v12;
	[tilespmem:s6+$0xD4D0] =	vst v16;
	v16 =	vld.idx.msk [tilespmem:v22+s4+$0x0], $0xffff  }
0x16d: {  	[tilespmem:s6+$0xD500] =	vst v21;
	v21 =	vld.idx.msk [tilespmem:v51+s4+$0x0], $0xffff  }
0x16e: {  	v20 =	vld.idx.msk [tilespmem:v15+s4+$0x0], $0xffff;
	[tilespmem:s6+$0xD510] =	vst v19  }
0x16f: {  	v13 =	vadd.s32 v7, v13;
	[tilespmem:s6+$0xD520] =	vst v18;
	v18 =	vld [tilespmem:s24+$0xFFFFFFF0]  }
0x170: {  	v19 =	vld.idx.msk [tilespmem:v11+s4+$0x0], $0xffff  }
0x171: {  	v23 =	vld.idx.msk [tilespmem:v12+s4+$0x0], $0xffff  }
0x172: {  	v14 =	vadd.s32 v7, v14;
	v11 =	vld [tilespmem:s24+$0x30]  }
0x173: {  	v8 =	vadd.s32 v7, v8;
	v12 =	vld [tilespmem:s24+$0xFFFFFFD0];
	[tilespmem:s6+$0xD530] =	vst v17  }
0x174: {  	v10 =	vadd.s32 v7, v10;
	v52 =	vld.idx.msk [tilespmem:v13+s4+$0x0], $0xffff  }
0x175: {  	v9 =	vadd.s32 v7, v9;
	v13 =	vld [tilespmem:s24+$0xFFFFFFE0];
	[tilespmem:s6+$0xD540] =	vst v16;
	v16 =	vshll.u32 v18, $0x4  }
0x176: {  	v55 =	vld [tilespmem:s24+$0x20];
	[tilespmem:s6+$0xD560] =	vst v21;
	v18 =	vshll.u32 v30, $0x4;
	v21 =	vor.u32 v0, v16  }
0x177: {  	v22 =	vld.idx.msk [tilespmem:v14+s4+$0x0], $0xffff;
	v17 =	vshll.u32 v11, $0x4;
	[tilespmem:s6+$0xD590] =	vst v19;
	v19 =	vor.u32 v0, v18  }
0x178: {  	v8 =	vld.idx.msk [tilespmem:v8+s4+$0x0], $0xffff;
	v14 =	vshll.u32 v12, $0x4;
	v29 =	vor.u32 v0, v17  }
0x179: {  	[tilespmem:s6+$0xD550] =	vst v20;
	v10 =	vld.idx.msk [tilespmem:v10+s4+$0x0], $0xffff;
	v12 =	vshll.u32 v53, $0x4;
	v31 =	vor.u32 v0, v14  }
0x17a: {  	v9 =	vld.idx.msk [tilespmem:v9+s4+$0x0], $0xffff;
	v25 =	vor.u32 v0, v12;
	v15 =	vshll.u32 v13, $0x4  }
0x17b: {  	v11 =	vshll.u32 v54, $0x4;
	v20 =	vor.u32 v0, v15;
	v21 =	vld.idx.msk [tilespmem:v21+s4+$0x0], $0xffff  }
0x17c: {  	v26 =	vor.u32 v0, v11;
	v13 =	vshll.u32 v55, $0x4;
	v19 =	vld.idx.msk [tilespmem:v19+s4+$0x0], $0xffff  }
0x17d: {  	[tilespmem:s6+$0xD5F0] =	vst v50;
	v58 =	vor.u32 v0, v13;
	v56 =	vld.idx.msk [tilespmem:v29+s4+$0x0], $0xffff  }
0x17e: {  	s21 =	simm.s32 $0x1000;
	s8 =	simm.s32 $0x80;
	[tilespmem:s6+$0xD580] =	vst v22;
	v22 =	vadd.s32 v1, v17;
	v57 =	vld.idx.msk [tilespmem:v31+s4+$0x0], $0xffff  }
0x17f: {  	s28 =	sand.u32 $0x7000, s21;
	s30 =	sand.u32 $0xC00, s8;
	[tilespmem:s6+$0xD5A0] =	vst v23;
	v60 =	vadd.s32 v1, v16;
	v25 =	vld.idx.msk [tilespmem:v25+s4+$0x0], $0xffff  }
0x180: {  	s0 =	sor.u32 s30, s28;
	v23 =	vadd.s32 v1, v14;
	[tilespmem:s6+$0xD5B0] =	vst v52;
	v20 =	vld.idx.msk [tilespmem:v20+s4+$0x0], $0xffff  }
0x181: {  	v61 =	vadd.s32 v1, v12;
	v26 =	vld.idx.msk [tilespmem:v26+s4+$0x0], $0xffff;
	[tilespmem:s0+$0xD230] =	vst v21  }
0x182: {  	v59 =	vadd.s32 v1, v15;
	v29 =	vld.idx.msk [tilespmem:v58+s4+$0x0], $0xffff;
	[tilespmem:s0+$0xD270] =	vst v56  }
0x183: {  	v62 =	vadd.s32 v1, v11;
	[tilespmem:s0+$0xD210] =	vst v57;
	v22 =	vld.idx.msk [tilespmem:v22+s4+$0x0], $0xffff  }
0x184: {  	v21 =	vadd.s32 v2, v17;
	[tilespmem:s0+$0xD240] =	vst v25;
	v30 =	vld.idx.msk [tilespmem:v60+s4+$0x0], $0xffff  }
0x185: {  	[tilespmem:s0+$0xD220] =	vst v20;
	v20 =	vld.idx.msk [tilespmem:v23+s4+$0x0], $0xffff;
	v23 =	vadd.s32 v1, v18  }
0x186: {  	v63 =	vadd.s32 v1, v13;
	[tilespmem:s0+$0xD200] =	vst v19;
	v28 =	vld.idx.msk [tilespmem:v61+s4+$0x0], $0xffff  }
0x187: {  	v32 =	vadd.s32 v2, v14;
	[tilespmem:s0+$0xD250] =	vst v26;
	v24 =	vld.idx.msk [tilespmem:v59+s4+$0x0], $0xffff  }
0x188: {  	v33 =	vadd.s32 v2, v15;
	v27 =	vld.idx.msk [tilespmem:v62+s4+$0x0], $0xffff;
	[tilespmem:s0+$0xD2F0] =	vst v22  }
0x189: {  	[tilespmem:s0+$0xD260] =	vst v29;
	v22 =	vadd.s32 v2, v16;
	v19 =	vld.idx.msk [tilespmem:v21+s4+$0x0], $0xffff  }
0x18a: {  	[tilespmem:s0+$0xD2B0] =	vst v30;
	v21 =	vadd.s32 v2, v12;
	v23 =	vld.idx.msk [tilespmem:v23+s4+$0x0], $0xffff  }
0x18b: {  	v36 =	vadd.s32 v2, v11;
	[tilespmem:s0+$0xD290] =	vst v20;
	v20 =	vld.idx.msk [tilespmem:v63+s4+$0x0], $0xffff  }
0x18c: {  	v34 =	vadd.s32 v3, v17;
	[tilespmem:s0+$0xD2A0] =	vst v24;
	v26 =	vld.idx.msk [tilespmem:v32+s4+$0x0], $0xffff  }
0x18d: {  	v35 =	vadd.s32 v2, v18;
	[tilespmem:s0+$0xD2C0] =	vst v28;
	v29 =	vld.idx.msk [tilespmem:v33+s4+$0x0], $0xffff  }
0x18e: {  	v37 =	vadd.s32 v2, v13;
	[tilespmem:s0+$0xD2D0] =	vst v27;
	v22 =	vld.idx.msk [tilespmem:v22+s4+$0x0], $0xffff  }
0x18f: {  	v38 =	vadd.s32 v3, v14;
	v21 =	vld.idx.msk [tilespmem:v21+s4+$0x0], $0xffff;
	[tilespmem:s0+$0xD370] =	vst v19  }
0x190: {  	v19 =	vadd.s32 v3, v15;
	[tilespmem:s0+$0xD2E0] =	vst v20;
	v20 =	vld.idx.msk [tilespmem:v36+s4+$0x0], $0xffff  }
0x191: {  	v39 =	vadd.s32 v3, v16;
	[tilespmem:s0+$0xD280] =	vst v23;
	v23 =	vld.idx.msk [tilespmem:v34+s4+$0x0], $0xffff  }
0x192: {  	v42 =	vadd.s32 v3, v12;
	v25 =	vld.idx.msk [tilespmem:v35+s4+$0x0], $0xffff;
	[tilespmem:s0+$0xD310] =	vst v26  }
0x193: {  	v40 =	vadd.s32 v4, v17;
	v28 =	vld.idx.msk [tilespmem:v37+s4+$0x0], $0xffff;
	[tilespmem:s0+$0xD320] =	vst v29  }
0x194: {  	v41 =	vadd.s32 v3, v18;
	v27 =	vld.idx.msk [tilespmem:v38+s4+$0x0], $0xffff;
	[tilespmem:s0+$0xD330] =	vst v22  }
0x195: {  	v22 =	vadd.s32 v3, v11;
	v19 =	vld.idx.msk [tilespmem:v19+s4+$0x0], $0xffff;
	[tilespmem:s0+$0xD340] =	vst v21  }
0x196: {  	v21 =	vadd.s32 v3, v13;
	v24 =	vld.idx.msk [tilespmem:v39+s4+$0x0], $0xffff;
	[tilespmem:s0+$0xD350] =	vst v20  }
0x197: {  	[tilespmem:s0+$0xD3F0] =	vst v23;
	v23 =	vadd.s32 v4, v14;
	v20 =	vld.idx.msk [tilespmem:v42+s4+$0x0], $0xffff  }
0x198: {  	v44 =	vadd.s32 v4, v15;
	[tilespmem:s0+$0xD300] =	vst v25;
	v43 =	vld.idx.msk [tilespmem:v40+s4+$0x0], $0xffff  }
0x199: {  	v47 =	vadd.s32 v4, v16;
	[tilespmem:s0+$0xD360] =	vst v28;
	v30 =	vld.idx.msk [tilespmem:v41+s4+$0x0], $0xffff  }
0x19a: {  	v45 =	vadd.s32 v5, v17;
	[tilespmem:s0+$0xD390] =	vst v27;
	v22 =	vld.idx.msk [tilespmem:v22+s4+$0x0], $0xffff  }
0x19b: {  	v46 =	vadd.s32 v4, v18;
	[tilespmem:s0+$0xD3A0] =	vst v19;
	v19 =	vld.idx.msk [tilespmem:v21+s4+$0x0], $0xffff  }
0x19c: {  	v21 =	vadd.s32 v4, v12;
	[tilespmem:s0+$0xD3B0] =	vst v24;
	v23 =	vld.idx.msk [tilespmem:v23+s4+$0x0], $0xffff  }
0x19d: {  	v48 =	vadd.s32 v4, v11;
	v26 =	vld.idx.msk [tilespmem:v44+s4+$0x0], $0xffff;
	[tilespmem:s0+$0xD3C0] =	vst v20  }
0x19e: {  	v49 =	vadd.s32 v4, v13;
	v20 =	vld.idx.msk [tilespmem:v47+s4+$0x0], $0xffff;
	[tilespmem:s0+$0xD470] =	vst v43  }
0x19f: {  	v50 =	vadd.s32 v5, v14;
	[tilespmem:s0+$0xD380] =	vst v30;
	v28 =	vld.idx.msk [tilespmem:v45+s4+$0x0], $0xffff  }
0x1a0: {  	v29 =	vld.idx.msk [tilespmem:v46+s4+$0x0], $0xffff;
	[tilespmem:s0+$0xD3D0] =	vst v22;
	v22 =	vadd.s32 v6, v17  }
0x1a1: {  	v51 =	vadd.s32 v5, v18;
	v21 =	vld.idx.msk [tilespmem:v21+s4+$0x0], $0xffff;
	[tilespmem:s0+$0xD3E0] =	vst v19  }
0x1a2: {  	v19 =	vadd.s32 v5, v15;
	[tilespmem:s0+$0xD410] =	vst v23;
	v23 =	vld.idx.msk [tilespmem:v48+s4+$0x0], $0xffff  }
0x1a3: {  	v52 =	vadd.s32 v5, v16;
	[tilespmem:s0+$0xD420] =	vst v26;
	v25 =	vld.idx.msk [tilespmem:v49+s4+$0x0], $0xffff  }
0x1a4: {  	v53 =	vadd.s32 v5, v12;
	v30 =	vld.idx.msk [tilespmem:v50+s4+$0x0], $0xffff;
	[tilespmem:s0+$0xD4F0] =	vst v28  }
0x1a5: {  	v54 =	vadd.s32 v5, v11;
	[tilespmem:s0+$0xD400] =	vst v29;
	v22 =	vld.idx.msk [tilespmem:v22+s4+$0x0], $0xffff  }
0x1a6: {  	v55 =	vadd.s32 v5, v13;
	[tilespmem:s0+$0xD430] =	vst v20;
	v27 =	vld.idx.msk [tilespmem:v51+s4+$0x0], $0xffff  }
0x1a7: {  	v17 =	vadd.s32 v7, v17;
	v19 =	vld.idx.msk [tilespmem:v19+s4+$0x0], $0xffff;
	[tilespmem:s0+$0xD440] =	vst v21  }
0x1a8: {  	v20 =	vadd.s32 v6, v18;
	v21 =	vld.idx.msk [tilespmem:v52+s4+$0x0], $0xffff;
	[tilespmem:s0+$0xD450] =	vst v23  }
0x1a9: {  	v23 =	vadd.s32 v6, v14;
	v56 =	vld.idx.msk [tilespmem:v53+s4+$0x0], $0xffff;
	[tilespmem:s0+$0xD460] =	vst v25  }
0x1aa: {  	v57 =	vadd.s32 v6, v15;
	[tilespmem:s0+$0xD490] =	vst v30;
	v58 =	vld.idx.msk [tilespmem:v54+s4+$0x0], $0xffff  }
0x1ab: {  	v59 =	vadd.s32 v6, v16;
	v29 =	vld.idx.msk [tilespmem:v55+s4+$0x0], $0xffff;
	[tilespmem:s0+$0xD570] =	vst v22  }
0x1ac: {  	v60 =	vadd.s32 v6, v11;
	[tilespmem:s0+$0xD480] =	vst v27;
	v17 =	vld.idx.msk [tilespmem:v17+s4+$0x0], $0xffff  }
0x1ad: {  	v22 =	vadd.s32 v6, v12;
	v20 =	vld.idx.msk [tilespmem:v20+s4+$0x0], $0xffff;
	[tilespmem:s0+$0xD4A0] =	vst v19  }
0x1ae: {  	v19 =	vadd.s32 v6, v13;
	[tilespmem:s0+$0xD4B0] =	vst v21;
	v23 =	vld.idx.msk [tilespmem:v23+s4+$0x0], $0xffff  }
0x1af: {  	v21 =	vadd.s32 v7, v18;
	v25 =	vld.idx.msk [tilespmem:v57+s4+$0x0], $0xffff;
	[tilespmem:s0+$0xD4C0] =	vst v56  }
0x1b0: {  	v14 =	vadd.s32 v7, v14;
	v61 =	vld.idx.msk [tilespmem:v59+s4+$0x0], $0xffff;
	[tilespmem:s0+$0xD4D0] =	vst v58  }
0x1b1: {  	v62 =	vadd.s32 v7, v15;
	v63 =	vadd.s32 v7, v16;
	[tilespmem:s0+$0xD4E0] =	vst v29;
	v16 =	vld.idx.msk [tilespmem:v60+s4+$0x0], $0xffff  }
0x1b2: {  	v22 =	vld.idx.msk [tilespmem:v22+s4+$0x0], $0xffff;
	[tilespmem:s0+$0xD5F0] =	vst v17  }
0x1b3: {  	[tilespmem:s0+$0xD500] =	vst v20;
	v18 =	vld.idx.msk [tilespmem:v19+s4+$0x0], $0xffff  }
0x1b4: {  	v17 =	vld.idx.msk [tilespmem:v21+s4+$0x0], $0xffff;
	[tilespmem:s0+$0xD510] =	vst v23  }
0x1b5: {  	[tilespmem:s0+$0xD520] =	vst v25;
	v19 =	vld.idx.msk [tilespmem:v14+s4+$0x0], $0xffff  }
0x1b6: {  	v15 =	vadd.s32 v7, v12;
	[tilespmem:s0+$0xD530] =	vst v61;
	v20 =	vld.idx.msk [tilespmem:v62+s4+$0x0], $0xffff  }
0x1b7: {  	s2 =	simm.s32 $0x4340;
	s24 =	simm.s32 $0x8;
	v12 =	vadd.s32 v7, v13;
	v14 =	vadd.s32 v7, v11;
	v13 =	vld.idx.msk [tilespmem:v63+s4+$0x0], $0xffff;
	[tilespmem:s0+$0xD540] =	vst v22  }
.LBB2_4:
0x1b8: {  	v11 =	vld [tilespmem:s2+$0x30];
	s24 =	sadd.s32 $0x8, s24;
	[tilespmem:s0+$0xD550] =	vst v16  }
0x1b9: {  	v16 =	vld [tilespmem:s2+$0xFFFFFFD0];
	p0 =	slt.u32 s24, $0xF8;
	[tilespmem:s0+$0xD560] =	vst v18  }
0x1ba: {  	v18 =	vld [tilespmem:s2+$0xFFFFFFE0];
	[tilespmem:s0+$0xD580] =	vst v17  }
0x1bb: {  	v17 =	vld [tilespmem:s2+$0xFFFFFFF0];
	[tilespmem:s0+$0xD590] =	vst v19  }
0x1bc: {  	v19 =	vld [tilespmem:s2+$0x0];
	[tilespmem:s0+$0xD5A0] =	vst v20  }
0x1bd: {  	v20 =	vld [tilespmem:s2+$0x10];
	v11 =	vshll.u32 v11, $0x4;
	[tilespmem:s0+$0xD5B0] =	vst v13  }
0x1be: {  	v13 =	vshll.u32 v16, $0x4;
	v21 =	vld [tilespmem:s2+$0x20];
	v22 =	vor.u32 v0, v11;
	[tilespmem:s6+$0xD5C0] =	vst v8  }
0x1bf: {  	v23 =	vld [tilespmem:s2+$0xFFFFFFC0];
	v24 =	vor.u32 v0, v13;
	v25 =	vadd.s32 v1, v13;
	v16 =	vshll.u32 v18, $0x4;
	[tilespmem:s6+$0xD5D0] =	vst v9  }
0x1c0: {  	v18 =	vor.u32 v0, v16;
	v26 =	vadd.s32 v1, v16;
	v17 =	vshll.u32 v17, $0x4;
	v8 =	vld.idx.msk [tilespmem:v15+s4+$0x0], $0xffff;
	[tilespmem:s6+$0xD5E0] =	vst v10;
	s6 =	smov.u32 s0  }
0x1c1: {  	v15 =	vor.u32 v0, v17;
	v27 =	vadd.s32 v1, v17;
	v19 =	vshll.u32 v19, $0x4;
	v9 =	vld.idx.msk [tilespmem:v14+s4+$0x0], $0xffff  }
0x1c2: {  	v14 =	vor.u32 v0, v19;
	v28 =	vadd.s32 v1, v19;
	v20 =	vshll.u32 v20, $0x4;
	v10 =	vld.idx.msk [tilespmem:v12+s4+$0x0], $0xffff  }
0x1c3: {  	v12 =	vor.u32 v0, v20;
	v29 =	vadd.s32 v1, v20;
	v21 =	vshll.u32 v21, $0x4;
	v22 =	vld.idx.msk [tilespmem:v22+s4+$0x0], $0xffff  }
0x1c4: {  	v23 =	vshll.u32 v23, $0x4;
	v24 =	vld.idx.msk [tilespmem:v24+s4+$0x0], $0xffff;
	v30 =	vor.u32 v0, v21;
	v31 =	vadd.s32 v1, v21  }
0x1c5: {  	v34 =	vadd.s32 v1, v11;
	v32 =	vor.u32 v0, v23;
	v33 =	vadd.s32 v1, v23;
	v18 =	vld.idx.msk [tilespmem:v18+s4+$0x0], $0xffff  }
0x1c6: {  	s8 =	sadd.s32 $0x80, s8;
	s21 =	sadd.s32 $0x1000, s21;
	v36 =	vadd.s32 v2, v13;
	v37 =	vadd.s32 v2, v16;
	v35 =	vadd.s32 v2, v23;
	v15 =	vld.idx.msk [tilespmem:v15+s4+$0x0], $0xffff  }
0x1c7: {  	s5 =	sand.u32 $0xC00, s8;
	s0 =	sand.u32 $0x7000, s21;
	v38 =	vadd.s32 v2, v17;
	v39 =	vadd.s32 v2, v19;
	v40 =	vadd.s32 v2, v20;
	v14 =	vld.idx.msk [tilespmem:v14+s4+$0x0], $0xffff  }
0x1c8: {  	v42 =	vadd.s32 v3, v13;
	s0 =	sor.u32 s5, s0;
	v43 =	vadd.s32 v2, v21;
	v41 =	vadd.s32 v3, v23;
	v12 =	vld.idx.msk [tilespmem:v12+s4+$0x0], $0xffff  }
0x1c9: {  	v44 =	vadd.s32 v3, v16;
	v45 =	vadd.s32 v3, v17;
	v30 =	vld.idx.msk [tilespmem:v30+s4+$0x0], $0xffff;
	[tilespmem:s0+$0xD270] =	vst v22  }
0x1ca: {  	v22 =	vadd.s32 v3, v19;
	[tilespmem:s0+$0xD210] =	vst v24;
	v24 =	vadd.s32 v3, v20;
	v34 =	vld.idx.msk [tilespmem:v34+s4+$0x0], $0xffff  }
0x1cb: {  	v46 =	vadd.s32 v4, v23;
	v32 =	vld.idx.msk [tilespmem:v32+s4+$0x0], $0xffff;
	[tilespmem:s0+$0xD220] =	vst v18;
	v18 =	vadd.s32 v3, v21  }
0x1cc: {  	v47 =	vadd.s32 v4, v13;
	v25 =	vld.idx.msk [tilespmem:v25+s4+$0x0], $0xffff;
	[tilespmem:s0+$0xD230] =	vst v15;
	v15 =	vadd.s32 v2, v11  }
0x1cd: {  	v48 =	vadd.s32 v4, v16;
	v49 =	vadd.s32 v4, v17;
	v26 =	vld.idx.msk [tilespmem:v26+s4+$0x0], $0xffff;
	[tilespmem:s0+$0xD240] =	vst v14  }
0x1ce: {  	v50 =	vadd.s32 v4, v20;
	v14 =	vld.idx.msk [tilespmem:v27+s4+$0x0], $0xffff;
	v27 =	vadd.s32 v4, v19;
	[tilespmem:s0+$0xD250] =	vst v12  }
0x1cf: {  	v51 =	vadd.s32 v5, v23;
	v12 =	vld.idx.msk [tilespmem:v28+s4+$0x0], $0xffff;
	[tilespmem:s0+$0xD260] =	vst v30;
	v28 =	vadd.s32 v4, v21  }
0x1d0: {  	v52 =	vadd.s32 v5, v16;
	v30 =	vadd.s32 v5, v13;
	v29 =	vld.idx.msk [tilespmem:v29+s4+$0x0], $0xffff;
	[tilespmem:s0+$0xD2F0] =	vst v34  }
0x1d1: {  	v34 =	vadd.s32 v5, v19;
	[tilespmem:s0+$0xD200] =	vst v32;
	v32 =	vadd.s32 v5, v17;
	v15 =	vld.idx.msk [tilespmem:v15+s4+$0x0], $0xffff  }
0x1d2: {  	v53 =	vadd.s32 v5, v21;
	v33 =	vld.idx.msk [tilespmem:v33+s4+$0x0], $0xffff;
	[tilespmem:s0+$0xD290] =	vst v25;
	v25 =	vadd.s32 v5, v20  }
0x1d3: {  	v54 =	vadd.s32 v6, v23;
	[tilespmem:s0+$0xD2A0] =	vst v26;
	v26 =	vld.idx.msk [tilespmem:v31+s4+$0x0], $0xffff;
	v31 =	vadd.s32 v3, v11  }
0x1d4: {  	v55 =	vadd.s32 v6, v13;
	v56 =	vadd.s32 v6, v16;
	v36 =	vld.idx.msk [tilespmem:v36+s4+$0x0], $0xffff;
	[tilespmem:s0+$0xD2B0] =	vst v14  }
0x1d5: {  	v57 =	vadd.s32 v6, v17;
	v58 =	vadd.s32 v6, v19;
	v37 =	vld.idx.msk [tilespmem:v37+s4+$0x0], $0xffff;
	[tilespmem:s0+$0xD2C0] =	vst v12  }
0x1d6: {  	v59 =	vadd.s32 v6, v21;
	v38 =	vld.idx.msk [tilespmem:v38+s4+$0x0], $0xffff;
	[tilespmem:s0+$0xD2D0] =	vst v29;
	v29 =	vadd.s32 v6, v20  }
0x1d7: {  	v23 =	vadd.s32 v7, v23;
	v13 =	vadd.s32 v7, v13;
	v39 =	vld.idx.msk [tilespmem:v39+s4+$0x0], $0xffff;
	[tilespmem:s0+$0xD370] =	vst v15  }
0x1d8: {  	v60 =	vadd.s32 v7, v17;
	[tilespmem:s0+$0xD280] =	vst v33;
	v33 =	vadd.s32 v7, v16;
	v16 =	vld.idx.msk [tilespmem:v31+s4+$0x0], $0xffff  }
0x1d9: {  	v14 =	vadd.s32 v7, v20;
	v15 =	vadd.s32 v7, v19;
	v17 =	vld.idx.msk [tilespmem:v35+s4+$0x0], $0xffff;
	[tilespmem:s0+$0xD2E0] =	vst v26  }
0x1da: {  	v12 =	vadd.s32 v7, v21;
	v20 =	vadd.s32 v4, v11;
	[tilespmem:s0+$0xD310] =	vst v36;
	v19 =	vld.idx.msk [tilespmem:v40+s4+$0x0], $0xffff  }
0x1db: {  	[tilespmem:s0+$0xD320] =	vst v37;
	v21 =	vld.idx.msk [tilespmem:v43+s4+$0x0], $0xffff  }
0x1dc: {  	v26 =	vld.idx.msk [tilespmem:v42+s4+$0x0], $0xffff;
	[tilespmem:s0+$0xD330] =	vst v38  }
0x1dd: {  	v31 =	vld.idx.msk [tilespmem:v44+s4+$0x0], $0xffff;
	[tilespmem:s0+$0xD340] =	vst v39  }
0x1de: {  	v35 =	vld.idx.msk [tilespmem:v45+s4+$0x0], $0xffff;
	[tilespmem:s0+$0xD3F0] =	vst v16  }
0x1df: {  	[tilespmem:s0+$0xD300] =	vst v17;
	v16 =	vld.idx.msk [tilespmem:v20+s4+$0x0], $0xffff  }
0x1e0: {  	v17 =	vld.idx.msk [tilespmem:v41+s4+$0x0], $0xffff;
	[tilespmem:s0+$0xD350] =	vst v19  }
0x1e1: {  	v20 =	vadd.s32 v5, v11;
	v19 =	vld.idx.msk [tilespmem:v22+s4+$0x0], $0xffff;
	[tilespmem:s0+$0xD360] =	vst v21  }
0x1e2: {  	[tilespmem:s0+$0xD390] =	vst v26;
	v21 =	vld.idx.msk [tilespmem:v24+s4+$0x0], $0xffff  }
0x1e3: {  	[tilespmem:s0+$0xD3A0] =	vst v31;
	v18 =	vld.idx.msk [tilespmem:v18+s4+$0x0], $0xffff  }
0x1e4: {  	v22 =	vld.idx.msk [tilespmem:v47+s4+$0x0], $0xffff;
	[tilespmem:s0+$0xD3B0] =	vst v35  }
0x1e5: {  	v24 =	vld.idx.msk [tilespmem:v48+s4+$0x0], $0xffff;
	[tilespmem:s0+$0xD470] =	vst v16  }
0x1e6: {  	[tilespmem:s0+$0xD380] =	vst v17;
	v16 =	vld.idx.msk [tilespmem:v20+s4+$0x0], $0xffff  }
0x1e7: {  	v17 =	vld.idx.msk [tilespmem:v46+s4+$0x0], $0xffff;
	[tilespmem:s0+$0xD3C0] =	vst v19  }
0x1e8: {  	v20 =	vadd.s32 v6, v11;
	v19 =	vld.idx.msk [tilespmem:v49+s4+$0x0], $0xffff;
	[tilespmem:s0+$0xD3D0] =	vst v21  }
0x1e9: {  	v21 =	vld.idx.msk [tilespmem:v27+s4+$0x0], $0xffff;
	[tilespmem:s0+$0xD3E0] =	vst v18  }
0x1ea: {  	[tilespmem:s0+$0xD410] =	vst v22;
	v18 =	vld.idx.msk [tilespmem:v50+s4+$0x0], $0xffff  }
0x1eb: {  	[tilespmem:s0+$0xD420] =	vst v24;
	v22 =	vld.idx.msk [tilespmem:v28+s4+$0x0], $0xffff  }
0x1ec: {  	v24 =	vld.idx.msk [tilespmem:v30+s4+$0x0], $0xffff;
	[tilespmem:s0+$0xD4F0] =	vst v16  }
0x1ed: {  	[tilespmem:s0+$0xD400] =	vst v17;
	v16 =	vld.idx.msk [tilespmem:v20+s4+$0x0], $0xffff  }
0x1ee: {  	v17 =	vld.idx.msk [tilespmem:v51+s4+$0x0], $0xffff;
	[tilespmem:s0+$0xD430] =	vst v19  }
0x1ef: {  	v11 =	vadd.s32 v7, v11;
	v19 =	vld.idx.msk [tilespmem:v52+s4+$0x0], $0xffff;
	[tilespmem:s0+$0xD440] =	vst v21  }
0x1f0: {  	v20 =	vld.idx.msk [tilespmem:v32+s4+$0x0], $0xffff;
	[tilespmem:s0+$0xD450] =	vst v18  }
0x1f1: {  	v18 =	vld.idx.msk [tilespmem:v34+s4+$0x0], $0xffff;
	[tilespmem:s0+$0xD460] =	vst v22  }
0x1f2: {  	[tilespmem:s0+$0xD490] =	vst v24;
	v21 =	vld.idx.msk [tilespmem:v25+s4+$0x0], $0xffff  }
0x1f3: {  	v22 =	vld.idx.msk [tilespmem:v53+s4+$0x0], $0xffff;
	[tilespmem:s0+$0xD570] =	vst v16  }
0x1f4: {  	[tilespmem:s0+$0xD480] =	vst v17;
	v11 =	vld.idx.msk [tilespmem:v11+s4+$0x0], $0xffff  }
0x1f5: {  	v17 =	vld.idx.msk [tilespmem:v54+s4+$0x0], $0xffff;
	[tilespmem:s0+$0xD4A0] =	vst v19  }
0x1f6: {  	v19 =	vld.idx.msk [tilespmem:v55+s4+$0x0], $0xffff;
	[tilespmem:s0+$0xD4B0] =	vst v20  }
0x1f7: {  	v20 =	vld.idx.msk [tilespmem:v56+s4+$0x0], $0xffff;
	[tilespmem:s0+$0xD4C0] =	vst v18  }
0x1f8: {  	v24 =	vld.idx.msk [tilespmem:v57+s4+$0x0], $0xffff;
	[tilespmem:s0+$0xD4D0] =	vst v21  }
0x1f9: {  	v21 =	vld.idx.msk [tilespmem:v58+s4+$0x0], $0xffff;
	[tilespmem:s0+$0xD4E0] =	vst v22  }
0x1fa: {  	v16 =	vld.idx.msk [tilespmem:v29+s4+$0x0], $0xffff;
	[tilespmem:s0+$0xD5F0] =	vst v11  }
.Ltmp1:
0x1fb: {  	[tilespmem:s0+$0xD500] =	vst v17;
	v18 =	vld.idx.msk [tilespmem:v59+s4+$0x0], $0xffff;
	(pc) =	sbr.rel @p0 .LBB2_4-.Ltmp1, $4  }
0x1fc: {  	v17 =	vld.idx.msk [tilespmem:v23+s4+$0x0], $0xffff;
	[tilespmem:s0+$0xD510] =	vst v19  }
0x1fd: {  	v19 =	vld.idx.msk [tilespmem:v13+s4+$0x0], $0xffff;
	[tilespmem:s0+$0xD520] =	vst v20  }
0x1fe: {  	v20 =	vld.idx.msk [tilespmem:v33+s4+$0x0], $0xffff;
	[tilespmem:s0+$0xD530] =	vst v24  }
0x1ff: {  	s2 =	sadd.s32 $0x80, s2;
	v13 =	vld.idx.msk [tilespmem:v60+s4+$0x0], $0xffff;
	[tilespmem:s0+$0xD540] =	vst v21  }
0x200: {  	[tilespmem:s0+$0xD550] =	vst v16  }
0x201: {  	[tilespmem:s0+$0xD560] =	vst v18  }
0x202: {  	[tilespmem:s6+$0xD5C0] =	vst v8  }
0x203: {  	[tilespmem:s6+$0xD5D0] =	vst v9  }
0x204: {  	v11 =	vld.idx.msk [tilespmem:v15+s4+$0x0], $0xffff;
	[tilespmem:s6+$0xD5E0] =	vst v10  }
0x205: {  	[tilespmem:s0+$0xD580] =	vst v17;
	v63 =	vld.idx.msk [tilespmem:v14+s4+$0x0], $0xffff  }
0x206: {  	v8 =	vld.idx.msk [tilespmem:v12+s4+$0x0], $0xffff;
	[tilespmem:s0+$0xD590] =	vst v19  }
0x207: {  	[tilespmem:s0+$0xD5A0] =	vst v20  }
0x208: {  	[tilespmem:s0+$0xD5B0] =	vst v13  }
0x209: {  	[tilespmem:s0+$0xD5C0] =	vst v11  }
0x20a: {  	[tilespmem:s0+$0xD5D0] =	vst v63  }
0x20b: {  	[tilespmem:s0+$0xD5E0] =	vst v8  }
0x20c: {  	s2 =	simm.s32 $0xD200;
	s0 =	rddreg [dreg:$0x11]  }
0x20d: {  	[hbm4b:s0+s4] =	stream.linear.scatter [tilespmem:s2], [sflag:$0x4], $0x1000, $0x38;
	[tilespmem:$0x15200] =	vst v63  }
0x20e: {  	s8 =	simm.s32 $0xE200;
	s7 =	rddreg [dreg:$0x12]  }
0x20f: {  	[hbm4b:s7+s4] =	stream.linear.scatter [tilespmem:s8], [sflag:$0x4], $0x1000, $0x38;
	[tilespmem:$0x15200] =	vst v63  }
0x210: {  	s24 =	simm.s32 $0xF200;
	s21 =	rddreg [dreg:$0x13]  }
0x211: {  	[hbm4b:s21+s4] =	stream.linear.scatter [tilespmem:s24], [sflag:$0x4], $0x1000, $0x38;
	[tilespmem:$0x15200] =	vst v63  }
0x212: {  	s30 =	simm.s32 $0x10200;
	s28 =	rddreg [dreg:$0x14]  }
0x213: {  	[hbm4b:s28+s4] =	stream.linear.scatter [tilespmem:s30], [sflag:$0x4], $0x1000, $0x38;
	[tilespmem:$0x15200] =	vst v63  }
0x214: {  	s6 =	simm.s32 $0x11200;
	s5 =	rddreg [dreg:$0x15]  }
0x215: {  	[hbm4b:s5+s4] =	stream.linear.scatter [tilespmem:s6], [sflag:$0x4], $0x1000, $0x38;
	[tilespmem:$0x15200] =	vst v63  }
0x216: {  	s7 =	rddreg [dreg:$0x16];
	s8 =	simm.s32 $0x12200  }
0x217: {  	[hbm4b:s7+s4] =	stream.linear.scatter [tilespmem:s8], [sflag:$0x4], $0x1000, $0x38;
	[tilespmem:$0x15200] =	vst v63  }
0x218: {  	s21 =	rddreg [dreg:$0x17];
	s24 =	simm.s32 $0x13200  }
0x219: {  	[hbm4b:s21+s4] =	stream.linear.scatter [tilespmem:s24], [sflag:$0x4], $0x1000, $0x38;
	[tilespmem:$0x15200] =	vst v63  }
0x21a: {  	s28 =	rddreg [dreg:$0x18];
	s30 =	simm.s32 $0x14200;
	s6 =	simm.s32 $0x1  }
0x21b: {  	[hbm4b:s28+s4] =	stream.linear.scatter [tilespmem:s30], [sflag:$0x4], $0x1000, $0x38;
	[tilespmem:$0x15200] =	vst v63  }
.LBB2_6:
0x21c: {  	s30 =	sshll.u32 s6, $0x6  }
0x21d: {  	s8 =	sor.u32 s25, s30  }
0x21e: {  	s0 =	sshll.u32 s8, $0x9  }
0x21f: {  	s0 =	sand.u32 $0x1FFFFE00, s0  }
0x220: {  	s2 =	simm.s32 $0x0;
	s5 =	simm.s32 $0x4200;
	s0 =	sadd.s32 s1, s0  }
0x221: {  	[tilespmem:s5], [sflag:$0x2] =	stream.linear.gather [hbm4b:s0+s2], $0x1000, $0x38;
	[tilespmem:$0x15200] =	vst v63  }
0x222: {  	_ =	swait.ge [sflag:s31], $0x1000  }
0x223: {  	[sflag:s31] =	ssyncset.done $0x0  }
0x224: {  	[sflag:s31] =	ssyncadd.s32 $0xFFFFF000  }
0x225: {  	_ =	swait.ge [sflag:s29], $0x1000  }
0x226: {  	[sflag:s29] =	ssyncset.done $0x0  }
0x227: {  	[sflag:s29] =	ssyncadd.s32 $0xFFFFF000  }
0x228: {  	_ =	swait.ge [sflag:s29], $0x1000  }
0x229: {  	[sflag:s29] =	ssyncset.done $0x0  }
0x22a: {  	[sflag:s29] =	ssyncadd.s32 $0xFFFFF000  }
0x22b: {  	_ =	swait.ge [sflag:s29], $0x1000  }
0x22c: {  	[sflag:s29] =	ssyncset.done $0x0  }
0x22d: {  	[sflag:s29] =	ssyncadd.s32 $0xFFFFF000  }
0x22e: {  	_ =	swait.ge [sflag:s29], $0x1000  }
0x22f: {  	[sflag:s29] =	ssyncset.done $0x0  }
0x230: {  	[sflag:s29] =	ssyncadd.s32 $0xFFFFF000  }
0x231: {  	_ =	swait.ge [sflag:s29], $0x1000  }
0x232: {  	[sflag:s29] =	ssyncset.done $0x0  }
0x233: {  	[sflag:s29] =	ssyncadd.s32 $0xFFFFF000  }
0x234: {  	_ =	swait.ge [sflag:s29], $0x1000  }
0x235: {  	[sflag:s29] =	ssyncset.done $0x0  }
0x236: {  	[sflag:s29] =	ssyncadd.s32 $0xFFFFF000  }
0x237: {  	_ =	swait.ge [sflag:s29], $0x1000  }
0x238: {  	[sflag:s29] =	ssyncset.done $0x0  }
0x239: {  	[sflag:s29] =	ssyncadd.s32 $0xFFFFF000  }
0x23a: {  	_ =	swait.ge [sflag:s29], $0x1000  }
0x23b: {  	[sflag:s29] =	ssyncset.done $0x0  }
0x23c: {  	s21 =	simm.s32 $0x3240;
	[sflag:s29] =	ssyncadd.s32 $0xFFFFF000  }
0x23d: {  	v8 =	vld [tilespmem:s21+$0x30]  }
0x23e: {  	v9 =	vld [tilespmem:s21+$0xFFFFFFD0]  }
0x23f: {  	v10 =	vld [tilespmem:s21+$0xFFFFFFE0]  }
0x240: {  	v13 =	vld [tilespmem:s21+$0xFFFFFFF0]  }
0x241: {  	v14 =	vld [tilespmem:s21+$0x0]  }
0x242: {  	v16 =	vld [tilespmem:s21+$0x10];
	v15 =	vshll.u32 v8, $0x4  }
0x243: {  	v17 =	vld [tilespmem:s21+$0x20];
	v11 =	vshll.u32 v9, $0x4;
	v18 =	vor.u32 v0, v15  }
0x244: {  	s24 =	sand.u32 $0x7000, s2;
	s2 =	sand.u32 $0xC00, s2;
	v20 =	vld [tilespmem:s21+$0xFFFFFFC0];
	v12 =	vshll.u32 v10, $0x4;
	v19 =	vor.u32 v0, v11  }
0x245: {  	s21 =	sor.u32 s2, s24;
	s2 =	simm.s32 $0x32C0;
	v13 =	vshll.u32 v13, $0x4;
	v21 =	vor.u32 v0, v12  }
0x246: {  	v53 =	vld [tilespmem:s2+$0x0];
	v8 =	vshll.u32 v14, $0x4;
	v22 =	vor.u32 v0, v13  }
0x247: {  	v54 =	vld [tilespmem:s2+$0x10];
	v9 =	vshll.u32 v16, $0x4;
	v23 =	vor.u32 v0, v8  }
0x248: {  	v10 =	vshll.u32 v17, $0x4;
	v16 =	vor.u32 v0, v9;
	v17 =	vld.idx.msk [tilespmem:v18+s4+$0x0], $0xffff  }
0x249: {  	v14 =	vshll.u32 v20, $0x4;
	v18 =	vld.idx.msk [tilespmem:v19+s4+$0x0], $0xffff;
	v19 =	vor.u32 v0, v10  }
0x24a: {  	v24 =	vor.u32 v0, v14;
	v20 =	vld.idx.msk [tilespmem:v21+s4+$0x0], $0xffff  }
0x24b: {  	v21 =	vadd.s32 v1, v15;
	v22 =	vld.idx.msk [tilespmem:v22+s4+$0x0], $0xffff  }
0x24c: {  	v25 =	vadd.s32 v1, v11;
	v23 =	vld.idx.msk [tilespmem:v23+s4+$0x0], $0xffff  }
0x24d: {  	v26 =	vadd.s32 v1, v12;
	v16 =	vld.idx.msk [tilespmem:v16+s4+$0x0], $0xffff  }
0x24e: {  	v27 =	vadd.s32 v1, v13;
	v19 =	vld.idx.msk [tilespmem:v19+s4+$0x0], $0xffff;
	[tilespmem:s21+$0x5270] =	vst v17  }
0x24f: {  	v28 =	vadd.s32 v1, v9;
	[tilespmem:s21+$0x5210] =	vst v18;
	v18 =	vld.idx.msk [tilespmem:v24+s4+$0x0], $0xffff  }
0x250: {  	v17 =	vadd.s32 v1, v8;
	[tilespmem:s21+$0x5220] =	vst v20;
	v21 =	vld.idx.msk [tilespmem:v21+s4+$0x0], $0xffff  }
0x251: {  	v61 =	vadd.s32 v1, v14;
	[tilespmem:s21+$0x5230] =	vst v22;
	v20 =	vld.idx.msk [tilespmem:v25+s4+$0x0], $0xffff  }
0x252: {  	v62 =	vadd.s32 v1, v10;
	[tilespmem:s21+$0x5240] =	vst v23;
	v22 =	vld.idx.msk [tilespmem:v26+s4+$0x0], $0xffff  }
0x253: {  	v60 =	vadd.s32 v2, v15;
	[tilespmem:s21+$0x5250] =	vst v16;
	v23 =	vld.idx.msk [tilespmem:v27+s4+$0x0], $0xffff  }
0x254: {  	v63 =	vadd.s32 v2, v11;
	v28 =	vld.idx.msk [tilespmem:v28+s4+$0x0], $0xffff;
	[tilespmem:s21+$0x5200] =	vst v18  }
0x255: {  	v16 =	vld.idx.msk [tilespmem:v17+s4+$0x0], $0xffff;
	v17 =	vadd.s32 v2, v12;
	[tilespmem:s21+$0x5260] =	vst v19  }
0x256: {  	[tilespmem:s21+$0x52F0] =	vst v21;
	v21 =	vadd.s32 v2, v13;
	v19 =	vld.idx.msk [tilespmem:v61+s4+$0x0], $0xffff  }
0x257: {  	v31 =	vadd.s32 v2, v8;
	[tilespmem:s21+$0x5290] =	vst v20;
	v20 =	vld.idx.msk [tilespmem:v62+s4+$0x0], $0xffff  }
0x258: {  	v34 =	vadd.s32 v2, v9;
	[tilespmem:s21+$0x52A0] =	vst v22;
	v18 =	vld.idx.msk [tilespmem:v60+s4+$0x0], $0xffff  }
0x259: {  	v33 =	vadd.s32 v2, v14;
	[tilespmem:s21+$0x52B0] =	vst v23;
	v22 =	vld.idx.msk [tilespmem:v63+s4+$0x0], $0xffff  }
0x25a: {  	v23 =	vadd.s32 v2, v10;
	[tilespmem:s21+$0x52D0] =	vst v28;
	v17 =	vld.idx.msk [tilespmem:v17+s4+$0x0], $0xffff  }
0x25b: {  	v32 =	vadd.s32 v3, v15;
	[tilespmem:s21+$0x52C0] =	vst v16;
	v16 =	vld.idx.msk [tilespmem:v21+s4+$0x0], $0xffff  }
0x25c: {  	v24 =	vld.idx.msk [tilespmem:v31+s4+$0x0], $0xffff;
	[tilespmem:s21+$0x5280] =	vst v19  }
0x25d: {  	v21 =	vadd.s32 v3, v11;
	[tilespmem:s21+$0x52E0] =	vst v20;
	v20 =	vld.idx.msk [tilespmem:v34+s4+$0x0], $0xffff  }
0x25e: {  	[tilespmem:s21+$0x5370] =	vst v18;
	v18 =	vadd.s32 v3, v12;
	v26 =	vld.idx.msk [tilespmem:v33+s4+$0x0], $0xffff  }
0x25f: {  	v35 =	vadd.s32 v3, v13;
	[tilespmem:s21+$0x5310] =	vst v22;
	v22 =	vld.idx.msk [tilespmem:v23+s4+$0x0], $0xffff  }
0x260: {  	v23 =	vadd.s32 v3, v8;
	v19 =	vld.idx.msk [tilespmem:v32+s4+$0x0], $0xffff;
	[tilespmem:s21+$0x5320] =	vst v17  }
0x261: {  	v30 =	vld [tilespmem:s2+$0xFFFFFFC0];
	v37 =	vadd.s32 v3, v14;
	[tilespmem:s21+$0x5330] =	vst v16  }
0x262: {  	v36 =	vadd.s32 v4, v15;
	v17 =	vld.idx.msk [tilespmem:v21+s4+$0x0], $0xffff;
	[tilespmem:s21+$0x5340] =	vst v24  }
0x263: {  	v21 =	vadd.s32 v3, v9;
	[tilespmem:s21+$0x5350] =	vst v20;
	v16 =	vld.idx.msk [tilespmem:v18+s4+$0x0], $0xffff  }
0x264: {  	v18 =	vadd.s32 v3, v10;
	v25 =	vld.idx.msk [tilespmem:v35+s4+$0x0], $0xffff;
	[tilespmem:s21+$0x5300] =	vst v26  }
0x265: {  	v20 =	vld.idx.msk [tilespmem:v23+s4+$0x0], $0xffff;
	[tilespmem:s21+$0x53F0] =	vst v19;
	v19 =	vadd.s32 v4, v11  }
0x266: {  	v39 =	vadd.s32 v4, v12;
	v40 =	vld.idx.msk [tilespmem:v37+s4+$0x0], $0xffff  }
0x267: {  	[tilespmem:s21+$0x5360] =	vst v22;
	v22 =	vadd.s32 v4, v13;
	v38 =	vld.idx.msk [tilespmem:v36+s4+$0x0], $0xffff  }
0x268: {  	v41 =	vadd.s32 v4, v14;
	v21 =	vld.idx.msk [tilespmem:v21+s4+$0x0], $0xffff;
	[tilespmem:s21+$0x5390] =	vst v17  }
0x269: {  	v23 =	vadd.s32 v5, v15;
	v17 =	vld.idx.msk [tilespmem:v18+s4+$0x0], $0xffff;
	[tilespmem:s21+$0x53A0] =	vst v16  }
0x26a: {  	v18 =	vadd.s32 v4, v8;
	[tilespmem:s21+$0x53B0] =	vst v25;
	v16 =	vld.idx.msk [tilespmem:v19+s4+$0x0], $0xffff  }
0x26b: {  	[tilespmem:s21+$0x53C0] =	vst v20;
	v19 =	vadd.s32 v4, v9;
	v27 =	vld.idx.msk [tilespmem:v39+s4+$0x0], $0xffff  }
0x26c: {  	v42 =	vadd.s32 v4, v10;
	[tilespmem:s21+$0x5380] =	vst v40;
	v20 =	vld.idx.msk [tilespmem:v22+s4+$0x0], $0xffff  }
0x26d: {  	v43 =	vadd.s32 v5, v11;
	[tilespmem:s21+$0x5470] =	vst v38;
	v44 =	vld.idx.msk [tilespmem:v41+s4+$0x0], $0xffff  }
0x26e: {  	v45 =	vadd.s32 v5, v14;
	v23 =	vld.idx.msk [tilespmem:v23+s4+$0x0], $0xffff;
	[tilespmem:s21+$0x53D0] =	vst v21  }
0x26f: {  	v22 =	vadd.s32 v6, v15;
	v18 =	vld.idx.msk [tilespmem:v18+s4+$0x0], $0xffff;
	[tilespmem:s21+$0x53E0] =	vst v17  }
0x270: {  	v21 =	vadd.s32 v5, v12;
	v17 =	vld.idx.msk [tilespmem:v19+s4+$0x0], $0xffff;
	[tilespmem:s21+$0x5410] =	vst v16  }
0x271: {  	v19 =	vadd.s32 v5, v13;
	v16 =	vld.idx.msk [tilespmem:v42+s4+$0x0], $0xffff;
	[tilespmem:s21+$0x5420] =	vst v27  }
0x272: {  	v46 =	vadd.s32 v5, v8;
	v24 =	vld.idx.msk [tilespmem:v43+s4+$0x0], $0xffff;
	[tilespmem:s21+$0x5400] =	vst v44  }
0x273: {  	v47 =	vadd.s32 v5, v10;
	[tilespmem:s21+$0x54F0] =	vst v23;
	v48 =	vld.idx.msk [tilespmem:v45+s4+$0x0], $0xffff  }
0x274: {  	[tilespmem:s21+$0x5430] =	vst v20;
	v23 =	vadd.s32 v5, v9;
	v22 =	vld.idx.msk [tilespmem:v22+s4+$0x0], $0xffff  }
0x275: {  	v20 =	vld.idx.msk [tilespmem:v21+s4+$0x0], $0xffff;
	v21 =	vadd.s32 v6, v14;
	[tilespmem:s21+$0x5440] =	vst v18  }
0x276: {  	v15 =	vadd.s32 v7, v15;
	v18 =	vld.idx.msk [tilespmem:v19+s4+$0x0], $0xffff;
	[tilespmem:s21+$0x5450] =	vst v17  }
0x277: {  	v19 =	vadd.s32 v6, v11;
	v17 =	vld.idx.msk [tilespmem:v46+s4+$0x0], $0xffff;
	[tilespmem:s21+$0x5460] =	vst v16  }
0x278: {  	v49 =	vadd.s32 v6, v12;
	v25 =	vld.idx.msk [tilespmem:v47+s4+$0x0], $0xffff;
	[tilespmem:s21+$0x5490] =	vst v24  }
0x279: {  	v16 =	vld.idx.msk [tilespmem:v23+s4+$0x0], $0xffff;
	v23 =	vadd.s32 v6, v13;
	[tilespmem:s21+$0x5480] =	vst v48  }
0x27a: {  	[tilespmem:s21+$0x5570] =	vst v22;
	v22 =	vadd.s32 v6, v8;
	v21 =	vld.idx.msk [tilespmem:v21+s4+$0x0], $0xffff  }
0x27b: {  	v51 =	vadd.s32 v6, v10;
	[tilespmem:s21+$0x54A0] =	vst v20;
	v50 =	vld.idx.msk [tilespmem:v15+s4+$0x0], $0xffff  }
0x27c: {  	v15 =	vadd.s32 v6, v9;
	v19 =	vld.idx.msk [tilespmem:v19+s4+$0x0], $0xffff;
	[tilespmem:s21+$0x54B0] =	vst v18  }
0x27d: {  	v18 =	vld.idx.msk [tilespmem:v49+s4+$0x0], $0xffff;
	[tilespmem:s21+$0x54C0] =	vst v17  }
0x27e: {  	v11 =	vadd.s32 v7, v11;
	[tilespmem:s21+$0x54E0] =	vst v25;
	v17 =	vld.idx.msk [tilespmem:v23+s4+$0x0], $0xffff  }
0x27f: {  	v12 =	vadd.s32 v7, v12;
	[tilespmem:s21+$0x54D0] =	vst v16;
	v16 =	vld.idx.msk [tilespmem:v22+s4+$0x0], $0xffff  }
0x280: {  	[tilespmem:s21+$0x5500] =	vst v21;
	v21 =	vld.idx.msk [tilespmem:v51+s4+$0x0], $0xffff  }
0x281: {  	v20 =	vld.idx.msk [tilespmem:v15+s4+$0x0], $0xffff;
	[tilespmem:s21+$0x5510] =	vst v19  }
0x282: {  	v13 =	vadd.s32 v7, v13;
	[tilespmem:s21+$0x5520] =	vst v18;
	v18 =	vld [tilespmem:s2+$0xFFFFFFF0]  }
0x283: {  	v19 =	vld.idx.msk [tilespmem:v11+s4+$0x0], $0xffff  }
0x284: {  	v23 =	vld.idx.msk [tilespmem:v12+s4+$0x0], $0xffff  }
0x285: {  	v14 =	vadd.s32 v7, v14;
	v11 =	vld [tilespmem:s2+$0x30]  }
0x286: {  	v8 =	vadd.s32 v7, v8;
	v12 =	vld [tilespmem:s2+$0xFFFFFFD0];
	[tilespmem:s21+$0x5530] =	vst v17  }
0x287: {  	v10 =	vadd.s32 v7, v10;
	v52 =	vld.idx.msk [tilespmem:v13+s4+$0x0], $0xffff  }
0x288: {  	v9 =	vadd.s32 v7, v9;
	v13 =	vld [tilespmem:s2+$0xFFFFFFE0];
	[tilespmem:s21+$0x5540] =	vst v16;
	v16 =	vshll.u32 v18, $0x4  }
0x289: {  	v55 =	vld [tilespmem:s2+$0x20];
	[tilespmem:s21+$0x5560] =	vst v21;
	v18 =	vshll.u32 v30, $0x4;
	v21 =	vor.u32 v0, v16  }
0x28a: {  	v22 =	vld.idx.msk [tilespmem:v14+s4+$0x0], $0xffff;
	v17 =	vshll.u32 v11, $0x4;
	[tilespmem:s21+$0x5590] =	vst v19;
	v19 =	vor.u32 v0, v18  }
0x28b: {  	v8 =	vld.idx.msk [tilespmem:v8+s4+$0x0], $0xffff;
	v14 =	vshll.u32 v12, $0x4;
	v29 =	vor.u32 v0, v17  }
0x28c: {  	[tilespmem:s21+$0x5550] =	vst v20;
	v10 =	vld.idx.msk [tilespmem:v10+s4+$0x0], $0xffff;
	v12 =	vshll.u32 v53, $0x4;
	v31 =	vor.u32 v0, v14  }
0x28d: {  	v9 =	vld.idx.msk [tilespmem:v9+s4+$0x0], $0xffff;
	v25 =	vor.u32 v0, v12;
	v15 =	vshll.u32 v13, $0x4  }
0x28e: {  	v11 =	vshll.u32 v54, $0x4;
	v20 =	vor.u32 v0, v15;
	v21 =	vld.idx.msk [tilespmem:v21+s4+$0x0], $0xffff  }
0x28f: {  	v26 =	vor.u32 v0, v11;
	v13 =	vshll.u32 v55, $0x4;
	v19 =	vld.idx.msk [tilespmem:v19+s4+$0x0], $0xffff  }
0x290: {  	[tilespmem:s21+$0x55F0] =	vst v50;
	v58 =	vor.u32 v0, v13;
	v56 =	vld.idx.msk [tilespmem:v29+s4+$0x0], $0xffff  }
0x291: {  	s28 =	simm.s32 $0x1000;
	s24 =	simm.s32 $0x80;
	[tilespmem:s21+$0x5580] =	vst v22;
	v22 =	vadd.s32 v1, v17;
	v57 =	vld.idx.msk [tilespmem:v31+s4+$0x0], $0xffff  }
0x292: {  	s5 =	sand.u32 $0x7000, s28;
	s7 =	sand.u32 $0xC00, s24;
	[tilespmem:s21+$0x55A0] =	vst v23;
	v60 =	vadd.s32 v1, v16;
	v25 =	vld.idx.msk [tilespmem:v25+s4+$0x0], $0xffff  }
0x293: {  	s0 =	sor.u32 s7, s5;
	v23 =	vadd.s32 v1, v14;
	[tilespmem:s21+$0x55B0] =	vst v52;
	v20 =	vld.idx.msk [tilespmem:v20+s4+$0x0], $0xffff  }
0x294: {  	v61 =	vadd.s32 v1, v12;
	v26 =	vld.idx.msk [tilespmem:v26+s4+$0x0], $0xffff;
	[tilespmem:s0+$0x5230] =	vst v21  }
0x295: {  	v59 =	vadd.s32 v1, v15;
	v29 =	vld.idx.msk [tilespmem:v58+s4+$0x0], $0xffff;
	[tilespmem:s0+$0x5270] =	vst v56  }
0x296: {  	v62 =	vadd.s32 v1, v11;
	[tilespmem:s0+$0x5210] =	vst v57;
	v22 =	vld.idx.msk [tilespmem:v22+s4+$0x0], $0xffff  }
0x297: {  	v21 =	vadd.s32 v2, v17;
	[tilespmem:s0+$0x5240] =	vst v25;
	v30 =	vld.idx.msk [tilespmem:v60+s4+$0x0], $0xffff  }
0x298: {  	[tilespmem:s0+$0x5220] =	vst v20;
	v20 =	vld.idx.msk [tilespmem:v23+s4+$0x0], $0xffff;
	v23 =	vadd.s32 v1, v18  }
0x299: {  	v63 =	vadd.s32 v1, v13;
	[tilespmem:s0+$0x5200] =	vst v19;
	v28 =	vld.idx.msk [tilespmem:v61+s4+$0x0], $0xffff  }
0x29a: {  	v32 =	vadd.s32 v2, v14;
	[tilespmem:s0+$0x5250] =	vst v26;
	v24 =	vld.idx.msk [tilespmem:v59+s4+$0x0], $0xffff  }
0x29b: {  	v33 =	vadd.s32 v2, v15;
	v27 =	vld.idx.msk [tilespmem:v62+s4+$0x0], $0xffff;
	[tilespmem:s0+$0x52F0] =	vst v22  }
0x29c: {  	[tilespmem:s0+$0x5260] =	vst v29;
	v22 =	vadd.s32 v2, v16;
	v19 =	vld.idx.msk [tilespmem:v21+s4+$0x0], $0xffff  }
0x29d: {  	[tilespmem:s0+$0x52B0] =	vst v30;
	v21 =	vadd.s32 v2, v12;
	v23 =	vld.idx.msk [tilespmem:v23+s4+$0x0], $0xffff  }
0x29e: {  	v36 =	vadd.s32 v2, v11;
	[tilespmem:s0+$0x5290] =	vst v20;
	v20 =	vld.idx.msk [tilespmem:v63+s4+$0x0], $0xffff  }
0x29f: {  	v34 =	vadd.s32 v3, v17;
	[tilespmem:s0+$0x52A0] =	vst v24;
	v26 =	vld.idx.msk [tilespmem:v32+s4+$0x0], $0xffff  }
0x2a0: {  	v35 =	vadd.s32 v2, v18;
	[tilespmem:s0+$0x52C0] =	vst v28;
	v29 =	vld.idx.msk [tilespmem:v33+s4+$0x0], $0xffff  }
0x2a1: {  	v37 =	vadd.s32 v2, v13;
	[tilespmem:s0+$0x52D0] =	vst v27;
	v22 =	vld.idx.msk [tilespmem:v22+s4+$0x0], $0xffff  }
0x2a2: {  	v38 =	vadd.s32 v3, v14;
	v21 =	vld.idx.msk [tilespmem:v21+s4+$0x0], $0xffff;
	[tilespmem:s0+$0x5370] =	vst v19  }
0x2a3: {  	v19 =	vadd.s32 v3, v15;
	[tilespmem:s0+$0x52E0] =	vst v20;
	v20 =	vld.idx.msk [tilespmem:v36+s4+$0x0], $0xffff  }
0x2a4: {  	v39 =	vadd.s32 v3, v16;
	[tilespmem:s0+$0x5280] =	vst v23;
	v23 =	vld.idx.msk [tilespmem:v34+s4+$0x0], $0xffff  }
0x2a5: {  	v42 =	vadd.s32 v3, v12;
	v25 =	vld.idx.msk [tilespmem:v35+s4+$0x0], $0xffff;
	[tilespmem:s0+$0x5310] =	vst v26  }
0x2a6: {  	v40 =	vadd.s32 v4, v17;
	v28 =	vld.idx.msk [tilespmem:v37+s4+$0x0], $0xffff;
	[tilespmem:s0+$0x5320] =	vst v29  }
0x2a7: {  	v41 =	vadd.s32 v3, v18;
	v27 =	vld.idx.msk [tilespmem:v38+s4+$0x0], $0xffff;
	[tilespmem:s0+$0x5330] =	vst v22  }
0x2a8: {  	v22 =	vadd.s32 v3, v11;
	v19 =	vld.idx.msk [tilespmem:v19+s4+$0x0], $0xffff;
	[tilespmem:s0+$0x5340] =	vst v21  }
0x2a9: {  	v21 =	vadd.s32 v3, v13;
	v24 =	vld.idx.msk [tilespmem:v39+s4+$0x0], $0xffff;
	[tilespmem:s0+$0x5350] =	vst v20  }
0x2aa: {  	[tilespmem:s0+$0x53F0] =	vst v23;
	v23 =	vadd.s32 v4, v14;
	v20 =	vld.idx.msk [tilespmem:v42+s4+$0x0], $0xffff  }
0x2ab: {  	v44 =	vadd.s32 v4, v15;
	[tilespmem:s0+$0x5300] =	vst v25;
	v43 =	vld.idx.msk [tilespmem:v40+s4+$0x0], $0xffff  }
0x2ac: {  	v47 =	vadd.s32 v4, v16;
	[tilespmem:s0+$0x5360] =	vst v28;
	v30 =	vld.idx.msk [tilespmem:v41+s4+$0x0], $0xffff  }
0x2ad: {  	v45 =	vadd.s32 v5, v17;
	[tilespmem:s0+$0x5390] =	vst v27;
	v22 =	vld.idx.msk [tilespmem:v22+s4+$0x0], $0xffff  }
0x2ae: {  	v46 =	vadd.s32 v4, v18;
	[tilespmem:s0+$0x53A0] =	vst v19;
	v19 =	vld.idx.msk [tilespmem:v21+s4+$0x0], $0xffff  }
0x2af: {  	v21 =	vadd.s32 v4, v12;
	[tilespmem:s0+$0x53B0] =	vst v24;
	v23 =	vld.idx.msk [tilespmem:v23+s4+$0x0], $0xffff  }
0x2b0: {  	v48 =	vadd.s32 v4, v11;
	v26 =	vld.idx.msk [tilespmem:v44+s4+$0x0], $0xffff;
	[tilespmem:s0+$0x53C0] =	vst v20  }
0x2b1: {  	v49 =	vadd.s32 v4, v13;
	v20 =	vld.idx.msk [tilespmem:v47+s4+$0x0], $0xffff;
	[tilespmem:s0+$0x5470] =	vst v43  }
0x2b2: {  	v50 =	vadd.s32 v5, v14;
	[tilespmem:s0+$0x5380] =	vst v30;
	v28 =	vld.idx.msk [tilespmem:v45+s4+$0x0], $0xffff  }
0x2b3: {  	v29 =	vld.idx.msk [tilespmem:v46+s4+$0x0], $0xffff;
	[tilespmem:s0+$0x53D0] =	vst v22;
	v22 =	vadd.s32 v6, v17  }
0x2b4: {  	v51 =	vadd.s32 v5, v18;
	v21 =	vld.idx.msk [tilespmem:v21+s4+$0x0], $0xffff;
	[tilespmem:s0+$0x53E0] =	vst v19  }
0x2b5: {  	v19 =	vadd.s32 v5, v15;
	[tilespmem:s0+$0x5410] =	vst v23;
	v23 =	vld.idx.msk [tilespmem:v48+s4+$0x0], $0xffff  }
0x2b6: {  	v52 =	vadd.s32 v5, v16;
	[tilespmem:s0+$0x5420] =	vst v26;
	v25 =	vld.idx.msk [tilespmem:v49+s4+$0x0], $0xffff  }
0x2b7: {  	v53 =	vadd.s32 v5, v12;
	v30 =	vld.idx.msk [tilespmem:v50+s4+$0x0], $0xffff;
	[tilespmem:s0+$0x54F0] =	vst v28  }
0x2b8: {  	v54 =	vadd.s32 v5, v11;
	[tilespmem:s0+$0x5400] =	vst v29;
	v22 =	vld.idx.msk [tilespmem:v22+s4+$0x0], $0xffff  }
0x2b9: {  	v55 =	vadd.s32 v5, v13;
	[tilespmem:s0+$0x5430] =	vst v20;
	v27 =	vld.idx.msk [tilespmem:v51+s4+$0x0], $0xffff  }
0x2ba: {  	v17 =	vadd.s32 v7, v17;
	v19 =	vld.idx.msk [tilespmem:v19+s4+$0x0], $0xffff;
	[tilespmem:s0+$0x5440] =	vst v21  }
0x2bb: {  	v20 =	vadd.s32 v6, v18;
	v21 =	vld.idx.msk [tilespmem:v52+s4+$0x0], $0xffff;
	[tilespmem:s0+$0x5450] =	vst v23  }
0x2bc: {  	v23 =	vadd.s32 v6, v14;
	v56 =	vld.idx.msk [tilespmem:v53+s4+$0x0], $0xffff;
	[tilespmem:s0+$0x5460] =	vst v25  }
0x2bd: {  	v57 =	vadd.s32 v6, v15;
	[tilespmem:s0+$0x5490] =	vst v30;
	v58 =	vld.idx.msk [tilespmem:v54+s4+$0x0], $0xffff  }
0x2be: {  	v59 =	vadd.s32 v6, v16;
	v29 =	vld.idx.msk [tilespmem:v55+s4+$0x0], $0xffff;
	[tilespmem:s0+$0x5570] =	vst v22  }
0x2bf: {  	v60 =	vadd.s32 v6, v11;
	[tilespmem:s0+$0x5480] =	vst v27;
	v17 =	vld.idx.msk [tilespmem:v17+s4+$0x0], $0xffff  }
0x2c0: {  	v22 =	vadd.s32 v6, v12;
	v20 =	vld.idx.msk [tilespmem:v20+s4+$0x0], $0xffff;
	[tilespmem:s0+$0x54A0] =	vst v19  }
0x2c1: {  	v19 =	vadd.s32 v6, v13;
	[tilespmem:s0+$0x54B0] =	vst v21;
	v23 =	vld.idx.msk [tilespmem:v23+s4+$0x0], $0xffff  }
0x2c2: {  	v21 =	vadd.s32 v7, v18;
	v25 =	vld.idx.msk [tilespmem:v57+s4+$0x0], $0xffff;
	[tilespmem:s0+$0x54C0] =	vst v56  }
0x2c3: {  	v14 =	vadd.s32 v7, v14;
	v61 =	vld.idx.msk [tilespmem:v59+s4+$0x0], $0xffff;
	[tilespmem:s0+$0x54D0] =	vst v58  }
0x2c4: {  	v62 =	vadd.s32 v7, v15;
	v63 =	vadd.s32 v7, v16;
	[tilespmem:s0+$0x54E0] =	vst v29;
	v16 =	vld.idx.msk [tilespmem:v60+s4+$0x0], $0xffff  }
0x2c5: {  	v22 =	vld.idx.msk [tilespmem:v22+s4+$0x0], $0xffff;
	[tilespmem:s0+$0x55F0] =	vst v17  }
0x2c6: {  	[tilespmem:s0+$0x5500] =	vst v20;
	v18 =	vld.idx.msk [tilespmem:v19+s4+$0x0], $0xffff  }
0x2c7: {  	v17 =	vld.idx.msk [tilespmem:v21+s4+$0x0], $0xffff;
	[tilespmem:s0+$0x5510] =	vst v23  }
0x2c8: {  	[tilespmem:s0+$0x5520] =	vst v25;
	v19 =	vld.idx.msk [tilespmem:v14+s4+$0x0], $0xffff  }
0x2c9: {  	v15 =	vadd.s32 v7, v12;
	[tilespmem:s0+$0x5530] =	vst v61;
	v20 =	vld.idx.msk [tilespmem:v62+s4+$0x0], $0xffff  }
0x2ca: {  	s5 =	simm.s32 $0x3340;
	s2 =	simm.s32 $0x8;
	v12 =	vadd.s32 v7, v13;
	v14 =	vadd.s32 v7, v11;
	v13 =	vld.idx.msk [tilespmem:v63+s4+$0x0], $0xffff;
	[tilespmem:s0+$0x5540] =	vst v22  }
.LBB2_7:
0x2cb: {  	v11 =	vld [tilespmem:s5+$0x30];
	s2 =	sadd.s32 $0x8, s2;
	[tilespmem:s0+$0x5550] =	vst v16  }
0x2cc: {  	v16 =	vld [tilespmem:s5+$0xFFFFFFD0];
	p0 =	slt.u32 s2, $0xF8;
	[tilespmem:s0+$0x5560] =	vst v18  }
0x2cd: {  	v18 =	vld [tilespmem:s5+$0xFFFFFFE0];
	[tilespmem:s0+$0x5580] =	vst v17  }
0x2ce: {  	v17 =	vld [tilespmem:s5+$0xFFFFFFF0];
	[tilespmem:s0+$0x5590] =	vst v19  }
0x2cf: {  	v19 =	vld [tilespmem:s5+$0x0];
	[tilespmem:s0+$0x55A0] =	vst v20  }
0x2d0: {  	v20 =	vld [tilespmem:s5+$0x10];
	v11 =	vshll.u32 v11, $0x4;
	[tilespmem:s0+$0x55B0] =	vst v13  }
0x2d1: {  	v13 =	vshll.u32 v16, $0x4;
	v21 =	vld [tilespmem:s5+$0x20];
	v22 =	vor.u32 v0, v11;
	[tilespmem:s21+$0x55C0] =	vst v8  }
0x2d2: {  	v23 =	vld [tilespmem:s5+$0xFFFFFFC0];
	v24 =	vor.u32 v0, v13;
	v25 =	vadd.s32 v1, v13;
	v16 =	vshll.u32 v18, $0x4;
	[tilespmem:s21+$0x55D0] =	vst v9  }
0x2d3: {  	v18 =	vor.u32 v0, v16;
	v26 =	vadd.s32 v1, v16;
	v17 =	vshll.u32 v17, $0x4;
	v8 =	vld.idx.msk [tilespmem:v15+s4+$0x0], $0xffff;
	[tilespmem:s21+$0x55E0] =	vst v10;
	s21 =	smov.u32 s0  }
0x2d4: {  	v15 =	vor.u32 v0, v17;
	v27 =	vadd.s32 v1, v17;
	v19 =	vshll.u32 v19, $0x4;
	v9 =	vld.idx.msk [tilespmem:v14+s4+$0x0], $0xffff  }
0x2d5: {  	v14 =	vor.u32 v0, v19;
	v28 =	vadd.s32 v1, v19;
	v20 =	vshll.u32 v20, $0x4;
	v10 =	vld.idx.msk [tilespmem:v12+s4+$0x0], $0xffff  }
0x2d6: {  	v12 =	vor.u32 v0, v20;
	v29 =	vadd.s32 v1, v20;
	v21 =	vshll.u32 v21, $0x4;
	v22 =	vld.idx.msk [tilespmem:v22+s4+$0x0], $0xffff  }
0x2d7: {  	v23 =	vshll.u32 v23, $0x4;
	v24 =	vld.idx.msk [tilespmem:v24+s4+$0x0], $0xffff;
	v30 =	vor.u32 v0, v21;
	v31 =	vadd.s32 v1, v21  }
0x2d8: {  	v34 =	vadd.s32 v1, v11;
	v32 =	vor.u32 v0, v23;
	v33 =	vadd.s32 v1, v23;
	v18 =	vld.idx.msk [tilespmem:v18+s4+$0x0], $0xffff  }
0x2d9: {  	s24 =	sadd.s32 $0x80, s24;
	s28 =	sadd.s32 $0x1000, s28;
	v36 =	vadd.s32 v2, v13;
	v37 =	vadd.s32 v2, v16;
	v35 =	vadd.s32 v2, v23;
	v15 =	vld.idx.msk [tilespmem:v15+s4+$0x0], $0xffff  }
0x2da: {  	s7 =	sand.u32 $0xC00, s24;
	s0 =	sand.u32 $0x7000, s28;
	v38 =	vadd.s32 v2, v17;
	v39 =	vadd.s32 v2, v19;
	v40 =	vadd.s32 v2, v20;
	v14 =	vld.idx.msk [tilespmem:v14+s4+$0x0], $0xffff  }
0x2db: {  	v42 =	vadd.s32 v3, v13;
	s0 =	sor.u32 s7, s0;
	v43 =	vadd.s32 v2, v21;
	v41 =	vadd.s32 v3, v23;
	v12 =	vld.idx.msk [tilespmem:v12+s4+$0x0], $0xffff  }
0x2dc: {  	v44 =	vadd.s32 v3, v16;
	v45 =	vadd.s32 v3, v17;
	v30 =	vld.idx.msk [tilespmem:v30+s4+$0x0], $0xffff;
	[tilespmem:s0+$0x5270] =	vst v22  }
0x2dd: {  	v22 =	vadd.s32 v3, v19;
	[tilespmem:s0+$0x5210] =	vst v24;
	v24 =	vadd.s32 v3, v20;
	v34 =	vld.idx.msk [tilespmem:v34+s4+$0x0], $0xffff  }
0x2de: {  	v46 =	vadd.s32 v4, v23;
	v32 =	vld.idx.msk [tilespmem:v32+s4+$0x0], $0xffff;
	[tilespmem:s0+$0x5220] =	vst v18;
	v18 =	vadd.s32 v3, v21  }
0x2df: {  	v47 =	vadd.s32 v4, v13;
	v25 =	vld.idx.msk [tilespmem:v25+s4+$0x0], $0xffff;
	[tilespmem:s0+$0x5230] =	vst v15;
	v15 =	vadd.s32 v2, v11  }
0x2e0: {  	v48 =	vadd.s32 v4, v16;
	v49 =	vadd.s32 v4, v17;
	v26 =	vld.idx.msk [tilespmem:v26+s4+$0x0], $0xffff;
	[tilespmem:s0+$0x5240] =	vst v14  }
0x2e1: {  	v50 =	vadd.s32 v4, v20;
	v14 =	vld.idx.msk [tilespmem:v27+s4+$0x0], $0xffff;
	v27 =	vadd.s32 v4, v19;
	[tilespmem:s0+$0x5250] =	vst v12  }
0x2e2: {  	v51 =	vadd.s32 v5, v23;
	v12 =	vld.idx.msk [tilespmem:v28+s4+$0x0], $0xffff;
	[tilespmem:s0+$0x5260] =	vst v30;
	v28 =	vadd.s32 v4, v21  }
0x2e3: {  	v52 =	vadd.s32 v5, v16;
	v30 =	vadd.s32 v5, v13;
	v29 =	vld.idx.msk [tilespmem:v29+s4+$0x0], $0xffff;
	[tilespmem:s0+$0x52F0] =	vst v34  }
0x2e4: {  	v34 =	vadd.s32 v5, v19;
	[tilespmem:s0+$0x5200] =	vst v32;
	v32 =	vadd.s32 v5, v17;
	v15 =	vld.idx.msk [tilespmem:v15+s4+$0x0], $0xffff  }
0x2e5: {  	v53 =	vadd.s32 v5, v21;
	v33 =	vld.idx.msk [tilespmem:v33+s4+$0x0], $0xffff;
	[tilespmem:s0+$0x5290] =	vst v25;
	v25 =	vadd.s32 v5, v20  }
0x2e6: {  	v54 =	vadd.s32 v6, v23;
	[tilespmem:s0+$0x52A0] =	vst v26;
	v26 =	vld.idx.msk [tilespmem:v31+s4+$0x0], $0xffff;
	v31 =	vadd.s32 v3, v11  }
0x2e7: {  	v55 =	vadd.s32 v6, v13;
	v56 =	vadd.s32 v6, v16;
	v36 =	vld.idx.msk [tilespmem:v36+s4+$0x0], $0xffff;
	[tilespmem:s0+$0x52B0] =	vst v14  }
0x2e8: {  	v57 =	vadd.s32 v6, v17;
	v58 =	vadd.s32 v6, v19;
	v37 =	vld.idx.msk [tilespmem:v37+s4+$0x0], $0xffff;
	[tilespmem:s0+$0x52C0] =	vst v12  }
0x2e9: {  	v59 =	vadd.s32 v6, v21;
	v38 =	vld.idx.msk [tilespmem:v38+s4+$0x0], $0xffff;
	[tilespmem:s0+$0x52D0] =	vst v29;
	v29 =	vadd.s32 v6, v20  }
0x2ea: {  	v23 =	vadd.s32 v7, v23;
	v13 =	vadd.s32 v7, v13;
	v39 =	vld.idx.msk [tilespmem:v39+s4+$0x0], $0xffff;
	[tilespmem:s0+$0x5370] =	vst v15  }
0x2eb: {  	v60 =	vadd.s32 v7, v17;
	[tilespmem:s0+$0x5280] =	vst v33;
	v33 =	vadd.s32 v7, v16;
	v16 =	vld.idx.msk [tilespmem:v31+s4+$0x0], $0xffff  }
0x2ec: {  	v14 =	vadd.s32 v7, v20;
	v15 =	vadd.s32 v7, v19;
	v17 =	vld.idx.msk [tilespmem:v35+s4+$0x0], $0xffff;
	[tilespmem:s0+$0x52E0] =	vst v26  }
0x2ed: {  	v12 =	vadd.s32 v7, v21;
	v20 =	vadd.s32 v4, v11;
	[tilespmem:s0+$0x5310] =	vst v36;
	v19 =	vld.idx.msk [tilespmem:v40+s4+$0x0], $0xffff  }
0x2ee: {  	[tilespmem:s0+$0x5320] =	vst v37;
	v21 =	vld.idx.msk [tilespmem:v43+s4+$0x0], $0xffff  }
0x2ef: {  	v26 =	vld.idx.msk [tilespmem:v42+s4+$0x0], $0xffff;
	[tilespmem:s0+$0x5330] =	vst v38  }
0x2f0: {  	v31 =	vld.idx.msk [tilespmem:v44+s4+$0x0], $0xffff;
	[tilespmem:s0+$0x5340] =	vst v39  }
0x2f1: {  	v35 =	vld.idx.msk [tilespmem:v45+s4+$0x0], $0xffff;
	[tilespmem:s0+$0x53F0] =	vst v16  }
0x2f2: {  	[tilespmem:s0+$0x5300] =	vst v17;
	v16 =	vld.idx.msk [tilespmem:v20+s4+$0x0], $0xffff  }
0x2f3: {  	v17 =	vld.idx.msk [tilespmem:v41+s4+$0x0], $0xffff;
	[tilespmem:s0+$0x5350] =	vst v19  }
0x2f4: {  	v20 =	vadd.s32 v5, v11;
	v19 =	vld.idx.msk [tilespmem:v22+s4+$0x0], $0xffff;
	[tilespmem:s0+$0x5360] =	vst v21  }
0x2f5: {  	[tilespmem:s0+$0x5390] =	vst v26;
	v21 =	vld.idx.msk [tilespmem:v24+s4+$0x0], $0xffff  }
0x2f6: {  	[tilespmem:s0+$0x53A0] =	vst v31;
	v18 =	vld.idx.msk [tilespmem:v18+s4+$0x0], $0xffff  }
0x2f7: {  	v22 =	vld.idx.msk [tilespmem:v47+s4+$0x0], $0xffff;
	[tilespmem:s0+$0x53B0] =	vst v35  }
0x2f8: {  	v24 =	vld.idx.msk [tilespmem:v48+s4+$0x0], $0xffff;
	[tilespmem:s0+$0x5470] =	vst v16  }
0x2f9: {  	[tilespmem:s0+$0x5380] =	vst v17;
	v16 =	vld.idx.msk [tilespmem:v20+s4+$0x0], $0xffff  }
0x2fa: {  	v17 =	vld.idx.msk [tilespmem:v46+s4+$0x0], $0xffff;
	[tilespmem:s0+$0x53C0] =	vst v19  }
0x2fb: {  	v20 =	vadd.s32 v6, v11;
	v19 =	vld.idx.msk [tilespmem:v49+s4+$0x0], $0xffff;
	[tilespmem:s0+$0x53D0] =	vst v21  }
0x2fc: {  	v21 =	vld.idx.msk [tilespmem:v27+s4+$0x0], $0xffff;
	[tilespmem:s0+$0x53E0] =	vst v18  }
0x2fd: {  	[tilespmem:s0+$0x5410] =	vst v22;
	v18 =	vld.idx.msk [tilespmem:v50+s4+$0x0], $0xffff  }
0x2fe: {  	[tilespmem:s0+$0x5420] =	vst v24;
	v22 =	vld.idx.msk [tilespmem:v28+s4+$0x0], $0xffff  }
0x2ff: {  	v24 =	vld.idx.msk [tilespmem:v30+s4+$0x0], $0xffff;
	[tilespmem:s0+$0x54F0] =	vst v16  }
0x300: {  	[tilespmem:s0+$0x5400] =	vst v17;
	v16 =	vld.idx.msk [tilespmem:v20+s4+$0x0], $0xffff  }
0x301: {  	v17 =	vld.idx.msk [tilespmem:v51+s4+$0x0], $0xffff;
	[tilespmem:s0+$0x5430] =	vst v19  }
0x302: {  	v11 =	vadd.s32 v7, v11;
	v19 =	vld.idx.msk [tilespmem:v52+s4+$0x0], $0xffff;
	[tilespmem:s0+$0x5440] =	vst v21  }
0x303: {  	v20 =	vld.idx.msk [tilespmem:v32+s4+$0x0], $0xffff;
	[tilespmem:s0+$0x5450] =	vst v18  }
0x304: {  	v18 =	vld.idx.msk [tilespmem:v34+s4+$0x0], $0xffff;
	[tilespmem:s0+$0x5460] =	vst v22  }
0x305: {  	[tilespmem:s0+$0x5490] =	vst v24;
	v21 =	vld.idx.msk [tilespmem:v25+s4+$0x0], $0xffff  }
0x306: {  	v22 =	vld.idx.msk [tilespmem:v53+s4+$0x0], $0xffff;
	[tilespmem:s0+$0x5570] =	vst v16  }
0x307: {  	[tilespmem:s0+$0x5480] =	vst v17;
	v11 =	vld.idx.msk [tilespmem:v11+s4+$0x0], $0xffff  }
0x308: {  	v17 =	vld.idx.msk [tilespmem:v54+s4+$0x0], $0xffff;
	[tilespmem:s0+$0x54A0] =	vst v19  }
0x309: {  	v19 =	vld.idx.msk [tilespmem:v55+s4+$0x0], $0xffff;
	[tilespmem:s0+$0x54B0] =	vst v20  }
0x30a: {  	v20 =	vld.idx.msk [tilespmem:v56+s4+$0x0], $0xffff;
	[tilespmem:s0+$0x54C0] =	vst v18  }
0x30b: {  	v24 =	vld.idx.msk [tilespmem:v57+s4+$0x0], $0xffff;
	[tilespmem:s0+$0x54D0] =	vst v21  }
0x30c: {  	v21 =	vld.idx.msk [tilespmem:v58+s4+$0x0], $0xffff;
	[tilespmem:s0+$0x54E0] =	vst v22  }
0x30d: {  	v16 =	vld.idx.msk [tilespmem:v29+s4+$0x0], $0xffff;
	[tilespmem:s0+$0x55F0] =	vst v11  }
.Ltmp2:
0x30e: {  	[tilespmem:s0+$0x5500] =	vst v17;
	v18 =	vld.idx.msk [tilespmem:v59+s4+$0x0], $0xffff;
	(pc) =	sbr.rel @p0 .LBB2_7-.Ltmp2, $4  }
0x30f: {  	v17 =	vld.idx.msk [tilespmem:v23+s4+$0x0], $0xffff;
	[tilespmem:s0+$0x5510] =	vst v19  }
0x310: {  	v19 =	vld.idx.msk [tilespmem:v13+s4+$0x0], $0xffff;
	[tilespmem:s0+$0x5520] =	vst v20  }
0x311: {  	v20 =	vld.idx.msk [tilespmem:v33+s4+$0x0], $0xffff;
	[tilespmem:s0+$0x5530] =	vst v24  }
0x312: {  	s5 =	sadd.s32 $0x80, s5;
	v13 =	vld.idx.msk [tilespmem:v60+s4+$0x0], $0xffff;
	[tilespmem:s0+$0x5540] =	vst v21  }
0x313: {  	[tilespmem:s0+$0x5550] =	vst v16  }
0x314: {  	[tilespmem:s0+$0x5560] =	vst v18  }
0x315: {  	[tilespmem:s21+$0x55C0] =	vst v8  }
0x316: {  	[tilespmem:s21+$0x55D0] =	vst v9  }
0x317: {  	v11 =	vld.idx.msk [tilespmem:v15+s4+$0x0], $0xffff;
	[tilespmem:s21+$0x55E0] =	vst v10  }
0x318: {  	[tilespmem:s0+$0x5580] =	vst v17;
	v8 =	vld.idx.msk [tilespmem:v12+s4+$0x0], $0xffff  }
0x319: {  	[tilespmem:s0+$0x55B0] =	vst v13;
	v13 =	vld.idx.msk [tilespmem:v14+s4+$0x0], $0xffff  }
0x31a: {  	[tilespmem:s0+$0x5590] =	vst v19  }
0x31b: {  	s2 =	sshll.u32 s6, $0x15;
	[tilespmem:s0+$0x55A0] =	vst v20  }
0x31c: {  	s2 =	sor.u32 s22, s2;
	[tilespmem:s0+$0x55C0] =	vst v11  }
0x31d: {  	s2 =	sshrl.u32 s2, $0x3;
	[tilespmem:s0+$0x55E0] =	vst v8  }
0x31e: {  	s7 =	simm.s32 $0x5200;
	s5 =	sadd.s32 s3, s2;
	[tilespmem:s0+$0x55D0] =	vst v13;
	s0 =	simm.s32 $0x0  }
0x31f: {  	[hbm4b:s5+s0] =	stream.linear.scatter [tilespmem:s7], [sflag:$0x3], $0x1000, $0x38;
	[tilespmem:$0x15200] =	vst v63  }
0x320: {  	s24 =	simm.s32 $0x6200;
	s21 =	sadd.s32 s2, s9  }
0x321: {  	[hbm4b:s21+s0] =	stream.linear.scatter [tilespmem:s24], [sflag:$0x3], $0x1000, $0x38;
	[tilespmem:$0x15200] =	vst v63  }
0x322: {  	s21 =	sadd.s32 s2, s10;
	s24 =	simm.s32 $0x7200  }
0x323: {  	[hbm4b:s21+s0] =	stream.linear.scatter [tilespmem:s24], [sflag:$0x3], $0x1000, $0x38;
	[tilespmem:$0x15200] =	vst v63  }
0x324: {  	s21 =	sadd.s32 s2, s11;
	s24 =	simm.s32 $0x8200  }
0x325: {  	[hbm4b:s21+s0] =	stream.linear.scatter [tilespmem:s24], [sflag:$0x3], $0x1000, $0x38;
	[tilespmem:$0x15200] =	vst v63  }
0x326: {  	s7 =	sadd.s32 s2, s12  }
0x327: {  	[hbm4b:s7+s0] =	stream.linear.scatter [tilespmem:s13], [sflag:$0x3], $0x1000, $0x38;
	[tilespmem:$0x15200] =	vst v63  }
0x328: {  	s21 =	sadd.s32 s2, s16  }
0x329: {  	[hbm4b:s21+s0] =	stream.linear.scatter [tilespmem:s14], [sflag:$0x3], $0x1000, $0x38;
	[tilespmem:$0x15200] =	vst v63  }
0x32a: {  	s24 =	sadd.s32 s2, s17  }
0x32b: {  	[hbm4b:s24+s0] =	stream.linear.scatter [tilespmem:s15], [sflag:$0x3], $0x1000, $0x38;
	[tilespmem:$0x15200] =	vst v63  }
0x32c: {  	s5 =	sadd.s32 s23, s30;
	s2 =	sadd.s32 s2, s18  }
0x32d: {  	[hbm4b:s2+s0] =	stream.linear.scatter [tilespmem:s19], [sflag:$0x3], $0x1000, $0x38;
	[tilespmem:$0x15200] =	vst v63  }
0x32e: {  	s2 =	sshll.u32 s5, $0x9  }
0x32f: {  	s7 =	simm.s32 $0x3200;
	s2 =	sadd.s32 s1, s2  }
0x330: {  	[tilespmem:s7], [sflag:$0x1] =	stream.linear.gather [hbm4b:s2+s0], $0x1000, $0x38;
	[tilespmem:$0x15200] =	vst v63  }
0x331: {  	_ =	swait.ge [sflag:s20], $0x1000  }
0x332: {  	[sflag:s20] =	ssyncset.done $0x0  }
0x333: {  	[sflag:s20] =	ssyncadd.s32 $0xFFFFF000  }
0x334: {  	_ =	swait.ge [sflag:s26], $0x1000  }
0x335: {  	[sflag:s26] =	ssyncset.done $0x0  }
0x336: {  	[sflag:s26] =	ssyncadd.s32 $0xFFFFF000  }
0x337: {  	_ =	swait.ge [sflag:s26], $0x1000  }
0x338: {  	[sflag:s26] =	ssyncset.done $0x0  }
0x339: {  	[sflag:s26] =	ssyncadd.s32 $0xFFFFF000  }
0x33a: {  	_ =	swait.ge [sflag:s26], $0x1000  }
0x33b: {  	[sflag:s26] =	ssyncset.done $0x0  }
0x33c: {  	[sflag:s26] =	ssyncadd.s32 $0xFFFFF000  }
0x33d: {  	_ =	swait.ge [sflag:s26], $0x1000  }
0x33e: {  	[sflag:s26] =	ssyncset.done $0x0  }
0x33f: {  	[sflag:s26] =	ssyncadd.s32 $0xFFFFF000  }
0x340: {  	_ =	swait.ge [sflag:s26], $0x1000  }
0x341: {  	[sflag:s26] =	ssyncset.done $0x0  }
0x342: {  	[sflag:s26] =	ssyncadd.s32 $0xFFFFF000  }
0x343: {  	_ =	swait.ge [sflag:s26], $0x1000  }
0x344: {  	[sflag:s26] =	ssyncset.done $0x0  }
0x345: {  	[sflag:s26] =	ssyncadd.s32 $0xFFFFF000  }
0x346: {  	_ =	swait.ge [sflag:s26], $0x1000  }
0x347: {  	[sflag:s26] =	ssyncset.done $0x0  }
0x348: {  	[sflag:s26] =	ssyncadd.s32 $0xFFFFF000  }
0x349: {  	_ =	swait.ge [sflag:s26], $0x1000  }
0x34a: {  	[sflag:s26] =	ssyncset.done $0x0  }
0x34b: {  	s21 =	simm.s32 $0x4240;
	[sflag:s26] =	ssyncadd.s32 $0xFFFFF000  }
0x34c: {  	v8 =	vld [tilespmem:s21+$0x30]  }
0x34d: {  	v9 =	vld [tilespmem:s21+$0xFFFFFFD0]  }
0x34e: {  	v10 =	vld [tilespmem:s21+$0xFFFFFFE0]  }
0x34f: {  	v13 =	vld [tilespmem:s21+$0xFFFFFFF0]  }
0x350: {  	v14 =	vld [tilespmem:s21+$0x0]  }
0x351: {  	v16 =	vld [tilespmem:s21+$0x10];
	v15 =	vshll.u32 v8, $0x4  }
0x352: {  	v17 =	vld [tilespmem:s21+$0x20];
	v11 =	vshll.u32 v9, $0x4;
	v18 =	vor.u32 v0, v15  }
0x353: {  	v20 =	vld [tilespmem:s21+$0xFFFFFFC0];
	v12 =	vshll.u32 v10, $0x4;
	v19 =	vor.u32 v0, v11  }
0x354: {  	s2 =	simm.s32 $0x42C0;
	v13 =	vshll.u32 v13, $0x4;
	v21 =	vor.u32 v0, v12  }
0x355: {  	v53 =	vld [tilespmem:s2+$0x0];
	v8 =	vshll.u32 v14, $0x4;
	v22 =	vor.u32 v0, v13  }
0x356: {  	v54 =	vld [tilespmem:s2+$0x10];
	v9 =	vshll.u32 v16, $0x4;
	v23 =	vor.u32 v0, v8  }
0x357: {  	v10 =	vshll.u32 v17, $0x4;
	v16 =	vor.u32 v0, v9;
	v17 =	vld.idx.msk [tilespmem:v18+s4+$0x0], $0xffff  }
0x358: {  	v14 =	vshll.u32 v20, $0x4;
	v18 =	vld.idx.msk [tilespmem:v19+s4+$0x0], $0xffff;
	v19 =	vor.u32 v0, v10  }
0x359: {  	v24 =	vor.u32 v0, v14;
	v20 =	vld.idx.msk [tilespmem:v21+s4+$0x0], $0xffff  }
0x35a: {  	v21 =	vadd.s32 v1, v15;
	v22 =	vld.idx.msk [tilespmem:v22+s4+$0x0], $0xffff  }
0x35b: {  	s24 =	sand.u32 $0x7000, s0;
	s0 =	sand.u32 $0xC00, s0;
	v25 =	vadd.s32 v1, v11;
	v23 =	vld.idx.msk [tilespmem:v23+s4+$0x0], $0xffff  }
0x35c: {  	s30 =	sor.u32 s0, s24;
	v26 =	vadd.s32 v1, v12;
	v16 =	vld.idx.msk [tilespmem:v16+s4+$0x0], $0xffff  }
0x35d: {  	v27 =	vadd.s32 v1, v13;
	v19 =	vld.idx.msk [tilespmem:v19+s4+$0x0], $0xffff;
	[tilespmem:s30+$0xD270] =	vst v17  }
0x35e: {  	v28 =	vadd.s32 v1, v9;
	[tilespmem:s30+$0xD210] =	vst v18;
	v18 =	vld.idx.msk [tilespmem:v24+s4+$0x0], $0xffff  }
0x35f: {  	v17 =	vadd.s32 v1, v8;
	[tilespmem:s30+$0xD220] =	vst v20;
	v21 =	vld.idx.msk [tilespmem:v21+s4+$0x0], $0xffff  }
0x360: {  	v61 =	vadd.s32 v1, v14;
	[tilespmem:s30+$0xD230] =	vst v22;
	v20 =	vld.idx.msk [tilespmem:v25+s4+$0x0], $0xffff  }
0x361: {  	v62 =	vadd.s32 v1, v10;
	[tilespmem:s30+$0xD240] =	vst v23;
	v22 =	vld.idx.msk [tilespmem:v26+s4+$0x0], $0xffff  }
0x362: {  	v60 =	vadd.s32 v2, v15;
	[tilespmem:s30+$0xD250] =	vst v16;
	v23 =	vld.idx.msk [tilespmem:v27+s4+$0x0], $0xffff  }
0x363: {  	v63 =	vadd.s32 v2, v11;
	v28 =	vld.idx.msk [tilespmem:v28+s4+$0x0], $0xffff;
	[tilespmem:s30+$0xD200] =	vst v18  }
0x364: {  	v16 =	vld.idx.msk [tilespmem:v17+s4+$0x0], $0xffff;
	v17 =	vadd.s32 v2, v12;
	[tilespmem:s30+$0xD260] =	vst v19  }
0x365: {  	[tilespmem:s30+$0xD2F0] =	vst v21;
	v21 =	vadd.s32 v2, v13;
	v19 =	vld.idx.msk [tilespmem:v61+s4+$0x0], $0xffff  }
0x366: {  	v31 =	vadd.s32 v2, v8;
	[tilespmem:s30+$0xD290] =	vst v20;
	v20 =	vld.idx.msk [tilespmem:v62+s4+$0x0], $0xffff  }
0x367: {  	v34 =	vadd.s32 v2, v9;
	[tilespmem:s30+$0xD2A0] =	vst v22;
	v18 =	vld.idx.msk [tilespmem:v60+s4+$0x0], $0xffff  }
0x368: {  	v33 =	vadd.s32 v2, v14;
	[tilespmem:s30+$0xD2B0] =	vst v23;
	v22 =	vld.idx.msk [tilespmem:v63+s4+$0x0], $0xffff  }
0x369: {  	v23 =	vadd.s32 v2, v10;
	[tilespmem:s30+$0xD2D0] =	vst v28;
	v17 =	vld.idx.msk [tilespmem:v17+s4+$0x0], $0xffff  }
0x36a: {  	v32 =	vadd.s32 v3, v15;
	[tilespmem:s30+$0xD2C0] =	vst v16;
	v16 =	vld.idx.msk [tilespmem:v21+s4+$0x0], $0xffff  }
0x36b: {  	v24 =	vld.idx.msk [tilespmem:v31+s4+$0x0], $0xffff;
	[tilespmem:s30+$0xD280] =	vst v19  }
0x36c: {  	v21 =	vadd.s32 v3, v11;
	[tilespmem:s30+$0xD2E0] =	vst v20;
	v20 =	vld.idx.msk [tilespmem:v34+s4+$0x0], $0xffff  }
0x36d: {  	[tilespmem:s30+$0xD370] =	vst v18;
	v18 =	vadd.s32 v3, v12;
	v26 =	vld.idx.msk [tilespmem:v33+s4+$0x0], $0xffff  }
0x36e: {  	v35 =	vadd.s32 v3, v13;
	[tilespmem:s30+$0xD310] =	vst v22;
	v22 =	vld.idx.msk [tilespmem:v23+s4+$0x0], $0xffff  }
0x36f: {  	v23 =	vadd.s32 v3, v8;
	v19 =	vld.idx.msk [tilespmem:v32+s4+$0x0], $0xffff;
	[tilespmem:s30+$0xD320] =	vst v17  }
0x370: {  	v30 =	vld [tilespmem:s2+$0xFFFFFFC0];
	v37 =	vadd.s32 v3, v14;
	[tilespmem:s30+$0xD330] =	vst v16  }
0x371: {  	v36 =	vadd.s32 v4, v15;
	v17 =	vld.idx.msk [tilespmem:v21+s4+$0x0], $0xffff;
	[tilespmem:s30+$0xD340] =	vst v24  }
0x372: {  	v21 =	vadd.s32 v3, v9;
	[tilespmem:s30+$0xD350] =	vst v20;
	v16 =	vld.idx.msk [tilespmem:v18+s4+$0x0], $0xffff  }
0x373: {  	v18 =	vadd.s32 v3, v10;
	v25 =	vld.idx.msk [tilespmem:v35+s4+$0x0], $0xffff;
	[tilespmem:s30+$0xD300] =	vst v26  }
0x374: {  	v20 =	vld.idx.msk [tilespmem:v23+s4+$0x0], $0xffff;
	[tilespmem:s30+$0xD3F0] =	vst v19;
	v19 =	vadd.s32 v4, v11  }
0x375: {  	v39 =	vadd.s32 v4, v12;
	v40 =	vld.idx.msk [tilespmem:v37+s4+$0x0], $0xffff  }
0x376: {  	[tilespmem:s30+$0xD360] =	vst v22;
	v22 =	vadd.s32 v4, v13;
	v38 =	vld.idx.msk [tilespmem:v36+s4+$0x0], $0xffff  }
0x377: {  	v41 =	vadd.s32 v4, v14;
	v21 =	vld.idx.msk [tilespmem:v21+s4+$0x0], $0xffff;
	[tilespmem:s30+$0xD390] =	vst v17  }
0x378: {  	v23 =	vadd.s32 v5, v15;
	v17 =	vld.idx.msk [tilespmem:v18+s4+$0x0], $0xffff;
	[tilespmem:s30+$0xD3A0] =	vst v16  }
0x379: {  	v18 =	vadd.s32 v4, v8;
	[tilespmem:s30+$0xD3B0] =	vst v25;
	v16 =	vld.idx.msk [tilespmem:v19+s4+$0x0], $0xffff  }
0x37a: {  	[tilespmem:s30+$0xD3C0] =	vst v20;
	v19 =	vadd.s32 v4, v9;
	v27 =	vld.idx.msk [tilespmem:v39+s4+$0x0], $0xffff  }
0x37b: {  	v42 =	vadd.s32 v4, v10;
	[tilespmem:s30+$0xD380] =	vst v40;
	v20 =	vld.idx.msk [tilespmem:v22+s4+$0x0], $0xffff  }
0x37c: {  	v43 =	vadd.s32 v5, v11;
	[tilespmem:s30+$0xD470] =	vst v38;
	v44 =	vld.idx.msk [tilespmem:v41+s4+$0x0], $0xffff  }
0x37d: {  	v45 =	vadd.s32 v5, v14;
	v23 =	vld.idx.msk [tilespmem:v23+s4+$0x0], $0xffff;
	[tilespmem:s30+$0xD3D0] =	vst v21  }
0x37e: {  	v22 =	vadd.s32 v6, v15;
	v18 =	vld.idx.msk [tilespmem:v18+s4+$0x0], $0xffff;
	[tilespmem:s30+$0xD3E0] =	vst v17  }
0x37f: {  	v21 =	vadd.s32 v5, v12;
	v17 =	vld.idx.msk [tilespmem:v19+s4+$0x0], $0xffff;
	[tilespmem:s30+$0xD410] =	vst v16  }
0x380: {  	v19 =	vadd.s32 v5, v13;
	v16 =	vld.idx.msk [tilespmem:v42+s4+$0x0], $0xffff;
	[tilespmem:s30+$0xD420] =	vst v27  }
0x381: {  	v46 =	vadd.s32 v5, v8;
	v24 =	vld.idx.msk [tilespmem:v43+s4+$0x0], $0xffff;
	[tilespmem:s30+$0xD400] =	vst v44  }
0x382: {  	v47 =	vadd.s32 v5, v10;
	[tilespmem:s30+$0xD4F0] =	vst v23;
	v48 =	vld.idx.msk [tilespmem:v45+s4+$0x0], $0xffff  }
0x383: {  	[tilespmem:s30+$0xD430] =	vst v20;
	v23 =	vadd.s32 v5, v9;
	v22 =	vld.idx.msk [tilespmem:v22+s4+$0x0], $0xffff  }
0x384: {  	v20 =	vld.idx.msk [tilespmem:v21+s4+$0x0], $0xffff;
	v21 =	vadd.s32 v6, v14;
	[tilespmem:s30+$0xD440] =	vst v18  }
0x385: {  	v15 =	vadd.s32 v7, v15;
	v18 =	vld.idx.msk [tilespmem:v19+s4+$0x0], $0xffff;
	[tilespmem:s30+$0xD450] =	vst v17  }
0x386: {  	v19 =	vadd.s32 v6, v11;
	v17 =	vld.idx.msk [tilespmem:v46+s4+$0x0], $0xffff;
	[tilespmem:s30+$0xD460] =	vst v16  }
0x387: {  	v49 =	vadd.s32 v6, v12;
	v25 =	vld.idx.msk [tilespmem:v47+s4+$0x0], $0xffff;
	[tilespmem:s30+$0xD490] =	vst v24  }
0x388: {  	v16 =	vld.idx.msk [tilespmem:v23+s4+$0x0], $0xffff;
	v23 =	vadd.s32 v6, v13;
	[tilespmem:s30+$0xD480] =	vst v48  }
0x389: {  	[tilespmem:s30+$0xD570] =	vst v22;
	v22 =	vadd.s32 v6, v8;
	v21 =	vld.idx.msk [tilespmem:v21+s4+$0x0], $0xffff  }
0x38a: {  	v51 =	vadd.s32 v6, v10;
	[tilespmem:s30+$0xD4A0] =	vst v20;
	v50 =	vld.idx.msk [tilespmem:v15+s4+$0x0], $0xffff  }
0x38b: {  	v15 =	vadd.s32 v6, v9;
	v19 =	vld.idx.msk [tilespmem:v19+s4+$0x0], $0xffff;
	[tilespmem:s30+$0xD4B0] =	vst v18  }
0x38c: {  	v18 =	vld.idx.msk [tilespmem:v49+s4+$0x0], $0xffff;
	[tilespmem:s30+$0xD4C0] =	vst v17  }
0x38d: {  	v11 =	vadd.s32 v7, v11;
	[tilespmem:s30+$0xD4E0] =	vst v25;
	v17 =	vld.idx.msk [tilespmem:v23+s4+$0x0], $0xffff  }
0x38e: {  	v12 =	vadd.s32 v7, v12;
	[tilespmem:s30+$0xD4D0] =	vst v16;
	v16 =	vld.idx.msk [tilespmem:v22+s4+$0x0], $0xffff  }
0x38f: {  	[tilespmem:s30+$0xD500] =	vst v21;
	v21 =	vld.idx.msk [tilespmem:v51+s4+$0x0], $0xffff  }
0x390: {  	v20 =	vld.idx.msk [tilespmem:v15+s4+$0x0], $0xffff;
	[tilespmem:s30+$0xD510] =	vst v19  }
0x391: {  	v13 =	vadd.s32 v7, v13;
	[tilespmem:s30+$0xD520] =	vst v18;
	v18 =	vld [tilespmem:s2+$0xFFFFFFF0]  }
0x392: {  	v19 =	vld.idx.msk [tilespmem:v11+s4+$0x0], $0xffff  }
0x393: {  	v23 =	vld.idx.msk [tilespmem:v12+s4+$0x0], $0xffff  }
0x394: {  	v14 =	vadd.s32 v7, v14;
	v11 =	vld [tilespmem:s2+$0x30]  }
0x395: {  	v8 =	vadd.s32 v7, v8;
	v12 =	vld [tilespmem:s2+$0xFFFFFFD0];
	[tilespmem:s30+$0xD530] =	vst v17  }
0x396: {  	v10 =	vadd.s32 v7, v10;
	v52 =	vld.idx.msk [tilespmem:v13+s4+$0x0], $0xffff  }
0x397: {  	v9 =	vadd.s32 v7, v9;
	v13 =	vld [tilespmem:s2+$0xFFFFFFE0];
	[tilespmem:s30+$0xD540] =	vst v16;
	v16 =	vshll.u32 v18, $0x4  }
0x398: {  	v55 =	vld [tilespmem:s2+$0x20];
	[tilespmem:s30+$0xD560] =	vst v21;
	v18 =	vshll.u32 v30, $0x4;
	v21 =	vor.u32 v0, v16  }
0x399: {  	v22 =	vld.idx.msk [tilespmem:v14+s4+$0x0], $0xffff;
	v17 =	vshll.u32 v11, $0x4;
	[tilespmem:s30+$0xD590] =	vst v19;
	v19 =	vor.u32 v0, v18  }
0x39a: {  	v8 =	vld.idx.msk [tilespmem:v8+s4+$0x0], $0xffff;
	v14 =	vshll.u32 v12, $0x4;
	v29 =	vor.u32 v0, v17  }
0x39b: {  	[tilespmem:s30+$0xD550] =	vst v20;
	v10 =	vld.idx.msk [tilespmem:v10+s4+$0x0], $0xffff;
	v12 =	vshll.u32 v53, $0x4;
	v31 =	vor.u32 v0, v14  }
0x39c: {  	v9 =	vld.idx.msk [tilespmem:v9+s4+$0x0], $0xffff;
	v25 =	vor.u32 v0, v12;
	v15 =	vshll.u32 v13, $0x4  }
0x39d: {  	v11 =	vshll.u32 v54, $0x4;
	v20 =	vor.u32 v0, v15;
	v21 =	vld.idx.msk [tilespmem:v21+s4+$0x0], $0xffff  }
0x39e: {  	v26 =	vor.u32 v0, v11;
	v13 =	vshll.u32 v55, $0x4;
	v19 =	vld.idx.msk [tilespmem:v19+s4+$0x0], $0xffff  }
0x39f: {  	[tilespmem:s30+$0xD5F0] =	vst v50;
	v58 =	vor.u32 v0, v13;
	v56 =	vld.idx.msk [tilespmem:v29+s4+$0x0], $0xffff  }
0x3a0: {  	s24 =	simm.s32 $0x1000;
	s21 =	simm.s32 $0x80;
	[tilespmem:s30+$0xD580] =	vst v22;
	v22 =	vadd.s32 v1, v17;
	v57 =	vld.idx.msk [tilespmem:v31+s4+$0x0], $0xffff  }
0x3a1: {  	s5 =	sand.u32 $0x7000, s24;
	s7 =	sand.u32 $0xC00, s21;
	[tilespmem:s30+$0xD5A0] =	vst v23;
	v60 =	vadd.s32 v1, v16;
	v25 =	vld.idx.msk [tilespmem:v25+s4+$0x0], $0xffff  }
0x3a2: {  	s28 =	sor.u32 s7, s5;
	v23 =	vadd.s32 v1, v14;
	[tilespmem:s30+$0xD5B0] =	vst v52;
	v20 =	vld.idx.msk [tilespmem:v20+s4+$0x0], $0xffff  }
0x3a3: {  	v61 =	vadd.s32 v1, v12;
	v26 =	vld.idx.msk [tilespmem:v26+s4+$0x0], $0xffff;
	[tilespmem:s28+$0xD230] =	vst v21  }
0x3a4: {  	v59 =	vadd.s32 v1, v15;
	v29 =	vld.idx.msk [tilespmem:v58+s4+$0x0], $0xffff;
	[tilespmem:s28+$0xD270] =	vst v56  }
0x3a5: {  	v62 =	vadd.s32 v1, v11;
	[tilespmem:s28+$0xD210] =	vst v57;
	v22 =	vld.idx.msk [tilespmem:v22+s4+$0x0], $0xffff  }
0x3a6: {  	v21 =	vadd.s32 v2, v17;
	[tilespmem:s28+$0xD240] =	vst v25;
	v30 =	vld.idx.msk [tilespmem:v60+s4+$0x0], $0xffff  }
0x3a7: {  	[tilespmem:s28+$0xD220] =	vst v20;
	v20 =	vld.idx.msk [tilespmem:v23+s4+$0x0], $0xffff;
	v23 =	vadd.s32 v1, v18  }
0x3a8: {  	v63 =	vadd.s32 v1, v13;
	[tilespmem:s28+$0xD200] =	vst v19;
	v28 =	vld.idx.msk [tilespmem:v61+s4+$0x0], $0xffff  }
0x3a9: {  	v32 =	vadd.s32 v2, v14;
	[tilespmem:s28+$0xD250] =	vst v26;
	v24 =	vld.idx.msk [tilespmem:v59+s4+$0x0], $0xffff  }
0x3aa: {  	v33 =	vadd.s32 v2, v15;
	v27 =	vld.idx.msk [tilespmem:v62+s4+$0x0], $0xffff;
	[tilespmem:s28+$0xD2F0] =	vst v22  }
0x3ab: {  	[tilespmem:s28+$0xD260] =	vst v29;
	v22 =	vadd.s32 v2, v16;
	v19 =	vld.idx.msk [tilespmem:v21+s4+$0x0], $0xffff  }
0x3ac: {  	[tilespmem:s28+$0xD2B0] =	vst v30;
	v21 =	vadd.s32 v2, v12;
	v23 =	vld.idx.msk [tilespmem:v23+s4+$0x0], $0xffff  }
0x3ad: {  	v36 =	vadd.s32 v2, v11;
	[tilespmem:s28+$0xD290] =	vst v20;
	v20 =	vld.idx.msk [tilespmem:v63+s4+$0x0], $0xffff  }
0x3ae: {  	v34 =	vadd.s32 v3, v17;
	[tilespmem:s28+$0xD2A0] =	vst v24;
	v26 =	vld.idx.msk [tilespmem:v32+s4+$0x0], $0xffff  }
0x3af: {  	v35 =	vadd.s32 v2, v18;
	[tilespmem:s28+$0xD2C0] =	vst v28;
	v29 =	vld.idx.msk [tilespmem:v33+s4+$0x0], $0xffff  }
0x3b0: {  	v37 =	vadd.s32 v2, v13;
	[tilespmem:s28+$0xD2D0] =	vst v27;
	v22 =	vld.idx.msk [tilespmem:v22+s4+$0x0], $0xffff  }
0x3b1: {  	v38 =	vadd.s32 v3, v14;
	v21 =	vld.idx.msk [tilespmem:v21+s4+$0x0], $0xffff;
	[tilespmem:s28+$0xD370] =	vst v19  }
0x3b2: {  	v19 =	vadd.s32 v3, v15;
	[tilespmem:s28+$0xD2E0] =	vst v20;
	v20 =	vld.idx.msk [tilespmem:v36+s4+$0x0], $0xffff  }
0x3b3: {  	v39 =	vadd.s32 v3, v16;
	[tilespmem:s28+$0xD280] =	vst v23;
	v23 =	vld.idx.msk [tilespmem:v34+s4+$0x0], $0xffff  }
0x3b4: {  	v42 =	vadd.s32 v3, v12;
	v25 =	vld.idx.msk [tilespmem:v35+s4+$0x0], $0xffff;
	[tilespmem:s28+$0xD310] =	vst v26  }
0x3b5: {  	v40 =	vadd.s32 v4, v17;
	v28 =	vld.idx.msk [tilespmem:v37+s4+$0x0], $0xffff;
	[tilespmem:s28+$0xD320] =	vst v29  }
0x3b6: {  	v41 =	vadd.s32 v3, v18;
	v27 =	vld.idx.msk [tilespmem:v38+s4+$0x0], $0xffff;
	[tilespmem:s28+$0xD330] =	vst v22  }
0x3b7: {  	v22 =	vadd.s32 v3, v11;
	v19 =	vld.idx.msk [tilespmem:v19+s4+$0x0], $0xffff;
	[tilespmem:s28+$0xD340] =	vst v21  }
0x3b8: {  	v21 =	vadd.s32 v3, v13;
	v24 =	vld.idx.msk [tilespmem:v39+s4+$0x0], $0xffff;
	[tilespmem:s28+$0xD350] =	vst v20  }
0x3b9: {  	[tilespmem:s28+$0xD3F0] =	vst v23;
	v23 =	vadd.s32 v4, v14;
	v20 =	vld.idx.msk [tilespmem:v42+s4+$0x0], $0xffff  }
0x3ba: {  	v44 =	vadd.s32 v4, v15;
	[tilespmem:s28+$0xD300] =	vst v25;
	v43 =	vld.idx.msk [tilespmem:v40+s4+$0x0], $0xffff  }
0x3bb: {  	v47 =	vadd.s32 v4, v16;
	[tilespmem:s28+$0xD360] =	vst v28;
	v30 =	vld.idx.msk [tilespmem:v41+s4+$0x0], $0xffff  }
0x3bc: {  	v45 =	vadd.s32 v5, v17;
	[tilespmem:s28+$0xD390] =	vst v27;
	v22 =	vld.idx.msk [tilespmem:v22+s4+$0x0], $0xffff  }
0x3bd: {  	v46 =	vadd.s32 v4, v18;
	[tilespmem:s28+$0xD3A0] =	vst v19;
	v19 =	vld.idx.msk [tilespmem:v21+s4+$0x0], $0xffff  }
0x3be: {  	v21 =	vadd.s32 v4, v12;
	[tilespmem:s28+$0xD3B0] =	vst v24;
	v23 =	vld.idx.msk [tilespmem:v23+s4+$0x0], $0xffff  }
0x3bf: {  	v48 =	vadd.s32 v4, v11;
	v26 =	vld.idx.msk [tilespmem:v44+s4+$0x0], $0xffff;
	[tilespmem:s28+$0xD3C0] =	vst v20  }
0x3c0: {  	v49 =	vadd.s32 v4, v13;
	v20 =	vld.idx.msk [tilespmem:v47+s4+$0x0], $0xffff;
	[tilespmem:s28+$0xD470] =	vst v43  }
0x3c1: {  	v50 =	vadd.s32 v5, v14;
	[tilespmem:s28+$0xD380] =	vst v30;
	v28 =	vld.idx.msk [tilespmem:v45+s4+$0x0], $0xffff  }
0x3c2: {  	v29 =	vld.idx.msk [tilespmem:v46+s4+$0x0], $0xffff;
	[tilespmem:s28+$0xD3D0] =	vst v22;
	v22 =	vadd.s32 v6, v17  }
0x3c3: {  	v51 =	vadd.s32 v5, v18;
	v21 =	vld.idx.msk [tilespmem:v21+s4+$0x0], $0xffff;
	[tilespmem:s28+$0xD3E0] =	vst v19  }
0x3c4: {  	v19 =	vadd.s32 v5, v15;
	[tilespmem:s28+$0xD410] =	vst v23;
	v23 =	vld.idx.msk [tilespmem:v48+s4+$0x0], $0xffff  }
0x3c5: {  	v52 =	vadd.s32 v5, v16;
	[tilespmem:s28+$0xD420] =	vst v26;
	v25 =	vld.idx.msk [tilespmem:v49+s4+$0x0], $0xffff  }
0x3c6: {  	v53 =	vadd.s32 v5, v12;
	v30 =	vld.idx.msk [tilespmem:v50+s4+$0x0], $0xffff;
	[tilespmem:s28+$0xD4F0] =	vst v28  }
0x3c7: {  	v54 =	vadd.s32 v5, v11;
	[tilespmem:s28+$0xD400] =	vst v29;
	v22 =	vld.idx.msk [tilespmem:v22+s4+$0x0], $0xffff  }
0x3c8: {  	v55 =	vadd.s32 v5, v13;
	[tilespmem:s28+$0xD430] =	vst v20;
	v27 =	vld.idx.msk [tilespmem:v51+s4+$0x0], $0xffff  }
0x3c9: {  	v17 =	vadd.s32 v7, v17;
	v19 =	vld.idx.msk [tilespmem:v19+s4+$0x0], $0xffff;
	[tilespmem:s28+$0xD440] =	vst v21  }
0x3ca: {  	v20 =	vadd.s32 v6, v18;
	v21 =	vld.idx.msk [tilespmem:v52+s4+$0x0], $0xffff;
	[tilespmem:s28+$0xD450] =	vst v23  }
0x3cb: {  	v23 =	vadd.s32 v6, v14;
	v56 =	vld.idx.msk [tilespmem:v53+s4+$0x0], $0xffff;
	[tilespmem:s28+$0xD460] =	vst v25  }
0x3cc: {  	v57 =	vadd.s32 v6, v15;
	[tilespmem:s28+$0xD490] =	vst v30;
	v58 =	vld.idx.msk [tilespmem:v54+s4+$0x0], $0xffff  }
0x3cd: {  	v59 =	vadd.s32 v6, v16;
	v29 =	vld.idx.msk [tilespmem:v55+s4+$0x0], $0xffff;
	[tilespmem:s28+$0xD570] =	vst v22  }
0x3ce: {  	v60 =	vadd.s32 v6, v11;
	[tilespmem:s28+$0xD480] =	vst v27;
	v17 =	vld.idx.msk [tilespmem:v17+s4+$0x0], $0xffff  }
0x3cf: {  	v22 =	vadd.s32 v6, v12;
	v20 =	vld.idx.msk [tilespmem:v20+s4+$0x0], $0xffff;
	[tilespmem:s28+$0xD4A0] =	vst v19  }
0x3d0: {  	v19 =	vadd.s32 v6, v13;
	[tilespmem:s28+$0xD4B0] =	vst v21;
	v23 =	vld.idx.msk [tilespmem:v23+s4+$0x0], $0xffff  }
0x3d1: {  	v21 =	vadd.s32 v7, v18;
	v25 =	vld.idx.msk [tilespmem:v57+s4+$0x0], $0xffff;
	[tilespmem:s28+$0xD4C0] =	vst v56  }
0x3d2: {  	v14 =	vadd.s32 v7, v14;
	v61 =	vld.idx.msk [tilespmem:v59+s4+$0x0], $0xffff;
	[tilespmem:s28+$0xD4D0] =	vst v58  }
0x3d3: {  	v62 =	vadd.s32 v7, v15;
	v63 =	vadd.s32 v7, v16;
	[tilespmem:s28+$0xD4E0] =	vst v29;
	v16 =	vld.idx.msk [tilespmem:v60+s4+$0x0], $0xffff  }
0x3d4: {  	v22 =	vld.idx.msk [tilespmem:v22+s4+$0x0], $0xffff;
	[tilespmem:s28+$0xD5F0] =	vst v17  }
0x3d5: {  	[tilespmem:s28+$0xD500] =	vst v20;
	v18 =	vld.idx.msk [tilespmem:v19+s4+$0x0], $0xffff  }
0x3d6: {  	v17 =	vld.idx.msk [tilespmem:v21+s4+$0x0], $0xffff;
	[tilespmem:s28+$0xD510] =	vst v23  }
0x3d7: {  	[tilespmem:s28+$0xD520] =	vst v25;
	v19 =	vld.idx.msk [tilespmem:v14+s4+$0x0], $0xffff  }
0x3d8: {  	v15 =	vadd.s32 v7, v12;
	[tilespmem:s28+$0xD530] =	vst v61;
	v20 =	vld.idx.msk [tilespmem:v62+s4+$0x0], $0xffff  }
0x3d9: {  	s0 =	simm.s32 $0x8;
	s2 =	simm.s32 $0x4340;
	v12 =	vadd.s32 v7, v13;
	v14 =	vadd.s32 v7, v11;
	v13 =	vld.idx.msk [tilespmem:v63+s4+$0x0], $0xffff;
	[tilespmem:s28+$0xD540] =	vst v22  }
.LBB2_9:
0x3da: {  	v11 =	vld [tilespmem:s2+$0x30];
	s0 =	sadd.s32 $0x8, s0;
	[tilespmem:s28+$0xD550] =	vst v16  }
0x3db: {  	v16 =	vld [tilespmem:s2+$0xFFFFFFD0];
	p0 =	slt.u32 s0, $0xF8;
	[tilespmem:s28+$0xD560] =	vst v18  }
0x3dc: {  	v18 =	vld [tilespmem:s2+$0xFFFFFFE0];
	[tilespmem:s28+$0xD580] =	vst v17  }
0x3dd: {  	v17 =	vld [tilespmem:s2+$0xFFFFFFF0];
	[tilespmem:s28+$0xD590] =	vst v19  }
0x3de: {  	v19 =	vld [tilespmem:s2+$0x0];
	[tilespmem:s28+$0xD5A0] =	vst v20  }
0x3df: {  	v20 =	vld [tilespmem:s2+$0x10];
	v11 =	vshll.u32 v11, $0x4;
	[tilespmem:s28+$0xD5B0] =	vst v13  }
0x3e0: {  	v13 =	vshll.u32 v16, $0x4;
	v21 =	vld [tilespmem:s2+$0x20];
	v22 =	vor.u32 v0, v11;
	[tilespmem:s30+$0xD5C0] =	vst v8  }
0x3e1: {  	v23 =	vld [tilespmem:s2+$0xFFFFFFC0];
	v24 =	vor.u32 v0, v13;
	v25 =	vadd.s32 v1, v13;
	v16 =	vshll.u32 v18, $0x4;
	[tilespmem:s30+$0xD5D0] =	vst v9  }
0x3e2: {  	v18 =	vor.u32 v0, v16;
	v26 =	vadd.s32 v1, v16;
	v17 =	vshll.u32 v17, $0x4;
	v8 =	vld.idx.msk [tilespmem:v15+s4+$0x0], $0xffff;
	[tilespmem:s30+$0xD5E0] =	vst v10;
	s30 =	smov.u32 s28  }
0x3e3: {  	v15 =	vor.u32 v0, v17;
	v27 =	vadd.s32 v1, v17;
	v19 =	vshll.u32 v19, $0x4;
	v9 =	vld.idx.msk [tilespmem:v14+s4+$0x0], $0xffff  }
0x3e4: {  	v14 =	vor.u32 v0, v19;
	v28 =	vadd.s32 v1, v19;
	v20 =	vshll.u32 v20, $0x4;
	v10 =	vld.idx.msk [tilespmem:v12+s4+$0x0], $0xffff  }
0x3e5: {  	v12 =	vor.u32 v0, v20;
	v29 =	vadd.s32 v1, v20;
	v21 =	vshll.u32 v21, $0x4;
	v22 =	vld.idx.msk [tilespmem:v22+s4+$0x0], $0xffff  }
0x3e6: {  	v23 =	vshll.u32 v23, $0x4;
	v24 =	vld.idx.msk [tilespmem:v24+s4+$0x0], $0xffff;
	v30 =	vor.u32 v0, v21;
	v31 =	vadd.s32 v1, v21  }
0x3e7: {  	v34 =	vadd.s32 v1, v11;
	v32 =	vor.u32 v0, v23;
	v33 =	vadd.s32 v1, v23;
	v18 =	vld.idx.msk [tilespmem:v18+s4+$0x0], $0xffff  }
0x3e8: {  	s21 =	sadd.s32 $0x80, s21;
	s24 =	sadd.s32 $0x1000, s24;
	v36 =	vadd.s32 v2, v13;
	v37 =	vadd.s32 v2, v16;
	v35 =	vadd.s32 v2, v23;
	v15 =	vld.idx.msk [tilespmem:v15+s4+$0x0], $0xffff  }
0x3e9: {  	s5 =	sand.u32 $0x7000, s24;
	s7 =	sand.u32 $0xC00, s21;
	v38 =	vadd.s32 v2, v17;
	v39 =	vadd.s32 v2, v19;
	v40 =	vadd.s32 v2, v20;
	v14 =	vld.idx.msk [tilespmem:v14+s4+$0x0], $0xffff  }
0x3ea: {  	v42 =	vadd.s32 v3, v13;
	s28 =	sor.u32 s7, s5;
	v43 =	vadd.s32 v2, v21;
	v41 =	vadd.s32 v3, v23;
	v12 =	vld.idx.msk [tilespmem:v12+s4+$0x0], $0xffff  }
0x3eb: {  	v44 =	vadd.s32 v3, v16;
	v45 =	vadd.s32 v3, v17;
	v30 =	vld.idx.msk [tilespmem:v30+s4+$0x0], $0xffff;
	[tilespmem:s28+$0xD270] =	vst v22  }
0x3ec: {  	v22 =	vadd.s32 v3, v19;
	[tilespmem:s28+$0xD210] =	vst v24;
	v24 =	vadd.s32 v3, v20;
	v34 =	vld.idx.msk [tilespmem:v34+s4+$0x0], $0xffff  }
0x3ed: {  	v46 =	vadd.s32 v4, v23;
	v32 =	vld.idx.msk [tilespmem:v32+s4+$0x0], $0xffff;
	[tilespmem:s28+$0xD220] =	vst v18;
	v18 =	vadd.s32 v3, v21  }
0x3ee: {  	v47 =	vadd.s32 v4, v13;
	v25 =	vld.idx.msk [tilespmem:v25+s4+$0x0], $0xffff;
	[tilespmem:s28+$0xD230] =	vst v15;
	v15 =	vadd.s32 v2, v11  }
0x3ef: {  	v48 =	vadd.s32 v4, v16;
	v49 =	vadd.s32 v4, v17;
	v26 =	vld.idx.msk [tilespmem:v26+s4+$0x0], $0xffff;
	[tilespmem:s28+$0xD240] =	vst v14  }
0x3f0: {  	v50 =	vadd.s32 v4, v20;
	v14 =	vld.idx.msk [tilespmem:v27+s4+$0x0], $0xffff;
	v27 =	vadd.s32 v4, v19;
	[tilespmem:s28+$0xD250] =	vst v12  }
0x3f1: {  	v51 =	vadd.s32 v5, v23;
	v12 =	vld.idx.msk [tilespmem:v28+s4+$0x0], $0xffff;
	[tilespmem:s28+$0xD260] =	vst v30;
	v28 =	vadd.s32 v4, v21  }
0x3f2: {  	v52 =	vadd.s32 v5, v16;
	v30 =	vadd.s32 v5, v13;
	v29 =	vld.idx.msk [tilespmem:v29+s4+$0x0], $0xffff;
	[tilespmem:s28+$0xD2F0] =	vst v34  }
0x3f3: {  	v34 =	vadd.s32 v5, v19;
	[tilespmem:s28+$0xD200] =	vst v32;
	v32 =	vadd.s32 v5, v17;
	v15 =	vld.idx.msk [tilespmem:v15+s4+$0x0], $0xffff  }
0x3f4: {  	v53 =	vadd.s32 v5, v21;
	v33 =	vld.idx.msk [tilespmem:v33+s4+$0x0], $0xffff;
	[tilespmem:s28+$0xD290] =	vst v25;
	v25 =	vadd.s32 v5, v20  }
0x3f5: {  	v54 =	vadd.s32 v6, v23;
	[tilespmem:s28+$0xD2A0] =	vst v26;
	v26 =	vld.idx.msk [tilespmem:v31+s4+$0x0], $0xffff;
	v31 =	vadd.s32 v3, v11  }
0x3f6: {  	v55 =	vadd.s32 v6, v13;
	v56 =	vadd.s32 v6, v16;
	v36 =	vld.idx.msk [tilespmem:v36+s4+$0x0], $0xffff;
	[tilespmem:s28+$0xD2B0] =	vst v14  }
0x3f7: {  	v57 =	vadd.s32 v6, v17;
	v58 =	vadd.s32 v6, v19;
	v37 =	vld.idx.msk [tilespmem:v37+s4+$0x0], $0xffff;
	[tilespmem:s28+$0xD2C0] =	vst v12  }
0x3f8: {  	v59 =	vadd.s32 v6, v21;
	v38 =	vld.idx.msk [tilespmem:v38+s4+$0x0], $0xffff;
	[tilespmem:s28+$0xD2D0] =	vst v29;
	v29 =	vadd.s32 v6, v20  }
0x3f9: {  	v23 =	vadd.s32 v7, v23;
	v13 =	vadd.s32 v7, v13;
	v39 =	vld.idx.msk [tilespmem:v39+s4+$0x0], $0xffff;
	[tilespmem:s28+$0xD370] =	vst v15  }
0x3fa: {  	v60 =	vadd.s32 v7, v17;
	[tilespmem:s28+$0xD280] =	vst v33;
	v33 =	vadd.s32 v7, v16;
	v16 =	vld.idx.msk [tilespmem:v31+s4+$0x0], $0xffff  }
0x3fb: {  	v14 =	vadd.s32 v7, v20;
	v15 =	vadd.s32 v7, v19;
	v17 =	vld.idx.msk [tilespmem:v35+s4+$0x0], $0xffff;
	[tilespmem:s28+$0xD2E0] =	vst v26  }
0x3fc: {  	v12 =	vadd.s32 v7, v21;
	v20 =	vadd.s32 v4, v11;
	[tilespmem:s28+$0xD310] =	vst v36;
	v19 =	vld.idx.msk [tilespmem:v40+s4+$0x0], $0xffff  }
0x3fd: {  	[tilespmem:s28+$0xD320] =	vst v37;
	v21 =	vld.idx.msk [tilespmem:v43+s4+$0x0], $0xffff  }
0x3fe: {  	v26 =	vld.idx.msk [tilespmem:v42+s4+$0x0], $0xffff;
	[tilespmem:s28+$0xD330] =	vst v38  }
0x3ff: {  	v31 =	vld.idx.msk [tilespmem:v44+s4+$0x0], $0xffff;
	[tilespmem:s28+$0xD340] =	vst v39  }
0x400: {  	v35 =	vld.idx.msk [tilespmem:v45+s4+$0x0], $0xffff;
	[tilespmem:s28+$0xD3F0] =	vst v16  }
0x401: {  	[tilespmem:s28+$0xD300] =	vst v17;
	v16 =	vld.idx.msk [tilespmem:v20+s4+$0x0], $0xffff  }
0x402: {  	v17 =	vld.idx.msk [tilespmem:v41+s4+$0x0], $0xffff;
	[tilespmem:s28+$0xD350] =	vst v19  }
0x403: {  	v20 =	vadd.s32 v5, v11;
	v19 =	vld.idx.msk [tilespmem:v22+s4+$0x0], $0xffff;
	[tilespmem:s28+$0xD360] =	vst v21  }
0x404: {  	[tilespmem:s28+$0xD390] =	vst v26;
	v21 =	vld.idx.msk [tilespmem:v24+s4+$0x0], $0xffff  }
0x405: {  	[tilespmem:s28+$0xD3A0] =	vst v31;
	v18 =	vld.idx.msk [tilespmem:v18+s4+$0x0], $0xffff  }
0x406: {  	v22 =	vld.idx.msk [tilespmem:v47+s4+$0x0], $0xffff;
	[tilespmem:s28+$0xD3B0] =	vst v35  }
0x407: {  	v24 =	vld.idx.msk [tilespmem:v48+s4+$0x0], $0xffff;
	[tilespmem:s28+$0xD470] =	vst v16  }
0x408: {  	[tilespmem:s28+$0xD380] =	vst v17;
	v16 =	vld.idx.msk [tilespmem:v20+s4+$0x0], $0xffff  }
0x409: {  	v17 =	vld.idx.msk [tilespmem:v46+s4+$0x0], $0xffff;
	[tilespmem:s28+$0xD3C0] =	vst v19  }
0x40a: {  	v20 =	vadd.s32 v6, v11;
	v19 =	vld.idx.msk [tilespmem:v49+s4+$0x0], $0xffff;
	[tilespmem:s28+$0xD3D0] =	vst v21  }
0x40b: {  	v21 =	vld.idx.msk [tilespmem:v27+s4+$0x0], $0xffff;
	[tilespmem:s28+$0xD3E0] =	vst v18  }
0x40c: {  	[tilespmem:s28+$0xD410] =	vst v22;
	v18 =	vld.idx.msk [tilespmem:v50+s4+$0x0], $0xffff  }
0x40d: {  	[tilespmem:s28+$0xD420] =	vst v24;
	v22 =	vld.idx.msk [tilespmem:v28+s4+$0x0], $0xffff  }
0x40e: {  	v24 =	vld.idx.msk [tilespmem:v30+s4+$0x0], $0xffff;
	[tilespmem:s28+$0xD4F0] =	vst v16  }
0x40f: {  	[tilespmem:s28+$0xD400] =	vst v17;
	v16 =	vld.idx.msk [tilespmem:v20+s4+$0x0], $0xffff  }
0x410: {  	v17 =	vld.idx.msk [tilespmem:v51+s4+$0x0], $0xffff;
	[tilespmem:s28+$0xD430] =	vst v19  }
0x411: {  	v11 =	vadd.s32 v7, v11;
	v19 =	vld.idx.msk [tilespmem:v52+s4+$0x0], $0xffff;
	[tilespmem:s28+$0xD440] =	vst v21  }
0x412: {  	v20 =	vld.idx.msk [tilespmem:v32+s4+$0x0], $0xffff;
	[tilespmem:s28+$0xD450] =	vst v18  }
0x413: {  	v18 =	vld.idx.msk [tilespmem:v34+s4+$0x0], $0xffff;
	[tilespmem:s28+$0xD460] =	vst v22  }
0x414: {  	[tilespmem:s28+$0xD490] =	vst v24;
	v21 =	vld.idx.msk [tilespmem:v25+s4+$0x0], $0xffff  }
0x415: {  	v22 =	vld.idx.msk [tilespmem:v53+s4+$0x0], $0xffff;
	[tilespmem:s28+$0xD570] =	vst v16  }
0x416: {  	[tilespmem:s28+$0xD480] =	vst v17;
	v11 =	vld.idx.msk [tilespmem:v11+s4+$0x0], $0xffff  }
0x417: {  	v17 =	vld.idx.msk [tilespmem:v54+s4+$0x0], $0xffff;
	[tilespmem:s28+$0xD4A0] =	vst v19  }
0x418: {  	v19 =	vld.idx.msk [tilespmem:v55+s4+$0x0], $0xffff;
	[tilespmem:s28+$0xD4B0] =	vst v20  }
0x419: {  	v20 =	vld.idx.msk [tilespmem:v56+s4+$0x0], $0xffff;
	[tilespmem:s28+$0xD4C0] =	vst v18  }
0x41a: {  	v24 =	vld.idx.msk [tilespmem:v57+s4+$0x0], $0xffff;
	[tilespmem:s28+$0xD4D0] =	vst v21  }
0x41b: {  	v21 =	vld.idx.msk [tilespmem:v58+s4+$0x0], $0xffff;
	[tilespmem:s28+$0xD4E0] =	vst v22  }
0x41c: {  	v16 =	vld.idx.msk [tilespmem:v29+s4+$0x0], $0xffff;
	[tilespmem:s28+$0xD5F0] =	vst v11  }
.Ltmp3:
0x41d: {  	[tilespmem:s28+$0xD500] =	vst v17;
	v18 =	vld.idx.msk [tilespmem:v59+s4+$0x0], $0xffff;
	(pc) =	sbr.rel @p0 .LBB2_9-.Ltmp3, $4  }
0x41e: {  	v17 =	vld.idx.msk [tilespmem:v23+s4+$0x0], $0xffff;
	[tilespmem:s28+$0xD510] =	vst v19  }
0x41f: {  	v19 =	vld.idx.msk [tilespmem:v13+s4+$0x0], $0xffff;
	[tilespmem:s28+$0xD520] =	vst v20  }
0x420: {  	v20 =	vld.idx.msk [tilespmem:v33+s4+$0x0], $0xffff;
	[tilespmem:s28+$0xD530] =	vst v24  }
0x421: {  	s2 =	sadd.s32 $0x80, s2;
	v13 =	vld.idx.msk [tilespmem:v60+s4+$0x0], $0xffff;
	[tilespmem:s28+$0xD540] =	vst v21  }
0x422: {  	[tilespmem:s28+$0xD550] =	vst v16  }
0x423: {  	[tilespmem:s28+$0xD560] =	vst v18  }
0x424: {  	[tilespmem:s30+$0xD5C0] =	vst v8  }
0x425: {  	[tilespmem:s30+$0xD5D0] =	vst v9  }
0x426: {  	v11 =	vld.idx.msk [tilespmem:v15+s4+$0x0], $0xffff;
	[tilespmem:s30+$0xD5E0] =	vst v10  }
0x427: {  	[tilespmem:s28+$0xD580] =	vst v17;
	v63 =	vld.idx.msk [tilespmem:v14+s4+$0x0], $0xffff  }
0x428: {  	v8 =	vld.idx.msk [tilespmem:v12+s4+$0x0], $0xffff;
	[tilespmem:s28+$0xD590] =	vst v19  }
0x429: {  	s0 =	sshll.u32 s8, $0xF;
	[tilespmem:s28+$0xD5A0] =	vst v20  }
0x42a: {  	s0 =	sand.u32 $0x7FF00000, s0;
	[tilespmem:s28+$0xD5B0] =	vst v13  }
0x42b: {  	s0 =	sor.u32 s22, s0;
	[tilespmem:s28+$0xD5C0] =	vst v11  }
0x42c: {  	s0 =	sshrl.u32 s0, $0x3;
	[tilespmem:s28+$0xD5D0] =	vst v63  }
0x42d: {  	s5 =	simm.s32 $0xD200;
	s2 =	sadd.s32 s3, s0;
	[tilespmem:s28+$0xD5E0] =	vst v8  }
0x42e: {  	[hbm4b:s2+s4] =	stream.linear.scatter [tilespmem:s5], [sflag:$0x4], $0x1000, $0x38;
	[tilespmem:$0x15200] =	vst v63  }
0x42f: {  	s8 =	simm.s32 $0xE200;
	s7 =	sadd.s32 s0, s9  }
0x430: {  	[hbm4b:s7+s4] =	stream.linear.scatter [tilespmem:s8], [sflag:$0x4], $0x1000, $0x38;
	[tilespmem:$0x15200] =	vst v63  }
0x431: {  	s24 =	simm.s32 $0xF200;
	s21 =	sadd.s32 s0, s10  }
0x432: {  	[hbm4b:s21+s4] =	stream.linear.scatter [tilespmem:s24], [sflag:$0x4], $0x1000, $0x38;
	[tilespmem:$0x15200] =	vst v63  }
0x433: {  	s30 =	simm.s32 $0x10200;
	s28 =	sadd.s32 s0, s11  }
0x434: {  	[hbm4b:s28+s4] =	stream.linear.scatter [tilespmem:s30], [sflag:$0x4], $0x1000, $0x38;
	[tilespmem:$0x15200] =	vst v63  }
0x435: {  	s6 =	sadd.s32 $0x1, s6;
	s5 =	sadd.s32 s0, s12;
	s7 =	simm.s32 $0x11200  }
0x436: {  	[hbm4b:s5+s4] =	stream.linear.scatter [tilespmem:s7], [sflag:$0x4], $0x1000, $0x38;
	[tilespmem:$0x15200] =	vst v63  }
0x437: {  	p0 =	sne.s32 s6, $0xC;
	s8 =	sadd.s32 s0, s16;
	s21 =	simm.s32 $0x12200  }
0x438: {  	[hbm4b:s8+s4] =	stream.linear.scatter [tilespmem:s21], [sflag:$0x4], $0x1000, $0x38;
	[tilespmem:$0x15200] =	vst v63  }
.Ltmp4:
0x439: {  	_ = 	snop;
	(pc) =	sbr.rel @p0 .LBB2_6-.Ltmp4, $4  }
0x43a: {  	s24 =	sadd.s32 s0, s17;
	s28 =	simm.s32 $0x13200  }
0x43b: {  	[hbm4b:s24+s4] =	stream.linear.scatter [tilespmem:s28], [sflag:$0x4], $0x1000, $0x38;
	[tilespmem:$0x15200] =	vst v63  }
0x43c: {  	s0 =	sadd.s32 s0, s18;
	s30 =	simm.s32 $0x14200  }
0x43d: {  	[hbm4b:s0+s4] =	stream.linear.scatter [tilespmem:s30], [sflag:$0x4], $0x1000, $0x38;
	[tilespmem:$0x15200] =	vst v63  }
0x43e: {  	_ =	swait.ge [sflag:s31], $0x1000  }
0x43f: {  	[sflag:s31] =	ssyncset.done $0x0  }
0x440: {  	[sflag:s31] =	ssyncadd.s32 $0xFFFFF000  }
0x441: {  	_ =	swait.ge [sflag:s29], $0x1000  }
0x442: {  	[sflag:s29] =	ssyncset.done $0x0  }
0x443: {  	[sflag:s29] =	ssyncadd.s32 $0xFFFFF000  }
0x444: {  	_ =	swait.ge [sflag:s29], $0x1000  }
0x445: {  	[sflag:s29] =	ssyncset.done $0x0  }
0x446: {  	[sflag:s29] =	ssyncadd.s32 $0xFFFFF000  }
0x447: {  	_ =	swait.ge [sflag:s29], $0x1000  }
0x448: {  	[sflag:s29] =	ssyncset.done $0x0  }
0x449: {  	[sflag:s29] =	ssyncadd.s32 $0xFFFFF000  }
0x44a: {  	_ =	swait.ge [sflag:s29], $0x1000  }
0x44b: {  	[sflag:s29] =	ssyncset.done $0x0  }
0x44c: {  	[sflag:s29] =	ssyncadd.s32 $0xFFFFF000  }
0x44d: {  	_ =	swait.ge [sflag:s29], $0x1000  }
0x44e: {  	[sflag:s29] =	ssyncset.done $0x0  }
0x44f: {  	[sflag:s29] =	ssyncadd.s32 $0xFFFFF000  }
0x450: {  	_ =	swait.ge [sflag:s29], $0x1000  }
0x451: {  	[sflag:s29] =	ssyncset.done $0x0  }
0x452: {  	[sflag:s29] =	ssyncadd.s32 $0xFFFFF000  }
0x453: {  	_ =	swait.ge [sflag:s29], $0x1000  }
0x454: {  	[sflag:s29] =	ssyncset.done $0x0  }
0x455: {  	[sflag:s29] =	ssyncadd.s32 $0xFFFFF000  }
0x456: {  	_ =	swait.ge [sflag:s29], $0x1000  }
0x457: {  	[sflag:s29] =	ssyncset.done $0x0  }
0x458: {  	s0 =	simm.s32 $0x3240;
	[sflag:s29] =	ssyncadd.s32 $0xFFFFF000  }
0x459: {  	v8 =	vld [tilespmem:s0+$0x30]  }
0x45a: {  	v9 =	vld [tilespmem:s0+$0xFFFFFFD0]  }
0x45b: {  	v10 =	vld [tilespmem:s0+$0xFFFFFFE0]  }
0x45c: {  	v13 =	vld [tilespmem:s0+$0xFFFFFFF0]  }
0x45d: {  	v14 =	vld [tilespmem:s0+$0x0]  }
0x45e: {  	v16 =	vld [tilespmem:s0+$0x10];
	v15 =	vshll.u32 v8, $0x4  }
0x45f: {  	v17 =	vld [tilespmem:s0+$0x20];
	v11 =	vshll.u32 v9, $0x4;
	v18 =	vor.u32 v0, v15  }
0x460: {  	v20 =	vld [tilespmem:s0+$0xFFFFFFC0];
	v12 =	vshll.u32 v10, $0x4;
	v19 =	vor.u32 v0, v11  }
0x461: {  	s24 =	simm.s32 $0x32C0;
	v13 =	vshll.u32 v13, $0x4;
	v21 =	vor.u32 v0, v12  }
0x462: {  	v53 =	vld [tilespmem:s24+$0x0];
	v8 =	vshll.u32 v14, $0x4;
	v22 =	vor.u32 v0, v13  }
0x463: {  	v54 =	vld [tilespmem:s24+$0x10];
	v9 =	vshll.u32 v16, $0x4;
	v23 =	vor.u32 v0, v8  }
0x464: {  	v10 =	vshll.u32 v17, $0x4;
	v16 =	vor.u32 v0, v9;
	v17 =	vld.idx.msk [tilespmem:v18+s4+$0x0], $0xffff  }
0x465: {  	v14 =	vshll.u32 v20, $0x4;
	v18 =	vld.idx.msk [tilespmem:v19+s4+$0x0], $0xffff;
	v19 =	vor.u32 v0, v10  }
0x466: {  	v24 =	vor.u32 v0, v14;
	v20 =	vld.idx.msk [tilespmem:v21+s4+$0x0], $0xffff  }
0x467: {  	s21 =	simm.s32 $0x0;
	v21 =	vadd.s32 v1, v15;
	v22 =	vld.idx.msk [tilespmem:v22+s4+$0x0], $0xffff  }
0x468: {  	s2 =	sand.u32 $0x7000, s21;
	s0 =	sand.u32 $0xC00, s21;
	v25 =	vadd.s32 v1, v11;
	v23 =	vld.idx.msk [tilespmem:v23+s4+$0x0], $0xffff  }
0x469: {  	s6 =	sor.u32 s0, s2;
	v26 =	vadd.s32 v1, v12;
	v16 =	vld.idx.msk [tilespmem:v16+s4+$0x0], $0xffff  }
0x46a: {  	v27 =	vadd.s32 v1, v13;
	v19 =	vld.idx.msk [tilespmem:v19+s4+$0x0], $0xffff;
	[tilespmem:s6+$0x5270] =	vst v17  }
0x46b: {  	v28 =	vadd.s32 v1, v9;
	[tilespmem:s6+$0x5210] =	vst v18;
	v18 =	vld.idx.msk [tilespmem:v24+s4+$0x0], $0xffff  }
0x46c: {  	v17 =	vadd.s32 v1, v8;
	[tilespmem:s6+$0x5220] =	vst v20;
	v21 =	vld.idx.msk [tilespmem:v21+s4+$0x0], $0xffff  }
0x46d: {  	v61 =	vadd.s32 v1, v14;
	[tilespmem:s6+$0x5230] =	vst v22;
	v20 =	vld.idx.msk [tilespmem:v25+s4+$0x0], $0xffff  }
0x46e: {  	v62 =	vadd.s32 v1, v10;
	[tilespmem:s6+$0x5240] =	vst v23;
	v22 =	vld.idx.msk [tilespmem:v26+s4+$0x0], $0xffff  }
0x46f: {  	v60 =	vadd.s32 v2, v15;
	[tilespmem:s6+$0x5250] =	vst v16;
	v23 =	vld.idx.msk [tilespmem:v27+s4+$0x0], $0xffff  }
0x470: {  	v63 =	vadd.s32 v2, v11;
	v28 =	vld.idx.msk [tilespmem:v28+s4+$0x0], $0xffff;
	[tilespmem:s6+$0x5200] =	vst v18  }
0x471: {  	v16 =	vld.idx.msk [tilespmem:v17+s4+$0x0], $0xffff;
	v17 =	vadd.s32 v2, v12;
	[tilespmem:s6+$0x5260] =	vst v19  }
0x472: {  	[tilespmem:s6+$0x52F0] =	vst v21;
	v21 =	vadd.s32 v2, v13;
	v19 =	vld.idx.msk [tilespmem:v61+s4+$0x0], $0xffff  }
0x473: {  	v31 =	vadd.s32 v2, v8;
	[tilespmem:s6+$0x5290] =	vst v20;
	v20 =	vld.idx.msk [tilespmem:v62+s4+$0x0], $0xffff  }
0x474: {  	v34 =	vadd.s32 v2, v9;
	[tilespmem:s6+$0x52A0] =	vst v22;
	v18 =	vld.idx.msk [tilespmem:v60+s4+$0x0], $0xffff  }
0x475: {  	v33 =	vadd.s32 v2, v14;
	[tilespmem:s6+$0x52B0] =	vst v23;
	v22 =	vld.idx.msk [tilespmem:v63+s4+$0x0], $0xffff  }
0x476: {  	v23 =	vadd.s32 v2, v10;
	[tilespmem:s6+$0x52D0] =	vst v28;
	v17 =	vld.idx.msk [tilespmem:v17+s4+$0x0], $0xffff  }
0x477: {  	v32 =	vadd.s32 v3, v15;
	[tilespmem:s6+$0x52C0] =	vst v16;
	v16 =	vld.idx.msk [tilespmem:v21+s4+$0x0], $0xffff  }
0x478: {  	v24 =	vld.idx.msk [tilespmem:v31+s4+$0x0], $0xffff;
	[tilespmem:s6+$0x5280] =	vst v19  }
0x479: {  	v21 =	vadd.s32 v3, v11;
	[tilespmem:s6+$0x52E0] =	vst v20;
	v20 =	vld.idx.msk [tilespmem:v34+s4+$0x0], $0xffff  }
0x47a: {  	[tilespmem:s6+$0x5370] =	vst v18;
	v18 =	vadd.s32 v3, v12;
	v26 =	vld.idx.msk [tilespmem:v33+s4+$0x0], $0xffff  }
0x47b: {  	v35 =	vadd.s32 v3, v13;
	[tilespmem:s6+$0x5310] =	vst v22;
	v22 =	vld.idx.msk [tilespmem:v23+s4+$0x0], $0xffff  }
0x47c: {  	v23 =	vadd.s32 v3, v8;
	v19 =	vld.idx.msk [tilespmem:v32+s4+$0x0], $0xffff;
	[tilespmem:s6+$0x5320] =	vst v17  }
0x47d: {  	v30 =	vld [tilespmem:s24+$0xFFFFFFC0];
	v37 =	vadd.s32 v3, v14;
	[tilespmem:s6+$0x5330] =	vst v16  }
0x47e: {  	v36 =	vadd.s32 v4, v15;
	v17 =	vld.idx.msk [tilespmem:v21+s4+$0x0], $0xffff;
	[tilespmem:s6+$0x5340] =	vst v24  }
0x47f: {  	v21 =	vadd.s32 v3, v9;
	[tilespmem:s6+$0x5350] =	vst v20;
	v16 =	vld.idx.msk [tilespmem:v18+s4+$0x0], $0xffff  }
0x480: {  	v18 =	vadd.s32 v3, v10;
	v25 =	vld.idx.msk [tilespmem:v35+s4+$0x0], $0xffff;
	[tilespmem:s6+$0x5300] =	vst v26  }
0x481: {  	v20 =	vld.idx.msk [tilespmem:v23+s4+$0x0], $0xffff;
	[tilespmem:s6+$0x53F0] =	vst v19;
	v19 =	vadd.s32 v4, v11  }
0x482: {  	v39 =	vadd.s32 v4, v12;
	v40 =	vld.idx.msk [tilespmem:v37+s4+$0x0], $0xffff  }
0x483: {  	[tilespmem:s6+$0x5360] =	vst v22;
	v22 =	vadd.s32 v4, v13;
	v38 =	vld.idx.msk [tilespmem:v36+s4+$0x0], $0xffff  }
0x484: {  	v41 =	vadd.s32 v4, v14;
	v21 =	vld.idx.msk [tilespmem:v21+s4+$0x0], $0xffff;
	[tilespmem:s6+$0x5390] =	vst v17  }
0x485: {  	v23 =	vadd.s32 v5, v15;
	v17 =	vld.idx.msk [tilespmem:v18+s4+$0x0], $0xffff;
	[tilespmem:s6+$0x53A0] =	vst v16  }
0x486: {  	v18 =	vadd.s32 v4, v8;
	[tilespmem:s6+$0x53B0] =	vst v25;
	v16 =	vld.idx.msk [tilespmem:v19+s4+$0x0], $0xffff  }
0x487: {  	[tilespmem:s6+$0x53C0] =	vst v20;
	v19 =	vadd.s32 v4, v9;
	v27 =	vld.idx.msk [tilespmem:v39+s4+$0x0], $0xffff  }
0x488: {  	v42 =	vadd.s32 v4, v10;
	[tilespmem:s6+$0x5380] =	vst v40;
	v20 =	vld.idx.msk [tilespmem:v22+s4+$0x0], $0xffff  }
0x489: {  	v43 =	vadd.s32 v5, v11;
	[tilespmem:s6+$0x5470] =	vst v38;
	v44 =	vld.idx.msk [tilespmem:v41+s4+$0x0], $0xffff  }
0x48a: {  	v45 =	vadd.s32 v5, v14;
	v23 =	vld.idx.msk [tilespmem:v23+s4+$0x0], $0xffff;
	[tilespmem:s6+$0x53D0] =	vst v21  }
0x48b: {  	v22 =	vadd.s32 v6, v15;
	v18 =	vld.idx.msk [tilespmem:v18+s4+$0x0], $0xffff;
	[tilespmem:s6+$0x53E0] =	vst v17  }
0x48c: {  	v21 =	vadd.s32 v5, v12;
	v17 =	vld.idx.msk [tilespmem:v19+s4+$0x0], $0xffff;
	[tilespmem:s6+$0x5410] =	vst v16  }
0x48d: {  	v19 =	vadd.s32 v5, v13;
	v16 =	vld.idx.msk [tilespmem:v42+s4+$0x0], $0xffff;
	[tilespmem:s6+$0x5420] =	vst v27  }
0x48e: {  	v46 =	vadd.s32 v5, v8;
	v24 =	vld.idx.msk [tilespmem:v43+s4+$0x0], $0xffff;
	[tilespmem:s6+$0x5400] =	vst v44  }
0x48f: {  	v47 =	vadd.s32 v5, v10;
	[tilespmem:s6+$0x54F0] =	vst v23;
	v48 =	vld.idx.msk [tilespmem:v45+s4+$0x0], $0xffff  }
0x490: {  	[tilespmem:s6+$0x5430] =	vst v20;
	v23 =	vadd.s32 v5, v9;
	v22 =	vld.idx.msk [tilespmem:v22+s4+$0x0], $0xffff  }
0x491: {  	v20 =	vld.idx.msk [tilespmem:v21+s4+$0x0], $0xffff;
	v21 =	vadd.s32 v6, v14;
	[tilespmem:s6+$0x5440] =	vst v18  }
0x492: {  	v15 =	vadd.s32 v7, v15;
	v18 =	vld.idx.msk [tilespmem:v19+s4+$0x0], $0xffff;
	[tilespmem:s6+$0x5450] =	vst v17  }
0x493: {  	v19 =	vadd.s32 v6, v11;
	v17 =	vld.idx.msk [tilespmem:v46+s4+$0x0], $0xffff;
	[tilespmem:s6+$0x5460] =	vst v16  }
0x494: {  	v49 =	vadd.s32 v6, v12;
	v25 =	vld.idx.msk [tilespmem:v47+s4+$0x0], $0xffff;
	[tilespmem:s6+$0x5490] =	vst v24  }
0x495: {  	v16 =	vld.idx.msk [tilespmem:v23+s4+$0x0], $0xffff;
	v23 =	vadd.s32 v6, v13;
	[tilespmem:s6+$0x5480] =	vst v48  }
0x496: {  	[tilespmem:s6+$0x5570] =	vst v22;
	v22 =	vadd.s32 v6, v8;
	v21 =	vld.idx.msk [tilespmem:v21+s4+$0x0], $0xffff  }
0x497: {  	v51 =	vadd.s32 v6, v10;
	[tilespmem:s6+$0x54A0] =	vst v20;
	v50 =	vld.idx.msk [tilespmem:v15+s4+$0x0], $0xffff  }
0x498: {  	v15 =	vadd.s32 v6, v9;
	v19 =	vld.idx.msk [tilespmem:v19+s4+$0x0], $0xffff;
	[tilespmem:s6+$0x54B0] =	vst v18  }
0x499: {  	v18 =	vld.idx.msk [tilespmem:v49+s4+$0x0], $0xffff;
	[tilespmem:s6+$0x54C0] =	vst v17  }
0x49a: {  	v11 =	vadd.s32 v7, v11;
	[tilespmem:s6+$0x54E0] =	vst v25;
	v17 =	vld.idx.msk [tilespmem:v23+s4+$0x0], $0xffff  }
0x49b: {  	v12 =	vadd.s32 v7, v12;
	[tilespmem:s6+$0x54D0] =	vst v16;
	v16 =	vld.idx.msk [tilespmem:v22+s4+$0x0], $0xffff  }
0x49c: {  	[tilespmem:s6+$0x5500] =	vst v21;
	v21 =	vld.idx.msk [tilespmem:v51+s4+$0x0], $0xffff  }
0x49d: {  	v20 =	vld.idx.msk [tilespmem:v15+s4+$0x0], $0xffff;
	[tilespmem:s6+$0x5510] =	vst v19  }
0x49e: {  	v13 =	vadd.s32 v7, v13;
	[tilespmem:s6+$0x5520] =	vst v18;
	v18 =	vld [tilespmem:s24+$0xFFFFFFF0]  }
0x49f: {  	v19 =	vld.idx.msk [tilespmem:v11+s4+$0x0], $0xffff  }
0x4a0: {  	v23 =	vld.idx.msk [tilespmem:v12+s4+$0x0], $0xffff  }
0x4a1: {  	v14 =	vadd.s32 v7, v14;
	v11 =	vld [tilespmem:s24+$0x30]  }
0x4a2: {  	v8 =	vadd.s32 v7, v8;
	v12 =	vld [tilespmem:s24+$0xFFFFFFD0];
	[tilespmem:s6+$0x5530] =	vst v17  }
0x4a3: {  	v10 =	vadd.s32 v7, v10;
	v52 =	vld.idx.msk [tilespmem:v13+s4+$0x0], $0xffff  }
0x4a4: {  	v9 =	vadd.s32 v7, v9;
	v13 =	vld [tilespmem:s24+$0xFFFFFFE0];
	[tilespmem:s6+$0x5540] =	vst v16;
	v16 =	vshll.u32 v18, $0x4  }
0x4a5: {  	v55 =	vld [tilespmem:s24+$0x20];
	[tilespmem:s6+$0x5560] =	vst v21;
	v18 =	vshll.u32 v30, $0x4;
	v21 =	vor.u32 v0, v16  }
0x4a6: {  	v22 =	vld.idx.msk [tilespmem:v14+s4+$0x0], $0xffff;
	v17 =	vshll.u32 v11, $0x4;
	[tilespmem:s6+$0x5590] =	vst v19;
	v19 =	vor.u32 v0, v18  }
0x4a7: {  	v8 =	vld.idx.msk [tilespmem:v8+s4+$0x0], $0xffff;
	v14 =	vshll.u32 v12, $0x4;
	v29 =	vor.u32 v0, v17  }
0x4a8: {  	[tilespmem:s6+$0x5550] =	vst v20;
	v10 =	vld.idx.msk [tilespmem:v10+s4+$0x0], $0xffff;
	v12 =	vshll.u32 v53, $0x4;
	v31 =	vor.u32 v0, v14  }
0x4a9: {  	v9 =	vld.idx.msk [tilespmem:v9+s4+$0x0], $0xffff;
	v25 =	vor.u32 v0, v12;
	v15 =	vshll.u32 v13, $0x4  }
0x4aa: {  	v11 =	vshll.u32 v54, $0x4;
	v20 =	vor.u32 v0, v15;
	v21 =	vld.idx.msk [tilespmem:v21+s4+$0x0], $0xffff  }
0x4ab: {  	v26 =	vor.u32 v0, v11;
	v13 =	vshll.u32 v55, $0x4;
	v19 =	vld.idx.msk [tilespmem:v19+s4+$0x0], $0xffff  }
0x4ac: {  	[tilespmem:s6+$0x55F0] =	vst v50;
	v58 =	vor.u32 v0, v13;
	v56 =	vld.idx.msk [tilespmem:v29+s4+$0x0], $0xffff  }
0x4ad: {  	s8 =	simm.s32 $0x80;
	s21 =	simm.s32 $0x1000;
	[tilespmem:s6+$0x5580] =	vst v22;
	v22 =	vadd.s32 v1, v17;
	v57 =	vld.idx.msk [tilespmem:v31+s4+$0x0], $0xffff  }
0x4ae: {  	s30 =	sand.u32 $0xC00, s8;
	s28 =	sand.u32 $0x7000, s21;
	[tilespmem:s6+$0x55A0] =	vst v23;
	v60 =	vadd.s32 v1, v16;
	v25 =	vld.idx.msk [tilespmem:v25+s4+$0x0], $0xffff  }
0x4af: {  	s0 =	sor.u32 s30, s28;
	v23 =	vadd.s32 v1, v14;
	[tilespmem:s6+$0x55B0] =	vst v52;
	v20 =	vld.idx.msk [tilespmem:v20+s4+$0x0], $0xffff  }
0x4b0: {  	v61 =	vadd.s32 v1, v12;
	v26 =	vld.idx.msk [tilespmem:v26+s4+$0x0], $0xffff;
	[tilespmem:s0+$0x5230] =	vst v21  }
0x4b1: {  	v59 =	vadd.s32 v1, v15;
	v29 =	vld.idx.msk [tilespmem:v58+s4+$0x0], $0xffff;
	[tilespmem:s0+$0x5270] =	vst v56  }
0x4b2: {  	v62 =	vadd.s32 v1, v11;
	[tilespmem:s0+$0x5210] =	vst v57;
	v22 =	vld.idx.msk [tilespmem:v22+s4+$0x0], $0xffff  }
0x4b3: {  	v21 =	vadd.s32 v2, v17;
	[tilespmem:s0+$0x5240] =	vst v25;
	v30 =	vld.idx.msk [tilespmem:v60+s4+$0x0], $0xffff  }
0x4b4: {  	[tilespmem:s0+$0x5220] =	vst v20;
	v20 =	vld.idx.msk [tilespmem:v23+s4+$0x0], $0xffff;
	v23 =	vadd.s32 v1, v18  }
0x4b5: {  	v63 =	vadd.s32 v1, v13;
	[tilespmem:s0+$0x5200] =	vst v19;
	v28 =	vld.idx.msk [tilespmem:v61+s4+$0x0], $0xffff  }
0x4b6: {  	v32 =	vadd.s32 v2, v14;
	[tilespmem:s0+$0x5250] =	vst v26;
	v24 =	vld.idx.msk [tilespmem:v59+s4+$0x0], $0xffff  }
0x4b7: {  	v33 =	vadd.s32 v2, v15;
	v27 =	vld.idx.msk [tilespmem:v62+s4+$0x0], $0xffff;
	[tilespmem:s0+$0x52F0] =	vst v22  }
0x4b8: {  	[tilespmem:s0+$0x5260] =	vst v29;
	v22 =	vadd.s32 v2, v16;
	v19 =	vld.idx.msk [tilespmem:v21+s4+$0x0], $0xffff  }
0x4b9: {  	[tilespmem:s0+$0x52B0] =	vst v30;
	v21 =	vadd.s32 v2, v12;
	v23 =	vld.idx.msk [tilespmem:v23+s4+$0x0], $0xffff  }
0x4ba: {  	v36 =	vadd.s32 v2, v11;
	[tilespmem:s0+$0x5290] =	vst v20;
	v20 =	vld.idx.msk [tilespmem:v63+s4+$0x0], $0xffff  }
0x4bb: {  	v34 =	vadd.s32 v3, v17;
	[tilespmem:s0+$0x52A0] =	vst v24;
	v26 =	vld.idx.msk [tilespmem:v32+s4+$0x0], $0xffff  }
0x4bc: {  	v35 =	vadd.s32 v2, v18;
	[tilespmem:s0+$0x52C0] =	vst v28;
	v29 =	vld.idx.msk [tilespmem:v33+s4+$0x0], $0xffff  }
0x4bd: {  	v37 =	vadd.s32 v2, v13;
	[tilespmem:s0+$0x52D0] =	vst v27;
	v22 =	vld.idx.msk [tilespmem:v22+s4+$0x0], $0xffff  }
0x4be: {  	v38 =	vadd.s32 v3, v14;
	v21 =	vld.idx.msk [tilespmem:v21+s4+$0x0], $0xffff;
	[tilespmem:s0+$0x5370] =	vst v19  }
0x4bf: {  	v19 =	vadd.s32 v3, v15;
	[tilespmem:s0+$0x52E0] =	vst v20;
	v20 =	vld.idx.msk [tilespmem:v36+s4+$0x0], $0xffff  }
0x4c0: {  	v39 =	vadd.s32 v3, v16;
	[tilespmem:s0+$0x5280] =	vst v23;
	v23 =	vld.idx.msk [tilespmem:v34+s4+$0x0], $0xffff  }
0x4c1: {  	v42 =	vadd.s32 v3, v12;
	v25 =	vld.idx.msk [tilespmem:v35+s4+$0x0], $0xffff;
	[tilespmem:s0+$0x5310] =	vst v26  }
0x4c2: {  	v40 =	vadd.s32 v4, v17;
	v28 =	vld.idx.msk [tilespmem:v37+s4+$0x0], $0xffff;
	[tilespmem:s0+$0x5320] =	vst v29  }
0x4c3: {  	v41 =	vadd.s32 v3, v18;
	v27 =	vld.idx.msk [tilespmem:v38+s4+$0x0], $0xffff;
	[tilespmem:s0+$0x5330] =	vst v22  }
0x4c4: {  	v22 =	vadd.s32 v3, v11;
	v19 =	vld.idx.msk [tilespmem:v19+s4+$0x0], $0xffff;
	[tilespmem:s0+$0x5340] =	vst v21  }
0x4c5: {  	v21 =	vadd.s32 v3, v13;
	v24 =	vld.idx.msk [tilespmem:v39+s4+$0x0], $0xffff;
	[tilespmem:s0+$0x5350] =	vst v20  }
0x4c6: {  	[tilespmem:s0+$0x53F0] =	vst v23;
	v23 =	vadd.s32 v4, v14;
	v20 =	vld.idx.msk [tilespmem:v42+s4+$0x0], $0xffff  }
0x4c7: {  	v44 =	vadd.s32 v4, v15;
	[tilespmem:s0+$0x5300] =	vst v25;
	v43 =	vld.idx.msk [tilespmem:v40+s4+$0x0], $0xffff  }
0x4c8: {  	v47 =	vadd.s32 v4, v16;
	[tilespmem:s0+$0x5360] =	vst v28;
	v30 =	vld.idx.msk [tilespmem:v41+s4+$0x0], $0xffff  }
0x4c9: {  	v45 =	vadd.s32 v5, v17;
	[tilespmem:s0+$0x5390] =	vst v27;
	v22 =	vld.idx.msk [tilespmem:v22+s4+$0x0], $0xffff  }
0x4ca: {  	v46 =	vadd.s32 v4, v18;
	[tilespmem:s0+$0x53A0] =	vst v19;
	v19 =	vld.idx.msk [tilespmem:v21+s4+$0x0], $0xffff  }
0x4cb: {  	v21 =	vadd.s32 v4, v12;
	[tilespmem:s0+$0x53B0] =	vst v24;
	v23 =	vld.idx.msk [tilespmem:v23+s4+$0x0], $0xffff  }
0x4cc: {  	v48 =	vadd.s32 v4, v11;
	v26 =	vld.idx.msk [tilespmem:v44+s4+$0x0], $0xffff;
	[tilespmem:s0+$0x53C0] =	vst v20  }
0x4cd: {  	v49 =	vadd.s32 v4, v13;
	v20 =	vld.idx.msk [tilespmem:v47+s4+$0x0], $0xffff;
	[tilespmem:s0+$0x5470] =	vst v43  }
0x4ce: {  	v50 =	vadd.s32 v5, v14;
	[tilespmem:s0+$0x5380] =	vst v30;
	v28 =	vld.idx.msk [tilespmem:v45+s4+$0x0], $0xffff  }
0x4cf: {  	v29 =	vld.idx.msk [tilespmem:v46+s4+$0x0], $0xffff;
	[tilespmem:s0+$0x53D0] =	vst v22;
	v22 =	vadd.s32 v6, v17  }
0x4d0: {  	v51 =	vadd.s32 v5, v18;
	v21 =	vld.idx.msk [tilespmem:v21+s4+$0x0], $0xffff;
	[tilespmem:s0+$0x53E0] =	vst v19  }
0x4d1: {  	v19 =	vadd.s32 v5, v15;
	[tilespmem:s0+$0x5410] =	vst v23;
	v23 =	vld.idx.msk [tilespmem:v48+s4+$0x0], $0xffff  }
0x4d2: {  	v52 =	vadd.s32 v5, v16;
	[tilespmem:s0+$0x5420] =	vst v26;
	v25 =	vld.idx.msk [tilespmem:v49+s4+$0x0], $0xffff  }
0x4d3: {  	v53 =	vadd.s32 v5, v12;
	v30 =	vld.idx.msk [tilespmem:v50+s4+$0x0], $0xffff;
	[tilespmem:s0+$0x54F0] =	vst v28  }
0x4d4: {  	v54 =	vadd.s32 v5, v11;
	[tilespmem:s0+$0x5400] =	vst v29;
	v22 =	vld.idx.msk [tilespmem:v22+s4+$0x0], $0xffff  }
0x4d5: {  	v55 =	vadd.s32 v5, v13;
	[tilespmem:s0+$0x5430] =	vst v20;
	v27 =	vld.idx.msk [tilespmem:v51+s4+$0x0], $0xffff  }
0x4d6: {  	v17 =	vadd.s32 v7, v17;
	v19 =	vld.idx.msk [tilespmem:v19+s4+$0x0], $0xffff;
	[tilespmem:s0+$0x5440] =	vst v21  }
0x4d7: {  	v20 =	vadd.s32 v6, v18;
	v21 =	vld.idx.msk [tilespmem:v52+s4+$0x0], $0xffff;
	[tilespmem:s0+$0x5450] =	vst v23  }
0x4d8: {  	v23 =	vadd.s32 v6, v14;
	v56 =	vld.idx.msk [tilespmem:v53+s4+$0x0], $0xffff;
	[tilespmem:s0+$0x5460] =	vst v25  }
0x4d9: {  	v57 =	vadd.s32 v6, v15;
	[tilespmem:s0+$0x5490] =	vst v30;
	v58 =	vld.idx.msk [tilespmem:v54+s4+$0x0], $0xffff  }
0x4da: {  	v59 =	vadd.s32 v6, v16;
	v29 =	vld.idx.msk [tilespmem:v55+s4+$0x0], $0xffff;
	[tilespmem:s0+$0x5570] =	vst v22  }
0x4db: {  	v60 =	vadd.s32 v6, v11;
	[tilespmem:s0+$0x5480] =	vst v27;
	v17 =	vld.idx.msk [tilespmem:v17+s4+$0x0], $0xffff  }
0x4dc: {  	v22 =	vadd.s32 v6, v12;
	v20 =	vld.idx.msk [tilespmem:v20+s4+$0x0], $0xffff;
	[tilespmem:s0+$0x54A0] =	vst v19  }
0x4dd: {  	v19 =	vadd.s32 v6, v13;
	[tilespmem:s0+$0x54B0] =	vst v21;
	v23 =	vld.idx.msk [tilespmem:v23+s4+$0x0], $0xffff  }
0x4de: {  	v21 =	vadd.s32 v7, v18;
	v25 =	vld.idx.msk [tilespmem:v57+s4+$0x0], $0xffff;
	[tilespmem:s0+$0x54C0] =	vst v56  }
0x4df: {  	v14 =	vadd.s32 v7, v14;
	v61 =	vld.idx.msk [tilespmem:v59+s4+$0x0], $0xffff;
	[tilespmem:s0+$0x54D0] =	vst v58  }
0x4e0: {  	v62 =	vadd.s32 v7, v15;
	v63 =	vadd.s32 v7, v16;
	[tilespmem:s0+$0x54E0] =	vst v29;
	v16 =	vld.idx.msk [tilespmem:v60+s4+$0x0], $0xffff  }
0x4e1: {  	v22 =	vld.idx.msk [tilespmem:v22+s4+$0x0], $0xffff;
	[tilespmem:s0+$0x55F0] =	vst v17  }
0x4e2: {  	[tilespmem:s0+$0x5500] =	vst v20;
	v18 =	vld.idx.msk [tilespmem:v19+s4+$0x0], $0xffff  }
0x4e3: {  	v17 =	vld.idx.msk [tilespmem:v21+s4+$0x0], $0xffff;
	[tilespmem:s0+$0x5510] =	vst v23  }
0x4e4: {  	[tilespmem:s0+$0x5520] =	vst v25;
	v19 =	vld.idx.msk [tilespmem:v14+s4+$0x0], $0xffff  }
0x4e5: {  	v15 =	vadd.s32 v7, v12;
	[tilespmem:s0+$0x5530] =	vst v61;
	v20 =	vld.idx.msk [tilespmem:v62+s4+$0x0], $0xffff  }
0x4e6: {  	s5 =	simm.s32 $0x3340;
	s2 =	simm.s32 $0x8;
	v12 =	vadd.s32 v7, v13;
	v14 =	vadd.s32 v7, v11;
	v13 =	vld.idx.msk [tilespmem:v63+s4+$0x0], $0xffff;
	[tilespmem:s0+$0x5540] =	vst v22  }
.LBB2_12:
0x4e7: {  	v11 =	vld [tilespmem:s5+$0x30];
	s2 =	sadd.s32 $0x8, s2;
	[tilespmem:s0+$0x5550] =	vst v16  }
0x4e8: {  	v16 =	vld [tilespmem:s5+$0xFFFFFFD0];
	p0 =	slt.u32 s2, $0xF8;
	[tilespmem:s0+$0x5560] =	vst v18  }
0x4e9: {  	v18 =	vld [tilespmem:s5+$0xFFFFFFE0];
	[tilespmem:s0+$0x5580] =	vst v17  }
0x4ea: {  	v17 =	vld [tilespmem:s5+$0xFFFFFFF0];
	[tilespmem:s0+$0x5590] =	vst v19  }
0x4eb: {  	v19 =	vld [tilespmem:s5+$0x0];
	[tilespmem:s0+$0x55A0] =	vst v20  }
0x4ec: {  	v20 =	vld [tilespmem:s5+$0x10];
	v11 =	vshll.u32 v11, $0x4;
	[tilespmem:s0+$0x55B0] =	vst v13  }
0x4ed: {  	v13 =	vshll.u32 v16, $0x4;
	v21 =	vld [tilespmem:s5+$0x20];
	v22 =	vor.u32 v0, v11;
	[tilespmem:s6+$0x55C0] =	vst v8  }
0x4ee: {  	v23 =	vld [tilespmem:s5+$0xFFFFFFC0];
	v24 =	vor.u32 v0, v13;
	v25 =	vadd.s32 v1, v13;
	v16 =	vshll.u32 v18, $0x4;
	[tilespmem:s6+$0x55D0] =	vst v9  }
0x4ef: {  	v18 =	vor.u32 v0, v16;
	v26 =	vadd.s32 v1, v16;
	v17 =	vshll.u32 v17, $0x4;
	v8 =	vld.idx.msk [tilespmem:v15+s4+$0x0], $0xffff;
	[tilespmem:s6+$0x55E0] =	vst v10;
	s6 =	smov.u32 s0  }
0x4f0: {  	v15 =	vor.u32 v0, v17;
	v27 =	vadd.s32 v1, v17;
	v19 =	vshll.u32 v19, $0x4;
	v9 =	vld.idx.msk [tilespmem:v14+s4+$0x0], $0xffff  }
0x4f1: {  	v14 =	vor.u32 v0, v19;
	v28 =	vadd.s32 v1, v19;
	v20 =	vshll.u32 v20, $0x4;
	v10 =	vld.idx.msk [tilespmem:v12+s4+$0x0], $0xffff  }
0x4f2: {  	v12 =	vor.u32 v0, v20;
	v29 =	vadd.s32 v1, v20;
	v21 =	vshll.u32 v21, $0x4;
	v22 =	vld.idx.msk [tilespmem:v22+s4+$0x0], $0xffff  }
0x4f3: {  	v23 =	vshll.u32 v23, $0x4;
	v24 =	vld.idx.msk [tilespmem:v24+s4+$0x0], $0xffff;
	v30 =	vor.u32 v0, v21;
	v31 =	vadd.s32 v1, v21  }
0x4f4: {  	v34 =	vadd.s32 v1, v11;
	v32 =	vor.u32 v0, v23;
	v33 =	vadd.s32 v1, v23;
	v18 =	vld.idx.msk [tilespmem:v18+s4+$0x0], $0xffff  }
0x4f5: {  	s8 =	sadd.s32 $0x80, s8;
	s21 =	sadd.s32 $0x1000, s21;
	v36 =	vadd.s32 v2, v13;
	v37 =	vadd.s32 v2, v16;
	v35 =	vadd.s32 v2, v23;
	v15 =	vld.idx.msk [tilespmem:v15+s4+$0x0], $0xffff  }
0x4f6: {  	s7 =	sand.u32 $0xC00, s8;
	s0 =	sand.u32 $0x7000, s21;
	v38 =	vadd.s32 v2, v17;
	v39 =	vadd.s32 v2, v19;
	v40 =	vadd.s32 v2, v20;
	v14 =	vld.idx.msk [tilespmem:v14+s4+$0x0], $0xffff  }
0x4f7: {  	v42 =	vadd.s32 v3, v13;
	s0 =	sor.u32 s7, s0;
	v43 =	vadd.s32 v2, v21;
	v41 =	vadd.s32 v3, v23;
	v12 =	vld.idx.msk [tilespmem:v12+s4+$0x0], $0xffff  }
0x4f8: {  	v44 =	vadd.s32 v3, v16;
	v45 =	vadd.s32 v3, v17;
	v30 =	vld.idx.msk [tilespmem:v30+s4+$0x0], $0xffff;
	[tilespmem:s0+$0x5270] =	vst v22  }
0x4f9: {  	v22 =	vadd.s32 v3, v19;
	[tilespmem:s0+$0x5210] =	vst v24;
	v24 =	vadd.s32 v3, v20;
	v34 =	vld.idx.msk [tilespmem:v34+s4+$0x0], $0xffff  }
0x4fa: {  	v46 =	vadd.s32 v4, v23;
	v32 =	vld.idx.msk [tilespmem:v32+s4+$0x0], $0xffff;
	[tilespmem:s0+$0x5220] =	vst v18;
	v18 =	vadd.s32 v3, v21  }
0x4fb: {  	v47 =	vadd.s32 v4, v13;
	v25 =	vld.idx.msk [tilespmem:v25+s4+$0x0], $0xffff;
	[tilespmem:s0+$0x5230] =	vst v15;
	v15 =	vadd.s32 v2, v11  }
0x4fc: {  	v48 =	vadd.s32 v4, v16;
	v49 =	vadd.s32 v4, v17;
	v26 =	vld.idx.msk [tilespmem:v26+s4+$0x0], $0xffff;
	[tilespmem:s0+$0x5240] =	vst v14  }
0x4fd: {  	v50 =	vadd.s32 v4, v20;
	v14 =	vld.idx.msk [tilespmem:v27+s4+$0x0], $0xffff;
	v27 =	vadd.s32 v4, v19;
	[tilespmem:s0+$0x5250] =	vst v12  }
0x4fe: {  	v51 =	vadd.s32 v5, v23;
	v12 =	vld.idx.msk [tilespmem:v28+s4+$0x0], $0xffff;
	[tilespmem:s0+$0x5260] =	vst v30;
	v28 =	vadd.s32 v4, v21  }
0x4ff: {  	v52 =	vadd.s32 v5, v16;
	v30 =	vadd.s32 v5, v13;
	v29 =	vld.idx.msk [tilespmem:v29+s4+$0x0], $0xffff;
	[tilespmem:s0+$0x52F0] =	vst v34  }
0x500: {  	v34 =	vadd.s32 v5, v19;
	[tilespmem:s0+$0x5200] =	vst v32;
	v32 =	vadd.s32 v5, v17;
	v15 =	vld.idx.msk [tilespmem:v15+s4+$0x0], $0xffff  }
0x501: {  	v53 =	vadd.s32 v5, v21;
	v33 =	vld.idx.msk [tilespmem:v33+s4+$0x0], $0xffff;
	[tilespmem:s0+$0x5290] =	vst v25;
	v25 =	vadd.s32 v5, v20  }
0x502: {  	v54 =	vadd.s32 v6, v23;
	[tilespmem:s0+$0x52A0] =	vst v26;
	v26 =	vld.idx.msk [tilespmem:v31+s4+$0x0], $0xffff;
	v31 =	vadd.s32 v3, v11  }
0x503: {  	v55 =	vadd.s32 v6, v13;
	v56 =	vadd.s32 v6, v16;
	v36 =	vld.idx.msk [tilespmem:v36+s4+$0x0], $0xffff;
	[tilespmem:s0+$0x52B0] =	vst v14  }
0x504: {  	v57 =	vadd.s32 v6, v17;
	v58 =	vadd.s32 v6, v19;
	v37 =	vld.idx.msk [tilespmem:v37+s4+$0x0], $0xffff;
	[tilespmem:s0+$0x52C0] =	vst v12  }
0x505: {  	v59 =	vadd.s32 v6, v21;
	v38 =	vld.idx.msk [tilespmem:v38+s4+$0x0], $0xffff;
	[tilespmem:s0+$0x52D0] =	vst v29;
	v29 =	vadd.s32 v6, v20  }
0x506: {  	v23 =	vadd.s32 v7, v23;
	v13 =	vadd.s32 v7, v13;
	v39 =	vld.idx.msk [tilespmem:v39+s4+$0x0], $0xffff;
	[tilespmem:s0+$0x5370] =	vst v15  }
0x507: {  	v60 =	vadd.s32 v7, v17;
	[tilespmem:s0+$0x5280] =	vst v33;
	v33 =	vadd.s32 v7, v16;
	v16 =	vld.idx.msk [tilespmem:v31+s4+$0x0], $0xffff  }
0x508: {  	v14 =	vadd.s32 v7, v20;
	v15 =	vadd.s32 v7, v19;
	v17 =	vld.idx.msk [tilespmem:v35+s4+$0x0], $0xffff;
	[tilespmem:s0+$0x52E0] =	vst v26  }
0x509: {  	v12 =	vadd.s32 v7, v21;
	v20 =	vadd.s32 v4, v11;
	[tilespmem:s0+$0x5310] =	vst v36;
	v19 =	vld.idx.msk [tilespmem:v40+s4+$0x0], $0xffff  }
0x50a: {  	[tilespmem:s0+$0x5320] =	vst v37;
	v21 =	vld.idx.msk [tilespmem:v43+s4+$0x0], $0xffff  }
0x50b: {  	v26 =	vld.idx.msk [tilespmem:v42+s4+$0x0], $0xffff;
	[tilespmem:s0+$0x5330] =	vst v38  }
0x50c: {  	v31 =	vld.idx.msk [tilespmem:v44+s4+$0x0], $0xffff;
	[tilespmem:s0+$0x5340] =	vst v39  }
0x50d: {  	v35 =	vld.idx.msk [tilespmem:v45+s4+$0x0], $0xffff;
	[tilespmem:s0+$0x53F0] =	vst v16  }
0x50e: {  	[tilespmem:s0+$0x5300] =	vst v17;
	v16 =	vld.idx.msk [tilespmem:v20+s4+$0x0], $0xffff  }
0x50f: {  	v17 =	vld.idx.msk [tilespmem:v41+s4+$0x0], $0xffff;
	[tilespmem:s0+$0x5350] =	vst v19  }
0x510: {  	v20 =	vadd.s32 v5, v11;
	v19 =	vld.idx.msk [tilespmem:v22+s4+$0x0], $0xffff;
	[tilespmem:s0+$0x5360] =	vst v21  }
0x511: {  	[tilespmem:s0+$0x5390] =	vst v26;
	v21 =	vld.idx.msk [tilespmem:v24+s4+$0x0], $0xffff  }
0x512: {  	[tilespmem:s0+$0x53A0] =	vst v31;
	v18 =	vld.idx.msk [tilespmem:v18+s4+$0x0], $0xffff  }
0x513: {  	v22 =	vld.idx.msk [tilespmem:v47+s4+$0x0], $0xffff;
	[tilespmem:s0+$0x53B0] =	vst v35  }
0x514: {  	v24 =	vld.idx.msk [tilespmem:v48+s4+$0x0], $0xffff;
	[tilespmem:s0+$0x5470] =	vst v16  }
0x515: {  	[tilespmem:s0+$0x5380] =	vst v17;
	v16 =	vld.idx.msk [tilespmem:v20+s4+$0x0], $0xffff  }
0x516: {  	v17 =	vld.idx.msk [tilespmem:v46+s4+$0x0], $0xffff;
	[tilespmem:s0+$0x53C0] =	vst v19  }
0x517: {  	v20 =	vadd.s32 v6, v11;
	v19 =	vld.idx.msk [tilespmem:v49+s4+$0x0], $0xffff;
	[tilespmem:s0+$0x53D0] =	vst v21  }
0x518: {  	v21 =	vld.idx.msk [tilespmem:v27+s4+$0x0], $0xffff;
	[tilespmem:s0+$0x53E0] =	vst v18  }
0x519: {  	[tilespmem:s0+$0x5410] =	vst v22;
	v18 =	vld.idx.msk [tilespmem:v50+s4+$0x0], $0xffff  }
0x51a: {  	[tilespmem:s0+$0x5420] =	vst v24;
	v22 =	vld.idx.msk [tilespmem:v28+s4+$0x0], $0xffff  }
0x51b: {  	v24 =	vld.idx.msk [tilespmem:v30+s4+$0x0], $0xffff;
	[tilespmem:s0+$0x54F0] =	vst v16  }
0x51c: {  	[tilespmem:s0+$0x5400] =	vst v17;
	v16 =	vld.idx.msk [tilespmem:v20+s4+$0x0], $0xffff  }
0x51d: {  	v17 =	vld.idx.msk [tilespmem:v51+s4+$0x0], $0xffff;
	[tilespmem:s0+$0x5430] =	vst v19  }
0x51e: {  	v11 =	vadd.s32 v7, v11;
	v19 =	vld.idx.msk [tilespmem:v52+s4+$0x0], $0xffff;
	[tilespmem:s0+$0x5440] =	vst v21  }
0x51f: {  	v20 =	vld.idx.msk [tilespmem:v32+s4+$0x0], $0xffff;
	[tilespmem:s0+$0x5450] =	vst v18  }
0x520: {  	v18 =	vld.idx.msk [tilespmem:v34+s4+$0x0], $0xffff;
	[tilespmem:s0+$0x5460] =	vst v22  }
0x521: {  	[tilespmem:s0+$0x5490] =	vst v24;
	v21 =	vld.idx.msk [tilespmem:v25+s4+$0x0], $0xffff  }
0x522: {  	v22 =	vld.idx.msk [tilespmem:v53+s4+$0x0], $0xffff;
	[tilespmem:s0+$0x5570] =	vst v16  }
0x523: {  	[tilespmem:s0+$0x5480] =	vst v17;
	v11 =	vld.idx.msk [tilespmem:v11+s4+$0x0], $0xffff  }
0x524: {  	v17 =	vld.idx.msk [tilespmem:v54+s4+$0x0], $0xffff;
	[tilespmem:s0+$0x54A0] =	vst v19  }
0x525: {  	v19 =	vld.idx.msk [tilespmem:v55+s4+$0x0], $0xffff;
	[tilespmem:s0+$0x54B0] =	vst v20  }
0x526: {  	v20 =	vld.idx.msk [tilespmem:v56+s4+$0x0], $0xffff;
	[tilespmem:s0+$0x54C0] =	vst v18  }
0x527: {  	v24 =	vld.idx.msk [tilespmem:v57+s4+$0x0], $0xffff;
	[tilespmem:s0+$0x54D0] =	vst v21  }
0x528: {  	v21 =	vld.idx.msk [tilespmem:v58+s4+$0x0], $0xffff;
	[tilespmem:s0+$0x54E0] =	vst v22  }
0x529: {  	v16 =	vld.idx.msk [tilespmem:v29+s4+$0x0], $0xffff;
	[tilespmem:s0+$0x55F0] =	vst v11  }
.Ltmp5:
0x52a: {  	[tilespmem:s0+$0x5500] =	vst v17;
	v18 =	vld.idx.msk [tilespmem:v59+s4+$0x0], $0xffff;
	(pc) =	sbr.rel @p0 .LBB2_12-.Ltmp5, $4  }
0x52b: {  	v17 =	vld.idx.msk [tilespmem:v23+s4+$0x0], $0xffff;
	[tilespmem:s0+$0x5510] =	vst v19  }
0x52c: {  	v19 =	vld.idx.msk [tilespmem:v13+s4+$0x0], $0xffff;
	[tilespmem:s0+$0x5520] =	vst v20  }
0x52d: {  	v20 =	vld.idx.msk [tilespmem:v33+s4+$0x0], $0xffff;
	[tilespmem:s0+$0x5530] =	vst v24  }
0x52e: {  	s5 =	sadd.s32 $0x80, s5;
	v13 =	vld.idx.msk [tilespmem:v60+s4+$0x0], $0xffff;
	[tilespmem:s0+$0x5540] =	vst v21  }
0x52f: {  	[tilespmem:s0+$0x5550] =	vst v16  }
0x530: {  	[tilespmem:s0+$0x5560] =	vst v18  }
0x531: {  	[tilespmem:s6+$0x55C0] =	vst v8  }
0x532: {  	[tilespmem:s6+$0x55D0] =	vst v9  }
0x533: {  	v11 =	vld.idx.msk [tilespmem:v15+s4+$0x0], $0xffff;
	[tilespmem:s6+$0x55E0] =	vst v10  }
0x534: {  	[tilespmem:s0+$0x5580] =	vst v17;
	v63 =	vld.idx.msk [tilespmem:v14+s4+$0x0], $0xffff  }
0x535: {  	v8 =	vld.idx.msk [tilespmem:v12+s4+$0x0], $0xffff;
	[tilespmem:s0+$0x5590] =	vst v19  }
0x536: {  	[tilespmem:s0+$0x55A0] =	vst v20  }
0x537: {  	[tilespmem:s0+$0x55B0] =	vst v13  }
0x538: {  	[tilespmem:s0+$0x55C0] =	vst v11  }
0x539: {  	[tilespmem:s0+$0x55D0] =	vst v63  }
0x53a: {  	[tilespmem:s0+$0x55E0] =	vst v8  }
0x53b: {  	s0 =	rddreg [dreg:$0x19]  }
0x53c: {  	s2 =	simm.s32 $0x5200;
	s21 =	rddreg [dreg:$0x1a]  }
0x53d: {  	[hbm4b:s0+s4] =	stream.linear.scatter [tilespmem:s2], [sflag:$0x3], $0x1000, $0x38;
	[tilespmem:$0x15200] =	vst v63  }
0x53e: {  	s24 =	simm.s32 $0x6200;
	s28 =	rddreg [dreg:$0x1b]  }
0x53f: {  	[hbm4b:s21+s4] =	stream.linear.scatter [tilespmem:s24], [sflag:$0x3], $0x1000, $0x38;
	[tilespmem:$0x15200] =	vst v63  }
0x540: {  	s30 =	simm.s32 $0x7200;
	s5 =	rddreg [dreg:$0x1c]  }
0x541: {  	[hbm4b:s28+s4] =	stream.linear.scatter [tilespmem:s30], [sflag:$0x3], $0x1000, $0x38;
	[tilespmem:$0x15200] =	vst v63  }
0x542: {  	s6 =	simm.s32 $0x8200;
	s7 =	rddreg [dreg:$0x1d]  }
0x543: {  	[hbm4b:s5+s4] =	stream.linear.scatter [tilespmem:s6], [sflag:$0x3], $0x1000, $0x38;
	[tilespmem:$0x15200] =	vst v63  }
0x544: {  	s8 =	rddreg [dreg:$0x1e]  }
0x545: {  	[hbm4b:s7+s4] =	stream.linear.scatter [tilespmem:s13], [sflag:$0x3], $0x1000, $0x38;
	[tilespmem:$0x15200] =	vst v63  }
0x546: {  	s21 =	rddreg [dreg:$0x1f]  }
0x547: {  	[hbm4b:s8+s4] =	stream.linear.scatter [tilespmem:s14], [sflag:$0x3], $0x1000, $0x38;
	[tilespmem:$0x15200] =	vst v63  }
0x548: {  	s24 =	sld [smem:$0x7FD]  }
0x549: {  	[hbm4b:s21+s4] =	stream.linear.scatter [tilespmem:s15], [sflag:$0x3], $0x1000, $0x38;
	[tilespmem:$0x15200] =	vst v63  }
0x54a: {  	_ = 	snop  }
0x54b: {  	[hbm4b:s24+s4] =	stream.linear.scatter [tilespmem:s19], [sflag:$0x3], $0x1000, $0x38;
	[tilespmem:$0x15200] =	vst v63  }
0x54c: {  	_ =	swait.ge [sflag:s26], $0x1000  }
0x54d: {  	[sflag:s26] =	ssyncset.done $0x0  }
0x54e: {  	[sflag:s26] =	ssyncadd.s32 $0xFFFFF000  }
0x54f: {  	_ =	swait.ge [sflag:s26], $0x1000  }
0x550: {  	[sflag:s26] =	ssyncset.done $0x0  }
0x551: {  	[sflag:s26] =	ssyncadd.s32 $0xFFFFF000  }
0x552: {  	_ =	swait.ge [sflag:s26], $0x1000  }
0x553: {  	[sflag:s26] =	ssyncset.done $0x0  }
0x554: {  	[sflag:s26] =	ssyncadd.s32 $0xFFFFF000  }
0x555: {  	_ =	swait.ge [sflag:s26], $0x1000  }
0x556: {  	[sflag:s26] =	ssyncset.done $0x0  }
0x557: {  	[sflag:s26] =	ssyncadd.s32 $0xFFFFF000  }
0x558: {  	_ =	swait.ge [sflag:s26], $0x1000  }
0x559: {  	[sflag:s26] =	ssyncset.done $0x0  }
0x55a: {  	[sflag:s26] =	ssyncadd.s32 $0xFFFFF000  }
0x55b: {  	_ =	swait.ge [sflag:s26], $0x1000  }
0x55c: {  	[sflag:s26] =	ssyncset.done $0x0  }
0x55d: {  	[sflag:s26] =	ssyncadd.s32 $0xFFFFF000  }
0x55e: {  	_ =	swait.ge [sflag:s26], $0x1000  }
0x55f: {  	[sflag:s26] =	ssyncset.done $0x0  }
0x560: {  	[sflag:s26] =	ssyncadd.s32 $0xFFFFF000  }
0x561: {  	_ =	swait.ge [sflag:s26], $0x1000  }
0x562: {  	[sflag:s26] =	ssyncset.done $0x0  }
0x563: {  	[sflag:s26] =	ssyncadd.s32 $0xFFFFF000  }
0x564: {  	_ =	swait.ge [sflag:s29], $0x1000  }
0x565: {  	[sflag:s29] =	ssyncset.done $0x0  }
0x566: {  	[sflag:s29] =	ssyncadd.s32 $0xFFFFF000  }
0x567: {  	_ =	swait.ge [sflag:s29], $0x1000  }
0x568: {  	[sflag:s29] =	ssyncset.done $0x0  }
0x569: {  	[sflag:s29] =	ssyncadd.s32 $0xFFFFF000  }
0x56a: {  	_ =	swait.ge [sflag:s29], $0x1000  }
0x56b: {  	[sflag:s29] =	ssyncset.done $0x0  }
0x56c: {  	[sflag:s29] =	ssyncadd.s32 $0xFFFFF000  }
0x56d: {  	_ =	swait.ge [sflag:s29], $0x1000  }
0x56e: {  	[sflag:s29] =	ssyncset.done $0x0  }
0x56f: {  	[sflag:s29] =	ssyncadd.s32 $0xFFFFF000  }
0x570: {  	_ =	swait.ge [sflag:s29], $0x1000  }
0x571: {  	[sflag:s29] =	ssyncset.done $0x0  }
0x572: {  	[sflag:s29] =	ssyncadd.s32 $0xFFFFF000  }
0x573: {  	_ =	swait.ge [sflag:s29], $0x1000  }
0x574: {  	[sflag:s29] =	ssyncset.done $0x0  }
0x575: {  	[sflag:s29] =	ssyncadd.s32 $0xFFFFF000  }
0x576: {  	_ =	swait.ge [sflag:s29], $0x1000  }
0x577: {  	[sflag:s29] =	ssyncset.done $0x0  }
0x578: {  	[sflag:s29] =	ssyncadd.s32 $0xFFFFF000  }
0x579: {  	_ =	swait.ge [sflag:s29], $0x1000  }
0x57a: {  	s28 =	sld [smem:$0x7FC];
	_ =	sdelay $0x2  }
0x57b: {  	s30 =	rddreg [dreg:$0xf];
	s2 =	sadd.s32 $0x1, s28  }
0x57c: {  	p0 =	sne.s32 s2, s30  }
.Ltmp6:
0x57d: {  	_ = 	snop;
	(pc) =	sbr.rel @p0 .LBB2_1-.Ltmp6, $3  }
0x57e: {  	_ =	sdelay $0x1  }
0x57f: {  	[sflag:s29] =	ssyncset.done $0x0  }
0x580: {  	[sflag:s29] =	ssyncadd.s32 $0xFFFFF000  }
0x581: {  	_ =	sfence.sel $0x180000  }
0x582: {  	[bflag:$0x0] =	sbarrier.arrive $0xFFFF  }
0x583: {  	_ =	strace $0x90000047  }
0x584: {  	s0 =	stileid.u32;
	[bflag:$0x2] =	sbarrier.arrive $0xFFFF  }
0x585: {  	p0 =	sne.s32 s0, $0x0;
	s0 =	rddreg [dreg:$0x3]  }
0x586: {  	s0 =	sadd.s32 @!p0 $0x100000, s0  }
0x587: {  	[sflag:s0] =	ssyncadd.tile.s32 @!p0 $0x1;
	_ =	shalt  }
.Lfunc_end2:
_tile_overlayer_lowered:
.L_overlay_start_2:
0x588: {  	(tag) =	ssettag $0x2  }
0x589: {  	s0 =	rddreg [dreg:$0x0];
	s2 =	stileid.u32  }
0x58a: {  	s1 =	rddreg [dreg:$0x1];
	p0 =	sne.s32 s2, $0x0  }
0x58b: {  	s3 =	rddreg [dreg:$0x2];
	[bflag:$0x3] =	sbarrier.arrive $0xFFFF;
	s2 =	simm.s32 @!p0 $0x1C05  }
0x58c: {  	[timem:s3], [sflag:s2] =	dma.local @!p0 [hbm:s0], s1  }
0x58d: {  	s0 =	simm.s32 @!p0 $0x5  }
0x58e: {  	_ =	swait.ge @!p0 [sflag:s0], s1  }
0x58f: {  	s1 =	ssub.s32 @!p0 $0x0, s1;
	[sflag:s0] =	ssyncset.done @!p0 $0x0  }
0x590: {  	[sflag:s0] =	ssyncadd.s32 @!p0 s1  }
0x591: {  	[bflag:$0x3] =	sbarrier.arrive $0xFFFF  }
0x592: {  	_ =	shalt  }

</sc_bundles>
